<compile_context>
chip_gen: v7x
topology: tpu7x:2x2x1
jax: 0.10.2.dev20260603
libtpu: 0.0.44.dev20260713+nightly
codegen_flags: <defaults>
</compile_context>

<pallas_src>
import functools
import math

import jax
import jax.numpy as jnp
from jax import lax
from jax.experimental import pallas as pl
from jax.experimental.pallas import tpu as pltpu
from jax.experimental.pallas import tpu_sc as plsc

_D = 128
_SCALE = math.sqrt(float(_D))
_NC = 2
_NS = 16
_NW = _NC * _NS
_NBUF = 4


def _make_lookup(B: int, L: int):
    assert B % (_NW * _NBUF) == 0
    b_per_w = B // _NW
    n_groups = b_per_w // _NBUF
    assert n_groups >= 3
    mesh = plsc.VectorSubcoreMesh(
        core_axis_name="c", subcore_axis_name="s", num_cores=_NC, num_subcores=_NS
    )

    @functools.partial(
        pl.kernel,
        mesh=mesh,
        out_type=jax.ShapeDtypeStruct((B, L, _D), jnp.float32),
        scratch_types=(
            [pltpu.VMEM((b_per_w, L), jnp.int32)]
            + [pltpu.VMEM((L, _D), jnp.float32) for _ in range(2 * _NBUF)]
            + [pltpu.SemaphoreType.DMA for _ in range(2 * _NBUF)]
        ),
        compiler_params=pltpu.CompilerParams(use_tc_tiling_on_sc=True),
    )
    def lookup(x_hbm, table_hbm, out_hbm, idx_v, *rest):
        ins = rest[:_NBUF]
        outs = rest[_NBUF:2 * _NBUF]
        gsems = rest[2 * _NBUF:3 * _NBUF]
        ssems = rest[3 * _NBUF:4 * _NBUF]
        wid = lax.axis_index("s") * _NC + lax.axis_index("c")
        base = wid * b_per_w
        pltpu.sync_copy(x_hbm.at[pl.ds(base, b_per_w)], idx_v)

        def gather(c, s):
            return pltpu.make_async_copy(
                table_hbm.at[idx_v.at[c]], ins[s], gsems[s]
            )

        def store(c, s):
            return pltpu.make_async_copy(outs[s], out_hbm.at[base + c], ssems[s])

        def scale(s):
            @plsc.parallel_loop(0, L, 1, unroll=4)
            def _scale_row(r):
                for j in range(_D // 16):
                    outs[s][r, pl.ds(j * 16, 16)] = (
                        ins[s][r, pl.ds(j * 16, 16)] * _SCALE
                    )

        for s in range(_NBUF):
            gather(s, s).start()
        for s in range(_NBUF):
            gather(s, s).wait()
            scale(s)
            store(s, s).start()
            gather(s + _NBUF, s).start()

        def group(g, carry):
            for s in range(_NBUF):
                c = g * _NBUF + s
                gather(c, s).wait()
                store(c - _NBUF, s).wait()
                scale(s)
                store(c, s).start()
                gather(c + _NBUF, s).start()
            return carry

        lax.fori_loop(1, n_groups - 1, group, 0)

        for s in range(_NBUF):
            c = (n_groups - 1) * _NBUF + s
            gather(c, s).wait()
            store(c - _NBUF, s).wait()
            scale(s)
            store(c, s).start()
        for s in range(_NBUF):
            store(b_per_w - _NBUF + s, s).wait()

    return lookup


@jax.jit
def kernel(x, emb_weight):
    b, l = x.shape
    return _make_lookup(b, l)(x.astype(jnp.int32), emb_weight)

# --- scband reference (transcript-rebuilt; emitter-appended) ---
"""Pipeline reference for scband-embedding-7988639170840 (READ-ONLY COPY).

The authoritative reference and input builder live on the scoring server;
editing this copy changes nothing except your own understanding.
"""

import jax, jax.numpy as jnp
import numpy as np
import math

VOCAB = 100000
D_MODEL = 128
B = 4096
L = 50

def setup_inputs(seed: int = 0) -> dict:
    key = jax.random.key(seed)
    k_idx, k_tab = jax.random.split(key)
    x = jax.random.randint(k_idx, (B, L), 0, VOCAB, dtype=jnp.int64 if jax.config.jax_enable_x64 else jnp.int32)
    emb_weight = jax.random.normal(k_tab, (VOCAB, D_MODEL), dtype=jnp.float32) * 0.02
    return {"x": x, "emb_weight": emb_weight}

def reference(x, emb_weight):
    # nn.Embedding lookup followed by scaling by sqrt(d_model)
    out = jnp.take(emb_weight, x, axis=0)
    return out * math.sqrt(D_MODEL)

if __name__ == "__main__":
    import jax
    _d = setup_inputs()
    print(jax.jit(kernel)(*tuple(_d.values())))

</pallas_src>

<mosaic_0001>
#map = affine_map<(d0, d1) -> (0, 0)>
#map1 = affine_map<(d0, d1) -> (0, 0, 0)>
module attributes {stable_mosaic.version = 14 : i64} {
  func.func @lookup(%arg0: i32, %arg1: i32, %arg2: memref<4096x50xi32, #tpu.memory_space<hbm>>, %arg3: memref<100000x128xf32, #tpu.memory_space<hbm>>, %arg4: memref<4096x50x128xf32, #tpu.memory_space<hbm>>, %arg5: memref<128x50xi32, #tpu.memory_space<vmem>>, %arg6: memref<50x128xf32, #tpu.memory_space<vmem>>, %arg7: memref<50x128xf32, #tpu.memory_space<vmem>>, %arg8: memref<50x128xf32, #tpu.memory_space<vmem>>, %arg9: memref<50x128xf32, #tpu.memory_space<vmem>>, %arg10: memref<50x128xf32, #tpu.memory_space<vmem>>, %arg11: memref<50x128xf32, #tpu.memory_space<vmem>>, %arg12: memref<50x128xf32, #tpu.memory_space<vmem>>, %arg13: memref<50x128xf32, #tpu.memory_space<vmem>>, %arg14: memref<!tpu.dma_semaphore, #tpu.memory_space<semaphore_mem>>, %arg15: memref<!tpu.dma_semaphore, #tpu.memory_space<semaphore_mem>>, %arg16: memref<!tpu.dma_semaphore, #tpu.memory_space<semaphore_mem>>, %arg17: memref<!tpu.dma_semaphore, #tpu.memory_space<semaphore_mem>>, %arg18: memref<!tpu.dma_semaphore, #tpu.memory_space<semaphore_mem>>, %arg19: memref<!tpu.dma_semaphore, #tpu.memory_space<semaphore_mem>>, %arg20: memref<!tpu.dma_semaphore, #tpu.memory_space<semaphore_mem>>, %arg21: memref<!tpu.dma_semaphore, #tpu.memory_space<semaphore_mem>>) attributes {dimension_semantics = [#tpu.dimension_semantics<core_parallel>, #tpu.dimension_semantics<subcore_parallel>], iteration_bounds = array<i64: 2, 16>, scalar_prefetch = 0 : i64, scratch_operands = 17 : i64, tpu.core_type = #tpu.core_type<sc_vector_subcore>, window_params = [{transform_indices = #map}, {transform_indices = #map}, {transform_indices = #map1}]} {
    %mul3A = arith.constant 2 : i32
    %mul3A_0 = arith.muli %arg1, %mul3A : i32
    %add3A = arith.addi %mul3A_0, %arg0 : i32
    %mul3A_1 = arith.constant 128 : i32
    %mul3A_2 = arith.muli %add3A, %mul3A_1 : i32
    "tpu.region"() ({
      %run_scoped3A = tpu.sem_alloc : memref<!tpu.dma_semaphore, #tpu.memory_space<semaphore_mem>>
      %dma_start3A_301 = arith.constant 0 : i32
      %dma_start3A_302 = tpu.memref_slice %arg2[%mul3A_2, %dma_start3A_301] : memref<4096x50xi32, #tpu.memory_space<hbm>> -> memref<128x50xi32, #tpu.memory_space<hbm>>
      %dma_start3A_303 = arith.constant 0 : i32
      %dma_start3A_304 = tpu.memref_slice %arg2[%mul3A_2, %dma_start3A_303] : memref<4096x50xi32, #tpu.memory_space<hbm>> -> memref<128x50xi32, #tpu.memory_space<hbm>>
      tpu.enqueue_dma source(%dma_start3A_304 : memref<128x50xi32, #tpu.memory_space<hbm>>) target(%arg5 : memref<128x50xi32, #tpu.memory_space<vmem>>) target_semaphore(%run_scoped3A : memref<!tpu.dma_semaphore, #tpu.memory_space<semaphore_mem>>)
      %dma_wait3A_305 = arith.constant 0 : i32
      %dma_wait3A_306 = tpu.memref_slice %arg2[%mul3A_2, %dma_wait3A_305] : memref<4096x50xi32, #tpu.memory_space<hbm>> -> memref<128x50xi32, #tpu.memory_space<hbm>>
      %dma_wait3A_307 = arith.constant 0 : i32
      %dma_wait3A_308 = tpu.memref_slice %arg2[%mul3A_2, %dma_wait3A_307] : memref<4096x50xi32, #tpu.memory_space<hbm>> -> memref<128x50xi32, #tpu.memory_space<hbm>>
      tpu.wait_dma2 semaphore(%run_scoped3A : memref<!tpu.dma_semaphore, #tpu.memory_space<semaphore_mem>>) src(%dma_wait3A_308 : memref<128x50xi32, #tpu.memory_space<hbm>>) dst(%arg5 : memref<128x50xi32, #tpu.memory_space<vmem>>)
      tpu.yield
    }) : () -> ()
    %dma_start3A = arith.constant 0 : i32
    %dma_start3A_3 = arith.constant 0 : i32
    %dma_start3A_4 = tpu.memref_slice %arg5[%dma_start3A, %dma_start3A_3] : memref<128x50xi32, #tpu.memory_space<vmem>> -> memref<1x50xi32, #tpu.memory_space<vmem>>
    %dma_start3A_5 = tpu.memref_squeeze %dma_start3A_4 : memref<1x50xi32, #tpu.memory_space<vmem>> -> memref<50xi32, #tpu.memory_space<vmem>>
    %dma_start3A_6 = arith.constant 0 : i32
    %dma_start3A_7 = arith.constant 0 : i32
    %dma_start3A_8 = tpu.memref_slice %arg3[%dma_start3A_6, %dma_start3A_7] : memref<100000x128xf32, #tpu.memory_space<hbm>> -> memref<100000x128xf32, #tpu.memory_space<hbm>>
    tpu.enqueue_indirect_dma source(%dma_start3A_8 : memref<100000x128xf32, #tpu.memory_space<hbm>>) target(%arg6 : memref<50x128xf32, #tpu.memory_space<vmem>>) offsets(%dma_start3A_5 : memref<50xi32, #tpu.memory_space<vmem>>) semaphore(%arg14 : memref<!tpu.dma_semaphore, #tpu.memory_space<semaphore_mem>>)
    %dma_start3A_9 = arith.constant 1 : i32
    %dma_start3A_10 = arith.constant 0 : i32
    %dma_start3A_11 = tpu.memref_slice %arg5[%dma_start3A_9, %dma_start3A_10] : memref<128x50xi32, #tpu.memory_space<vmem>> -> memref<1x50xi32, #tpu.memory_space<vmem>>
    %dma_start3A_12 = tpu.memref_squeeze %dma_start3A_11 : memref<1x50xi32, #tpu.memory_space<vmem>> -> memref<50xi32, #tpu.memory_space<vmem>>
    %dma_start3A_13 = arith.constant 0 : i32
    %dma_start3A_14 = arith.constant 0 : i32
    %dma_start3A_15 = tpu.memref_slice %arg3[%dma_start3A_13, %dma_start3A_14] : memref<100000x128xf32, #tpu.memory_space<hbm>> -> memref<100000x128xf32, #tpu.memory_space<hbm>>
    tpu.enqueue_indirect_dma source(%dma_start3A_15 : memref<100000x128xf32, #tpu.memory_space<hbm>>) target(%arg7 : memref<50x128xf32, #tpu.memory_space<vmem>>) offsets(%dma_start3A_12 : memref<50xi32, #tpu.memory_space<vmem>>) semaphore(%arg15 : memref<!tpu.dma_semaphore, #tpu.memory_space<semaphore_mem>>)
    %dma_start3A_16 = arith.constant 2 : i32
    %dma_start3A_17 = arith.constant 0 : i32
    %dma_start3A_18 = tpu.memref_slice %arg5[%dma_start3A_16, %dma_start3A_17] : memref<128x50xi32, #tpu.memory_space<vmem>> -> memref<1x50xi32, #tpu.memory_space<vmem>>
    %dma_start3A_19 = tpu.memref_squeeze %dma_start3A_18 : memref<1x50xi32, #tpu.memory_space<vmem>> -> memref<50xi32, #tpu.memory_space<vmem>>
    %dma_start3A_20 = arith.constant 0 : i32
    %dma_start3A_21 = arith.constant 0 : i32
    %dma_start3A_22 = tpu.memref_slice %arg3[%dma_start3A_20, %dma_start3A_21] : memref<100000x128xf32, #tpu.memory_space<hbm>> -> memref<100000x128xf32, #tpu.memory_space<hbm>>
    tpu.enqueue_indirect_dma source(%dma_start3A_22 : memref<100000x128xf32, #tpu.memory_space<hbm>>) target(%arg8 : memref<50x128xf32, #tpu.memory_space<vmem>>) offsets(%dma_start3A_19 : memref<50xi32, #tpu.memory_space<vmem>>) semaphore(%arg16 : memref<!tpu.dma_semaphore, #tpu.memory_space<semaphore_mem>>)
    %dma_start3A_23 = arith.constant 3 : i32
    %dma_start3A_24 = arith.constant 0 : i32
    %dma_start3A_25 = tpu.memref_slice %arg5[%dma_start3A_23, %dma_start3A_24] : memref<128x50xi32, #tpu.memory_space<vmem>> -> memref<1x50xi32, #tpu.memory_space<vmem>>
    %dma_start3A_26 = tpu.memref_squeeze %dma_start3A_25 : memref<1x50xi32, #tpu.memory_space<vmem>> -> memref<50xi32, #tpu.memory_space<vmem>>
    %dma_start3A_27 = arith.constant 0 : i32
    %dma_start3A_28 = arith.constant 0 : i32
    %dma_start3A_29 = tpu.memref_slice %arg3[%dma_start3A_27, %dma_start3A_28] : memref<100000x128xf32, #tpu.memory_space<hbm>> -> memref<100000x128xf32, #tpu.memory_space<hbm>>
    tpu.enqueue_indirect_dma source(%dma_start3A_29 : memref<100000x128xf32, #tpu.memory_space<hbm>>) target(%arg9 : memref<50x128xf32, #tpu.memory_space<vmem>>) offsets(%dma_start3A_26 : memref<50xi32, #tpu.memory_space<vmem>>) semaphore(%arg17 : memref<!tpu.dma_semaphore, #tpu.memory_space<semaphore_mem>>)
    %dma_wait3A = arith.constant 0 : i32
    %dma_wait3A_30 = arith.constant 0 : i32
    %dma_wait3A_31 = tpu.memref_slice %arg5[%dma_wait3A, %dma_wait3A_30] : memref<128x50xi32, #tpu.memory_space<vmem>> -> memref<1x50xi32, #tpu.memory_space<vmem>>
    %dma_wait3A_32 = tpu.memref_squeeze %dma_wait3A_31 : memref<1x50xi32, #tpu.memory_space<vmem>> -> memref<50xi32, #tpu.memory_space<vmem>>
    %dma_wait3A_33 = arith.constant 0 : i32
    %dma_wait3A_34 = arith.constant 0 : i32
    %dma_wait3A_35 = tpu.memref_slice %arg3[%dma_wait3A_33, %dma_wait3A_34] : memref<100000x128xf32, #tpu.memory_space<hbm>> -> memref<100000x128xf32, #tpu.memory_space<hbm>>
    tpu.wait_indirect_dma semaphore(%arg14 : memref<!tpu.dma_semaphore, #tpu.memory_space<semaphore_mem>>) src(%dma_wait3A_35 : memref<100000x128xf32, #tpu.memory_space<hbm>>) dst(%arg6 : memref<50x128xf32, #tpu.memory_space<vmem>>)
    %parallel_loop3A = arith.constant 0 : i32
    %parallel_loop3A_36 = arith.constant 50 : i32
    %parallel_loop3A_37 = arith.constant 1 : i32
    scf.for %parallel_loop3A_301 = %parallel_loop3A to %parallel_loop3A_36 step %parallel_loop3A_37  : i32 {
      %parallel_loop3A_302 = arith.index_cast %parallel_loop3A_301 : i32 to index
      %parallel_loop3A_303 = arith.constant 0 : index
      %parallel_loop3A_304 = tpu.vector_load %arg6[%parallel_loop3A_302, %parallel_loop3A_303] {strides = array<i32>} : memref<50x128xf32, #tpu.memory_space<vmem>>, vector<1x16xf32>,
      %parallel_loop3A_305 = vector.shape_cast %parallel_loop3A_304 : vector<1x16xf32> to vector<16xf32>
      %parallel_loop3A_306 = arith.constant 11.3137083 : f32
      %parallel_loop3A_307 = vector.broadcast %parallel_loop3A_306 : f32 to vector<16xf32>
      %parallel_loop3A_308 = arith.mulf %parallel_loop3A_305, %parallel_loop3A_307 : vector<16xf32>
      %parallel_loop3A_309 = arith.index_cast %parallel_loop3A_301 : i32 to index
      %parallel_loop3A_310 = arith.constant 0 : index
      %parallel_loop3A_311 = tpu.vector_load %arg10[%parallel_loop3A_309, %parallel_loop3A_310] {strides = array<i32>} : memref<50x128xf32, #tpu.memory_space<vmem>>, vector<1x16xf32>,
      %parallel_loop3A_312 = vector.shape_cast %parallel_loop3A_311 : vector<1x16xf32> to vector<16xf32>
      %parallel_loop3A_313 = vector.shape_cast %parallel_loop3A_308 : vector<16xf32> to vector<1x16xf32>
      tpu.vector_store %arg10[%parallel_loop3A_309, %parallel_loop3A_310], %parallel_loop3A_313 {strides = array<i32>} : memref<50x128xf32, #tpu.memory_space<vmem>>, vector<1x16xf32>,
      %parallel_loop3A_314 = arith.index_cast %parallel_loop3A_301 : i32 to index
      %parallel_loop3A_315 = arith.constant 16 : index
      %parallel_loop3A_316 = tpu.vector_load %arg6[%parallel_loop3A_314, %parallel_loop3A_315] {strides = array<i32>} : memref<50x128xf32, #tpu.memory_space<vmem>>, vector<1x16xf32>,
      %parallel_loop3A_317 = vector.shape_cast %parallel_loop3A_316 : vector<1x16xf32> to vector<16xf32>
      %parallel_loop3A_318 = arith.constant 11.3137083 : f32
      %parallel_loop3A_319 = vector.broadcast %parallel_loop3A_318 : f32 to vector<16xf32>
      %parallel_loop3A_320 = arith.mulf %parallel_loop3A_317, %parallel_loop3A_319 : vector<16xf32>
      %parallel_loop3A_321 = arith.index_cast %parallel_loop3A_301 : i32 to index
      %parallel_loop3A_322 = arith.constant 16 : index
      %parallel_loop3A_323 = tpu.vector_load %arg10[%parallel_loop3A_321, %parallel_loop3A_322] {strides = array<i32>} : memref<50x128xf32, #tpu.memory_space<vmem>>, vector<1x16xf32>,
      %parallel_loop3A_324 = vector.shape_cast %parallel_loop3A_323 : vector<1x16xf32> to vector<16xf32>
      %parallel_loop3A_325 = vector.shape_cast %parallel_loop3A_320 : vector<16xf32> to vector<1x16xf32>
      tpu.vector_store %arg10[%parallel_loop3A_321, %parallel_loop3A_322], %parallel_loop3A_325 {strides = array<i32>} : memref<50x128xf32, #tpu.memory_space<vmem>>, vector<1x16xf32>,
      %parallel_loop3A_326 = arith.index_cast %parallel_loop3A_301 : i32 to index
      %parallel_loop3A_327 = arith.constant 32 : index
      %parallel_loop3A_328 = tpu.vector_load %arg6[%parallel_loop3A_326, %parallel_loop3A_327] {strides = array<i32>} : memref<50x128xf32, #tpu.memory_space<vmem>>, vector<1x16xf32>,
      %parallel_loop3A_329 = vector.shape_cast %parallel_loop3A_328 : vector<1x16xf32> to vector<16xf32>
      %parallel_loop3A_330 = arith.constant 11.3137083 : f32
      %parallel_loop3A_331 = vector.broadcast %parallel_loop3A_330 : f32 to vector<16xf32>
      %parallel_loop3A_332 = arith.mulf %parallel_loop3A_329, %parallel_loop3A_331 : vector<16xf32>
      %parallel_loop3A_333 = arith.index_cast %parallel_loop3A_301 : i32 to index
      %parallel_loop3A_334 = arith.constant 32 : index
      %parallel_loop3A_335 = tpu.vector_load %arg10[%parallel_loop3A_333, %parallel_loop3A_334] {strides = array<i32>} : memref<50x128xf32, #tpu.memory_space<vmem>>, vector<1x16xf32>,
      %parallel_loop3A_336 = vector.shape_cast %parallel_loop3A_335 : vector<1x16xf32> to vector<16xf32>
      %parallel_loop3A_337 = vector.shape_cast %parallel_loop3A_332 : vector<16xf32> to vector<1x16xf32>
      tpu.vector_store %arg10[%parallel_loop3A_333, %parallel_loop3A_334], %parallel_loop3A_337 {strides = array<i32>} : memref<50x128xf32, #tpu.memory_space<vmem>>, vector<1x16xf32>,
      %parallel_loop3A_338 = arith.index_cast %parallel_loop3A_301 : i32 to index
      %parallel_loop3A_339 = arith.constant 48 : index
      %parallel_loop3A_340 = tpu.vector_load %arg6[%parallel_loop3A_338, %parallel_loop3A_339] {strides = array<i32>} : memref<50x128xf32, #tpu.memory_space<vmem>>, vector<1x16xf32>,
      %parallel_loop3A_341 = vector.shape_cast %parallel_loop3A_340 : vector<1x16xf32> to vector<16xf32>
      %parallel_loop3A_342 = arith.constant 11.3137083 : f32
      %parallel_loop3A_343 = vector.broadcast %parallel_loop3A_342 : f32 to vector<16xf32>
      %parallel_loop3A_344 = arith.mulf %parallel_loop3A_341, %parallel_loop3A_343 : vector<16xf32>
      %parallel_loop3A_345 = arith.index_cast %parallel_loop3A_301 : i32 to index
      %parallel_loop3A_346 = arith.constant 48 : index
      %parallel_loop3A_347 = tpu.vector_load %arg10[%parallel_loop3A_345, %parallel_loop3A_346] {strides = array<i32>} : memref<50x128xf32, #tpu.memory_space<vmem>>, vector<1x16xf32>,
      %parallel_loop3A_348 = vector.shape_cast %parallel_loop3A_347 : vector<1x16xf32> to vector<16xf32>
      %parallel_loop3A_349 = vector.shape_cast %parallel_loop3A_344 : vector<16xf32> to vector<1x16xf32>
      tpu.vector_store %arg10[%parallel_loop3A_345, %parallel_loop3A_346], %parallel_loop3A_349 {strides = array<i32>} : memref<50x128xf32, #tpu.memory_space<vmem>>, vector<1x16xf32>,
      %parallel_loop3A_350 = arith.index_cast %parallel_loop3A_301 : i32 to index
      %parallel_loop3A_351 = arith.constant 64 : index
      %parallel_loop3A_352 = tpu.vector_load %arg6[%parallel_loop3A_350, %parallel_loop3A_351] {strides = array<i32>} : memref<50x128xf32, #tpu.memory_space<vmem>>, vector<1x16xf32>,
      %parallel_loop3A_353 = vector.shape_cast %parallel_loop3A_352 : vector<1x16xf32> to vector<16xf32>
      %parallel_loop3A_354 = arith.constant 11.3137083 : f32
      %parallel_loop3A_355 = vector.broadcast %parallel_loop3A_354 : f32 to vector<16xf32>
      %parallel_loop3A_356 = arith.mulf %parallel_loop3A_353, %parallel_loop3A_355 : vector<16xf32>
      %parallel_loop3A_357 = arith.index_cast %parallel_loop3A_301 : i32 to index
      %parallel_loop3A_358 = arith.constant 64 : index
      %parallel_loop3A_359 = tpu.vector_load %arg10[%parallel_loop3A_357, %parallel_loop3A_358] {strides = array<i32>} : memref<50x128xf32, #tpu.memory_space<vmem>>, vector<1x16xf32>,
      %parallel_loop3A_360 = vector.shape_cast %parallel_loop3A_359 : vector<1x16xf32> to vector<16xf32>
      %parallel_loop3A_361 = vector.shape_cast %parallel_loop3A_356 : vector<16xf32> to vector<1x16xf32>
      tpu.vector_store %arg10[%parallel_loop3A_357, %parallel_loop3A_358], %parallel_loop3A_361 {strides = array<i32>} : memref<50x128xf32, #tpu.memory_space<vmem>>, vector<1x16xf32>,
      %parallel_loop3A_362 = arith.index_cast %parallel_loop3A_301 : i32 to index
      %parallel_loop3A_363 = arith.constant 80 : index
      %parallel_loop3A_364 = tpu.vector_load %arg6[%parallel_loop3A_362, %parallel_loop3A_363] {strides = array<i32>} : memref<50x128xf32, #tpu.memory_space<vmem>>, vector<1x16xf32>,
      %parallel_loop3A_365 = vector.shape_cast %parallel_loop3A_364 : vector<1x16xf32> to vector<16xf32>
      %parallel_loop3A_366 = arith.constant 11.3137083 : f32
      %parallel_loop3A_367 = vector.broadcast %parallel_loop3A_366 : f32 to vector<16xf32>
      %parallel_loop3A_368 = arith.mulf %parallel_loop3A_365, %parallel_loop3A_367 : vector<16xf32>
      %parallel_loop3A_369 = arith.index_cast %parallel_loop3A_301 : i32 to index
      %parallel_loop3A_370 = arith.constant 80 : index
      %parallel_loop3A_371 = tpu.vector_load %arg10[%parallel_loop3A_369, %parallel_loop3A_370] {strides = array<i32>} : memref<50x128xf32, #tpu.memory_space<vmem>>, vector<1x16xf32>,
      %parallel_loop3A_372 = vector.shape_cast %parallel_loop3A_371 : vector<1x16xf32> to vector<16xf32>
      %parallel_loop3A_373 = vector.shape_cast %parallel_loop3A_368 : vector<16xf32> to vector<1x16xf32>
      tpu.vector_store %arg10[%parallel_loop3A_369, %parallel_loop3A_370], %parallel_loop3A_373 {strides = array<i32>} : memref<50x128xf32, #tpu.memory_space<vmem>>, vector<1x16xf32>,
      %parallel_loop3A_374 = arith.index_cast %parallel_loop3A_301 : i32 to index
      %parallel_loop3A_375 = arith.constant 96 : index
      %parallel_loop3A_376 = tpu.vector_load %arg6[%parallel_loop3A_374, %parallel_loop3A_375] {strides = array<i32>} : memref<50x128xf32, #tpu.memory_space<vmem>>, vector<1x16xf32>,
      %parallel_loop3A_377 = vector.shape_cast %parallel_loop3A_376 : vector<1x16xf32> to vector<16xf32>
      %parallel_loop3A_378 = arith.constant 11.3137083 : f32
      %parallel_loop3A_379 = vector.broadcast %parallel_loop3A_378 : f32 to vector<16xf32>
      %parallel_loop3A_380 = arith.mulf %parallel_loop3A_377, %parallel_loop3A_379 : vector<16xf32>
      %parallel_loop3A_381 = arith.index_cast %parallel_loop3A_301 : i32 to index
      %parallel_loop3A_382 = arith.constant 96 : index
      %parallel_loop3A_383 = tpu.vector_load %arg10[%parallel_loop3A_381, %parallel_loop3A_382] {strides = array<i32>} : memref<50x128xf32, #tpu.memory_space<vmem>>, vector<1x16xf32>,
      %parallel_loop3A_384 = vector.shape_cast %parallel_loop3A_383 : vector<1x16xf32> to vector<16xf32>
      %parallel_loop3A_385 = vector.shape_cast %parallel_loop3A_380 : vector<16xf32> to vector<1x16xf32>
      tpu.vector_store %arg10[%parallel_loop3A_381, %parallel_loop3A_382], %parallel_loop3A_385 {strides = array<i32>} : memref<50x128xf32, #tpu.memory_space<vmem>>, vector<1x16xf32>,
      %parallel_loop3A_386 = arith.index_cast %parallel_loop3A_301 : i32 to index
      %parallel_loop3A_387 = arith.constant 112 : index
      %parallel_loop3A_388 = tpu.vector_load %arg6[%parallel_loop3A_386, %parallel_loop3A_387] {strides = array<i32>} : memref<50x128xf32, #tpu.memory_space<vmem>>, vector<1x16xf32>,
      %parallel_loop3A_389 = vector.shape_cast %parallel_loop3A_388 : vector<1x16xf32> to vector<16xf32>
      %parallel_loop3A_390 = arith.constant 11.3137083 : f32
      %parallel_loop3A_391 = vector.broadcast %parallel_loop3A_390 : f32 to vector<16xf32>
      %parallel_loop3A_392 = arith.mulf %parallel_loop3A_389, %parallel_loop3A_391 : vector<16xf32>
      %parallel_loop3A_393 = arith.index_cast %parallel_loop3A_301 : i32 to index
      %parallel_loop3A_394 = arith.constant 112 : index
      %parallel_loop3A_395 = tpu.vector_load %arg10[%parallel_loop3A_393, %parallel_loop3A_394] {strides = array<i32>} : memref<50x128xf32, #tpu.memory_space<vmem>>, vector<1x16xf32>,
      %parallel_loop3A_396 = vector.shape_cast %parallel_loop3A_395 : vector<1x16xf32> to vector<16xf32>
      %parallel_loop3A_397 = vector.shape_cast %parallel_loop3A_392 : vector<16xf32> to vector<1x16xf32>
      tpu.vector_store %arg10[%parallel_loop3A_393, %parallel_loop3A_394], %parallel_loop3A_397 {strides = array<i32>} : memref<50x128xf32, #tpu.memory_space<vmem>>, vector<1x16xf32>,
    } {sc.loop_unroll_factor = 4 : i64, sc.parallel_access}
    %add3A_38 = arith.constant 0 : i32
    %add3A_39 = arith.addi %mul3A_2, %add3A_38 : i32
    %dma_start3A_40 = arith.constant 0 : i32
    %dma_start3A_41 = arith.constant 0 : i32
    %dma_start3A_42 = tpu.memref_slice %arg4[%add3A_39, %dma_start3A_40, %dma_start3A_41] : memref<4096x50x128xf32, #tpu.memory_space<hbm>> -> memref<1x50x128xf32, #tpu.memory_space<hbm>>
    %dma_start3A_43 = tpu.memref_squeeze %dma_start3A_42 : memref<1x50x128xf32, #tpu.memory_space<hbm>> -> memref<50x128xf32, #tpu.memory_space<hbm>>
    %dma_start3A_44 = arith.constant 0 : i32
    %dma_start3A_45 = arith.constant 0 : i32
    %dma_start3A_46 = tpu.memref_slice %arg4[%add3A_39, %dma_start3A_44, %dma_start3A_45] : memref<4096x50x128xf32, #tpu.memory_space<hbm>> -> memref<1x50x128xf32, #tpu.memory_space<hbm>>
    %dma_start3A_47 = tpu.memref_squeeze %dma_start3A_46 : memref<1x50x128xf32, #tpu.memory_space<hbm>> -> memref<50x128xf32, #tpu.memory_space<hbm>>
    tpu.enqueue_dma source(%arg10 : memref<50x128xf32, #tpu.memory_space<vmem>>) target(%dma_start3A_47 : memref<50x128xf32, #tpu.memory_space<hbm>>) target_semaphore(%arg18 : memref<!tpu.dma_semaphore, #tpu.memory_space<semaphore_mem>>)
    %dma_start3A_48 = arith.constant 4 : i32
    %dma_start3A_49 = arith.constant 0 : i32
    %dma_start3A_50 = tpu.memref_slice %arg5[%dma_start3A_48, %dma_start3A_49] : memref<128x50xi32, #tpu.memory_space<vmem>> -> memref<1x50xi32, #tpu.memory_space<vmem>>
    %dma_start3A_51 = tpu.memref_squeeze %dma_start3A_50 : memref<1x50xi32, #tpu.memory_space<vmem>> -> memref<50xi32, #tpu.memory_space<vmem>>
    %dma_start3A_52 = arith.constant 0 : i32
    %dma_start3A_53 = arith.constant 0 : i32
    %dma_start3A_54 = tpu.memref_slice %arg3[%dma_start3A_52, %dma_start3A_53] : memref<100000x128xf32, #tpu.memory_space<hbm>> -> memref<100000x128xf32, #tpu.memory_space<hbm>>
    tpu.enqueue_indirect_dma source(%dma_start3A_54 : memref<100000x128xf32, #tpu.memory_space<hbm>>) target(%arg6 : memref<50x128xf32, #tpu.memory_space<vmem>>) offsets(%dma_start3A_51 : memref<50xi32, #tpu.memory_space<vmem>>) semaphore(%arg14 : memref<!tpu.dma_semaphore, #tpu.memory_space<semaphore_mem>>)
    %dma_wait3A_55 = arith.constant 1 : i32
    %dma_wait3A_56 = arith.constant 0 : i32
    %dma_wait3A_57 = tpu.memref_slice %arg5[%dma_wait3A_55, %dma_wait3A_56] : memref<128x50xi32, #tpu.memory_space<vmem>> -> memref<1x50xi32, #tpu.memory_space<vmem>>
    %dma_wait3A_58 = tpu.memref_squeeze %dma_wait3A_57 : memref<1x50xi32, #tpu.memory_space<vmem>> -> memref<50xi32, #tpu.memory_space<vmem>>
    %dma_wait3A_59 = arith.constant 0 : i32
    %dma_wait3A_60 = arith.constant 0 : i32
    %dma_wait3A_61 = tpu.memref_slice %arg3[%dma_wait3A_59, %dma_wait3A_60] : memref<100000x128xf32, #tpu.memory_space<hbm>> -> memref<100000x128xf32, #tpu.memory_space<hbm>>
    tpu.wait_indirect_dma semaphore(%arg15 : memref<!tpu.dma_semaphore, #tpu.memory_space<semaphore_mem>>) src(%dma_wait3A_61 : memref<100000x128xf32, #tpu.memory_space<hbm>>) dst(%arg7 : memref<50x128xf32, #tpu.memory_space<vmem>>)
    %parallel_loop3A_62 = arith.constant 0 : i32
    %parallel_loop3A_63 = arith.constant 50 : i32
    %parallel_loop3A_64 = arith.constant 1 : i32
    scf.for %parallel_loop3A_301 = %parallel_loop3A_62 to %parallel_loop3A_63 step %parallel_loop3A_64  : i32 {
      %parallel_loop3A_302 = arith.index_cast %parallel_loop3A_301 : i32 to index
      %parallel_loop3A_303 = arith.constant 0 : index
      %parallel_loop3A_304 = tpu.vector_load %arg7[%parallel_loop3A_302, %parallel_loop3A_303] {strides = array<i32>} : memref<50x128xf32, #tpu.memory_space<vmem>>, vector<1x16xf32>,
      %parallel_loop3A_305 = vector.shape_cast %parallel_loop3A_304 : vector<1x16xf32> to vector<16xf32>
      %parallel_loop3A_306 = arith.constant 11.3137083 : f32
      %parallel_loop3A_307 = vector.broadcast %parallel_loop3A_306 : f32 to vector<16xf32>
      %parallel_loop3A_308 = arith.mulf %parallel_loop3A_305, %parallel_loop3A_307 : vector<16xf32>
      %parallel_loop3A_309 = arith.index_cast %parallel_loop3A_301 : i32 to index
      %parallel_loop3A_310 = arith.constant 0 : index
      %parallel_loop3A_311 = tpu.vector_load %arg11[%parallel_loop3A_309, %parallel_loop3A_310] {strides = array<i32>} : memref<50x128xf32, #tpu.memory_space<vmem>>, vector<1x16xf32>,
      %parallel_loop3A_312 = vector.shape_cast %parallel_loop3A_311 : vector<1x16xf32> to vector<16xf32>
      %parallel_loop3A_313 = vector.shape_cast %parallel_loop3A_308 : vector<16xf32> to vector<1x16xf32>
      tpu.vector_store %arg11[%parallel_loop3A_309, %parallel_loop3A_310], %parallel_loop3A_313 {strides = array<i32>} : memref<50x128xf32, #tpu.memory_space<vmem>>, vector<1x16xf32>,
      %parallel_loop3A_314 = arith.index_cast %parallel_loop3A_301 : i32 to index
      %parallel_loop3A_315 = arith.constant 16 : index
      %parallel_loop3A_316 = tpu.vector_load %arg7[%parallel_loop3A_314, %parallel_loop3A_315] {strides = array<i32>} : memref<50x128xf32, #tpu.memory_space<vmem>>, vector<1x16xf32>,
      %parallel_loop3A_317 = vector.shape_cast %parallel_loop3A_316 : vector<1x16xf32> to vector<16xf32>
      %parallel_loop3A_318 = arith.constant 11.3137083 : f32
      %parallel_loop3A_319 = vector.broadcast %parallel_loop3A_318 : f32 to vector<16xf32>
      %parallel_loop3A_320 = arith.mulf %parallel_loop3A_317, %parallel_loop3A_319 : vector<16xf32>
      %parallel_loop3A_321 = arith.index_cast %parallel_loop3A_301 : i32 to index
      %parallel_loop3A_322 = arith.constant 16 : index
      %parallel_loop3A_323 = tpu.vector_load %arg11[%parallel_loop3A_321, %parallel_loop3A_322] {strides = array<i32>} : memref<50x128xf32, #tpu.memory_space<vmem>>, vector<1x16xf32>,
      %parallel_loop3A_324 = vector.shape_cast %parallel_loop3A_323 : vector<1x16xf32> to vector<16xf32>
      %parallel_loop3A_325 = vector.shape_cast %parallel_loop3A_320 : vector<16xf32> to vector<1x16xf32>
      tpu.vector_store %arg11[%parallel_loop3A_321, %parallel_loop3A_322], %parallel_loop3A_325 {strides = array<i32>} : memref<50x128xf32, #tpu.memory_space<vmem>>, vector<1x16xf32>,
      %parallel_loop3A_326 = arith.index_cast %parallel_loop3A_301 : i32 to index
      %parallel_loop3A_327 = arith.constant 32 : index
      %parallel_loop3A_328 = tpu.vector_load %arg7[%parallel_loop3A_326, %parallel_loop3A_327] {strides = array<i32>} : memref<50x128xf32, #tpu.memory_space<vmem>>, vector<1x16xf32>,
      %parallel_loop3A_329 = vector.shape_cast %parallel_loop3A_328 : vector<1x16xf32> to vector<16xf32>
      %parallel_loop3A_330 = arith.constant 11.3137083 : f32
      %parallel_loop3A_331 = vector.broadcast %parallel_loop3A_330 : f32 to vector<16xf32>
      %parallel_loop3A_332 = arith.mulf %parallel_loop3A_329, %parallel_loop3A_331 : vector<16xf32>
      %parallel_loop3A_333 = arith.index_cast %parallel_loop3A_301 : i32 to index
      %parallel_loop3A_334 = arith.constant 32 : index
      %parallel_loop3A_335 = tpu.vector_load %arg11[%parallel_loop3A_333, %parallel_loop3A_334] {strides = array<i32>} : memref<50x128xf32, #tpu.memory_space<vmem>>, vector<1x16xf32>,
      %parallel_loop3A_336 = vector.shape_cast %parallel_loop3A_335 : vector<1x16xf32> to vector<16xf32>
      %parallel_loop3A_337 = vector.shape_cast %parallel_loop3A_332 : vector<16xf32> to vector<1x16xf32>
      tpu.vector_store %arg11[%parallel_loop3A_333, %parallel_loop3A_334], %parallel_loop3A_337 {strides = array<i32>} : memref<50x128xf32, #tpu.memory_space<vmem>>, vector<1x16xf32>,
      %parallel_loop3A_338 = arith.index_cast %parallel_loop3A_301 : i32 to index
      %parallel_loop3A_339 = arith.constant 48 : index
      %parallel_loop3A_340 = tpu.vector_load %arg7[%parallel_loop3A_338, %parallel_loop3A_339] {strides = array<i32>} : memref<50x128xf32, #tpu.memory_space<vmem>>, vector<1x16xf32>,
      %parallel_loop3A_341 = vector.shape_cast %parallel_loop3A_340 : vector<1x16xf32> to vector<16xf32>
      %parallel_loop3A_342 = arith.constant 11.3137083 : f32
      %parallel_loop3A_343 = vector.broadcast %parallel_loop3A_342 : f32 to vector<16xf32>
      %parallel_loop3A_344 = arith.mulf %parallel_loop3A_341, %parallel_loop3A_343 : vector<16xf32>
      %parallel_loop3A_345 = arith.index_cast %parallel_loop3A_301 : i32 to index
      %parallel_loop3A_346 = arith.constant 48 : index
      %parallel_loop3A_347 = tpu.vector_load %arg11[%parallel_loop3A_345, %parallel_loop3A_346] {strides = array<i32>} : memref<50x128xf32, #tpu.memory_space<vmem>>, vector<1x16xf32>,
      %parallel_loop3A_348 = vector.shape_cast %parallel_loop3A_347 : vector<1x16xf32> to vector<16xf32>
      %parallel_loop3A_349 = vector.shape_cast %parallel_loop3A_344 : vector<16xf32> to vector<1x16xf32>
      tpu.vector_store %arg11[%parallel_loop3A_345, %parallel_loop3A_346], %parallel_loop3A_349 {strides = array<i32>} : memref<50x128xf32, #tpu.memory_space<vmem>>, vector<1x16xf32>,
      %parallel_loop3A_350 = arith.index_cast %parallel_loop3A_301 : i32 to index
      %parallel_loop3A_351 = arith.constant 64 : index
      %parallel_loop3A_352 = tpu.vector_load %arg7[%parallel_loop3A_350, %parallel_loop3A_351] {strides = array<i32>} : memref<50x128xf32, #tpu.memory_space<vmem>>, vector<1x16xf32>,
      %parallel_loop3A_353 = vector.shape_cast %parallel_loop3A_352 : vector<1x16xf32> to vector<16xf32>
      %parallel_loop3A_354 = arith.constant 11.3137083 : f32
      %parallel_loop3A_355 = vector.broadcast %parallel_loop3A_354 : f32 to vector<16xf32>
      %parallel_loop3A_356 = arith.mulf %parallel_loop3A_353, %parallel_loop3A_355 : vector<16xf32>
      %parallel_loop3A_357 = arith.index_cast %parallel_loop3A_301 : i32 to index
      %parallel_loop3A_358 = arith.constant 64 : index
      %parallel_loop3A_359 = tpu.vector_load %arg11[%parallel_loop3A_357, %parallel_loop3A_358] {strides = array<i32>} : memref<50x128xf32, #tpu.memory_space<vmem>>, vector<1x16xf32>,
      %parallel_loop3A_360 = vector.shape_cast %parallel_loop3A_359 : vector<1x16xf32> to vector<16xf32>
      %parallel_loop3A_361 = vector.shape_cast %parallel_loop3A_356 : vector<16xf32> to vector<1x16xf32>
      tpu.vector_store %arg11[%parallel_loop3A_357, %parallel_loop3A_358], %parallel_loop3A_361 {strides = array<i32>} : memref<50x128xf32, #tpu.memory_space<vmem>>, vector<1x16xf32>,
      %parallel_loop3A_362 = arith.index_cast %parallel_loop3A_301 : i32 to index
      %parallel_loop3A_363 = arith.constant 80 : index
      %parallel_loop3A_364 = tpu.vector_load %arg7[%parallel_loop3A_362, %parallel_loop3A_363] {strides = array<i32>} : memref<50x128xf32, #tpu.memory_space<vmem>>, vector<1x16xf32>,
      %parallel_loop3A_365 = vector.shape_cast %parallel_loop3A_364 : vector<1x16xf32> to vector<16xf32>
      %parallel_loop3A_366 = arith.constant 11.3137083 : f32
      %parallel_loop3A_367 = vector.broadcast %parallel_loop3A_366 : f32 to vector<16xf32>
      %parallel_loop3A_368 = arith.mulf %parallel_loop3A_365, %parallel_loop3A_367 : vector<16xf32>
      %parallel_loop3A_369 = arith.index_cast %parallel_loop3A_301 : i32 to index
      %parallel_loop3A_370 = arith.constant 80 : index
      %parallel_loop3A_371 = tpu.vector_load %arg11[%parallel_loop3A_369, %parallel_loop3A_370] {strides = array<i32>} : memref<50x128xf32, #tpu.memory_space<vmem>>, vector<1x16xf32>,
      %parallel_loop3A_372 = vector.shape_cast %parallel_loop3A_371 : vector<1x16xf32> to vector<16xf32>
      %parallel_loop3A_373 = vector.shape_cast %parallel_loop3A_368 : vector<16xf32> to vector<1x16xf32>
      tpu.vector_store %arg11[%parallel_loop3A_369, %parallel_loop3A_370], %parallel_loop3A_373 {strides = array<i32>} : memref<50x128xf32, #tpu.memory_space<vmem>>, vector<1x16xf32>,
      %parallel_loop3A_374 = arith.index_cast %parallel_loop3A_301 : i32 to index
      %parallel_loop3A_375 = arith.constant 96 : index
      %parallel_loop3A_376 = tpu.vector_load %arg7[%parallel_loop3A_374, %parallel_loop3A_375] {strides = array<i32>} : memref<50x128xf32, #tpu.memory_space<vmem>>, vector<1x16xf32>,
      %parallel_loop3A_377 = vector.shape_cast %parallel_loop3A_376 : vector<1x16xf32> to vector<16xf32>
      %parallel_loop3A_378 = arith.constant 11.3137083 : f32
      %parallel_loop3A_379 = vector.broadcast %parallel_loop3A_378 : f32 to vector<16xf32>
      %parallel_loop3A_380 = arith.mulf %parallel_loop3A_377, %parallel_loop3A_379 : vector<16xf32>
      %parallel_loop3A_381 = arith.index_cast %parallel_loop3A_301 : i32 to index
      %parallel_loop3A_382 = arith.constant 96 : index
      %parallel_loop3A_383 = tpu.vector_load %arg11[%parallel_loop3A_381, %parallel_loop3A_382] {strides = array<i32>} : memref<50x128xf32, #tpu.memory_space<vmem>>, vector<1x16xf32>,
      %parallel_loop3A_384 = vector.shape_cast %parallel_loop3A_383 : vector<1x16xf32> to vector<16xf32>
      %parallel_loop3A_385 = vector.shape_cast %parallel_loop3A_380 : vector<16xf32> to vector<1x16xf32>
      tpu.vector_store %arg11[%parallel_loop3A_381, %parallel_loop3A_382], %parallel_loop3A_385 {strides = array<i32>} : memref<50x128xf32, #tpu.memory_space<vmem>>, vector<1x16xf32>,
      %parallel_loop3A_386 = arith.index_cast %parallel_loop3A_301 : i32 to index
      %parallel_loop3A_387 = arith.constant 112 : index
      %parallel_loop3A_388 = tpu.vector_load %arg7[%parallel_loop3A_386, %parallel_loop3A_387] {strides = array<i32>} : memref<50x128xf32, #tpu.memory_space<vmem>>, vector<1x16xf32>,
      %parallel_loop3A_389 = vector.shape_cast %parallel_loop3A_388 : vector<1x16xf32> to vector<16xf32>
      %parallel_loop3A_390 = arith.constant 11.3137083 : f32
      %parallel_loop3A_391 = vector.broadcast %parallel_loop3A_390 : f32 to vector<16xf32>
      %parallel_loop3A_392 = arith.mulf %parallel_loop3A_389, %parallel_loop3A_391 : vector<16xf32>
      %parallel_loop3A_393 = arith.index_cast %parallel_loop3A_301 : i32 to index
      %parallel_loop3A_394 = arith.constant 112 : index
      %parallel_loop3A_395 = tpu.vector_load %arg11[%parallel_loop3A_393, %parallel_loop3A_394] {strides = array<i32>} : memref<50x128xf32, #tpu.memory_space<vmem>>, vector<1x16xf32>,
      %parallel_loop3A_396 = vector.shape_cast %parallel_loop3A_395 : vector<1x16xf32> to vector<16xf32>
      %parallel_loop3A_397 = vector.shape_cast %parallel_loop3A_392 : vector<16xf32> to vector<1x16xf32>
      tpu.vector_store %arg11[%parallel_loop3A_393, %parallel_loop3A_394], %parallel_loop3A_397 {strides = array<i32>} : memref<50x128xf32, #tpu.memory_space<vmem>>, vector<1x16xf32>,
    } {sc.loop_unroll_factor = 4 : i64, sc.parallel_access}
    %add3A_65 = arith.constant 1 : i32
    %add3A_66 = arith.addi %mul3A_2, %add3A_65 : i32
    %dma_start3A_67 = arith.constant 0 : i32
    %dma_start3A_68 = arith.constant 0 : i32
    %dma_start3A_69 = tpu.memref_slice %arg4[%add3A_66, %dma_start3A_67, %dma_start3A_68] : memref<4096x50x128xf32, #tpu.memory_space<hbm>> -> memref<1x50x128xf32, #tpu.memory_space<hbm>>
    %dma_start3A_70 = tpu.memref_squeeze %dma_start3A_69 : memref<1x50x128xf32, #tpu.memory_space<hbm>> -> memref<50x128xf32, #tpu.memory_space<hbm>>
    %dma_start3A_71 = arith.constant 0 : i32
    %dma_start3A_72 = arith.constant 0 : i32
    %dma_start3A_73 = tpu.memref_slice %arg4[%add3A_66, %dma_start3A_71, %dma_start3A_72] : memref<4096x50x128xf32, #tpu.memory_space<hbm>> -> memref<1x50x128xf32, #tpu.memory_space<hbm>>
    %dma_start3A_74 = tpu.memref_squeeze %dma_start3A_73 : memref<1x50x128xf32, #tpu.memory_space<hbm>> -> memref<50x128xf32, #tpu.memory_space<hbm>>
    tpu.enqueue_dma source(%arg11 : memref<50x128xf32, #tpu.memory_space<vmem>>) target(%dma_start3A_74 : memref<50x128xf32, #tpu.memory_space<hbm>>) target_semaphore(%arg19 : memref<!tpu.dma_semaphore, #tpu.memory_space<semaphore_mem>>)
    %dma_start3A_75 = arith.constant 5 : i32
    %dma_start3A_76 = arith.constant 0 : i32
    %dma_start3A_77 = tpu.memref_slice %arg5[%dma_start3A_75, %dma_start3A_76] : memref<128x50xi32, #tpu.memory_space<vmem>> -> memref<1x50xi32, #tpu.memory_space<vmem>>
    %dma_start3A_78 = tpu.memref_squeeze %dma_start3A_77 : memref<1x50xi32, #tpu.memory_space<vmem>> -> memref<50xi32, #tpu.memory_space<vmem>>
    %dma_start3A_79 = arith.constant 0 : i32
    %dma_start3A_80 = arith.constant 0 : i32
    %dma_start3A_81 = tpu.memref_slice %arg3[%dma_start3A_79, %dma_start3A_80] : memref<100000x128xf32, #tpu.memory_space<hbm>> -> memref<100000x128xf32, #tpu.memory_space<hbm>>
    tpu.enqueue_indirect_dma source(%dma_start3A_81 : memref<100000x128xf32, #tpu.memory_space<hbm>>) target(%arg7 : memref<50x128xf32, #tpu.memory_space<vmem>>) offsets(%dma_start3A_78 : memref<50xi32, #tpu.memory_space<vmem>>) semaphore(%arg15 : memref<!tpu.dma_semaphore, #tpu.memory_space<semaphore_mem>>)
    %dma_wait3A_82 = arith.constant 2 : i32
    %dma_wait3A_83 = arith.constant 0 : i32
    %dma_wait3A_84 = tpu.memref_slice %arg5[%dma_wait3A_82, %dma_wait3A_83] : memref<128x50xi32, #tpu.memory_space<vmem>> -> memref<1x50xi32, #tpu.memory_space<vmem>>
    %dma_wait3A_85 = tpu.memref_squeeze %dma_wait3A_84 : memref<1x50xi32, #tpu.memory_space<vmem>> -> memref<50xi32, #tpu.memory_space<vmem>>
    %dma_wait3A_86 = arith.constant 0 : i32
    %dma_wait3A_87 = arith.constant 0 : i32
    %dma_wait3A_88 = tpu.memref_slice %arg3[%dma_wait3A_86, %dma_wait3A_87] : memref<100000x128xf32, #tpu.memory_space<hbm>> -> memref<100000x128xf32, #tpu.memory_space<hbm>>
    tpu.wait_indirect_dma semaphore(%arg16 : memref<!tpu.dma_semaphore, #tpu.memory_space<semaphore_mem>>) src(%dma_wait3A_88 : memref<100000x128xf32, #tpu.memory_space<hbm>>) dst(%arg8 : memref<50x128xf32, #tpu.memory_space<vmem>>)
    %parallel_loop3A_89 = arith.constant 0 : i32
    %parallel_loop3A_90 = arith.constant 50 : i32
    %parallel_loop3A_91 = arith.constant 1 : i32
    scf.for %parallel_loop3A_301 = %parallel_loop3A_89 to %parallel_loop3A_90 step %parallel_loop3A_91  : i32 {
      %parallel_loop3A_302 = arith.index_cast %parallel_loop3A_301 : i32 to index
      %parallel_loop3A_303 = arith.constant 0 : index
      %parallel_loop3A_304 = tpu.vector_load %arg8[%parallel_loop3A_302, %parallel_loop3A_303] {strides = array<i32>} : memref<50x128xf32, #tpu.memory_space<vmem>>, vector<1x16xf32>,
      %parallel_loop3A_305 = vector.shape_cast %parallel_loop3A_304 : vector<1x16xf32> to vector<16xf32>
      %parallel_loop3A_306 = arith.constant 11.3137083 : f32
      %parallel_loop3A_307 = vector.broadcast %parallel_loop3A_306 : f32 to vector<16xf32>
      %parallel_loop3A_308 = arith.mulf %parallel_loop3A_305, %parallel_loop3A_307 : vector<16xf32>
      %parallel_loop3A_309 = arith.index_cast %parallel_loop3A_301 : i32 to index
      %parallel_loop3A_310 = arith.constant 0 : index
      %parallel_loop3A_311 = tpu.vector_load %arg12[%parallel_loop3A_309, %parallel_loop3A_310] {strides = array<i32>} : memref<50x128xf32, #tpu.memory_space<vmem>>, vector<1x16xf32>,
      %parallel_loop3A_312 = vector.shape_cast %parallel_loop3A_311 : vector<1x16xf32> to vector<16xf32>
      %parallel_loop3A_313 = vector.shape_cast %parallel_loop3A_308 : vector<16xf32> to vector<1x16xf32>
      tpu.vector_store %arg12[%parallel_loop3A_309, %parallel_loop3A_310], %parallel_loop3A_313 {strides = array<i32>} : memref<50x128xf32, #tpu.memory_space<vmem>>, vector<1x16xf32>,
      %parallel_loop3A_314 = arith.index_cast %parallel_loop3A_301 : i32 to index
      %parallel_loop3A_315 = arith.constant 16 : index
      %parallel_loop3A_316 = tpu.vector_load %arg8[%parallel_loop3A_314, %parallel_loop3A_315] {strides = array<i32>} : memref<50x128xf32, #tpu.memory_space<vmem>>, vector<1x16xf32>,
      %parallel_loop3A_317 = vector.shape_cast %parallel_loop3A_316 : vector<1x16xf32> to vector<16xf32>
      %parallel_loop3A_318 = arith.constant 11.3137083 : f32
      %parallel_loop3A_319 = vector.broadcast %parallel_loop3A_318 : f32 to vector<16xf32>
      %parallel_loop3A_320 = arith.mulf %parallel_loop3A_317, %parallel_loop3A_319 : vector<16xf32>
      %parallel_loop3A_321 = arith.index_cast %parallel_loop3A_301 : i32 to index
      %parallel_loop3A_322 = arith.constant 16 : index
      %parallel_loop3A_323 = tpu.vector_load %arg12[%parallel_loop3A_321, %parallel_loop3A_322] {strides = array<i32>} : memref<50x128xf32, #tpu.memory_space<vmem>>, vector<1x16xf32>,
      %parallel_loop3A_324 = vector.shape_cast %parallel_loop3A_323 : vector<1x16xf32> to vector<16xf32>
      %parallel_loop3A_325 = vector.shape_cast %parallel_loop3A_320 : vector<16xf32> to vector<1x16xf32>
      tpu.vector_store %arg12[%parallel_loop3A_321, %parallel_loop3A_322], %parallel_loop3A_325 {strides = array<i32>} : memref<50x128xf32, #tpu.memory_space<vmem>>, vector<1x16xf32>,
      %parallel_loop3A_326 = arith.index_cast %parallel_loop3A_301 : i32 to index
      %parallel_loop3A_327 = arith.constant 32 : index
      %parallel_loop3A_328 = tpu.vector_load %arg8[%parallel_loop3A_326, %parallel_loop3A_327] {strides = array<i32>} : memref<50x128xf32, #tpu.memory_space<vmem>>, vector<1x16xf32>,
      %parallel_loop3A_329 = vector.shape_cast %parallel_loop3A_328 : vector<1x16xf32> to vector<16xf32>
      %parallel_loop3A_330 = arith.constant 11.3137083 : f32
      %parallel_loop3A_331 = vector.broadcast %parallel_loop3A_330 : f32 to vector<16xf32>
      %parallel_loop3A_332 = arith.mulf %parallel_loop3A_329, %parallel_loop3A_331 : vector<16xf32>
      %parallel_loop3A_333 = arith.index_cast %parallel_loop3A_301 : i32 to index
      %parallel_loop3A_334 = arith.constant 32 : index
      %parallel_loop3A_335 = tpu.vector_load %arg12[%parallel_loop3A_333, %parallel_loop3A_334] {strides = array<i32>} : memref<50x128xf32, #tpu.memory_space<vmem>>, vector<1x16xf32>,
      %parallel_loop3A_336 = vector.shape_cast %parallel_loop3A_335 : vector<1x16xf32> to vector<16xf32>
      %parallel_loop3A_337 = vector.shape_cast %parallel_loop3A_332 : vector<16xf32> to vector<1x16xf32>
      tpu.vector_store %arg12[%parallel_loop3A_333, %parallel_loop3A_334], %parallel_loop3A_337 {strides = array<i32>} : memref<50x128xf32, #tpu.memory_space<vmem>>, vector<1x16xf32>,
      %parallel_loop3A_338 = arith.index_cast %parallel_loop3A_301 : i32 to index
      %parallel_loop3A_339 = arith.constant 48 : index
      %parallel_loop3A_340 = tpu.vector_load %arg8[%parallel_loop3A_338, %parallel_loop3A_339] {strides = array<i32>} : memref<50x128xf32, #tpu.memory_space<vmem>>, vector<1x16xf32>,
      %parallel_loop3A_341 = vector.shape_cast %parallel_loop3A_340 : vector<1x16xf32> to vector<16xf32>
      %parallel_loop3A_342 = arith.constant 11.3137083 : f32
      %parallel_loop3A_343 = vector.broadcast %parallel_loop3A_342 : f32 to vector<16xf32>
      %parallel_loop3A_344 = arith.mulf %parallel_loop3A_341, %parallel_loop3A_343 : vector<16xf32>
      %parallel_loop3A_345 = arith.index_cast %parallel_loop3A_301 : i32 to index
      %parallel_loop3A_346 = arith.constant 48 : index
      %parallel_loop3A_347 = tpu.vector_load %arg12[%parallel_loop3A_345, %parallel_loop3A_346] {strides = array<i32>} : memref<50x128xf32, #tpu.memory_space<vmem>>, vector<1x16xf32>,
      %parallel_loop3A_348 = vector.shape_cast %parallel_loop3A_347 : vector<1x16xf32> to vector<16xf32>
      %parallel_loop3A_349 = vector.shape_cast %parallel_loop3A_344 : vector<16xf32> to vector<1x16xf32>
      tpu.vector_store %arg12[%parallel_loop3A_345, %parallel_loop3A_346], %parallel_loop3A_349 {strides = array<i32>} : memref<50x128xf32, #tpu.memory_space<vmem>>, vector<1x16xf32>,
      %parallel_loop3A_350 = arith.index_cast %parallel_loop3A_301 : i32 to index
      %parallel_loop3A_351 = arith.constant 64 : index
      %parallel_loop3A_352 = tpu.vector_load %arg8[%parallel_loop3A_350, %parallel_loop3A_351] {strides = array<i32>} : memref<50x128xf32, #tpu.memory_space<vmem>>, vector<1x16xf32>,
      %parallel_loop3A_353 = vector.shape_cast %parallel_loop3A_352 : vector<1x16xf32> to vector<16xf32>
      %parallel_loop3A_354 = arith.constant 11.3137083 : f32
      %parallel_loop3A_355 = vector.broadcast %parallel_loop3A_354 : f32 to vector<16xf32>
      %parallel_loop3A_356 = arith.mulf %parallel_loop3A_353, %parallel_loop3A_355 : vector<16xf32>
      %parallel_loop3A_357 = arith.index_cast %parallel_loop3A_301 : i32 to index
      %parallel_loop3A_358 = arith.constant 64 : index
      %parallel_loop3A_359 = tpu.vector_load %arg12[%parallel_loop3A_357, %parallel_loop3A_358] {strides = array<i32>} : memref<50x128xf32, #tpu.memory_space<vmem>>, vector<1x16xf32>,
      %parallel_loop3A_360 = vector.shape_cast %parallel_loop3A_359 : vector<1x16xf32> to vector<16xf32>
      %parallel_loop3A_361 = vector.shape_cast %parallel_loop3A_356 : vector<16xf32> to vector<1x16xf32>
      tpu.vector_store %arg12[%parallel_loop3A_357, %parallel_loop3A_358], %parallel_loop3A_361 {strides = array<i32>} : memref<50x128xf32, #tpu.memory_space<vmem>>, vector<1x16xf32>,
      %parallel_loop3A_362 = arith.index_cast %parallel_loop3A_301 : i32 to index
      %parallel_loop3A_363 = arith.constant 80 : index
      %parallel_loop3A_364 = tpu.vector_load %arg8[%parallel_loop3A_362, %parallel_loop3A_363] {strides = array<i32>} : memref<50x128xf32, #tpu.memory_space<vmem>>, vector<1x16xf32>,
      %parallel_loop3A_365 = vector.shape_cast %parallel_loop3A_364 : vector<1x16xf32> to vector<16xf32>
      %parallel_loop3A_366 = arith.constant 11.3137083 : f32
      %parallel_loop3A_367 = vector.broadcast %parallel_loop3A_366 : f32 to vector<16xf32>
      %parallel_loop3A_368 = arith.mulf %parallel_loop3A_365, %parallel_loop3A_367 : vector<16xf32>
      %parallel_loop3A_369 = arith.index_cast %parallel_loop3A_301 : i32 to index
      %parallel_loop3A_370 = arith.constant 80 : index
      %parallel_loop3A_371 = tpu.vector_load %arg12[%parallel_loop3A_369, %parallel_loop3A_370] {strides = array<i32>} : memref<50x128xf32, #tpu.memory_space<vmem>>, vector<1x16xf32>,
      %parallel_loop3A_372 = vector.shape_cast %parallel_loop3A_371 : vector<1x16xf32> to vector<16xf32>
      %parallel_loop3A_373 = vector.shape_cast %parallel_loop3A_368 : vector<16xf32> to vector<1x16xf32>
      tpu.vector_store %arg12[%parallel_loop3A_369, %parallel_loop3A_370], %parallel_loop3A_373 {strides = array<i32>} : memref<50x128xf32, #tpu.memory_space<vmem>>, vector<1x16xf32>,
      %parallel_loop3A_374 = arith.index_cast %parallel_loop3A_301 : i32 to index
      %parallel_loop3A_375 = arith.constant 96 : index
      %parallel_loop3A_376 = tpu.vector_load %arg8[%parallel_loop3A_374, %parallel_loop3A_375] {strides = array<i32>} : memref<50x128xf32, #tpu.memory_space<vmem>>, vector<1x16xf32>,
      %parallel_loop3A_377 = vector.shape_cast %parallel_loop3A_376 : vector<1x16xf32> to vector<16xf32>
      %parallel_loop3A_378 = arith.constant 11.3137083 : f32
      %parallel_loop3A_379 = vector.broadcast %parallel_loop3A_378 : f32 to vector<16xf32>
      %parallel_loop3A_380 = arith.mulf %parallel_loop3A_377, %parallel_loop3A_379 : vector<16xf32>
      %parallel_loop3A_381 = arith.index_cast %parallel_loop3A_301 : i32 to index
      %parallel_loop3A_382 = arith.constant 96 : index
      %parallel_loop3A_383 = tpu.vector_load %arg12[%parallel_loop3A_381, %parallel_loop3A_382] {strides = array<i32>} : memref<50x128xf32, #tpu.memory_space<vmem>>, vector<1x16xf32>,
      %parallel_loop3A_384 = vector.shape_cast %parallel_loop3A_383 : vector<1x16xf32> to vector<16xf32>
      %parallel_loop3A_385 = vector.shape_cast %parallel_loop3A_380 : vector<16xf32> to vector<1x16xf32>
      tpu.vector_store %arg12[%parallel_loop3A_381, %parallel_loop3A_382], %parallel_loop3A_385 {strides = array<i32>} : memref<50x128xf32, #tpu.memory_space<vmem>>, vector<1x16xf32>,
      %parallel_loop3A_386 = arith.index_cast %parallel_loop3A_301 : i32 to index
      %parallel_loop3A_387 = arith.constant 112 : index
      %parallel_loop3A_388 = tpu.vector_load %arg8[%parallel_loop3A_386, %parallel_loop3A_387] {strides = array<i32>} : memref<50x128xf32, #tpu.memory_space<vmem>>, vector<1x16xf32>,
      %parallel_loop3A_389 = vector.shape_cast %parallel_loop3A_388 : vector<1x16xf32> to vector<16xf32>
      %parallel_loop3A_390 = arith.constant 11.3137083 : f32
      %parallel_loop3A_391 = vector.broadcast %parallel_loop3A_390 : f32 to vector<16xf32>
      %parallel_loop3A_392 = arith.mulf %parallel_loop3A_389, %parallel_loop3A_391 : vector<16xf32>
      %parallel_loop3A_393 = arith.index_cast %parallel_loop3A_301 : i32 to index
      %parallel_loop3A_394 = arith.constant 112 : index
      %parallel_loop3A_395 = tpu.vector_load %arg12[%parallel_loop3A_393, %parallel_loop3A_394] {strides = array<i32>} : memref<50x128xf32, #tpu.memory_space<vmem>>, vector<1x16xf32>,
      %parallel_loop3A_396 = vector.shape_cast %parallel_loop3A_395 : vector<1x16xf32> to vector<16xf32>
      %parallel_loop3A_397 = vector.shape_cast %parallel_loop3A_392 : vector<16xf32> to vector<1x16xf32>
      tpu.vector_store %arg12[%parallel_loop3A_393, %parallel_loop3A_394], %parallel_loop3A_397 {strides = array<i32>} : memref<50x128xf32, #tpu.memory_space<vmem>>, vector<1x16xf32>,
    } {sc.loop_unroll_factor = 4 : i64, sc.parallel_access}
    %add3A_92 = arith.constant 2 : i32
    %add3A_93 = arith.addi %mul3A_2, %add3A_92 : i32
    %dma_start3A_94 = arith.constant 0 : i32
    %dma_start3A_95 = arith.constant 0 : i32
    %dma_start3A_96 = tpu.memref_slice %arg4[%add3A_93, %dma_start3A_94, %dma_start3A_95] : memref<4096x50x128xf32, #tpu.memory_space<hbm>> -> memref<1x50x128xf32, #tpu.memory_space<hbm>>
    %dma_start3A_97 = tpu.memref_squeeze %dma_start3A_96 : memref<1x50x128xf32, #tpu.memory_space<hbm>> -> memref<50x128xf32, #tpu.memory_space<hbm>>
    %dma_start3A_98 = arith.constant 0 : i32
    %dma_start3A_99 = arith.constant 0 : i32
    %dma_start3A_100 = tpu.memref_slice %arg4[%add3A_93, %dma_start3A_98, %dma_start3A_99] : memref<4096x50x128xf32, #tpu.memory_space<hbm>> -> memref<1x50x128xf32, #tpu.memory_space<hbm>>
    %dma_start3A_101 = tpu.memref_squeeze %dma_start3A_100 : memref<1x50x128xf32, #tpu.memory_space<hbm>> -> memref<50x128xf32, #tpu.memory_space<hbm>>
    tpu.enqueue_dma source(%arg12 : memref<50x128xf32, #tpu.memory_space<vmem>>) target(%dma_start3A_101 : memref<50x128xf32, #tpu.memory_space<hbm>>) target_semaphore(%arg20 : memref<!tpu.dma_semaphore, #tpu.memory_space<semaphore_mem>>)
    %dma_start3A_102 = arith.constant 6 : i32
    %dma_start3A_103 = arith.constant 0 : i32
    %dma_start3A_104 = tpu.memref_slice %arg5[%dma_start3A_102, %dma_start3A_103] : memref<128x50xi32, #tpu.memory_space<vmem>> -> memref<1x50xi32, #tpu.memory_space<vmem>>
    %dma_start3A_105 = tpu.memref_squeeze %dma_start3A_104 : memref<1x50xi32, #tpu.memory_space<vmem>> -> memref<50xi32, #tpu.memory_space<vmem>>
    %dma_start3A_106 = arith.constant 0 : i32
    %dma_start3A_107 = arith.constant 0 : i32
    %dma_start3A_108 = tpu.memref_slice %arg3[%dma_start3A_106, %dma_start3A_107] : memref<100000x128xf32, #tpu.memory_space<hbm>> -> memref<100000x128xf32, #tpu.memory_space<hbm>>
    tpu.enqueue_indirect_dma source(%dma_start3A_108 : memref<100000x128xf32, #tpu.memory_space<hbm>>) target(%arg8 : memref<50x128xf32, #tpu.memory_space<vmem>>) offsets(%dma_start3A_105 : memref<50xi32, #tpu.memory_space<vmem>>) semaphore(%arg16 : memref<!tpu.dma_semaphore, #tpu.memory_space<semaphore_mem>>)
    %dma_wait3A_109 = arith.constant 3 : i32
    %dma_wait3A_110 = arith.constant 0 : i32
    %dma_wait3A_111 = tpu.memref_slice %arg5[%dma_wait3A_109, %dma_wait3A_110] : memref<128x50xi32, #tpu.memory_space<vmem>> -> memref<1x50xi32, #tpu.memory_space<vmem>>
    %dma_wait3A_112 = tpu.memref_squeeze %dma_wait3A_111 : memref<1x50xi32, #tpu.memory_space<vmem>> -> memref<50xi32, #tpu.memory_space<vmem>>
    %dma_wait3A_113 = arith.constant 0 : i32
    %dma_wait3A_114 = arith.constant 0 : i32
    %dma_wait3A_115 = tpu.memref_slice %arg3[%dma_wait3A_113, %dma_wait3A_114] : memref<100000x128xf32, #tpu.memory_space<hbm>> -> memref<100000x128xf32, #tpu.memory_space<hbm>>
    tpu.wait_indirect_dma semaphore(%arg17 : memref<!tpu.dma_semaphore, #tpu.memory_space<semaphore_mem>>) src(%dma_wait3A_115 : memref<100000x128xf32, #tpu.memory_space<hbm>>) dst(%arg9 : memref<50x128xf32, #tpu.memory_space<vmem>>)
    %parallel_loop3A_116 = arith.constant 0 : i32
    %parallel_loop3A_117 = arith.constant 50 : i32
    %parallel_loop3A_118 = arith.constant 1 : i32
    scf.for %parallel_loop3A_301 = %parallel_loop3A_116 to %parallel_loop3A_117 step %parallel_loop3A_118  : i32 {
      %parallel_loop3A_302 = arith.index_cast %parallel_loop3A_301 : i32 to index
      %parallel_loop3A_303 = arith.constant 0 : index
      %parallel_loop3A_304 = tpu.vector_load %arg9[%parallel_loop3A_302, %parallel_loop3A_303] {strides = array<i32>} : memref<50x128xf32, #tpu.memory_space<vmem>>, vector<1x16xf32>,
      %parallel_loop3A_305 = vector.shape_cast %parallel_loop3A_304 : vector<1x16xf32> to vector<16xf32>
      %parallel_loop3A_306 = arith.constant 11.3137083 : f32
      %parallel_loop3A_307 = vector.broadcast %parallel_loop3A_306 : f32 to vector<16xf32>
      %parallel_loop3A_308 = arith.mulf %parallel_loop3A_305, %parallel_loop3A_307 : vector<16xf32>
      %parallel_loop3A_309 = arith.index_cast %parallel_loop3A_301 : i32 to index
      %parallel_loop3A_310 = arith.constant 0 : index
      %parallel_loop3A_311 = tpu.vector_load %arg13[%parallel_loop3A_309, %parallel_loop3A_310] {strides = array<i32>} : memref<50x128xf32, #tpu.memory_space<vmem>>, vector<1x16xf32>,
      %parallel_loop3A_312 = vector.shape_cast %parallel_loop3A_311 : vector<1x16xf32> to vector<16xf32>
      %parallel_loop3A_313 = vector.shape_cast %parallel_loop3A_308 : vector<16xf32> to vector<1x16xf32>
      tpu.vector_store %arg13[%parallel_loop3A_309, %parallel_loop3A_310], %parallel_loop3A_313 {strides = array<i32>} : memref<50x128xf32, #tpu.memory_space<vmem>>, vector<1x16xf32>,
      %parallel_loop3A_314 = arith.index_cast %parallel_loop3A_301 : i32 to index
      %parallel_loop3A_315 = arith.constant 16 : index
      %parallel_loop3A_316 = tpu.vector_load %arg9[%parallel_loop3A_314, %parallel_loop3A_315] {strides = array<i32>} : memref<50x128xf32, #tpu.memory_space<vmem>>, vector<1x16xf32>,
      %parallel_loop3A_317 = vector.shape_cast %parallel_loop3A_316 : vector<1x16xf32> to vector<16xf32>
      %parallel_loop3A_318 = arith.constant 11.3137083 : f32
      %parallel_loop3A_319 = vector.broadcast %parallel_loop3A_318 : f32 to vector<16xf32>
      %parallel_loop3A_320 = arith.mulf %parallel_loop3A_317, %parallel_loop3A_319 : vector<16xf32>
      %parallel_loop3A_321 = arith.index_cast %parallel_loop3A_301 : i32 to index
      %parallel_loop3A_322 = arith.constant 16 : index
      %parallel_loop3A_323 = tpu.vector_load %arg13[%parallel_loop3A_321, %parallel_loop3A_322] {strides = array<i32>} : memref<50x128xf32, #tpu.memory_space<vmem>>, vector<1x16xf32>,
      %parallel_loop3A_324 = vector.shape_cast %parallel_loop3A_323 : vector<1x16xf32> to vector<16xf32>
      %parallel_loop3A_325 = vector.shape_cast %parallel_loop3A_320 : vector<16xf32> to vector<1x16xf32>
      tpu.vector_store %arg13[%parallel_loop3A_321, %parallel_loop3A_322], %parallel_loop3A_325 {strides = array<i32>} : memref<50x128xf32, #tpu.memory_space<vmem>>, vector<1x16xf32>,
      %parallel_loop3A_326 = arith.index_cast %parallel_loop3A_301 : i32 to index
      %parallel_loop3A_327 = arith.constant 32 : index
      %parallel_loop3A_328 = tpu.vector_load %arg9[%parallel_loop3A_326, %parallel_loop3A_327] {strides = array<i32>} : memref<50x128xf32, #tpu.memory_space<vmem>>, vector<1x16xf32>,
      %parallel_loop3A_329 = vector.shape_cast %parallel_loop3A_328 : vector<1x16xf32> to vector<16xf32>
      %parallel_loop3A_330 = arith.constant 11.3137083 : f32
      %parallel_loop3A_331 = vector.broadcast %parallel_loop3A_330 : f32 to vector<16xf32>
      %parallel_loop3A_332 = arith.mulf %parallel_loop3A_329, %parallel_loop3A_331 : vector<16xf32>
      %parallel_loop3A_333 = arith.index_cast %parallel_loop3A_301 : i32 to index
      %parallel_loop3A_334 = arith.constant 32 : index
      %parallel_loop3A_335 = tpu.vector_load %arg13[%parallel_loop3A_333, %parallel_loop3A_334] {strides = array<i32>} : memref<50x128xf32, #tpu.memory_space<vmem>>, vector<1x16xf32>,
      %parallel_loop3A_336 = vector.shape_cast %parallel_loop3A_335 : vector<1x16xf32> to vector<16xf32>
      %parallel_loop3A_337 = vector.shape_cast %parallel_loop3A_332 : vector<16xf32> to vector<1x16xf32>
      tpu.vector_store %arg13[%parallel_loop3A_333, %parallel_loop3A_334], %parallel_loop3A_337 {strides = array<i32>} : memref<50x128xf32, #tpu.memory_space<vmem>>, vector<1x16xf32>,
      %parallel_loop3A_338 = arith.index_cast %parallel_loop3A_301 : i32 to index
      %parallel_loop3A_339 = arith.constant 48 : index
      %parallel_loop3A_340 = tpu.vector_load %arg9[%parallel_loop3A_338, %parallel_loop3A_339] {strides = array<i32>} : memref<50x128xf32, #tpu.memory_space<vmem>>, vector<1x16xf32>,
      %parallel_loop3A_341 = vector.shape_cast %parallel_loop3A_340 : vector<1x16xf32> to vector<16xf32>
      %parallel_loop3A_342 = arith.constant 11.3137083 : f32
      %parallel_loop3A_343 = vector.broadcast %parallel_loop3A_342 : f32 to vector<16xf32>
      %parallel_loop3A_344 = arith.mulf %parallel_loop3A_341, %parallel_loop3A_343 : vector<16xf32>
      %parallel_loop3A_345 = arith.index_cast %parallel_loop3A_301 : i32 to index
      %parallel_loop3A_346 = arith.constant 48 : index
      %parallel_loop3A_347 = tpu.vector_load %arg13[%parallel_loop3A_345, %parallel_loop3A_346] {strides = array<i32>} : memref<50x128xf32, #tpu.memory_space<vmem>>, vector<1x16xf32>,
      %parallel_loop3A_348 = vector.shape_cast %parallel_loop3A_347 : vector<1x16xf32> to vector<16xf32>
      %parallel_loop3A_349 = vector.shape_cast %parallel_loop3A_344 : vector<16xf32> to vector<1x16xf32>
      tpu.vector_store %arg13[%parallel_loop3A_345, %parallel_loop3A_346], %parallel_loop3A_349 {strides = array<i32>} : memref<50x128xf32, #tpu.memory_space<vmem>>, vector<1x16xf32>,
      %parallel_loop3A_350 = arith.index_cast %parallel_loop3A_301 : i32 to index
      %parallel_loop3A_351 = arith.constant 64 : index
      %parallel_loop3A_352 = tpu.vector_load %arg9[%parallel_loop3A_350, %parallel_loop3A_351] {strides = array<i32>} : memref<50x128xf32, #tpu.memory_space<vmem>>, vector<1x16xf32>,
      %parallel_loop3A_353 = vector.shape_cast %parallel_loop3A_352 : vector<1x16xf32> to vector<16xf32>
      %parallel_loop3A_354 = arith.constant 11.3137083 : f32
      %parallel_loop3A_355 = vector.broadcast %parallel_loop3A_354 : f32 to vector<16xf32>
      %parallel_loop3A_356 = arith.mulf %parallel_loop3A_353, %parallel_loop3A_355 : vector<16xf32>
      %parallel_loop3A_357 = arith.index_cast %parallel_loop3A_301 : i32 to index
      %parallel_loop3A_358 = arith.constant 64 : index
      %parallel_loop3A_359 = tpu.vector_load %arg13[%parallel_loop3A_357, %parallel_loop3A_358] {strides = array<i32>} : memref<50x128xf32, #tpu.memory_space<vmem>>, vector<1x16xf32>,
      %parallel_loop3A_360 = vector.shape_cast %parallel_loop3A_359 : vector<1x16xf32> to vector<16xf32>
      %parallel_loop3A_361 = vector.shape_cast %parallel_loop3A_356 : vector<16xf32> to vector<1x16xf32>
      tpu.vector_store %arg13[%parallel_loop3A_357, %parallel_loop3A_358], %parallel_loop3A_361 {strides = array<i32>} : memref<50x128xf32, #tpu.memory_space<vmem>>, vector<1x16xf32>,
      %parallel_loop3A_362 = arith.index_cast %parallel_loop3A_301 : i32 to index
      %parallel_loop3A_363 = arith.constant 80 : index
      %parallel_loop3A_364 = tpu.vector_load %arg9[%parallel_loop3A_362, %parallel_loop3A_363] {strides = array<i32>} : memref<50x128xf32, #tpu.memory_space<vmem>>, vector<1x16xf32>,
      %parallel_loop3A_365 = vector.shape_cast %parallel_loop3A_364 : vector<1x16xf32> to vector<16xf32>
      %parallel_loop3A_366 = arith.constant 11.3137083 : f32
      %parallel_loop3A_367 = vector.broadcast %parallel_loop3A_366 : f32 to vector<16xf32>
      %parallel_loop3A_368 = arith.mulf %parallel_loop3A_365, %parallel_loop3A_367 : vector<16xf32>
      %parallel_loop3A_369 = arith.index_cast %parallel_loop3A_301 : i32 to index
      %parallel_loop3A_370 = arith.constant 80 : index
      %parallel_loop3A_371 = tpu.vector_load %arg13[%parallel_loop3A_369, %parallel_loop3A_370] {strides = array<i32>} : memref<50x128xf32, #tpu.memory_space<vmem>>, vector<1x16xf32>,
      %parallel_loop3A_372 = vector.shape_cast %parallel_loop3A_371 : vector<1x16xf32> to vector<16xf32>
      %parallel_loop3A_373 = vector.shape_cast %parallel_loop3A_368 : vector<16xf32> to vector<1x16xf32>
      tpu.vector_store %arg13[%parallel_loop3A_369, %parallel_loop3A_370], %parallel_loop3A_373 {strides = array<i32>} : memref<50x128xf32, #tpu.memory_space<vmem>>, vector<1x16xf32>,
      %parallel_loop3A_374 = arith.index_cast %parallel_loop3A_301 : i32 to index
      %parallel_loop3A_375 = arith.constant 96 : index
      %parallel_loop3A_376 = tpu.vector_load %arg9[%parallel_loop3A_374, %parallel_loop3A_375] {strides = array<i32>} : memref<50x128xf32, #tpu.memory_space<vmem>>, vector<1x16xf32>,
      %parallel_loop3A_377 = vector.shape_cast %parallel_loop3A_376 : vector<1x16xf32> to vector<16xf32>
      %parallel_loop3A_378 = arith.constant 11.3137083 : f32
      %parallel_loop3A_379 = vector.broadcast %parallel_loop3A_378 : f32 to vector<16xf32>
      %parallel_loop3A_380 = arith.mulf %parallel_loop3A_377, %parallel_loop3A_379 : vector<16xf32>
      %parallel_loop3A_381 = arith.index_cast %parallel_loop3A_301 : i32 to index
      %parallel_loop3A_382 = arith.constant 96 : index
      %parallel_loop3A_383 = tpu.vector_load %arg13[%parallel_loop3A_381, %parallel_loop3A_382] {strides = array<i32>} : memref<50x128xf32, #tpu.memory_space<vmem>>, vector<1x16xf32>,
      %parallel_loop3A_384 = vector.shape_cast %parallel_loop3A_383 : vector<1x16xf32> to vector<16xf32>
      %parallel_loop3A_385 = vector.shape_cast %parallel_loop3A_380 : vector<16xf32> to vector<1x16xf32>
      tpu.vector_store %arg13[%parallel_loop3A_381, %parallel_loop3A_382], %parallel_loop3A_385 {strides = array<i32>} : memref<50x128xf32, #tpu.memory_space<vmem>>, vector<1x16xf32>,
      %parallel_loop3A_386 = arith.index_cast %parallel_loop3A_301 : i32 to index
      %parallel_loop3A_387 = arith.constant 112 : index
      %parallel_loop3A_388 = tpu.vector_load %arg9[%parallel_loop3A_386, %parallel_loop3A_387] {strides = array<i32>} : memref<50x128xf32, #tpu.memory_space<vmem>>, vector<1x16xf32>,
      %parallel_loop3A_389 = vector.shape_cast %parallel_loop3A_388 : vector<1x16xf32> to vector<16xf32>
      %parallel_loop3A_390 = arith.constant 11.3137083 : f32
      %parallel_loop3A_391 = vector.broadcast %parallel_loop3A_390 : f32 to vector<16xf32>
      %parallel_loop3A_392 = arith.mulf %parallel_loop3A_389, %parallel_loop3A_391 : vector<16xf32>
      %parallel_loop3A_393 = arith.index_cast %parallel_loop3A_301 : i32 to index
      %parallel_loop3A_394 = arith.constant 112 : index
      %parallel_loop3A_395 = tpu.vector_load %arg13[%parallel_loop3A_393, %parallel_loop3A_394] {strides = array<i32>} : memref<50x128xf32, #tpu.memory_space<vmem>>, vector<1x16xf32>,
      %parallel_loop3A_396 = vector.shape_cast %parallel_loop3A_395 : vector<1x16xf32> to vector<16xf32>
      %parallel_loop3A_397 = vector.shape_cast %parallel_loop3A_392 : vector<16xf32> to vector<1x16xf32>
      tpu.vector_store %arg13[%parallel_loop3A_393, %parallel_loop3A_394], %parallel_loop3A_397 {strides = array<i32>} : memref<50x128xf32, #tpu.memory_space<vmem>>, vector<1x16xf32>,
    } {sc.loop_unroll_factor = 4 : i64, sc.parallel_access}
    %add3A_119 = arith.constant 3 : i32
    %add3A_120 = arith.addi %mul3A_2, %add3A_119 : i32
    %dma_start3A_121 = arith.constant 0 : i32
    %dma_start3A_122 = arith.constant 0 : i32
    %dma_start3A_123 = tpu.memref_slice %arg4[%add3A_120, %dma_start3A_121, %dma_start3A_122] : memref<4096x50x128xf32, #tpu.memory_space<hbm>> -> memref<1x50x128xf32, #tpu.memory_space<hbm>>
    %dma_start3A_124 = tpu.memref_squeeze %dma_start3A_123 : memref<1x50x128xf32, #tpu.memory_space<hbm>> -> memref<50x128xf32, #tpu.memory_space<hbm>>
    %dma_start3A_125 = arith.constant 0 : i32
    %dma_start3A_126 = arith.constant 0 : i32
    %dma_start3A_127 = tpu.memref_slice %arg4[%add3A_120, %dma_start3A_125, %dma_start3A_126] : memref<4096x50x128xf32, #tpu.memory_space<hbm>> -> memref<1x50x128xf32, #tpu.memory_space<hbm>>
    %dma_start3A_128 = tpu.memref_squeeze %dma_start3A_127 : memref<1x50x128xf32, #tpu.memory_space<hbm>> -> memref<50x128xf32, #tpu.memory_space<hbm>>
    tpu.enqueue_dma source(%arg13 : memref<50x128xf32, #tpu.memory_space<vmem>>) target(%dma_start3A_128 : memref<50x128xf32, #tpu.memory_space<hbm>>) target_semaphore(%arg21 : memref<!tpu.dma_semaphore, #tpu.memory_space<semaphore_mem>>)
    %dma_start3A_129 = arith.constant 7 : i32
    %dma_start3A_130 = arith.constant 0 : i32
    %dma_start3A_131 = tpu.memref_slice %arg5[%dma_start3A_129, %dma_start3A_130] : memref<128x50xi32, #tpu.memory_space<vmem>> -> memref<1x50xi32, #tpu.memory_space<vmem>>
    %dma_start3A_132 = tpu.memref_squeeze %dma_start3A_131 : memref<1x50xi32, #tpu.memory_space<vmem>> -> memref<50xi32, #tpu.memory_space<vmem>>
    %dma_start3A_133 = arith.constant 0 : i32
    %dma_start3A_134 = arith.constant 0 : i32
    %dma_start3A_135 = tpu.memref_slice %arg3[%dma_start3A_133, %dma_start3A_134] : memref<100000x128xf32, #tpu.memory_space<hbm>> -> memref<100000x128xf32, #tpu.memory_space<hbm>>
    tpu.enqueue_indirect_dma source(%dma_start3A_135 : memref<100000x128xf32, #tpu.memory_space<hbm>>) target(%arg9 : memref<50x128xf32, #tpu.memory_space<vmem>>) offsets(%dma_start3A_132 : memref<50xi32, #tpu.memory_space<vmem>>) semaphore(%arg17 : memref<!tpu.dma_semaphore, #tpu.memory_space<semaphore_mem>>)
    %scan3A = arith.constant 0 : i32
    %scan3A_136 = arith.constant 1 : i32
    %scan3A_137 = arith.constant 30 : i32
    %scan3A_138 = arith.addi %scan3A_136, %scan3A_137 : i32
    %scan3A_139 = arith.constant 1 : i32
    scf.for %scan3A_301 = %scan3A_136 to %scan3A_138 step %scan3A_139  : i32 {
      %mul3A_302 = arith.constant 4 : i32
      %mul3A_303 = arith.muli %scan3A_301, %mul3A_302 : i32
      %add3A_304 = arith.constant 0 : i32
      %add3A_305 = arith.addi %mul3A_303, %add3A_304 : i32
      %dma_wait3A_306 = arith.constant 0 : i32
      %dma_wait3A_307 = tpu.memref_slice %arg5[%add3A_305, %dma_wait3A_306] : memref<128x50xi32, #tpu.memory_space<vmem>> -> memref<1x50xi32, #tpu.memory_space<vmem>>
      %dma_wait3A_308 = tpu.memref_squeeze %dma_wait3A_307 : memref<1x50xi32, #tpu.memory_space<vmem>> -> memref<50xi32, #tpu.memory_space<vmem>>
      %dma_wait3A_309 = arith.constant 0 : i32
      %dma_wait3A_310 = arith.constant 0 : i32
      %dma_wait3A_311 = tpu.memref_slice %arg3[%dma_wait3A_309, %dma_wait3A_310] : memref<100000x128xf32, #tpu.memory_space<hbm>> -> memref<100000x128xf32, #tpu.memory_space<hbm>>
      tpu.wait_indirect_dma semaphore(%arg14 : memref<!tpu.dma_semaphore, #tpu.memory_space<semaphore_mem>>) src(%dma_wait3A_311 : memref<100000x128xf32, #tpu.memory_space<hbm>>) dst(%arg6 : memref<50x128xf32, #tpu.memory_space<vmem>>)
      %sub3A = arith.constant 4 : i32
      %sub3A_312 = arith.subi %add3A_305, %sub3A : i32
      %add3A_313 = arith.addi %mul3A_2, %sub3A_312 : i32
      %dma_wait3A_314 = arith.constant 0 : i32
      %dma_wait3A_315 = arith.constant 0 : i32
      %dma_wait3A_316 = tpu.memref_slice %arg4[%add3A_313, %dma_wait3A_314, %dma_wait3A_315] : memref<4096x50x128xf32, #tpu.memory_space<hbm>> -> memref<1x50x128xf32, #tpu.memory_space<hbm>>
      %dma_wait3A_317 = tpu.memref_squeeze %dma_wait3A_316 : memref<1x50x128xf32, #tpu.memory_space<hbm>> -> memref<50x128xf32, #tpu.memory_space<hbm>>
      %dma_wait3A_318 = arith.constant 0 : i32
      %dma_wait3A_319 = arith.constant 0 : i32
      %dma_wait3A_320 = tpu.memref_slice %arg4[%add3A_313, %dma_wait3A_318, %dma_wait3A_319] : memref<4096x50x128xf32, #tpu.memory_space<hbm>> -> memref<1x50x128xf32, #tpu.memory_space<hbm>>
      %dma_wait3A_321 = tpu.memref_squeeze %dma_wait3A_320 : memref<1x50x128xf32, #tpu.memory_space<hbm>> -> memref<50x128xf32, #tpu.memory_space<hbm>>
      tpu.wait_dma2 semaphore(%arg18 : memref<!tpu.dma_semaphore, #tpu.memory_space<semaphore_mem>>) src(%arg10 : memref<50x128xf32, #tpu.memory_space<vmem>>) dst(%dma_wait3A_321 : memref<50x128xf32, #tpu.memory_space<hbm>>)
      %parallel_loop3A_322 = arith.constant 0 : i32
      %parallel_loop3A_323 = arith.constant 50 : i32
      %parallel_loop3A_324 = arith.constant 1 : i32
      scf.for %parallel_loop3A_465 = %parallel_loop3A_322 to %parallel_loop3A_323 step %parallel_loop3A_324  : i32 {
        %parallel_loop3A_466 = arith.index_cast %parallel_loop3A_465 : i32 to index
        %parallel_loop3A_467 = arith.constant 0 : index
        %parallel_loop3A_468 = tpu.vector_load %arg6[%parallel_loop3A_466, %parallel_loop3A_467] {strides = array<i32>} : memref<50x128xf32, #tpu.memory_space<vmem>>, vector<1x16xf32>,
        %parallel_loop3A_469 = vector.shape_cast %parallel_loop3A_468 : vector<1x16xf32> to vector<16xf32>
        %parallel_loop3A_470 = arith.constant 11.3137083 : f32
        %parallel_loop3A_471 = vector.broadcast %parallel_loop3A_470 : f32 to vector<16xf32>
        %parallel_loop3A_472 = arith.mulf %parallel_loop3A_469, %parallel_loop3A_471 : vector<16xf32>
        %parallel_loop3A_473 = arith.index_cast %parallel_loop3A_465 : i32 to index
        %parallel_loop3A_474 = arith.constant 0 : index
        %parallel_loop3A_475 = tpu.vector_load %arg10[%parallel_loop3A_473, %parallel_loop3A_474] {strides = array<i32>} : memref<50x128xf32, #tpu.memory_space<vmem>>, vector<1x16xf32>,
        %parallel_loop3A_476 = vector.shape_cast %parallel_loop3A_475 : vector<1x16xf32> to vector<16xf32>
        %parallel_loop3A_477 = vector.shape_cast %parallel_loop3A_472 : vector<16xf32> to vector<1x16xf32>
        tpu.vector_store %arg10[%parallel_loop3A_473, %parallel_loop3A_474], %parallel_loop3A_477 {strides = array<i32>} : memref<50x128xf32, #tpu.memory_space<vmem>>, vector<1x16xf32>,
        %parallel_loop3A_478 = arith.index_cast %parallel_loop3A_465 : i32 to index
        %parallel_loop3A_479 = arith.constant 16 : index
        %parallel_loop3A_480 = tpu.vector_load %arg6[%parallel_loop3A_478, %parallel_loop3A_479] {strides = array<i32>} : memref<50x128xf32, #tpu.memory_space<vmem>>, vector<1x16xf32>,
        %parallel_loop3A_481 = vector.shape_cast %parallel_loop3A_480 : vector<1x16xf32> to vector<16xf32>
        %parallel_loop3A_482 = arith.constant 11.3137083 : f32
        %parallel_loop3A_483 = vector.broadcast %parallel_loop3A_482 : f32 to vector<16xf32>
        %parallel_loop3A_484 = arith.mulf %parallel_loop3A_481, %parallel_loop3A_483 : vector<16xf32>
        %parallel_loop3A_485 = arith.index_cast %parallel_loop3A_465 : i32 to index
        %parallel_loop3A_486 = arith.constant 16 : index
        %parallel_loop3A_487 = tpu.vector_load %arg10[%parallel_loop3A_485, %parallel_loop3A_486] {strides = array<i32>} : memref<50x128xf32, #tpu.memory_space<vmem>>, vector<1x16xf32>,
        %parallel_loop3A_488 = vector.shape_cast %parallel_loop3A_487 : vector<1x16xf32> to vector<16xf32>
        %parallel_loop3A_489 = vector.shape_cast %parallel_loop3A_484 : vector<16xf32> to vector<1x16xf32>
        tpu.vector_store %arg10[%parallel_loop3A_485, %parallel_loop3A_486], %parallel_loop3A_489 {strides = array<i32>} : memref<50x128xf32, #tpu.memory_space<vmem>>, vector<1x16xf32>,
        %parallel_loop3A_490 = arith.index_cast %parallel_loop3A_465 : i32 to index
        %parallel_loop3A_491 = arith.constant 32 : index
        %parallel_loop3A_492 = tpu.vector_load %arg6[%parallel_loop3A_490, %parallel_loop3A_491] {strides = array<i32>} : memref<50x128xf32, #tpu.memory_space<vmem>>, vector<1x16xf32>,
        %parallel_loop3A_493 = vector.shape_cast %parallel_loop3A_492 : vector<1x16xf32> to vector<16xf32>
        %parallel_loop3A_494 = arith.constant 11.3137083 : f32
        %parallel_loop3A_495 = vector.broadcast %parallel_loop3A_494 : f32 to vector<16xf32>
        %parallel_loop3A_496 = arith.mulf %parallel_loop3A_493, %parallel_loop3A_495 : vector<16xf32>
        %parallel_loop3A_497 = arith.index_cast %parallel_loop3A_465 : i32 to index
        %parallel_loop3A_498 = arith.constant 32 : index
        %parallel_loop3A_499 = tpu.vector_load %arg10[%parallel_loop3A_497, %parallel_loop3A_498] {strides = array<i32>} : memref<50x128xf32, #tpu.memory_space<vmem>>, vector<1x16xf32>,
        %parallel_loop3A_500 = vector.shape_cast %parallel_loop3A_499 : vector<1x16xf32> to vector<16xf32>
        %parallel_loop3A_501 = vector.shape_cast %parallel_loop3A_496 : vector<16xf32> to vector<1x16xf32>
        tpu.vector_store %arg10[%parallel_loop3A_497, %parallel_loop3A_498], %parallel_loop3A_501 {strides = array<i32>} : memref<50x128xf32, #tpu.memory_space<vmem>>, vector<1x16xf32>,
        %parallel_loop3A_502 = arith.index_cast %parallel_loop3A_465 : i32 to index
        %parallel_loop3A_503 = arith.constant 48 : index
        %parallel_loop3A_504 = tpu.vector_load %arg6[%parallel_loop3A_502, %parallel_loop3A_503] {strides = array<i32>} : memref<50x128xf32, #tpu.memory_space<vmem>>, vector<1x16xf32>,
        %parallel_loop3A_505 = vector.shape_cast %parallel_loop3A_504 : vector<1x16xf32> to vector<16xf32>
        %parallel_loop3A_506 = arith.constant 11.3137083 : f32
        %parallel_loop3A_507 = vector.broadcast %parallel_loop3A_506 : f32 to vector<16xf32>
        %parallel_loop3A_508 = arith.mulf %parallel_loop3A_505, %parallel_loop3A_507 : vector<16xf32>
        %parallel_loop3A_509 = arith.index_cast %parallel_loop3A_465 : i32 to index
        %parallel_loop3A_510 = arith.constant 48 : index
        %parallel_loop3A_511 = tpu.vector_load %arg10[%parallel_loop3A_509, %parallel_loop3A_510] {strides = array<i32>} : memref<50x128xf32, #tpu.memory_space<vmem>>, vector<1x16xf32>,
        %parallel_loop3A_512 = vector.shape_cast %parallel_loop3A_511 : vector<1x16xf32> to vector<16xf32>
        %parallel_loop3A_513 = vector.shape_cast %parallel_loop3A_508 : vector<16xf32> to vector<1x16xf32>
        tpu.vector_store %arg10[%parallel_loop3A_509, %parallel_loop3A_510], %parallel_loop3A_513 {strides = array<i32>} : memref<50x128xf32, #tpu.memory_space<vmem>>, vector<1x16xf32>,
        %parallel_loop3A_514 = arith.index_cast %parallel_loop3A_465 : i32 to index
        %parallel_loop3A_515 = arith.constant 64 : index
        %parallel_loop3A_516 = tpu.vector_load %arg6[%parallel_loop3A_514, %parallel_loop3A_515] {strides = array<i32>} : memref<50x128xf32, #tpu.memory_space<vmem>>, vector<1x16xf32>,
        %parallel_loop3A_517 = vector.shape_cast %parallel_loop3A_516 : vector<1x16xf32> to vector<16xf32>
        %parallel_loop3A_518 = arith.constant 11.3137083 : f32
        %parallel_loop3A_519 = vector.broadcast %parallel_loop3A_518 : f32 to vector<16xf32>
        %parallel_loop3A_520 = arith.mulf %parallel_loop3A_517, %parallel_loop3A_519 : vector<16xf32>
        %parallel_loop3A_521 = arith.index_cast %parallel_loop3A_465 : i32 to index
        %parallel_loop3A_522 = arith.constant 64 : index
        %parallel_loop3A_523 = tpu.vector_load %arg10[%parallel_loop3A_521, %parallel_loop3A_522] {strides = array<i32>} : memref<50x128xf32, #tpu.memory_space<vmem>>, vector<1x16xf32>,
        %parallel_loop3A_524 = vector.shape_cast %parallel_loop3A_523 : vector<1x16xf32> to vector<16xf32>
        %parallel_loop3A_525 = vector.shape_cast %parallel_loop3A_520 : vector<16xf32> to vector<1x16xf32>
        tpu.vector_store %arg10[%parallel_loop3A_521, %parallel_loop3A_522], %parallel_loop3A_525 {strides = array<i32>} : memref<50x128xf32, #tpu.memory_space<vmem>>, vector<1x16xf32>,
        %parallel_loop3A_526 = arith.index_cast %parallel_loop3A_465 : i32 to index
        %parallel_loop3A_527 = arith.constant 80 : index
        %parallel_loop3A_528 = tpu.vector_load %arg6[%parallel_loop3A_526, %parallel_loop3A_527] {strides = array<i32>} : memref<50x128xf32, #tpu.memory_space<vmem>>, vector<1x16xf32>,
        %parallel_loop3A_529 = vector.shape_cast %parallel_loop3A_528 : vector<1x16xf32> to vector<16xf32>
        %parallel_loop3A_530 = arith.constant 11.3137083 : f32
        %parallel_loop3A_531 = vector.broadcast %parallel_loop3A_530 : f32 to vector<16xf32>
        %parallel_loop3A_532 = arith.mulf %parallel_loop3A_529, %parallel_loop3A_531 : vector<16xf32>
        %parallel_loop3A_533 = arith.index_cast %parallel_loop3A_465 : i32 to index
        %parallel_loop3A_534 = arith.constant 80 : index
        %parallel_loop3A_535 = tpu.vector_load %arg10[%parallel_loop3A_533, %parallel_loop3A_534] {strides = array<i32>} : memref<50x128xf32, #tpu.memory_space<vmem>>, vector<1x16xf32>,
        %parallel_loop3A_536 = vector.shape_cast %parallel_loop3A_535 : vector<1x16xf32> to vector<16xf32>
        %parallel_loop3A_537 = vector.shape_cast %parallel_loop3A_532 : vector<16xf32> to vector<1x16xf32>
        tpu.vector_store %arg10[%parallel_loop3A_533, %parallel_loop3A_534], %parallel_loop3A_537 {strides = array<i32>} : memref<50x128xf32, #tpu.memory_space<vmem>>, vector<1x16xf32>,
        %parallel_loop3A_538 = arith.index_cast %parallel_loop3A_465 : i32 to index
        %parallel_loop3A_539 = arith.constant 96 : index
        %parallel_loop3A_540 = tpu.vector_load %arg6[%parallel_loop3A_538, %parallel_loop3A_539] {strides = array<i32>} : memref<50x128xf32, #tpu.memory_space<vmem>>, vector<1x16xf32>,
        %parallel_loop3A_541 = vector.shape_cast %parallel_loop3A_540 : vector<1x16xf32> to vector<16xf32>
        %parallel_loop3A_542 = arith.constant 11.3137083 : f32
        %parallel_loop3A_543 = vector.broadcast %parallel_loop3A_542 : f32 to vector<16xf32>
        %parallel_loop3A_544 = arith.mulf %parallel_loop3A_541, %parallel_loop3A_543 : vector<16xf32>
        %parallel_loop3A_545 = arith.index_cast %parallel_loop3A_465 : i32 to index
        %parallel_loop3A_546 = arith.constant 96 : index
        %parallel_loop3A_547 = tpu.vector_load %arg10[%parallel_loop3A_545, %parallel_loop3A_546] {strides = array<i32>} : memref<50x128xf32, #tpu.memory_space<vmem>>, vector<1x16xf32>,
        %parallel_loop3A_548 = vector.shape_cast %parallel_loop3A_547 : vector<1x16xf32> to vector<16xf32>
        %parallel_loop3A_549 = vector.shape_cast %parallel_loop3A_544 : vector<16xf32> to vector<1x16xf32>
        tpu.vector_store %arg10[%parallel_loop3A_545, %parallel_loop3A_546], %parallel_loop3A_549 {strides = array<i32>} : memref<50x128xf32, #tpu.memory_space<vmem>>, vector<1x16xf32>,
        %parallel_loop3A_550 = arith.index_cast %parallel_loop3A_465 : i32 to index
        %parallel_loop3A_551 = arith.constant 112 : index
        %parallel_loop3A_552 = tpu.vector_load %arg6[%parallel_loop3A_550, %parallel_loop3A_551] {strides = array<i32>} : memref<50x128xf32, #tpu.memory_space<vmem>>, vector<1x16xf32>,
        %parallel_loop3A_553 = vector.shape_cast %parallel_loop3A_552 : vector<1x16xf32> to vector<16xf32>
        %parallel_loop3A_554 = arith.constant 11.3137083 : f32
        %parallel_loop3A_555 = vector.broadcast %parallel_loop3A_554 : f32 to vector<16xf32>
        %parallel_loop3A_556 = arith.mulf %parallel_loop3A_553, %parallel_loop3A_555 : vector<16xf32>
        %parallel_loop3A_557 = arith.index_cast %parallel_loop3A_465 : i32 to index
        %parallel_loop3A_558 = arith.constant 112 : index
        %parallel_loop3A_559 = tpu.vector_load %arg10[%parallel_loop3A_557, %parallel_loop3A_558] {strides = array<i32>} : memref<50x128xf32, #tpu.memory_space<vmem>>, vector<1x16xf32>,
        %parallel_loop3A_560 = vector.shape_cast %parallel_loop3A_559 : vector<1x16xf32> to vector<16xf32>
        %parallel_loop3A_561 = vector.shape_cast %parallel_loop3A_556 : vector<16xf32> to vector<1x16xf32>
        tpu.vector_store %arg10[%parallel_loop3A_557, %parallel_loop3A_558], %parallel_loop3A_561 {strides = array<i32>} : memref<50x128xf32, #tpu.memory_space<vmem>>, vector<1x16xf32>,
      } {sc.loop_unroll_factor = 4 : i64, sc.parallel_access}
      %add3A_325 = arith.addi %mul3A_2, %add3A_305 : i32
      %dma_start3A_326 = arith.constant 0 : i32
      %dma_start3A_327 = arith.constant 0 : i32
      %dma_start3A_328 = tpu.memref_slice %arg4[%add3A_325, %dma_start3A_326, %dma_start3A_327] : memref<4096x50x128xf32, #tpu.memory_space<hbm>> -> memref<1x50x128xf32, #tpu.memory_space<hbm>>
      %dma_start3A_329 = tpu.memref_squeeze %dma_start3A_328 : memref<1x50x128xf32, #tpu.memory_space<hbm>> -> memref<50x128xf32, #tpu.memory_space<hbm>>
      %dma_start3A_330 = arith.constant 0 : i32
      %dma_start3A_331 = arith.constant 0 : i32
      %dma_start3A_332 = tpu.memref_slice %arg4[%add3A_325, %dma_start3A_330, %dma_start3A_331] : memref<4096x50x128xf32, #tpu.memory_space<hbm>> -> memref<1x50x128xf32, #tpu.memory_space<hbm>>
      %dma_start3A_333 = tpu.memref_squeeze %dma_start3A_332 : memref<1x50x128xf32, #tpu.memory_space<hbm>> -> memref<50x128xf32, #tpu.memory_space<hbm>>
      tpu.enqueue_dma source(%arg10 : memref<50x128xf32, #tpu.memory_space<vmem>>) target(%dma_start3A_333 : memref<50x128xf32, #tpu.memory_space<hbm>>) target_semaphore(%arg18 : memref<!tpu.dma_semaphore, #tpu.memory_space<semaphore_mem>>)
      %add3A_334 = arith.constant 4 : i32
      %add3A_335 = arith.addi %add3A_305, %add3A_334 : i32
      %dma_start3A_336 = arith.constant 0 : i32
      %dma_start3A_337 = tpu.memref_slice %arg5[%add3A_335, %dma_start3A_336] : memref<128x50xi32, #tpu.memory_space<vmem>> -> memref<1x50xi32, #tpu.memory_space<vmem>>
      %dma_start3A_338 = tpu.memref_squeeze %dma_start3A_337 : memref<1x50xi32, #tpu.memory_space<vmem>> -> memref<50xi32, #tpu.memory_space<vmem>>
      %dma_start3A_339 = arith.constant 0 : i32
      %dma_start3A_340 = arith.constant 0 : i32
      %dma_start3A_341 = tpu.memref_slice %arg3[%dma_start3A_339, %dma_start3A_340] : memref<100000x128xf32, #tpu.memory_space<hbm>> -> memref<100000x128xf32, #tpu.memory_space<hbm>>
      tpu.enqueue_indirect_dma source(%dma_start3A_341 : memref<100000x128xf32, #tpu.memory_space<hbm>>) target(%arg6 : memref<50x128xf32, #tpu.memory_space<vmem>>) offsets(%dma_start3A_338 : memref<50xi32, #tpu.memory_space<vmem>>) semaphore(%arg14 : memref<!tpu.dma_semaphore, #tpu.memory_space<semaphore_mem>>)
      %mul3A_342 = arith.constant 4 : i32
      %mul3A_343 = arith.muli %scan3A_301, %mul3A_342 : i32
      %add3A_344 = arith.constant 1 : i32
      %add3A_345 = arith.addi %mul3A_343, %add3A_344 : i32
      %dma_wait3A_346 = arith.constant 0 : i32
      %dma_wait3A_347 = tpu.memref_slice %arg5[%add3A_345, %dma_wait3A_346] : memref<128x50xi32, #tpu.memory_space<vmem>> -> memref<1x50xi32, #tpu.memory_space<vmem>>
      %dma_wait3A_348 = tpu.memref_squeeze %dma_wait3A_347 : memref<1x50xi32, #tpu.memory_space<vmem>> -> memref<50xi32, #tpu.memory_space<vmem>>
      %dma_wait3A_349 = arith.constant 0 : i32
      %dma_wait3A_350 = arith.constant 0 : i32
      %dma_wait3A_351 = tpu.memref_slice %arg3[%dma_wait3A_349, %dma_wait3A_350] : memref<100000x128xf32, #tpu.memory_space<hbm>> -> memref<100000x128xf32, #tpu.memory_space<hbm>>
      tpu.wait_indirect_dma semaphore(%arg15 : memref<!tpu.dma_semaphore, #tpu.memory_space<semaphore_mem>>) src(%dma_wait3A_351 : memref<100000x128xf32, #tpu.memory_space<hbm>>) dst(%arg7 : memref<50x128xf32, #tpu.memory_space<vmem>>)
      %sub3A_352 = arith.constant 4 : i32
      %sub3A_353 = arith.subi %add3A_345, %sub3A_352 : i32
      %add3A_354 = arith.addi %mul3A_2, %sub3A_353 : i32
      %dma_wait3A_355 = arith.constant 0 : i32
      %dma_wait3A_356 = arith.constant 0 : i32
      %dma_wait3A_357 = tpu.memref_slice %arg4[%add3A_354, %dma_wait3A_355, %dma_wait3A_356] : memref<4096x50x128xf32, #tpu.memory_space<hbm>> -> memref<1x50x128xf32, #tpu.memory_space<hbm>>
      %dma_wait3A_358 = tpu.memref_squeeze %dma_wait3A_357 : memref<1x50x128xf32, #tpu.memory_space<hbm>> -> memref<50x128xf32, #tpu.memory_space<hbm>>
      %dma_wait3A_359 = arith.constant 0 : i32
      %dma_wait3A_360 = arith.constant 0 : i32
      %dma_wait3A_361 = tpu.memref_slice %arg4[%add3A_354, %dma_wait3A_359, %dma_wait3A_360] : memref<4096x50x128xf32, #tpu.memory_space<hbm>> -> memref<1x50x128xf32, #tpu.memory_space<hbm>>
      %dma_wait3A_362 = tpu.memref_squeeze %dma_wait3A_361 : memref<1x50x128xf32, #tpu.memory_space<hbm>> -> memref<50x128xf32, #tpu.memory_space<hbm>>
      tpu.wait_dma2 semaphore(%arg19 : memref<!tpu.dma_semaphore, #tpu.memory_space<semaphore_mem>>) src(%arg11 : memref<50x128xf32, #tpu.memory_space<vmem>>) dst(%dma_wait3A_362 : memref<50x128xf32, #tpu.memory_space<hbm>>)
      %parallel_loop3A_363 = arith.constant 0 : i32
      %parallel_loop3A_364 = arith.constant 50 : i32
      %parallel_loop3A_365 = arith.constant 1 : i32
      scf.for %parallel_loop3A_465 = %parallel_loop3A_363 to %parallel_loop3A_364 step %parallel_loop3A_365  : i32 {
        %parallel_loop3A_466 = arith.index_cast %parallel_loop3A_465 : i32 to index
        %parallel_loop3A_467 = arith.constant 0 : index
        %parallel_loop3A_468 = tpu.vector_load %arg7[%parallel_loop3A_466, %parallel_loop3A_467] {strides = array<i32>} : memref<50x128xf32, #tpu.memory_space<vmem>>, vector<1x16xf32>,
        %parallel_loop3A_469 = vector.shape_cast %parallel_loop3A_468 : vector<1x16xf32> to vector<16xf32>
        %parallel_loop3A_470 = arith.constant 11.3137083 : f32
        %parallel_loop3A_471 = vector.broadcast %parallel_loop3A_470 : f32 to vector<16xf32>
        %parallel_loop3A_472 = arith.mulf %parallel_loop3A_469, %parallel_loop3A_471 : vector<16xf32>
        %parallel_loop3A_473 = arith.index_cast %parallel_loop3A_465 : i32 to index
        %parallel_loop3A_474 = arith.constant 0 : index
        %parallel_loop3A_475 = tpu.vector_load %arg11[%parallel_loop3A_473, %parallel_loop3A_474] {strides = array<i32>} : memref<50x128xf32, #tpu.memory_space<vmem>>, vector<1x16xf32>,
        %parallel_loop3A_476 = vector.shape_cast %parallel_loop3A_475 : vector<1x16xf32> to vector<16xf32>
        %parallel_loop3A_477 = vector.shape_cast %parallel_loop3A_472 : vector<16xf32> to vector<1x16xf32>
        tpu.vector_store %arg11[%parallel_loop3A_473, %parallel_loop3A_474], %parallel_loop3A_477 {strides = array<i32>} : memref<50x128xf32, #tpu.memory_space<vmem>>, vector<1x16xf32>,
        %parallel_loop3A_478 = arith.index_cast %parallel_loop3A_465 : i32 to index
        %parallel_loop3A_479 = arith.constant 16 : index
        %parallel_loop3A_480 = tpu.vector_load %arg7[%parallel_loop3A_478, %parallel_loop3A_479] {strides = array<i32>} : memref<50x128xf32, #tpu.memory_space<vmem>>, vector<1x16xf32>,
        %parallel_loop3A_481 = vector.shape_cast %parallel_loop3A_480 : vector<1x16xf32> to vector<16xf32>
        %parallel_loop3A_482 = arith.constant 11.3137083 : f32
        %parallel_loop3A_483 = vector.broadcast %parallel_loop3A_482 : f32 to vector<16xf32>
        %parallel_loop3A_484 = arith.mulf %parallel_loop3A_481, %parallel_loop3A_483 : vector<16xf32>
        %parallel_loop3A_485 = arith.index_cast %parallel_loop3A_465 : i32 to index
        %parallel_loop3A_486 = arith.constant 16 : index
        %parallel_loop3A_487 = tpu.vector_load %arg11[%parallel_loop3A_485, %parallel_loop3A_486] {strides = array<i32>} : memref<50x128xf32, #tpu.memory_space<vmem>>, vector<1x16xf32>,
        %parallel_loop3A_488 = vector.shape_cast %parallel_loop3A_487 : vector<1x16xf32> to vector<16xf32>
        %parallel_loop3A_489 = vector.shape_cast %parallel_loop3A_484 : vector<16xf32> to vector<1x16xf32>
        tpu.vector_store %arg11[%parallel_loop3A_485, %parallel_loop3A_486], %parallel_loop3A_489 {strides = array<i32>} : memref<50x128xf32, #tpu.memory_space<vmem>>, vector<1x16xf32>,
        %parallel_loop3A_490 = arith.index_cast %parallel_loop3A_465 : i32 to index
        %parallel_loop3A_491 = arith.constant 32 : index
        %parallel_loop3A_492 = tpu.vector_load %arg7[%parallel_loop3A_490, %parallel_loop3A_491] {strides = array<i32>} : memref<50x128xf32, #tpu.memory_space<vmem>>, vector<1x16xf32>,
        %parallel_loop3A_493 = vector.shape_cast %parallel_loop3A_492 : vector<1x16xf32> to vector<16xf32>
        %parallel_loop3A_494 = arith.constant 11.3137083 : f32
        %parallel_loop3A_495 = vector.broadcast %parallel_loop3A_494 : f32 to vector<16xf32>
        %parallel_loop3A_496 = arith.mulf %parallel_loop3A_493, %parallel_loop3A_495 : vector<16xf32>
        %parallel_loop3A_497 = arith.index_cast %parallel_loop3A_465 : i32 to index
        %parallel_loop3A_498 = arith.constant 32 : index
        %parallel_loop3A_499 = tpu.vector_load %arg11[%parallel_loop3A_497, %parallel_loop3A_498] {strides = array<i32>} : memref<50x128xf32, #tpu.memory_space<vmem>>, vector<1x16xf32>,
        %parallel_loop3A_500 = vector.shape_cast %parallel_loop3A_499 : vector<1x16xf32> to vector<16xf32>
        %parallel_loop3A_501 = vector.shape_cast %parallel_loop3A_496 : vector<16xf32> to vector<1x16xf32>
        tpu.vector_store %arg11[%parallel_loop3A_497, %parallel_loop3A_498], %parallel_loop3A_501 {strides = array<i32>} : memref<50x128xf32, #tpu.memory_space<vmem>>, vector<1x16xf32>,
        %parallel_loop3A_502 = arith.index_cast %parallel_loop3A_465 : i32 to index
        %parallel_loop3A_503 = arith.constant 48 : index
        %parallel_loop3A_504 = tpu.vector_load %arg7[%parallel_loop3A_502, %parallel_loop3A_503] {strides = array<i32>} : memref<50x128xf32, #tpu.memory_space<vmem>>, vector<1x16xf32>,
        %parallel_loop3A_505 = vector.shape_cast %parallel_loop3A_504 : vector<1x16xf32> to vector<16xf32>
        %parallel_loop3A_506 = arith.constant 11.3137083 : f32
        %parallel_loop3A_507 = vector.broadcast %parallel_loop3A_506 : f32 to vector<16xf32>
        %parallel_loop3A_508 = arith.mulf %parallel_loop3A_505, %parallel_loop3A_507 : vector<16xf32>
        %parallel_loop3A_509 = arith.index_cast %parallel_loop3A_465 : i32 to index
        %parallel_loop3A_510 = arith.constant 48 : index
        %parallel_loop3A_511 = tpu.vector_load %arg11[%parallel_loop3A_509, %parallel_loop3A_510] {strides = array<i32>} : memref<50x128xf32, #tpu.memory_space<vmem>>, vector<1x16xf32>,
        %parallel_loop3A_512 = vector.shape_cast %parallel_loop3A_511 : vector<1x16xf32> to vector<16xf32>
        %parallel_loop3A_513 = vector.shape_cast %parallel_loop3A_508 : vector<16xf32> to vector<1x16xf32>
        tpu.vector_store %arg11[%parallel_loop3A_509, %parallel_loop3A_510], %parallel_loop3A_513 {strides = array<i32>} : memref<50x128xf32, #tpu.memory_space<vmem>>, vector<1x16xf32>,
        %parallel_loop3A_514 = arith.index_cast %parallel_loop3A_465 : i32 to index
        %parallel_loop3A_515 = arith.constant 64 : index
        %parallel_loop3A_516 = tpu.vector_load %arg7[%parallel_loop3A_514, %parallel_loop3A_515] {strides = array<i32>} : memref<50x128xf32, #tpu.memory_space<vmem>>, vector<1x16xf32>,
        %parallel_loop3A_517 = vector.shape_cast %parallel_loop3A_516 : vector<1x16xf32> to vector<16xf32>
        %parallel_loop3A_518 = arith.constant 11.3137083 : f32
        %parallel_loop3A_519 = vector.broadcast %parallel_loop3A_518 : f32 to vector<16xf32>
        %parallel_loop3A_520 = arith.mulf %parallel_loop3A_517, %parallel_loop3A_519 : vector<16xf32>
        %parallel_loop3A_521 = arith.index_cast %parallel_loop3A_465 : i32 to index
        %parallel_loop3A_522 = arith.constant 64 : index
        %parallel_loop3A_523 = tpu.vector_load %arg11[%parallel_loop3A_521, %parallel_loop3A_522] {strides = array<i32>} : memref<50x128xf32, #tpu.memory_space<vmem>>, vector<1x16xf32>,
        %parallel_loop3A_524 = vector.shape_cast %parallel_loop3A_523 : vector<1x16xf32> to vector<16xf32>
        %parallel_loop3A_525 = vector.shape_cast %parallel_loop3A_520 : vector<16xf32> to vector<1x16xf32>
        tpu.vector_store %arg11[%parallel_loop3A_521, %parallel_loop3A_522], %parallel_loop3A_525 {strides = array<i32>} : memref<50x128xf32, #tpu.memory_space<vmem>>, vector<1x16xf32>,
        %parallel_loop3A_526 = arith.index_cast %parallel_loop3A_465 : i32 to index
        %parallel_loop3A_527 = arith.constant 80 : index
        %parallel_loop3A_528 = tpu.vector_load %arg7[%parallel_loop3A_526, %parallel_loop3A_527] {strides = array<i32>} : memref<50x128xf32, #tpu.memory_space<vmem>>, vector<1x16xf32>,
        %parallel_loop3A_529 = vector.shape_cast %parallel_loop3A_528 : vector<1x16xf32> to vector<16xf32>
        %parallel_loop3A_530 = arith.constant 11.3137083 : f32
        %parallel_loop3A_531 = vector.broadcast %parallel_loop3A_530 : f32 to vector<16xf32>
        %parallel_loop3A_532 = arith.mulf %parallel_loop3A_529, %parallel_loop3A_531 : vector<16xf32>
        %parallel_loop3A_533 = arith.index_cast %parallel_loop3A_465 : i32 to index
        %parallel_loop3A_534 = arith.constant 80 : index
        %parallel_loop3A_535 = tpu.vector_load %arg11[%parallel_loop3A_533, %parallel_loop3A_534] {strides = array<i32>} : memref<50x128xf32, #tpu.memory_space<vmem>>, vector<1x16xf32>,
        %parallel_loop3A_536 = vector.shape_cast %parallel_loop3A_535 : vector<1x16xf32> to vector<16xf32>
        %parallel_loop3A_537 = vector.shape_cast %parallel_loop3A_532 : vector<16xf32> to vector<1x16xf32>
        tpu.vector_store %arg11[%parallel_loop3A_533, %parallel_loop3A_534], %parallel_loop3A_537 {strides = array<i32>} : memref<50x128xf32, #tpu.memory_space<vmem>>, vector<1x16xf32>,
        %parallel_loop3A_538 = arith.index_cast %parallel_loop3A_465 : i32 to index
        %parallel_loop3A_539 = arith.constant 96 : index
        %parallel_loop3A_540 = tpu.vector_load %arg7[%parallel_loop3A_538, %parallel_loop3A_539] {strides = array<i32>} : memref<50x128xf32, #tpu.memory_space<vmem>>, vector<1x16xf32>,
        %parallel_loop3A_541 = vector.shape_cast %parallel_loop3A_540 : vector<1x16xf32> to vector<16xf32>
        %parallel_loop3A_542 = arith.constant 11.3137083 : f32
        %parallel_loop3A_543 = vector.broadcast %parallel_loop3A_542 : f32 to vector<16xf32>
        %parallel_loop3A_544 = arith.mulf %parallel_loop3A_541, %parallel_loop3A_543 : vector<16xf32>
        %parallel_loop3A_545 = arith.index_cast %parallel_loop3A_465 : i32 to index
        %parallel_loop3A_546 = arith.constant 96 : index
        %parallel_loop3A_547 = tpu.vector_load %arg11[%parallel_loop3A_545, %parallel_loop3A_546] {strides = array<i32>} : memref<50x128xf32, #tpu.memory_space<vmem>>, vector<1x16xf32>,
        %parallel_loop3A_548 = vector.shape_cast %parallel_loop3A_547 : vector<1x16xf32> to vector<16xf32>
        %parallel_loop3A_549 = vector.shape_cast %parallel_loop3A_544 : vector<16xf32> to vector<1x16xf32>
        tpu.vector_store %arg11[%parallel_loop3A_545, %parallel_loop3A_546], %parallel_loop3A_549 {strides = array<i32>} : memref<50x128xf32, #tpu.memory_space<vmem>>, vector<1x16xf32>,
        %parallel_loop3A_550 = arith.index_cast %parallel_loop3A_465 : i32 to index
        %parallel_loop3A_551 = arith.constant 112 : index
        %parallel_loop3A_552 = tpu.vector_load %arg7[%parallel_loop3A_550, %parallel_loop3A_551] {strides = array<i32>} : memref<50x128xf32, #tpu.memory_space<vmem>>, vector<1x16xf32>,
        %parallel_loop3A_553 = vector.shape_cast %parallel_loop3A_552 : vector<1x16xf32> to vector<16xf32>
        %parallel_loop3A_554 = arith.constant 11.3137083 : f32
        %parallel_loop3A_555 = vector.broadcast %parallel_loop3A_554 : f32 to vector<16xf32>
        %parallel_loop3A_556 = arith.mulf %parallel_loop3A_553, %parallel_loop3A_555 : vector<16xf32>
        %parallel_loop3A_557 = arith.index_cast %parallel_loop3A_465 : i32 to index
        %parallel_loop3A_558 = arith.constant 112 : index
        %parallel_loop3A_559 = tpu.vector_load %arg11[%parallel_loop3A_557, %parallel_loop3A_558] {strides = array<i32>} : memref<50x128xf32, #tpu.memory_space<vmem>>, vector<1x16xf32>,
        %parallel_loop3A_560 = vector.shape_cast %parallel_loop3A_559 : vector<1x16xf32> to vector<16xf32>
        %parallel_loop3A_561 = vector.shape_cast %parallel_loop3A_556 : vector<16xf32> to vector<1x16xf32>
        tpu.vector_store %arg11[%parallel_loop3A_557, %parallel_loop3A_558], %parallel_loop3A_561 {strides = array<i32>} : memref<50x128xf32, #tpu.memory_space<vmem>>, vector<1x16xf32>,
      } {sc.loop_unroll_factor = 4 : i64, sc.parallel_access}
      %add3A_366 = arith.addi %mul3A_2, %add3A_345 : i32
      %dma_start3A_367 = arith.constant 0 : i32
      %dma_start3A_368 = arith.constant 0 : i32
      %dma_start3A_369 = tpu.memref_slice %arg4[%add3A_366, %dma_start3A_367, %dma_start3A_368] : memref<4096x50x128xf32, #tpu.memory_space<hbm>> -> memref<1x50x128xf32, #tpu.memory_space<hbm>>
      %dma_start3A_370 = tpu.memref_squeeze %dma_start3A_369 : memref<1x50x128xf32, #tpu.memory_space<hbm>> -> memref<50x128xf32, #tpu.memory_space<hbm>>
      %dma_start3A_371 = arith.constant 0 : i32
      %dma_start3A_372 = arith.constant 0 : i32
      %dma_start3A_373 = tpu.memref_slice %arg4[%add3A_366, %dma_start3A_371, %dma_start3A_372] : memref<4096x50x128xf32, #tpu.memory_space<hbm>> -> memref<1x50x128xf32, #tpu.memory_space<hbm>>
      %dma_start3A_374 = tpu.memref_squeeze %dma_start3A_373 : memref<1x50x128xf32, #tpu.memory_space<hbm>> -> memref<50x128xf32, #tpu.memory_space<hbm>>
      tpu.enqueue_dma source(%arg11 : memref<50x128xf32, #tpu.memory_space<vmem>>) target(%dma_start3A_374 : memref<50x128xf32, #tpu.memory_space<hbm>>) target_semaphore(%arg19 : memref<!tpu.dma_semaphore, #tpu.memory_space<semaphore_mem>>)
      %add3A_375 = arith.constant 4 : i32
      %add3A_376 = arith.addi %add3A_345, %add3A_375 : i32
      %dma_start3A_377 = arith.constant 0 : i32
      %dma_start3A_378 = tpu.memref_slice %arg5[%add3A_376, %dma_start3A_377] : memref<128x50xi32, #tpu.memory_space<vmem>> -> memref<1x50xi32, #tpu.memory_space<vmem>>
      %dma_start3A_379 = tpu.memref_squeeze %dma_start3A_378 : memref<1x50xi32, #tpu.memory_space<vmem>> -> memref<50xi32, #tpu.memory_space<vmem>>
      %dma_start3A_380 = arith.constant 0 : i32
      %dma_start3A_381 = arith.constant 0 : i32
      %dma_start3A_382 = tpu.memref_slice %arg3[%dma_start3A_380, %dma_start3A_381] : memref<100000x128xf32, #tpu.memory_space<hbm>> -> memref<100000x128xf32, #tpu.memory_space<hbm>>
      tpu.enqueue_indirect_dma source(%dma_start3A_382 : memref<100000x128xf32, #tpu.memory_space<hbm>>) target(%arg7 : memref<50x128xf32, #tpu.memory_space<vmem>>) offsets(%dma_start3A_379 : memref<50xi32, #tpu.memory_space<vmem>>) semaphore(%arg15 : memref<!tpu.dma_semaphore, #tpu.memory_space<semaphore_mem>>)
      %mul3A_383 = arith.constant 4 : i32
      %mul3A_384 = arith.muli %scan3A_301, %mul3A_383 : i32
      %add3A_385 = arith.constant 2 : i32
      %add3A_386 = arith.addi %mul3A_384, %add3A_385 : i32
      %dma_wait3A_387 = arith.constant 0 : i32
      %dma_wait3A_388 = tpu.memref_slice %arg5[%add3A_386, %dma_wait3A_387] : memref<128x50xi32, #tpu.memory_space<vmem>> -> memref<1x50xi32, #tpu.memory_space<vmem>>
      %dma_wait3A_389 = tpu.memref_squeeze %dma_wait3A_388 : memref<1x50xi32, #tpu.memory_space<vmem>> -> memref<50xi32, #tpu.memory_space<vmem>>
      %dma_wait3A_390 = arith.constant 0 : i32
      %dma_wait3A_391 = arith.constant 0 : i32
      %dma_wait3A_392 = tpu.memref_slice %arg3[%dma_wait3A_390, %dma_wait3A_391] : memref<100000x128xf32, #tpu.memory_space<hbm>> -> memref<100000x128xf32, #tpu.memory_space<hbm>>
      tpu.wait_indirect_dma semaphore(%arg16 : memref<!tpu.dma_semaphore, #tpu.memory_space<semaphore_mem>>) src(%dma_wait3A_392 : memref<100000x128xf32, #tpu.memory_space<hbm>>) dst(%arg8 : memref<50x128xf32, #tpu.memory_space<vmem>>)
      %sub3A_393 = arith.constant 4 : i32
      %sub3A_394 = arith.subi %add3A_386, %sub3A_393 : i32
      %add3A_395 = arith.addi %mul3A_2, %sub3A_394 : i32
      %dma_wait3A_396 = arith.constant 0 : i32
      %dma_wait3A_397 = arith.constant 0 : i32
      %dma_wait3A_398 = tpu.memref_slice %arg4[%add3A_395, %dma_wait3A_396, %dma_wait3A_397] : memref<4096x50x128xf32, #tpu.memory_space<hbm>> -> memref<1x50x128xf32, #tpu.memory_space<hbm>>
      %dma_wait3A_399 = tpu.memref_squeeze %dma_wait3A_398 : memref<1x50x128xf32, #tpu.memory_space<hbm>> -> memref<50x128xf32, #tpu.memory_space<hbm>>
      %dma_wait3A_400 = arith.constant 0 : i32
      %dma_wait3A_401 = arith.constant 0 : i32
      %dma_wait3A_402 = tpu.memref_slice %arg4[%add3A_395, %dma_wait3A_400, %dma_wait3A_401] : memref<4096x50x128xf32, #tpu.memory_space<hbm>> -> memref<1x50x128xf32, #tpu.memory_space<hbm>>
      %dma_wait3A_403 = tpu.memref_squeeze %dma_wait3A_402 : memref<1x50x128xf32, #tpu.memory_space<hbm>> -> memref<50x128xf32, #tpu.memory_space<hbm>>
      tpu.wait_dma2 semaphore(%arg20 : memref<!tpu.dma_semaphore, #tpu.memory_space<semaphore_mem>>) src(%arg12 : memref<50x128xf32, #tpu.memory_space<vmem>>) dst(%dma_wait3A_403 : memref<50x128xf32, #tpu.memory_space<hbm>>)
      %parallel_loop3A_404 = arith.constant 0 : i32
      %parallel_loop3A_405 = arith.constant 50 : i32
      %parallel_loop3A_406 = arith.constant 1 : i32
      scf.for %parallel_loop3A_465 = %parallel_loop3A_404 to %parallel_loop3A_405 step %parallel_loop3A_406  : i32 {
        %parallel_loop3A_466 = arith.index_cast %parallel_loop3A_465 : i32 to index
        %parallel_loop3A_467 = arith.constant 0 : index
        %parallel_loop3A_468 = tpu.vector_load %arg8[%parallel_loop3A_466, %parallel_loop3A_467] {strides = array<i32>} : memref<50x128xf32, #tpu.memory_space<vmem>>, vector<1x16xf32>,
        %parallel_loop3A_469 = vector.shape_cast %parallel_loop3A_468 : vector<1x16xf32> to vector<16xf32>
        %parallel_loop3A_470 = arith.constant 11.3137083 : f32
        %parallel_loop3A_471 = vector.broadcast %parallel_loop3A_470 : f32 to vector<16xf32>
        %parallel_loop3A_472 = arith.mulf %parallel_loop3A_469, %parallel_loop3A_471 : vector<16xf32>
        %parallel_loop3A_473 = arith.index_cast %parallel_loop3A_465 : i32 to index
        %parallel_loop3A_474 = arith.constant 0 : index
        %parallel_loop3A_475 = tpu.vector_load %arg12[%parallel_loop3A_473, %parallel_loop3A_474] {strides = array<i32>} : memref<50x128xf32, #tpu.memory_space<vmem>>, vector<1x16xf32>,
        %parallel_loop3A_476 = vector.shape_cast %parallel_loop3A_475 : vector<1x16xf32> to vector<16xf32>
        %parallel_loop3A_477 = vector.shape_cast %parallel_loop3A_472 : vector<16xf32> to vector<1x16xf32>
        tpu.vector_store %arg12[%parallel_loop3A_473, %parallel_loop3A_474], %parallel_loop3A_477 {strides = array<i32>} : memref<50x128xf32, #tpu.memory_space<vmem>>, vector<1x16xf32>,
        %parallel_loop3A_478 = arith.index_cast %parallel_loop3A_465 : i32 to index
        %parallel_loop3A_479 = arith.constant 16 : index
        %parallel_loop3A_480 = tpu.vector_load %arg8[%parallel_loop3A_478, %parallel_loop3A_479] {strides = array<i32>} : memref<50x128xf32, #tpu.memory_space<vmem>>, vector<1x16xf32>,
        %parallel_loop3A_481 = vector.shape_cast %parallel_loop3A_480 : vector<1x16xf32> to vector<16xf32>
        %parallel_loop3A_482 = arith.constant 11.3137083 : f32
        %parallel_loop3A_483 = vector.broadcast %parallel_loop3A_482 : f32 to vector<16xf32>
        %parallel_loop3A_484 = arith.mulf %parallel_loop3A_481, %parallel_loop3A_483 : vector<16xf32>
        %parallel_loop3A_485 = arith.index_cast %parallel_loop3A_465 : i32 to index
        %parallel_loop3A_486 = arith.constant 16 : index
        %parallel_loop3A_487 = tpu.vector_load %arg12[%parallel_loop3A_485, %parallel_loop3A_486] {strides = array<i32>} : memref<50x128xf32, #tpu.memory_space<vmem>>, vector<1x16xf32>,
        %parallel_loop3A_488 = vector.shape_cast %parallel_loop3A_487 : vector<1x16xf32> to vector<16xf32>
        %parallel_loop3A_489 = vector.shape_cast %parallel_loop3A_484 : vector<16xf32> to vector<1x16xf32>
        tpu.vector_store %arg12[%parallel_loop3A_485, %parallel_loop3A_486], %parallel_loop3A_489 {strides = array<i32>} : memref<50x128xf32, #tpu.memory_space<vmem>>, vector<1x16xf32>,
        %parallel_loop3A_490 = arith.index_cast %parallel_loop3A_465 : i32 to index
        %parallel_loop3A_491 = arith.constant 32 : index
        %parallel_loop3A_492 = tpu.vector_load %arg8[%parallel_loop3A_490, %parallel_loop3A_491] {strides = array<i32>} : memref<50x128xf32, #tpu.memory_space<vmem>>, vector<1x16xf32>,
        %parallel_loop3A_493 = vector.shape_cast %parallel_loop3A_492 : vector<1x16xf32> to vector<16xf32>
        %parallel_loop3A_494 = arith.constant 11.3137083 : f32
        %parallel_loop3A_495 = vector.broadcast %parallel_loop3A_494 : f32 to vector<16xf32>
        %parallel_loop3A_496 = arith.mulf %parallel_loop3A_493, %parallel_loop3A_495 : vector<16xf32>
        %parallel_loop3A_497 = arith.index_cast %parallel_loop3A_465 : i32 to index
        %parallel_loop3A_498 = arith.constant 32 : index
        %parallel_loop3A_499 = tpu.vector_load %arg12[%parallel_loop3A_497, %parallel_loop3A_498] {strides = array<i32>} : memref<50x128xf32, #tpu.memory_space<vmem>>, vector<1x16xf32>,
        %parallel_loop3A_500 = vector.shape_cast %parallel_loop3A_499 : vector<1x16xf32> to vector<16xf32>
        %parallel_loop3A_501 = vector.shape_cast %parallel_loop3A_496 : vector<16xf32> to vector<1x16xf32>
        tpu.vector_store %arg12[%parallel_loop3A_497, %parallel_loop3A_498], %parallel_loop3A_501 {strides = array<i32>} : memref<50x128xf32, #tpu.memory_space<vmem>>, vector<1x16xf32>,
        %parallel_loop3A_502 = arith.index_cast %parallel_loop3A_465 : i32 to index
        %parallel_loop3A_503 = arith.constant 48 : index
        %parallel_loop3A_504 = tpu.vector_load %arg8[%parallel_loop3A_502, %parallel_loop3A_503] {strides = array<i32>} : memref<50x128xf32, #tpu.memory_space<vmem>>, vector<1x16xf32>,
        %parallel_loop3A_505 = vector.shape_cast %parallel_loop3A_504 : vector<1x16xf32> to vector<16xf32>
        %parallel_loop3A_506 = arith.constant 11.3137083 : f32
        %parallel_loop3A_507 = vector.broadcast %parallel_loop3A_506 : f32 to vector<16xf32>
        %parallel_loop3A_508 = arith.mulf %parallel_loop3A_505, %parallel_loop3A_507 : vector<16xf32>
        %parallel_loop3A_509 = arith.index_cast %parallel_loop3A_465 : i32 to index
        %parallel_loop3A_510 = arith.constant 48 : index
        %parallel_loop3A_511 = tpu.vector_load %arg12[%parallel_loop3A_509, %parallel_loop3A_510] {strides = array<i32>} : memref<50x128xf32, #tpu.memory_space<vmem>>, vector<1x16xf32>,
        %parallel_loop3A_512 = vector.shape_cast %parallel_loop3A_511 : vector<1x16xf32> to vector<16xf32>
        %parallel_loop3A_513 = vector.shape_cast %parallel_loop3A_508 : vector<16xf32> to vector<1x16xf32>
        tpu.vector_store %arg12[%parallel_loop3A_509, %parallel_loop3A_510], %parallel_loop3A_513 {strides = array<i32>} : memref<50x128xf32, #tpu.memory_space<vmem>>, vector<1x16xf32>,
        %parallel_loop3A_514 = arith.index_cast %parallel_loop3A_465 : i32 to index
        %parallel_loop3A_515 = arith.constant 64 : index
        %parallel_loop3A_516 = tpu.vector_load %arg8[%parallel_loop3A_514, %parallel_loop3A_515] {strides = array<i32>} : memref<50x128xf32, #tpu.memory_space<vmem>>, vector<1x16xf32>,
        %parallel_loop3A_517 = vector.shape_cast %parallel_loop3A_516 : vector<1x16xf32> to vector<16xf32>
        %parallel_loop3A_518 = arith.constant 11.3137083 : f32
        %parallel_loop3A_519 = vector.broadcast %parallel_loop3A_518 : f32 to vector<16xf32>
        %parallel_loop3A_520 = arith.mulf %parallel_loop3A_517, %parallel_loop3A_519 : vector<16xf32>
        %parallel_loop3A_521 = arith.index_cast %parallel_loop3A_465 : i32 to index
        %parallel_loop3A_522 = arith.constant 64 : index
        %parallel_loop3A_523 = tpu.vector_load %arg12[%parallel_loop3A_521, %parallel_loop3A_522] {strides = array<i32>} : memref<50x128xf32, #tpu.memory_space<vmem>>, vector<1x16xf32>,
        %parallel_loop3A_524 = vector.shape_cast %parallel_loop3A_523 : vector<1x16xf32> to vector<16xf32>
        %parallel_loop3A_525 = vector.shape_cast %parallel_loop3A_520 : vector<16xf32> to vector<1x16xf32>
        tpu.vector_store %arg12[%parallel_loop3A_521, %parallel_loop3A_522], %parallel_loop3A_525 {strides = array<i32>} : memref<50x128xf32, #tpu.memory_space<vmem>>, vector<1x16xf32>,
        %parallel_loop3A_526 = arith.index_cast %parallel_loop3A_465 : i32 to index
        %parallel_loop3A_527 = arith.constant 80 : index
        %parallel_loop3A_528 = tpu.vector_load %arg8[%parallel_loop3A_526, %parallel_loop3A_527] {strides = array<i32>} : memref<50x128xf32, #tpu.memory_space<vmem>>, vector<1x16xf32>,
        %parallel_loop3A_529 = vector.shape_cast %parallel_loop3A_528 : vector<1x16xf32> to vector<16xf32>
        %parallel_loop3A_530 = arith.constant 11.3137083 : f32
        %parallel_loop3A_531 = vector.broadcast %parallel_loop3A_530 : f32 to vector<16xf32>
        %parallel_loop3A_532 = arith.mulf %parallel_loop3A_529, %parallel_loop3A_531 : vector<16xf32>
        %parallel_loop3A_533 = arith.index_cast %parallel_loop3A_465 : i32 to index
        %parallel_loop3A_534 = arith.constant 80 : index
        %parallel_loop3A_535 = tpu.vector_load %arg12[%parallel_loop3A_533, %parallel_loop3A_534] {strides = array<i32>} : memref<50x128xf32, #tpu.memory_space<vmem>>, vector<1x16xf32>,
        %parallel_loop3A_536 = vector.shape_cast %parallel_loop3A_535 : vector<1x16xf32> to vector<16xf32>
        %parallel_loop3A_537 = vector.shape_cast %parallel_loop3A_532 : vector<16xf32> to vector<1x16xf32>
        tpu.vector_store %arg12[%parallel_loop3A_533, %parallel_loop3A_534], %parallel_loop3A_537 {strides = array<i32>} : memref<50x128xf32, #tpu.memory_space<vmem>>, vector<1x16xf32>,
        %parallel_loop3A_538 = arith.index_cast %parallel_loop3A_465 : i32 to index
        %parallel_loop3A_539 = arith.constant 96 : index
        %parallel_loop3A_540 = tpu.vector_load %arg8[%parallel_loop3A_538, %parallel_loop3A_539] {strides = array<i32>} : memref<50x128xf32, #tpu.memory_space<vmem>>, vector<1x16xf32>,
        %parallel_loop3A_541 = vector.shape_cast %parallel_loop3A_540 : vector<1x16xf32> to vector<16xf32>
        %parallel_loop3A_542 = arith.constant 11.3137083 : f32
        %parallel_loop3A_543 = vector.broadcast %parallel_loop3A_542 : f32 to vector<16xf32>
        %parallel_loop3A_544 = arith.mulf %parallel_loop3A_541, %parallel_loop3A_543 : vector<16xf32>
        %parallel_loop3A_545 = arith.index_cast %parallel_loop3A_465 : i32 to index
        %parallel_loop3A_546 = arith.constant 96 : index
        %parallel_loop3A_547 = tpu.vector_load %arg12[%parallel_loop3A_545, %parallel_loop3A_546] {strides = array<i32>} : memref<50x128xf32, #tpu.memory_space<vmem>>, vector<1x16xf32>,
        %parallel_loop3A_548 = vector.shape_cast %parallel_loop3A_547 : vector<1x16xf32> to vector<16xf32>
        %parallel_loop3A_549 = vector.shape_cast %parallel_loop3A_544 : vector<16xf32> to vector<1x16xf32>
        tpu.vector_store %arg12[%parallel_loop3A_545, %parallel_loop3A_546], %parallel_loop3A_549 {strides = array<i32>} : memref<50x128xf32, #tpu.memory_space<vmem>>, vector<1x16xf32>,
        %parallel_loop3A_550 = arith.index_cast %parallel_loop3A_465 : i32 to index
        %parallel_loop3A_551 = arith.constant 112 : index
        %parallel_loop3A_552 = tpu.vector_load %arg8[%parallel_loop3A_550, %parallel_loop3A_551] {strides = array<i32>} : memref<50x128xf32, #tpu.memory_space<vmem>>, vector<1x16xf32>,
        %parallel_loop3A_553 = vector.shape_cast %parallel_loop3A_552 : vector<1x16xf32> to vector<16xf32>
        %parallel_loop3A_554 = arith.constant 11.3137083 : f32
        %parallel_loop3A_555 = vector.broadcast %parallel_loop3A_554 : f32 to vector<16xf32>
        %parallel_loop3A_556 = arith.mulf %parallel_loop3A_553, %parallel_loop3A_555 : vector<16xf32>
        %parallel_loop3A_557 = arith.index_cast %parallel_loop3A_465 : i32 to index
        %parallel_loop3A_558 = arith.constant 112 : index
        %parallel_loop3A_559 = tpu.vector_load %arg12[%parallel_loop3A_557, %parallel_loop3A_558] {strides = array<i32>} : memref<50x128xf32, #tpu.memory_space<vmem>>, vector<1x16xf32>,
        %parallel_loop3A_560 = vector.shape_cast %parallel_loop3A_559 : vector<1x16xf32> to vector<16xf32>
        %parallel_loop3A_561 = vector.shape_cast %parallel_loop3A_556 : vector<16xf32> to vector<1x16xf32>
        tpu.vector_store %arg12[%parallel_loop3A_557, %parallel_loop3A_558], %parallel_loop3A_561 {strides = array<i32>} : memref<50x128xf32, #tpu.memory_space<vmem>>, vector<1x16xf32>,
      } {sc.loop_unroll_factor = 4 : i64, sc.parallel_access}
      %add3A_407 = arith.addi %mul3A_2, %add3A_386 : i32
      %dma_start3A_408 = arith.constant 0 : i32
      %dma_start3A_409 = arith.constant 0 : i32
      %dma_start3A_410 = tpu.memref_slice %arg4[%add3A_407, %dma_start3A_408, %dma_start3A_409] : memref<4096x50x128xf32, #tpu.memory_space<hbm>> -> memref<1x50x128xf32, #tpu.memory_space<hbm>>
      %dma_start3A_411 = tpu.memref_squeeze %dma_start3A_410 : memref<1x50x128xf32, #tpu.memory_space<hbm>> -> memref<50x128xf32, #tpu.memory_space<hbm>>
      %dma_start3A_412 = arith.constant 0 : i32
      %dma_start3A_413 = arith.constant 0 : i32
      %dma_start3A_414 = tpu.memref_slice %arg4[%add3A_407, %dma_start3A_412, %dma_start3A_413] : memref<4096x50x128xf32, #tpu.memory_space<hbm>> -> memref<1x50x128xf32, #tpu.memory_space<hbm>>
      %dma_start3A_415 = tpu.memref_squeeze %dma_start3A_414 : memref<1x50x128xf32, #tpu.memory_space<hbm>> -> memref<50x128xf32, #tpu.memory_space<hbm>>
      tpu.enqueue_dma source(%arg12 : memref<50x128xf32, #tpu.memory_space<vmem>>) target(%dma_start3A_415 : memref<50x128xf32, #tpu.memory_space<hbm>>) target_semaphore(%arg20 : memref<!tpu.dma_semaphore, #tpu.memory_space<semaphore_mem>>)
      %add3A_416 = arith.constant 4 : i32
      %add3A_417 = arith.addi %add3A_386, %add3A_416 : i32
      %dma_start3A_418 = arith.constant 0 : i32
      %dma_start3A_419 = tpu.memref_slice %arg5[%add3A_417, %dma_start3A_418] : memref<128x50xi32, #tpu.memory_space<vmem>> -> memref<1x50xi32, #tpu.memory_space<vmem>>
      %dma_start3A_420 = tpu.memref_squeeze %dma_start3A_419 : memref<1x50xi32, #tpu.memory_space<vmem>> -> memref<50xi32, #tpu.memory_space<vmem>>
      %dma_start3A_421 = arith.constant 0 : i32
      %dma_start3A_422 = arith.constant 0 : i32
      %dma_start3A_423 = tpu.memref_slice %arg3[%dma_start3A_421, %dma_start3A_422] : memref<100000x128xf32, #tpu.memory_space<hbm>> -> memref<100000x128xf32, #tpu.memory_space<hbm>>
      tpu.enqueue_indirect_dma source(%dma_start3A_423 : memref<100000x128xf32, #tpu.memory_space<hbm>>) target(%arg8 : memref<50x128xf32, #tpu.memory_space<vmem>>) offsets(%dma_start3A_420 : memref<50xi32, #tpu.memory_space<vmem>>) semaphore(%arg16 : memref<!tpu.dma_semaphore, #tpu.memory_space<semaphore_mem>>)
      %mul3A_424 = arith.constant 4 : i32
      %mul3A_425 = arith.muli %scan3A_301, %mul3A_424 : i32
      %add3A_426 = arith.constant 3 : i32
      %add3A_427 = arith.addi %mul3A_425, %add3A_426 : i32
      %dma_wait3A_428 = arith.constant 0 : i32
      %dma_wait3A_429 = tpu.memref_slice %arg5[%add3A_427, %dma_wait3A_428] : memref<128x50xi32, #tpu.memory_space<vmem>> -> memref<1x50xi32, #tpu.memory_space<vmem>>
      %dma_wait3A_430 = tpu.memref_squeeze %dma_wait3A_429 : memref<1x50xi32, #tpu.memory_space<vmem>> -> memref<50xi32, #tpu.memory_space<vmem>>
      %dma_wait3A_431 = arith.constant 0 : i32
      %dma_wait3A_432 = arith.constant 0 : i32
      %dma_wait3A_433 = tpu.memref_slice %arg3[%dma_wait3A_431, %dma_wait3A_432] : memref<100000x128xf32, #tpu.memory_space<hbm>> -> memref<100000x128xf32, #tpu.memory_space<hbm>>
      tpu.wait_indirect_dma semaphore(%arg17 : memref<!tpu.dma_semaphore, #tpu.memory_space<semaphore_mem>>) src(%dma_wait3A_433 : memref<100000x128xf32, #tpu.memory_space<hbm>>) dst(%arg9 : memref<50x128xf32, #tpu.memory_space<vmem>>)
      %sub3A_434 = arith.constant 4 : i32
      %sub3A_435 = arith.subi %add3A_427, %sub3A_434 : i32
      %add3A_436 = arith.addi %mul3A_2, %sub3A_435 : i32
      %dma_wait3A_437 = arith.constant 0 : i32
      %dma_wait3A_438 = arith.constant 0 : i32
      %dma_wait3A_439 = tpu.memref_slice %arg4[%add3A_436, %dma_wait3A_437, %dma_wait3A_438] : memref<4096x50x128xf32, #tpu.memory_space<hbm>> -> memref<1x50x128xf32, #tpu.memory_space<hbm>>
      %dma_wait3A_440 = tpu.memref_squeeze %dma_wait3A_439 : memref<1x50x128xf32, #tpu.memory_space<hbm>> -> memref<50x128xf32, #tpu.memory_space<hbm>>
      %dma_wait3A_441 = arith.constant 0 : i32
      %dma_wait3A_442 = arith.constant 0 : i32
      %dma_wait3A_443 = tpu.memref_slice %arg4[%add3A_436, %dma_wait3A_441, %dma_wait3A_442] : memref<4096x50x128xf32, #tpu.memory_space<hbm>> -> memref<1x50x128xf32, #tpu.memory_space<hbm>>
      %dma_wait3A_444 = tpu.memref_squeeze %dma_wait3A_443 : memref<1x50x128xf32, #tpu.memory_space<hbm>> -> memref<50x128xf32, #tpu.memory_space<hbm>>
      tpu.wait_dma2 semaphore(%arg21 : memref<!tpu.dma_semaphore, #tpu.memory_space<semaphore_mem>>) src(%arg13 : memref<50x128xf32, #tpu.memory_space<vmem>>) dst(%dma_wait3A_444 : memref<50x128xf32, #tpu.memory_space<hbm>>)
      %parallel_loop3A_445 = arith.constant 0 : i32
      %parallel_loop3A_446 = arith.constant 50 : i32
      %parallel_loop3A_447 = arith.constant 1 : i32
      scf.for %parallel_loop3A_465 = %parallel_loop3A_445 to %parallel_loop3A_446 step %parallel_loop3A_447  : i32 {
        %parallel_loop3A_466 = arith.index_cast %parallel_loop3A_465 : i32 to index
        %parallel_loop3A_467 = arith.constant 0 : index
        %parallel_loop3A_468 = tpu.vector_load %arg9[%parallel_loop3A_466, %parallel_loop3A_467] {strides = array<i32>} : memref<50x128xf32, #tpu.memory_space<vmem>>, vector<1x16xf32>,
        %parallel_loop3A_469 = vector.shape_cast %parallel_loop3A_468 : vector<1x16xf32> to vector<16xf32>
        %parallel_loop3A_470 = arith.constant 11.3137083 : f32
        %parallel_loop3A_471 = vector.broadcast %parallel_loop3A_470 : f32 to vector<16xf32>
        %parallel_loop3A_472 = arith.mulf %parallel_loop3A_469, %parallel_loop3A_471 : vector<16xf32>
        %parallel_loop3A_473 = arith.index_cast %parallel_loop3A_465 : i32 to index
        %parallel_loop3A_474 = arith.constant 0 : index
        %parallel_loop3A_475 = tpu.vector_load %arg13[%parallel_loop3A_473, %parallel_loop3A_474] {strides = array<i32>} : memref<50x128xf32, #tpu.memory_space<vmem>>, vector<1x16xf32>,
        %parallel_loop3A_476 = vector.shape_cast %parallel_loop3A_475 : vector<1x16xf32> to vector<16xf32>
        %parallel_loop3A_477 = vector.shape_cast %parallel_loop3A_472 : vector<16xf32> to vector<1x16xf32>
        tpu.vector_store %arg13[%parallel_loop3A_473, %parallel_loop3A_474], %parallel_loop3A_477 {strides = array<i32>} : memref<50x128xf32, #tpu.memory_space<vmem>>, vector<1x16xf32>,
        %parallel_loop3A_478 = arith.index_cast %parallel_loop3A_465 : i32 to index
        %parallel_loop3A_479 = arith.constant 16 : index
        %parallel_loop3A_480 = tpu.vector_load %arg9[%parallel_loop3A_478, %parallel_loop3A_479] {strides = array<i32>} : memref<50x128xf32, #tpu.memory_space<vmem>>, vector<1x16xf32>,
        %parallel_loop3A_481 = vector.shape_cast %parallel_loop3A_480 : vector<1x16xf32> to vector<16xf32>
        %parallel_loop3A_482 = arith.constant 11.3137083 : f32
        %parallel_loop3A_483 = vector.broadcast %parallel_loop3A_482 : f32 to vector<16xf32>
        %parallel_loop3A_484 = arith.mulf %parallel_loop3A_481, %parallel_loop3A_483 : vector<16xf32>
        %parallel_loop3A_485 = arith.index_cast %parallel_loop3A_465 : i32 to index
        %parallel_loop3A_486 = arith.constant 16 : index
        %parallel_loop3A_487 = tpu.vector_load %arg13[%parallel_loop3A_485, %parallel_loop3A_486] {strides = array<i32>} : memref<50x128xf32, #tpu.memory_space<vmem>>, vector<1x16xf32>,
        %parallel_loop3A_488 = vector.shape_cast %parallel_loop3A_487 : vector<1x16xf32> to vector<16xf32>
        %parallel_loop3A_489 = vector.shape_cast %parallel_loop3A_484 : vector<16xf32> to vector<1x16xf32>
        tpu.vector_store %arg13[%parallel_loop3A_485, %parallel_loop3A_486], %parallel_loop3A_489 {strides = array<i32>} : memref<50x128xf32, #tpu.memory_space<vmem>>, vector<1x16xf32>,
        %parallel_loop3A_490 = arith.index_cast %parallel_loop3A_465 : i32 to index
        %parallel_loop3A_491 = arith.constant 32 : index
        %parallel_loop3A_492 = tpu.vector_load %arg9[%parallel_loop3A_490, %parallel_loop3A_491] {strides = array<i32>} : memref<50x128xf32, #tpu.memory_space<vmem>>, vector<1x16xf32>,
        %parallel_loop3A_493 = vector.shape_cast %parallel_loop3A_492 : vector<1x16xf32> to vector<16xf32>
        %parallel_loop3A_494 = arith.constant 11.3137083 : f32
        %parallel_loop3A_495 = vector.broadcast %parallel_loop3A_494 : f32 to vector<16xf32>
        %parallel_loop3A_496 = arith.mulf %parallel_loop3A_493, %parallel_loop3A_495 : vector<16xf32>
        %parallel_loop3A_497 = arith.index_cast %parallel_loop3A_465 : i32 to index
        %parallel_loop3A_498 = arith.constant 32 : index
        %parallel_loop3A_499 = tpu.vector_load %arg13[%parallel_loop3A_497, %parallel_loop3A_498] {strides = array<i32>} : memref<50x128xf32, #tpu.memory_space<vmem>>, vector<1x16xf32>,
        %parallel_loop3A_500 = vector.shape_cast %parallel_loop3A_499 : vector<1x16xf32> to vector<16xf32>
        %parallel_loop3A_501 = vector.shape_cast %parallel_loop3A_496 : vector<16xf32> to vector<1x16xf32>
        tpu.vector_store %arg13[%parallel_loop3A_497, %parallel_loop3A_498], %parallel_loop3A_501 {strides = array<i32>} : memref<50x128xf32, #tpu.memory_space<vmem>>, vector<1x16xf32>,
        %parallel_loop3A_502 = arith.index_cast %parallel_loop3A_465 : i32 to index
        %parallel_loop3A_503 = arith.constant 48 : index
        %parallel_loop3A_504 = tpu.vector_load %arg9[%parallel_loop3A_502, %parallel_loop3A_503] {strides = array<i32>} : memref<50x128xf32, #tpu.memory_space<vmem>>, vector<1x16xf32>,
        %parallel_loop3A_505 = vector.shape_cast %parallel_loop3A_504 : vector<1x16xf32> to vector<16xf32>
        %parallel_loop3A_506 = arith.constant 11.3137083 : f32
        %parallel_loop3A_507 = vector.broadcast %parallel_loop3A_506 : f32 to vector<16xf32>
        %parallel_loop3A_508 = arith.mulf %parallel_loop3A_505, %parallel_loop3A_507 : vector<16xf32>
        %parallel_loop3A_509 = arith.index_cast %parallel_loop3A_465 : i32 to index
        %parallel_loop3A_510 = arith.constant 48 : index
        %parallel_loop3A_511 = tpu.vector_load %arg13[%parallel_loop3A_509, %parallel_loop3A_510] {strides = array<i32>} : memref<50x128xf32, #tpu.memory_space<vmem>>, vector<1x16xf32>,
        %parallel_loop3A_512 = vector.shape_cast %parallel_loop3A_511 : vector<1x16xf32> to vector<16xf32>
        %parallel_loop3A_513 = vector.shape_cast %parallel_loop3A_508 : vector<16xf32> to vector<1x16xf32>
        tpu.vector_store %arg13[%parallel_loop3A_509, %parallel_loop3A_510], %parallel_loop3A_513 {strides = array<i32>} : memref<50x128xf32, #tpu.memory_space<vmem>>, vector<1x16xf32>,
        %parallel_loop3A_514 = arith.index_cast %parallel_loop3A_465 : i32 to index
        %parallel_loop3A_515 = arith.constant 64 : index
        %parallel_loop3A_516 = tpu.vector_load %arg9[%parallel_loop3A_514, %parallel_loop3A_515] {strides = array<i32>} : memref<50x128xf32, #tpu.memory_space<vmem>>, vector<1x16xf32>,
        %parallel_loop3A_517 = vector.shape_cast %parallel_loop3A_516 : vector<1x16xf32> to vector<16xf32>
        %parallel_loop3A_518 = arith.constant 11.3137083 : f32
        %parallel_loop3A_519 = vector.broadcast %parallel_loop3A_518 : f32 to vector<16xf32>
        %parallel_loop3A_520 = arith.mulf %parallel_loop3A_517, %parallel_loop3A_519 : vector<16xf32>
        %parallel_loop3A_521 = arith.index_cast %parallel_loop3A_465 : i32 to index
        %parallel_loop3A_522 = arith.constant 64 : index
        %parallel_loop3A_523 = tpu.vector_load %arg13[%parallel_loop3A_521, %parallel_loop3A_522] {strides = array<i32>} : memref<50x128xf32, #tpu.memory_space<vmem>>, vector<1x16xf32>,
        %parallel_loop3A_524 = vector.shape_cast %parallel_loop3A_523 : vector<1x16xf32> to vector<16xf32>
        %parallel_loop3A_525 = vector.shape_cast %parallel_loop3A_520 : vector<16xf32> to vector<1x16xf32>
        tpu.vector_store %arg13[%parallel_loop3A_521, %parallel_loop3A_522], %parallel_loop3A_525 {strides = array<i32>} : memref<50x128xf32, #tpu.memory_space<vmem>>, vector<1x16xf32>,
        %parallel_loop3A_526 = arith.index_cast %parallel_loop3A_465 : i32 to index
        %parallel_loop3A_527 = arith.constant 80 : index
        %parallel_loop3A_528 = tpu.vector_load %arg9[%parallel_loop3A_526, %parallel_loop3A_527] {strides = array<i32>} : memref<50x128xf32, #tpu.memory_space<vmem>>, vector<1x16xf32>,
        %parallel_loop3A_529 = vector.shape_cast %parallel_loop3A_528 : vector<1x16xf32> to vector<16xf32>
        %parallel_loop3A_530 = arith.constant 11.3137083 : f32
        %parallel_loop3A_531 = vector.broadcast %parallel_loop3A_530 : f32 to vector<16xf32>
        %parallel_loop3A_532 = arith.mulf %parallel_loop3A_529, %parallel_loop3A_531 : vector<16xf32>
        %parallel_loop3A_533 = arith.index_cast %parallel_loop3A_465 : i32 to index
        %parallel_loop3A_534 = arith.constant 80 : index
        %parallel_loop3A_535 = tpu.vector_load %arg13[%parallel_loop3A_533, %parallel_loop3A_534] {strides = array<i32>} : memref<50x128xf32, #tpu.memory_space<vmem>>, vector<1x16xf32>,
        %parallel_loop3A_536 = vector.shape_cast %parallel_loop3A_535 : vector<1x16xf32> to vector<16xf32>
        %parallel_loop3A_537 = vector.shape_cast %parallel_loop3A_532 : vector<16xf32> to vector<1x16xf32>
        tpu.vector_store %arg13[%parallel_loop3A_533, %parallel_loop3A_534], %parallel_loop3A_537 {strides = array<i32>} : memref<50x128xf32, #tpu.memory_space<vmem>>, vector<1x16xf32>,
        %parallel_loop3A_538 = arith.index_cast %parallel_loop3A_465 : i32 to index
        %parallel_loop3A_539 = arith.constant 96 : index
        %parallel_loop3A_540 = tpu.vector_load %arg9[%parallel_loop3A_538, %parallel_loop3A_539] {strides = array<i32>} : memref<50x128xf32, #tpu.memory_space<vmem>>, vector<1x16xf32>,
        %parallel_loop3A_541 = vector.shape_cast %parallel_loop3A_540 : vector<1x16xf32> to vector<16xf32>
        %parallel_loop3A_542 = arith.constant 11.3137083 : f32
        %parallel_loop3A_543 = vector.broadcast %parallel_loop3A_542 : f32 to vector<16xf32>
        %parallel_loop3A_544 = arith.mulf %parallel_loop3A_541, %parallel_loop3A_543 : vector<16xf32>
        %parallel_loop3A_545 = arith.index_cast %parallel_loop3A_465 : i32 to index
        %parallel_loop3A_546 = arith.constant 96 : index
        %parallel_loop3A_547 = tpu.vector_load %arg13[%parallel_loop3A_545, %parallel_loop3A_546] {strides = array<i32>} : memref<50x128xf32, #tpu.memory_space<vmem>>, vector<1x16xf32>,
        %parallel_loop3A_548 = vector.shape_cast %parallel_loop3A_547 : vector<1x16xf32> to vector<16xf32>
        %parallel_loop3A_549 = vector.shape_cast %parallel_loop3A_544 : vector<16xf32> to vector<1x16xf32>
        tpu.vector_store %arg13[%parallel_loop3A_545, %parallel_loop3A_546], %parallel_loop3A_549 {strides = array<i32>} : memref<50x128xf32, #tpu.memory_space<vmem>>, vector<1x16xf32>,
        %parallel_loop3A_550 = arith.index_cast %parallel_loop3A_465 : i32 to index
        %parallel_loop3A_551 = arith.constant 112 : index
        %parallel_loop3A_552 = tpu.vector_load %arg9[%parallel_loop3A_550, %parallel_loop3A_551] {strides = array<i32>} : memref<50x128xf32, #tpu.memory_space<vmem>>, vector<1x16xf32>,
        %parallel_loop3A_553 = vector.shape_cast %parallel_loop3A_552 : vector<1x16xf32> to vector<16xf32>
        %parallel_loop3A_554 = arith.constant 11.3137083 : f32
        %parallel_loop3A_555 = vector.broadcast %parallel_loop3A_554 : f32 to vector<16xf32>
        %parallel_loop3A_556 = arith.mulf %parallel_loop3A_553, %parallel_loop3A_555 : vector<16xf32>
        %parallel_loop3A_557 = arith.index_cast %parallel_loop3A_465 : i32 to index
        %parallel_loop3A_558 = arith.constant 112 : index
        %parallel_loop3A_559 = tpu.vector_load %arg13[%parallel_loop3A_557, %parallel_loop3A_558] {strides = array<i32>} : memref<50x128xf32, #tpu.memory_space<vmem>>, vector<1x16xf32>,
        %parallel_loop3A_560 = vector.shape_cast %parallel_loop3A_559 : vector<1x16xf32> to vector<16xf32>
        %parallel_loop3A_561 = vector.shape_cast %parallel_loop3A_556 : vector<16xf32> to vector<1x16xf32>
        tpu.vector_store %arg13[%parallel_loop3A_557, %parallel_loop3A_558], %parallel_loop3A_561 {strides = array<i32>} : memref<50x128xf32, #tpu.memory_space<vmem>>, vector<1x16xf32>,
      } {sc.loop_unroll_factor = 4 : i64, sc.parallel_access}
      %add3A_448 = arith.addi %mul3A_2, %add3A_427 : i32
      %dma_start3A_449 = arith.constant 0 : i32
      %dma_start3A_450 = arith.constant 0 : i32
      %dma_start3A_451 = tpu.memref_slice %arg4[%add3A_448, %dma_start3A_449, %dma_start3A_450] : memref<4096x50x128xf32, #tpu.memory_space<hbm>> -> memref<1x50x128xf32, #tpu.memory_space<hbm>>
      %dma_start3A_452 = tpu.memref_squeeze %dma_start3A_451 : memref<1x50x128xf32, #tpu.memory_space<hbm>> -> memref<50x128xf32, #tpu.memory_space<hbm>>
      %dma_start3A_453 = arith.constant 0 : i32
      %dma_start3A_454 = arith.constant 0 : i32
      %dma_start3A_455 = tpu.memref_slice %arg4[%add3A_448, %dma_start3A_453, %dma_start3A_454] : memref<4096x50x128xf32, #tpu.memory_space<hbm>> -> memref<1x50x128xf32, #tpu.memory_space<hbm>>
      %dma_start3A_456 = tpu.memref_squeeze %dma_start3A_455 : memref<1x50x128xf32, #tpu.memory_space<hbm>> -> memref<50x128xf32, #tpu.memory_space<hbm>>
      tpu.enqueue_dma source(%arg13 : memref<50x128xf32, #tpu.memory_space<vmem>>) target(%dma_start3A_456 : memref<50x128xf32, #tpu.memory_space<hbm>>) target_semaphore(%arg21 : memref<!tpu.dma_semaphore, #tpu.memory_space<semaphore_mem>>)
      %add3A_457 = arith.constant 4 : i32
      %add3A_458 = arith.addi %add3A_427, %add3A_457 : i32
      %dma_start3A_459 = arith.constant 0 : i32
      %dma_start3A_460 = tpu.memref_slice %arg5[%add3A_458, %dma_start3A_459] : memref<128x50xi32, #tpu.memory_space<vmem>> -> memref<1x50xi32, #tpu.memory_space<vmem>>
      %dma_start3A_461 = tpu.memref_squeeze %dma_start3A_460 : memref<1x50xi32, #tpu.memory_space<vmem>> -> memref<50xi32, #tpu.memory_space<vmem>>
      %dma_start3A_462 = arith.constant 0 : i32
      %dma_start3A_463 = arith.constant 0 : i32
      %dma_start3A_464 = tpu.memref_slice %arg3[%dma_start3A_462, %dma_start3A_463] : memref<100000x128xf32, #tpu.memory_space<hbm>> -> memref<100000x128xf32, #tpu.memory_space<hbm>>
      tpu.enqueue_indirect_dma source(%dma_start3A_464 : memref<100000x128xf32, #tpu.memory_space<hbm>>) target(%arg9 : memref<50x128xf32, #tpu.memory_space<vmem>>) offsets(%dma_start3A_461 : memref<50xi32, #tpu.memory_space<vmem>>) semaphore(%arg17 : memref<!tpu.dma_semaphore, #tpu.memory_space<semaphore_mem>>)
    }
    %scan3A_140 = arith.constant 30 : i32
    %dma_wait3A_141 = arith.constant 124 : i32
    %dma_wait3A_142 = arith.constant 0 : i32
    %dma_wait3A_143 = tpu.memref_slice %arg5[%dma_wait3A_141, %dma_wait3A_142] : memref<128x50xi32, #tpu.memory_space<vmem>> -> memref<1x50xi32, #tpu.memory_space<vmem>>
    %dma_wait3A_144 = tpu.memref_squeeze %dma_wait3A_143 : memref<1x50xi32, #tpu.memory_space<vmem>> -> memref<50xi32, #tpu.memory_space<vmem>>
    %dma_wait3A_145 = arith.constant 0 : i32
    %dma_wait3A_146 = arith.constant 0 : i32
    %dma_wait3A_147 = tpu.memref_slice %arg3[%dma_wait3A_145, %dma_wait3A_146] : memref<100000x128xf32, #tpu.memory_space<hbm>> -> memref<100000x128xf32, #tpu.memory_space<hbm>>
    tpu.wait_indirect_dma semaphore(%arg14 : memref<!tpu.dma_semaphore, #tpu.memory_space<semaphore_mem>>) src(%dma_wait3A_147 : memref<100000x128xf32, #tpu.memory_space<hbm>>) dst(%arg6 : memref<50x128xf32, #tpu.memory_space<vmem>>)
    %add3A_148 = arith.constant 120 : i32
    %add3A_149 = arith.addi %mul3A_2, %add3A_148 : i32
    %dma_wait3A_150 = arith.constant 0 : i32
    %dma_wait3A_151 = arith.constant 0 : i32
    %dma_wait3A_152 = tpu.memref_slice %arg4[%add3A_149, %dma_wait3A_150, %dma_wait3A_151] : memref<4096x50x128xf32, #tpu.memory_space<hbm>> -> memref<1x50x128xf32, #tpu.memory_space<hbm>>
    %dma_wait3A_153 = tpu.memref_squeeze %dma_wait3A_152 : memref<1x50x128xf32, #tpu.memory_space<hbm>> -> memref<50x128xf32, #tpu.memory_space<hbm>>
    %dma_wait3A_154 = arith.constant 0 : i32
    %dma_wait3A_155 = arith.constant 0 : i32
    %dma_wait3A_156 = tpu.memref_slice %arg4[%add3A_149, %dma_wait3A_154, %dma_wait3A_155] : memref<4096x50x128xf32, #tpu.memory_space<hbm>> -> memref<1x50x128xf32, #tpu.memory_space<hbm>>
    %dma_wait3A_157 = tpu.memref_squeeze %dma_wait3A_156 : memref<1x50x128xf32, #tpu.memory_space<hbm>> -> memref<50x128xf32, #tpu.memory_space<hbm>>
    tpu.wait_dma2 semaphore(%arg18 : memref<!tpu.dma_semaphore, #tpu.memory_space<semaphore_mem>>) src(%arg10 : memref<50x128xf32, #tpu.memory_space<vmem>>) dst(%dma_wait3A_157 : memref<50x128xf32, #tpu.memory_space<hbm>>)
    %parallel_loop3A_158 = arith.constant 0 : i32
    %parallel_loop3A_159 = arith.constant 50 : i32
    %parallel_loop3A_160 = arith.constant 1 : i32
    scf.for %parallel_loop3A_301 = %parallel_loop3A_158 to %parallel_loop3A_159 step %parallel_loop3A_160  : i32 {
      %parallel_loop3A_302 = arith.index_cast %parallel_loop3A_301 : i32 to index
      %parallel_loop3A_303 = arith.constant 0 : index
      %parallel_loop3A_304 = tpu.vector_load %arg6[%parallel_loop3A_302, %parallel_loop3A_303] {strides = array<i32>} : memref<50x128xf32, #tpu.memory_space<vmem>>, vector<1x16xf32>,
      %parallel_loop3A_305 = vector.shape_cast %parallel_loop3A_304 : vector<1x16xf32> to vector<16xf32>
      %parallel_loop3A_306 = arith.constant 11.3137083 : f32
      %parallel_loop3A_307 = vector.broadcast %parallel_loop3A_306 : f32 to vector<16xf32>
      %parallel_loop3A_308 = arith.mulf %parallel_loop3A_305, %parallel_loop3A_307 : vector<16xf32>
      %parallel_loop3A_309 = arith.index_cast %parallel_loop3A_301 : i32 to index
      %parallel_loop3A_310 = arith.constant 0 : index
      %parallel_loop3A_311 = tpu.vector_load %arg10[%parallel_loop3A_309, %parallel_loop3A_310] {strides = array<i32>} : memref<50x128xf32, #tpu.memory_space<vmem>>, vector<1x16xf32>,
      %parallel_loop3A_312 = vector.shape_cast %parallel_loop3A_311 : vector<1x16xf32> to vector<16xf32>
      %parallel_loop3A_313 = vector.shape_cast %parallel_loop3A_308 : vector<16xf32> to vector<1x16xf32>
      tpu.vector_store %arg10[%parallel_loop3A_309, %parallel_loop3A_310], %parallel_loop3A_313 {strides = array<i32>} : memref<50x128xf32, #tpu.memory_space<vmem>>, vector<1x16xf32>,
      %parallel_loop3A_314 = arith.index_cast %parallel_loop3A_301 : i32 to index
      %parallel_loop3A_315 = arith.constant 16 : index
      %parallel_loop3A_316 = tpu.vector_load %arg6[%parallel_loop3A_314, %parallel_loop3A_315] {strides = array<i32>} : memref<50x128xf32, #tpu.memory_space<vmem>>, vector<1x16xf32>,
      %parallel_loop3A_317 = vector.shape_cast %parallel_loop3A_316 : vector<1x16xf32> to vector<16xf32>
      %parallel_loop3A_318 = arith.constant 11.3137083 : f32
      %parallel_loop3A_319 = vector.broadcast %parallel_loop3A_318 : f32 to vector<16xf32>
      %parallel_loop3A_320 = arith.mulf %parallel_loop3A_317, %parallel_loop3A_319 : vector<16xf32>
      %parallel_loop3A_321 = arith.index_cast %parallel_loop3A_301 : i32 to index
      %parallel_loop3A_322 = arith.constant 16 : index
      %parallel_loop3A_323 = tpu.vector_load %arg10[%parallel_loop3A_321, %parallel_loop3A_322] {strides = array<i32>} : memref<50x128xf32, #tpu.memory_space<vmem>>, vector<1x16xf32>,
      %parallel_loop3A_324 = vector.shape_cast %parallel_loop3A_323 : vector<1x16xf32> to vector<16xf32>
      %parallel_loop3A_325 = vector.shape_cast %parallel_loop3A_320 : vector<16xf32> to vector<1x16xf32>
      tpu.vector_store %arg10[%parallel_loop3A_321, %parallel_loop3A_322], %parallel_loop3A_325 {strides = array<i32>} : memref<50x128xf32, #tpu.memory_space<vmem>>, vector<1x16xf32>,
      %parallel_loop3A_326 = arith.index_cast %parallel_loop3A_301 : i32 to index
      %parallel_loop3A_327 = arith.constant 32 : index
      %parallel_loop3A_328 = tpu.vector_load %arg6[%parallel_loop3A_326, %parallel_loop3A_327] {strides = array<i32>} : memref<50x128xf32, #tpu.memory_space<vmem>>, vector<1x16xf32>,
      %parallel_loop3A_329 = vector.shape_cast %parallel_loop3A_328 : vector<1x16xf32> to vector<16xf32>
      %parallel_loop3A_330 = arith.constant 11.3137083 : f32
      %parallel_loop3A_331 = vector.broadcast %parallel_loop3A_330 : f32 to vector<16xf32>
      %parallel_loop3A_332 = arith.mulf %parallel_loop3A_329, %parallel_loop3A_331 : vector<16xf32>
      %parallel_loop3A_333 = arith.index_cast %parallel_loop3A_301 : i32 to index
      %parallel_loop3A_334 = arith.constant 32 : index
      %parallel_loop3A_335 = tpu.vector_load %arg10[%parallel_loop3A_333, %parallel_loop3A_334] {strides = array<i32>} : memref<50x128xf32, #tpu.memory_space<vmem>>, vector<1x16xf32>,
      %parallel_loop3A_336 = vector.shape_cast %parallel_loop3A_335 : vector<1x16xf32> to vector<16xf32>
      %parallel_loop3A_337 = vector.shape_cast %parallel_loop3A_332 : vector<16xf32> to vector<1x16xf32>
      tpu.vector_store %arg10[%parallel_loop3A_333, %parallel_loop3A_334], %parallel_loop3A_337 {strides = array<i32>} : memref<50x128xf32, #tpu.memory_space<vmem>>, vector<1x16xf32>,
      %parallel_loop3A_338 = arith.index_cast %parallel_loop3A_301 : i32 to index
      %parallel_loop3A_339 = arith.constant 48 : index
      %parallel_loop3A_340 = tpu.vector_load %arg6[%parallel_loop3A_338, %parallel_loop3A_339] {strides = array<i32>} : memref<50x128xf32, #tpu.memory_space<vmem>>, vector<1x16xf32>,
      %parallel_loop3A_341 = vector.shape_cast %parallel_loop3A_340 : vector<1x16xf32> to vector<16xf32>
      %parallel_loop3A_342 = arith.constant 11.3137083 : f32
      %parallel_loop3A_343 = vector.broadcast %parallel_loop3A_342 : f32 to vector<16xf32>
      %parallel_loop3A_344 = arith.mulf %parallel_loop3A_341, %parallel_loop3A_343 : vector<16xf32>
      %parallel_loop3A_345 = arith.index_cast %parallel_loop3A_301 : i32 to index
      %parallel_loop3A_346 = arith.constant 48 : index
      %parallel_loop3A_347 = tpu.vector_load %arg10[%parallel_loop3A_345, %parallel_loop3A_346] {strides = array<i32>} : memref<50x128xf32, #tpu.memory_space<vmem>>, vector<1x16xf32>,
      %parallel_loop3A_348 = vector.shape_cast %parallel_loop3A_347 : vector<1x16xf32> to vector<16xf32>
      %parallel_loop3A_349 = vector.shape_cast %parallel_loop3A_344 : vector<16xf32> to vector<1x16xf32>
      tpu.vector_store %arg10[%parallel_loop3A_345, %parallel_loop3A_346], %parallel_loop3A_349 {strides = array<i32>} : memref<50x128xf32, #tpu.memory_space<vmem>>, vector<1x16xf32>,
      %parallel_loop3A_350 = arith.index_cast %parallel_loop3A_301 : i32 to index
      %parallel_loop3A_351 = arith.constant 64 : index
      %parallel_loop3A_352 = tpu.vector_load %arg6[%parallel_loop3A_350, %parallel_loop3A_351] {strides = array<i32>} : memref<50x128xf32, #tpu.memory_space<vmem>>, vector<1x16xf32>,
      %parallel_loop3A_353 = vector.shape_cast %parallel_loop3A_352 : vector<1x16xf32> to vector<16xf32>
      %parallel_loop3A_354 = arith.constant 11.3137083 : f32
      %parallel_loop3A_355 = vector.broadcast %parallel_loop3A_354 : f32 to vector<16xf32>
      %parallel_loop3A_356 = arith.mulf %parallel_loop3A_353, %parallel_loop3A_355 : vector<16xf32>
      %parallel_loop3A_357 = arith.index_cast %parallel_loop3A_301 : i32 to index
      %parallel_loop3A_358 = arith.constant 64 : index
      %parallel_loop3A_359 = tpu.vector_load %arg10[%parallel_loop3A_357, %parallel_loop3A_358] {strides = array<i32>} : memref<50x128xf32, #tpu.memory_space<vmem>>, vector<1x16xf32>,
      %parallel_loop3A_360 = vector.shape_cast %parallel_loop3A_359 : vector<1x16xf32> to vector<16xf32>
      %parallel_loop3A_361 = vector.shape_cast %parallel_loop3A_356 : vector<16xf32> to vector<1x16xf32>
      tpu.vector_store %arg10[%parallel_loop3A_357, %parallel_loop3A_358], %parallel_loop3A_361 {strides = array<i32>} : memref<50x128xf32, #tpu.memory_space<vmem>>, vector<1x16xf32>,
      %parallel_loop3A_362 = arith.index_cast %parallel_loop3A_301 : i32 to index
      %parallel_loop3A_363 = arith.constant 80 : index
      %parallel_loop3A_364 = tpu.vector_load %arg6[%parallel_loop3A_362, %parallel_loop3A_363] {strides = array<i32>} : memref<50x128xf32, #tpu.memory_space<vmem>>, vector<1x16xf32>,
      %parallel_loop3A_365 = vector.shape_cast %parallel_loop3A_364 : vector<1x16xf32> to vector<16xf32>
      %parallel_loop3A_366 = arith.constant 11.3137083 : f32
      %parallel_loop3A_367 = vector.broadcast %parallel_loop3A_366 : f32 to vector<16xf32>
      %parallel_loop3A_368 = arith.mulf %parallel_loop3A_365, %parallel_loop3A_367 : vector<16xf32>
      %parallel_loop3A_369 = arith.index_cast %parallel_loop3A_301 : i32 to index
      %parallel_loop3A_370 = arith.constant 80 : index
      %parallel_loop3A_371 = tpu.vector_load %arg10[%parallel_loop3A_369, %parallel_loop3A_370] {strides = array<i32>} : memref<50x128xf32, #tpu.memory_space<vmem>>, vector<1x16xf32>,
      %parallel_loop3A_372 = vector.shape_cast %parallel_loop3A_371 : vector<1x16xf32> to vector<16xf32>
      %parallel_loop3A_373 = vector.shape_cast %parallel_loop3A_368 : vector<16xf32> to vector<1x16xf32>
      tpu.vector_store %arg10[%parallel_loop3A_369, %parallel_loop3A_370], %parallel_loop3A_373 {strides = array<i32>} : memref<50x128xf32, #tpu.memory_space<vmem>>, vector<1x16xf32>,
      %parallel_loop3A_374 = arith.index_cast %parallel_loop3A_301 : i32 to index
      %parallel_loop3A_375 = arith.constant 96 : index
      %parallel_loop3A_376 = tpu.vector_load %arg6[%parallel_loop3A_374, %parallel_loop3A_375] {strides = array<i32>} : memref<50x128xf32, #tpu.memory_space<vmem>>, vector<1x16xf32>,
      %parallel_loop3A_377 = vector.shape_cast %parallel_loop3A_376 : vector<1x16xf32> to vector<16xf32>
      %parallel_loop3A_378 = arith.constant 11.3137083 : f32
      %parallel_loop3A_379 = vector.broadcast %parallel_loop3A_378 : f32 to vector<16xf32>
      %parallel_loop3A_380 = arith.mulf %parallel_loop3A_377, %parallel_loop3A_379 : vector<16xf32>
      %parallel_loop3A_381 = arith.index_cast %parallel_loop3A_301 : i32 to index
      %parallel_loop3A_382 = arith.constant 96 : index
      %parallel_loop3A_383 = tpu.vector_load %arg10[%parallel_loop3A_381, %parallel_loop3A_382] {strides = array<i32>} : memref<50x128xf32, #tpu.memory_space<vmem>>, vector<1x16xf32>,
      %parallel_loop3A_384 = vector.shape_cast %parallel_loop3A_383 : vector<1x16xf32> to vector<16xf32>
      %parallel_loop3A_385 = vector.shape_cast %parallel_loop3A_380 : vector<16xf32> to vector<1x16xf32>
      tpu.vector_store %arg10[%parallel_loop3A_381, %parallel_loop3A_382], %parallel_loop3A_385 {strides = array<i32>} : memref<50x128xf32, #tpu.memory_space<vmem>>, vector<1x16xf32>,
      %parallel_loop3A_386 = arith.index_cast %parallel_loop3A_301 : i32 to index
      %parallel_loop3A_387 = arith.constant 112 : index
      %parallel_loop3A_388 = tpu.vector_load %arg6[%parallel_loop3A_386, %parallel_loop3A_387] {strides = array<i32>} : memref<50x128xf32, #tpu.memory_space<vmem>>, vector<1x16xf32>,
      %parallel_loop3A_389 = vector.shape_cast %parallel_loop3A_388 : vector<1x16xf32> to vector<16xf32>
      %parallel_loop3A_390 = arith.constant 11.3137083 : f32
      %parallel_loop3A_391 = vector.broadcast %parallel_loop3A_390 : f32 to vector<16xf32>
      %parallel_loop3A_392 = arith.mulf %parallel_loop3A_389, %parallel_loop3A_391 : vector<16xf32>
      %parallel_loop3A_393 = arith.index_cast %parallel_loop3A_301 : i32 to index
      %parallel_loop3A_394 = arith.constant 112 : index
      %parallel_loop3A_395 = tpu.vector_load %arg10[%parallel_loop3A_393, %parallel_loop3A_394] {strides = array<i32>} : memref<50x128xf32, #tpu.memory_space<vmem>>, vector<1x16xf32>,
      %parallel_loop3A_396 = vector.shape_cast %parallel_loop3A_395 : vector<1x16xf32> to vector<16xf32>
      %parallel_loop3A_397 = vector.shape_cast %parallel_loop3A_392 : vector<16xf32> to vector<1x16xf32>
      tpu.vector_store %arg10[%parallel_loop3A_393, %parallel_loop3A_394], %parallel_loop3A_397 {strides = array<i32>} : memref<50x128xf32, #tpu.memory_space<vmem>>, vector<1x16xf32>,
    } {sc.loop_unroll_factor = 4 : i64, sc.parallel_access}
    %add3A_161 = arith.constant 124 : i32
    %add3A_162 = arith.addi %mul3A_2, %add3A_161 : i32
    %dma_start3A_163 = arith.constant 0 : i32
    %dma_start3A_164 = arith.constant 0 : i32
    %dma_start3A_165 = tpu.memref_slice %arg4[%add3A_162, %dma_start3A_163, %dma_start3A_164] : memref<4096x50x128xf32, #tpu.memory_space<hbm>> -> memref<1x50x128xf32, #tpu.memory_space<hbm>>
    %dma_start3A_166 = tpu.memref_squeeze %dma_start3A_165 : memref<1x50x128xf32, #tpu.memory_space<hbm>> -> memref<50x128xf32, #tpu.memory_space<hbm>>
    %dma_start3A_167 = arith.constant 0 : i32
    %dma_start3A_168 = arith.constant 0 : i32
    %dma_start3A_169 = tpu.memref_slice %arg4[%add3A_162, %dma_start3A_167, %dma_start3A_168] : memref<4096x50x128xf32, #tpu.memory_space<hbm>> -> memref<1x50x128xf32, #tpu.memory_space<hbm>>
    %dma_start3A_170 = tpu.memref_squeeze %dma_start3A_169 : memref<1x50x128xf32, #tpu.memory_space<hbm>> -> memref<50x128xf32, #tpu.memory_space<hbm>>
    tpu.enqueue_dma source(%arg10 : memref<50x128xf32, #tpu.memory_space<vmem>>) target(%dma_start3A_170 : memref<50x128xf32, #tpu.memory_space<hbm>>) target_semaphore(%arg18 : memref<!tpu.dma_semaphore, #tpu.memory_space<semaphore_mem>>)
    %dma_wait3A_171 = arith.constant 125 : i32
    %dma_wait3A_172 = arith.constant 0 : i32
    %dma_wait3A_173 = tpu.memref_slice %arg5[%dma_wait3A_171, %dma_wait3A_172] : memref<128x50xi32, #tpu.memory_space<vmem>> -> memref<1x50xi32, #tpu.memory_space<vmem>>
    %dma_wait3A_174 = tpu.memref_squeeze %dma_wait3A_173 : memref<1x50xi32, #tpu.memory_space<vmem>> -> memref<50xi32, #tpu.memory_space<vmem>>
    %dma_wait3A_175 = arith.constant 0 : i32
    %dma_wait3A_176 = arith.constant 0 : i32
    %dma_wait3A_177 = tpu.memref_slice %arg3[%dma_wait3A_175, %dma_wait3A_176] : memref<100000x128xf32, #tpu.memory_space<hbm>> -> memref<100000x128xf32, #tpu.memory_space<hbm>>
    tpu.wait_indirect_dma semaphore(%arg15 : memref<!tpu.dma_semaphore, #tpu.memory_space<semaphore_mem>>) src(%dma_wait3A_177 : memref<100000x128xf32, #tpu.memory_space<hbm>>) dst(%arg7 : memref<50x128xf32, #tpu.memory_space<vmem>>)
    %add3A_178 = arith.constant 121 : i32
    %add3A_179 = arith.addi %mul3A_2, %add3A_178 : i32
    %dma_wait3A_180 = arith.constant 0 : i32
    %dma_wait3A_181 = arith.constant 0 : i32
    %dma_wait3A_182 = tpu.memref_slice %arg4[%add3A_179, %dma_wait3A_180, %dma_wait3A_181] : memref<4096x50x128xf32, #tpu.memory_space<hbm>> -> memref<1x50x128xf32, #tpu.memory_space<hbm>>
    %dma_wait3A_183 = tpu.memref_squeeze %dma_wait3A_182 : memref<1x50x128xf32, #tpu.memory_space<hbm>> -> memref<50x128xf32, #tpu.memory_space<hbm>>
    %dma_wait3A_184 = arith.constant 0 : i32
    %dma_wait3A_185 = arith.constant 0 : i32
    %dma_wait3A_186 = tpu.memref_slice %arg4[%add3A_179, %dma_wait3A_184, %dma_wait3A_185] : memref<4096x50x128xf32, #tpu.memory_space<hbm>> -> memref<1x50x128xf32, #tpu.memory_space<hbm>>
    %dma_wait3A_187 = tpu.memref_squeeze %dma_wait3A_186 : memref<1x50x128xf32, #tpu.memory_space<hbm>> -> memref<50x128xf32, #tpu.memory_space<hbm>>
    tpu.wait_dma2 semaphore(%arg19 : memref<!tpu.dma_semaphore, #tpu.memory_space<semaphore_mem>>) src(%arg11 : memref<50x128xf32, #tpu.memory_space<vmem>>) dst(%dma_wait3A_187 : memref<50x128xf32, #tpu.memory_space<hbm>>)
    %parallel_loop3A_188 = arith.constant 0 : i32
    %parallel_loop3A_189 = arith.constant 50 : i32
    %parallel_loop3A_190 = arith.constant 1 : i32
    scf.for %parallel_loop3A_301 = %parallel_loop3A_188 to %parallel_loop3A_189 step %parallel_loop3A_190  : i32 {
      %parallel_loop3A_302 = arith.index_cast %parallel_loop3A_301 : i32 to index
      %parallel_loop3A_303 = arith.constant 0 : index
      %parallel_loop3A_304 = tpu.vector_load %arg7[%parallel_loop3A_302, %parallel_loop3A_303] {strides = array<i32>} : memref<50x128xf32, #tpu.memory_space<vmem>>, vector<1x16xf32>,
      %parallel_loop3A_305 = vector.shape_cast %parallel_loop3A_304 : vector<1x16xf32> to vector<16xf32>
      %parallel_loop3A_306 = arith.constant 11.3137083 : f32
      %parallel_loop3A_307 = vector.broadcast %parallel_loop3A_306 : f32 to vector<16xf32>
      %parallel_loop3A_308 = arith.mulf %parallel_loop3A_305, %parallel_loop3A_307 : vector<16xf32>
      %parallel_loop3A_309 = arith.index_cast %parallel_loop3A_301 : i32 to index
      %parallel_loop3A_310 = arith.constant 0 : index
      %parallel_loop3A_311 = tpu.vector_load %arg11[%parallel_loop3A_309, %parallel_loop3A_310] {strides = array<i32>} : memref<50x128xf32, #tpu.memory_space<vmem>>, vector<1x16xf32>,
      %parallel_loop3A_312 = vector.shape_cast %parallel_loop3A_311 : vector<1x16xf32> to vector<16xf32>
      %parallel_loop3A_313 = vector.shape_cast %parallel_loop3A_308 : vector<16xf32> to vector<1x16xf32>
      tpu.vector_store %arg11[%parallel_loop3A_309, %parallel_loop3A_310], %parallel_loop3A_313 {strides = array<i32>} : memref<50x128xf32, #tpu.memory_space<vmem>>, vector<1x16xf32>,
      %parallel_loop3A_314 = arith.index_cast %parallel_loop3A_301 : i32 to index
      %parallel_loop3A_315 = arith.constant 16 : index
      %parallel_loop3A_316 = tpu.vector_load %arg7[%parallel_loop3A_314, %parallel_loop3A_315] {strides = array<i32>} : memref<50x128xf32, #tpu.memory_space<vmem>>, vector<1x16xf32>,
      %parallel_loop3A_317 = vector.shape_cast %parallel_loop3A_316 : vector<1x16xf32> to vector<16xf32>
      %parallel_loop3A_318 = arith.constant 11.3137083 : f32
      %parallel_loop3A_319 = vector.broadcast %parallel_loop3A_318 : f32 to vector<16xf32>
      %parallel_loop3A_320 = arith.mulf %parallel_loop3A_317, %parallel_loop3A_319 : vector<16xf32>
      %parallel_loop3A_321 = arith.index_cast %parallel_loop3A_301 : i32 to index
      %parallel_loop3A_322 = arith.constant 16 : index
      %parallel_loop3A_323 = tpu.vector_load %arg11[%parallel_loop3A_321, %parallel_loop3A_322] {strides = array<i32>} : memref<50x128xf32, #tpu.memory_space<vmem>>, vector<1x16xf32>,
      %parallel_loop3A_324 = vector.shape_cast %parallel_loop3A_323 : vector<1x16xf32> to vector<16xf32>
      %parallel_loop3A_325 = vector.shape_cast %parallel_loop3A_320 : vector<16xf32> to vector<1x16xf32>
      tpu.vector_store %arg11[%parallel_loop3A_321, %parallel_loop3A_322], %parallel_loop3A_325 {strides = array<i32>} : memref<50x128xf32, #tpu.memory_space<vmem>>, vector<1x16xf32>,
      %parallel_loop3A_326 = arith.index_cast %parallel_loop3A_301 : i32 to index
      %parallel_loop3A_327 = arith.constant 32 : index
      %parallel_loop3A_328 = tpu.vector_load %arg7[%parallel_loop3A_326, %parallel_loop3A_327] {strides = array<i32>} : memref<50x128xf32, #tpu.memory_space<vmem>>, vector<1x16xf32>,
      %parallel_loop3A_329 = vector.shape_cast %parallel_loop3A_328 : vector<1x16xf32> to vector<16xf32>
      %parallel_loop3A_330 = arith.constant 11.3137083 : f32
      %parallel_loop3A_331 = vector.broadcast %parallel_loop3A_330 : f32 to vector<16xf32>
      %parallel_loop3A_332 = arith.mulf %parallel_loop3A_329, %parallel_loop3A_331 : vector<16xf32>
      %parallel_loop3A_333 = arith.index_cast %parallel_loop3A_301 : i32 to index
      %parallel_loop3A_334 = arith.constant 32 : index
      %parallel_loop3A_335 = tpu.vector_load %arg11[%parallel_loop3A_333, %parallel_loop3A_334] {strides = array<i32>} : memref<50x128xf32, #tpu.memory_space<vmem>>, vector<1x16xf32>,
      %parallel_loop3A_336 = vector.shape_cast %parallel_loop3A_335 : vector<1x16xf32> to vector<16xf32>
      %parallel_loop3A_337 = vector.shape_cast %parallel_loop3A_332 : vector<16xf32> to vector<1x16xf32>
      tpu.vector_store %arg11[%parallel_loop3A_333, %parallel_loop3A_334], %parallel_loop3A_337 {strides = array<i32>} : memref<50x128xf32, #tpu.memory_space<vmem>>, vector<1x16xf32>,
      %parallel_loop3A_338 = arith.index_cast %parallel_loop3A_301 : i32 to index
      %parallel_loop3A_339 = arith.constant 48 : index
      %parallel_loop3A_340 = tpu.vector_load %arg7[%parallel_loop3A_338, %parallel_loop3A_339] {strides = array<i32>} : memref<50x128xf32, #tpu.memory_space<vmem>>, vector<1x16xf32>,
      %parallel_loop3A_341 = vector.shape_cast %parallel_loop3A_340 : vector<1x16xf32> to vector<16xf32>
      %parallel_loop3A_342 = arith.constant 11.3137083 : f32
      %parallel_loop3A_343 = vector.broadcast %parallel_loop3A_342 : f32 to vector<16xf32>
      %parallel_loop3A_344 = arith.mulf %parallel_loop3A_341, %parallel_loop3A_343 : vector<16xf32>
      %parallel_loop3A_345 = arith.index_cast %parallel_loop3A_301 : i32 to index
      %parallel_loop3A_346 = arith.constant 48 : index
      %parallel_loop3A_347 = tpu.vector_load %arg11[%parallel_loop3A_345, %parallel_loop3A_346] {strides = array<i32>} : memref<50x128xf32, #tpu.memory_space<vmem>>, vector<1x16xf32>,
      %parallel_loop3A_348 = vector.shape_cast %parallel_loop3A_347 : vector<1x16xf32> to vector<16xf32>
      %parallel_loop3A_349 = vector.shape_cast %parallel_loop3A_344 : vector<16xf32> to vector<1x16xf32>
      tpu.vector_store %arg11[%parallel_loop3A_345, %parallel_loop3A_346], %parallel_loop3A_349 {strides = array<i32>} : memref<50x128xf32, #tpu.memory_space<vmem>>, vector<1x16xf32>,
      %parallel_loop3A_350 = arith.index_cast %parallel_loop3A_301 : i32 to index
      %parallel_loop3A_351 = arith.constant 64 : index
      %parallel_loop3A_352 = tpu.vector_load %arg7[%parallel_loop3A_350, %parallel_loop3A_351] {strides = array<i32>} : memref<50x128xf32, #tpu.memory_space<vmem>>, vector<1x16xf32>,
      %parallel_loop3A_353 = vector.shape_cast %parallel_loop3A_352 : vector<1x16xf32> to vector<16xf32>
      %parallel_loop3A_354 = arith.constant 11.3137083 : f32
      %parallel_loop3A_355 = vector.broadcast %parallel_loop3A_354 : f32 to vector<16xf32>
      %parallel_loop3A_356 = arith.mulf %parallel_loop3A_353, %parallel_loop3A_355 : vector<16xf32>
      %parallel_loop3A_357 = arith.index_cast %parallel_loop3A_301 : i32 to index
      %parallel_loop3A_358 = arith.constant 64 : index
      %parallel_loop3A_359 = tpu.vector_load %arg11[%parallel_loop3A_357, %parallel_loop3A_358] {strides = array<i32>} : memref<50x128xf32, #tpu.memory_space<vmem>>, vector<1x16xf32>,
      %parallel_loop3A_360 = vector.shape_cast %parallel_loop3A_359 : vector<1x16xf32> to vector<16xf32>
      %parallel_loop3A_361 = vector.shape_cast %parallel_loop3A_356 : vector<16xf32> to vector<1x16xf32>
      tpu.vector_store %arg11[%parallel_loop3A_357, %parallel_loop3A_358], %parallel_loop3A_361 {strides = array<i32>} : memref<50x128xf32, #tpu.memory_space<vmem>>, vector<1x16xf32>,
      %parallel_loop3A_362 = arith.index_cast %parallel_loop3A_301 : i32 to index
      %parallel_loop3A_363 = arith.constant 80 : index
      %parallel_loop3A_364 = tpu.vector_load %arg7[%parallel_loop3A_362, %parallel_loop3A_363] {strides = array<i32>} : memref<50x128xf32, #tpu.memory_space<vmem>>, vector<1x16xf32>,
      %parallel_loop3A_365 = vector.shape_cast %parallel_loop3A_364 : vector<1x16xf32> to vector<16xf32>
      %parallel_loop3A_366 = arith.constant 11.3137083 : f32
      %parallel_loop3A_367 = vector.broadcast %parallel_loop3A_366 : f32 to vector<16xf32>
      %parallel_loop3A_368 = arith.mulf %parallel_loop3A_365, %parallel_loop3A_367 : vector<16xf32>
      %parallel_loop3A_369 = arith.index_cast %parallel_loop3A_301 : i32 to index
      %parallel_loop3A_370 = arith.constant 80 : index
      %parallel_loop3A_371 = tpu.vector_load %arg11[%parallel_loop3A_369, %parallel_loop3A_370] {strides = array<i32>} : memref<50x128xf32, #tpu.memory_space<vmem>>, vector<1x16xf32>,
      %parallel_loop3A_372 = vector.shape_cast %parallel_loop3A_371 : vector<1x16xf32> to vector<16xf32>
      %parallel_loop3A_373 = vector.shape_cast %parallel_loop3A_368 : vector<16xf32> to vector<1x16xf32>
      tpu.vector_store %arg11[%parallel_loop3A_369, %parallel_loop3A_370], %parallel_loop3A_373 {strides = array<i32>} : memref<50x128xf32, #tpu.memory_space<vmem>>, vector<1x16xf32>,
      %parallel_loop3A_374 = arith.index_cast %parallel_loop3A_301 : i32 to index
      %parallel_loop3A_375 = arith.constant 96 : index
      %parallel_loop3A_376 = tpu.vector_load %arg7[%parallel_loop3A_374, %parallel_loop3A_375] {strides = array<i32>} : memref<50x128xf32, #tpu.memory_space<vmem>>, vector<1x16xf32>,
      %parallel_loop3A_377 = vector.shape_cast %parallel_loop3A_376 : vector<1x16xf32> to vector<16xf32>
      %parallel_loop3A_378 = arith.constant 11.3137083 : f32
      %parallel_loop3A_379 = vector.broadcast %parallel_loop3A_378 : f32 to vector<16xf32>
      %parallel_loop3A_380 = arith.mulf %parallel_loop3A_377, %parallel_loop3A_379 : vector<16xf32>
      %parallel_loop3A_381 = arith.index_cast %parallel_loop3A_301 : i32 to index
      %parallel_loop3A_382 = arith.constant 96 : index
      %parallel_loop3A_383 = tpu.vector_load %arg11[%parallel_loop3A_381, %parallel_loop3A_382] {strides = array<i32>} : memref<50x128xf32, #tpu.memory_space<vmem>>, vector<1x16xf32>,
      %parallel_loop3A_384 = vector.shape_cast %parallel_loop3A_383 : vector<1x16xf32> to vector<16xf32>
      %parallel_loop3A_385 = vector.shape_cast %parallel_loop3A_380 : vector<16xf32> to vector<1x16xf32>
      tpu.vector_store %arg11[%parallel_loop3A_381, %parallel_loop3A_382], %parallel_loop3A_385 {strides = array<i32>} : memref<50x128xf32, #tpu.memory_space<vmem>>, vector<1x16xf32>,
      %parallel_loop3A_386 = arith.index_cast %parallel_loop3A_301 : i32 to index
      %parallel_loop3A_387 = arith.constant 112 : index
      %parallel_loop3A_388 = tpu.vector_load %arg7[%parallel_loop3A_386, %parallel_loop3A_387] {strides = array<i32>} : memref<50x128xf32, #tpu.memory_space<vmem>>, vector<1x16xf32>,
      %parallel_loop3A_389 = vector.shape_cast %parallel_loop3A_388 : vector<1x16xf32> to vector<16xf32>
      %parallel_loop3A_390 = arith.constant 11.3137083 : f32
      %parallel_loop3A_391 = vector.broadcast %parallel_loop3A_390 : f32 to vector<16xf32>
      %parallel_loop3A_392 = arith.mulf %parallel_loop3A_389, %parallel_loop3A_391 : vector<16xf32>
      %parallel_loop3A_393 = arith.index_cast %parallel_loop3A_301 : i32 to index
      %parallel_loop3A_394 = arith.constant 112 : index
      %parallel_loop3A_395 = tpu.vector_load %arg11[%parallel_loop3A_393, %parallel_loop3A_394] {strides = array<i32>} : memref<50x128xf32, #tpu.memory_space<vmem>>, vector<1x16xf32>,
      %parallel_loop3A_396 = vector.shape_cast %parallel_loop3A_395 : vector<1x16xf32> to vector<16xf32>
      %parallel_loop3A_397 = vector.shape_cast %parallel_loop3A_392 : vector<16xf32> to vector<1x16xf32>
      tpu.vector_store %arg11[%parallel_loop3A_393, %parallel_loop3A_394], %parallel_loop3A_397 {strides = array<i32>} : memref<50x128xf32, #tpu.memory_space<vmem>>, vector<1x16xf32>,
    } {sc.loop_unroll_factor = 4 : i64, sc.parallel_access}
    %add3A_191 = arith.constant 125 : i32
    %add3A_192 = arith.addi %mul3A_2, %add3A_191 : i32
    %dma_start3A_193 = arith.constant 0 : i32
    %dma_start3A_194 = arith.constant 0 : i32
    %dma_start3A_195 = tpu.memref_slice %arg4[%add3A_192, %dma_start3A_193, %dma_start3A_194] : memref<4096x50x128xf32, #tpu.memory_space<hbm>> -> memref<1x50x128xf32, #tpu.memory_space<hbm>>
    %dma_start3A_196 = tpu.memref_squeeze %dma_start3A_195 : memref<1x50x128xf32, #tpu.memory_space<hbm>> -> memref<50x128xf32, #tpu.memory_space<hbm>>
    %dma_start3A_197 = arith.constant 0 : i32
    %dma_start3A_198 = arith.constant 0 : i32
    %dma_start3A_199 = tpu.memref_slice %arg4[%add3A_192, %dma_start3A_197, %dma_start3A_198] : memref<4096x50x128xf32, #tpu.memory_space<hbm>> -> memref<1x50x128xf32, #tpu.memory_space<hbm>>
    %dma_start3A_200 = tpu.memref_squeeze %dma_start3A_199 : memref<1x50x128xf32, #tpu.memory_space<hbm>> -> memref<50x128xf32, #tpu.memory_space<hbm>>
    tpu.enqueue_dma source(%arg11 : memref<50x128xf32, #tpu.memory_space<vmem>>) target(%dma_start3A_200 : memref<50x128xf32, #tpu.memory_space<hbm>>) target_semaphore(%arg19 : memref<!tpu.dma_semaphore, #tpu.memory_space<semaphore_mem>>)
    %dma_wait3A_201 = arith.constant 126 : i32
    %dma_wait3A_202 = arith.constant 0 : i32
    %dma_wait3A_203 = tpu.memref_slice %arg5[%dma_wait3A_201, %dma_wait3A_202] : memref<128x50xi32, #tpu.memory_space<vmem>> -> memref<1x50xi32, #tpu.memory_space<vmem>>
    %dma_wait3A_204 = tpu.memref_squeeze %dma_wait3A_203 : memref<1x50xi32, #tpu.memory_space<vmem>> -> memref<50xi32, #tpu.memory_space<vmem>>
    %dma_wait3A_205 = arith.constant 0 : i32
    %dma_wait3A_206 = arith.constant 0 : i32
    %dma_wait3A_207 = tpu.memref_slice %arg3[%dma_wait3A_205, %dma_wait3A_206] : memref<100000x128xf32, #tpu.memory_space<hbm>> -> memref<100000x128xf32, #tpu.memory_space<hbm>>
    tpu.wait_indirect_dma semaphore(%arg16 : memref<!tpu.dma_semaphore, #tpu.memory_space<semaphore_mem>>) src(%dma_wait3A_207 : memref<100000x128xf32, #tpu.memory_space<hbm>>) dst(%arg8 : memref<50x128xf32, #tpu.memory_space<vmem>>)
    %add3A_208 = arith.constant 122 : i32
    %add3A_209 = arith.addi %mul3A_2, %add3A_208 : i32
    %dma_wait3A_210 = arith.constant 0 : i32
    %dma_wait3A_211 = arith.constant 0 : i32
    %dma_wait3A_212 = tpu.memref_slice %arg4[%add3A_209, %dma_wait3A_210, %dma_wait3A_211] : memref<4096x50x128xf32, #tpu.memory_space<hbm>> -> memref<1x50x128xf32, #tpu.memory_space<hbm>>
    %dma_wait3A_213 = tpu.memref_squeeze %dma_wait3A_212 : memref<1x50x128xf32, #tpu.memory_space<hbm>> -> memref<50x128xf32, #tpu.memory_space<hbm>>
    %dma_wait3A_214 = arith.constant 0 : i32
    %dma_wait3A_215 = arith.constant 0 : i32
    %dma_wait3A_216 = tpu.memref_slice %arg4[%add3A_209, %dma_wait3A_214, %dma_wait3A_215] : memref<4096x50x128xf32, #tpu.memory_space<hbm>> -> memref<1x50x128xf32, #tpu.memory_space<hbm>>
    %dma_wait3A_217 = tpu.memref_squeeze %dma_wait3A_216 : memref<1x50x128xf32, #tpu.memory_space<hbm>> -> memref<50x128xf32, #tpu.memory_space<hbm>>
    tpu.wait_dma2 semaphore(%arg20 : memref<!tpu.dma_semaphore, #tpu.memory_space<semaphore_mem>>) src(%arg12 : memref<50x128xf32, #tpu.memory_space<vmem>>) dst(%dma_wait3A_217 : memref<50x128xf32, #tpu.memory_space<hbm>>)
    %parallel_loop3A_218 = arith.constant 0 : i32
    %parallel_loop3A_219 = arith.constant 50 : i32
    %parallel_loop3A_220 = arith.constant 1 : i32
    scf.for %parallel_loop3A_301 = %parallel_loop3A_218 to %parallel_loop3A_219 step %parallel_loop3A_220  : i32 {
      %parallel_loop3A_302 = arith.index_cast %parallel_loop3A_301 : i32 to index
      %parallel_loop3A_303 = arith.constant 0 : index
      %parallel_loop3A_304 = tpu.vector_load %arg8[%parallel_loop3A_302, %parallel_loop3A_303] {strides = array<i32>} : memref<50x128xf32, #tpu.memory_space<vmem>>, vector<1x16xf32>,
      %parallel_loop3A_305 = vector.shape_cast %parallel_loop3A_304 : vector<1x16xf32> to vector<16xf32>
      %parallel_loop3A_306 = arith.constant 11.3137083 : f32
      %parallel_loop3A_307 = vector.broadcast %parallel_loop3A_306 : f32 to vector<16xf32>
      %parallel_loop3A_308 = arith.mulf %parallel_loop3A_305, %parallel_loop3A_307 : vector<16xf32>
      %parallel_loop3A_309 = arith.index_cast %parallel_loop3A_301 : i32 to index
      %parallel_loop3A_310 = arith.constant 0 : index
      %parallel_loop3A_311 = tpu.vector_load %arg12[%parallel_loop3A_309, %parallel_loop3A_310] {strides = array<i32>} : memref<50x128xf32, #tpu.memory_space<vmem>>, vector<1x16xf32>,
      %parallel_loop3A_312 = vector.shape_cast %parallel_loop3A_311 : vector<1x16xf32> to vector<16xf32>
      %parallel_loop3A_313 = vector.shape_cast %parallel_loop3A_308 : vector<16xf32> to vector<1x16xf32>
      tpu.vector_store %arg12[%parallel_loop3A_309, %parallel_loop3A_310], %parallel_loop3A_313 {strides = array<i32>} : memref<50x128xf32, #tpu.memory_space<vmem>>, vector<1x16xf32>,
      %parallel_loop3A_314 = arith.index_cast %parallel_loop3A_301 : i32 to index
      %parallel_loop3A_315 = arith.constant 16 : index
      %parallel_loop3A_316 = tpu.vector_load %arg8[%parallel_loop3A_314, %parallel_loop3A_315] {strides = array<i32>} : memref<50x128xf32, #tpu.memory_space<vmem>>, vector<1x16xf32>,
      %parallel_loop3A_317 = vector.shape_cast %parallel_loop3A_316 : vector<1x16xf32> to vector<16xf32>
      %parallel_loop3A_318 = arith.constant 11.3137083 : f32
      %parallel_loop3A_319 = vector.broadcast %parallel_loop3A_318 : f32 to vector<16xf32>
      %parallel_loop3A_320 = arith.mulf %parallel_loop3A_317, %parallel_loop3A_319 : vector<16xf32>
      %parallel_loop3A_321 = arith.index_cast %parallel_loop3A_301 : i32 to index
      %parallel_loop3A_322 = arith.constant 16 : index
      %parallel_loop3A_323 = tpu.vector_load %arg12[%parallel_loop3A_321, %parallel_loop3A_322] {strides = array<i32>} : memref<50x128xf32, #tpu.memory_space<vmem>>, vector<1x16xf32>,
      %parallel_loop3A_324 = vector.shape_cast %parallel_loop3A_323 : vector<1x16xf32> to vector<16xf32>
      %parallel_loop3A_325 = vector.shape_cast %parallel_loop3A_320 : vector<16xf32> to vector<1x16xf32>
      tpu.vector_store %arg12[%parallel_loop3A_321, %parallel_loop3A_322], %parallel_loop3A_325 {strides = array<i32>} : memref<50x128xf32, #tpu.memory_space<vmem>>, vector<1x16xf32>,
      %parallel_loop3A_326 = arith.index_cast %parallel_loop3A_301 : i32 to index
      %parallel_loop3A_327 = arith.constant 32 : index
      %parallel_loop3A_328 = tpu.vector_load %arg8[%parallel_loop3A_326, %parallel_loop3A_327] {strides = array<i32>} : memref<50x128xf32, #tpu.memory_space<vmem>>, vector<1x16xf32>,
      %parallel_loop3A_329 = vector.shape_cast %parallel_loop3A_328 : vector<1x16xf32> to vector<16xf32>
      %parallel_loop3A_330 = arith.constant 11.3137083 : f32
      %parallel_loop3A_331 = vector.broadcast %parallel_loop3A_330 : f32 to vector<16xf32>
      %parallel_loop3A_332 = arith.mulf %parallel_loop3A_329, %parallel_loop3A_331 : vector<16xf32>
      %parallel_loop3A_333 = arith.index_cast %parallel_loop3A_301 : i32 to index
      %parallel_loop3A_334 = arith.constant 32 : index
      %parallel_loop3A_335 = tpu.vector_load %arg12[%parallel_loop3A_333, %parallel_loop3A_334] {strides = array<i32>} : memref<50x128xf32, #tpu.memory_space<vmem>>, vector<1x16xf32>,
      %parallel_loop3A_336 = vector.shape_cast %parallel_loop3A_335 : vector<1x16xf32> to vector<16xf32>
      %parallel_loop3A_337 = vector.shape_cast %parallel_loop3A_332 : vector<16xf32> to vector<1x16xf32>
      tpu.vector_store %arg12[%parallel_loop3A_333, %parallel_loop3A_334], %parallel_loop3A_337 {strides = array<i32>} : memref<50x128xf32, #tpu.memory_space<vmem>>, vector<1x16xf32>,
      %parallel_loop3A_338 = arith.index_cast %parallel_loop3A_301 : i32 to index
      %parallel_loop3A_339 = arith.constant 48 : index
      %parallel_loop3A_340 = tpu.vector_load %arg8[%parallel_loop3A_338, %parallel_loop3A_339] {strides = array<i32>} : memref<50x128xf32, #tpu.memory_space<vmem>>, vector<1x16xf32>,
      %parallel_loop3A_341 = vector.shape_cast %parallel_loop3A_340 : vector<1x16xf32> to vector<16xf32>
      %parallel_loop3A_342 = arith.constant 11.3137083 : f32
      %parallel_loop3A_343 = vector.broadcast %parallel_loop3A_342 : f32 to vector<16xf32>
      %parallel_loop3A_344 = arith.mulf %parallel_loop3A_341, %parallel_loop3A_343 : vector<16xf32>
      %parallel_loop3A_345 = arith.index_cast %parallel_loop3A_301 : i32 to index
      %parallel_loop3A_346 = arith.constant 48 : index
      %parallel_loop3A_347 = tpu.vector_load %arg12[%parallel_loop3A_345, %parallel_loop3A_346] {strides = array<i32>} : memref<50x128xf32, #tpu.memory_space<vmem>>, vector<1x16xf32>,
      %parallel_loop3A_348 = vector.shape_cast %parallel_loop3A_347 : vector<1x16xf32> to vector<16xf32>
      %parallel_loop3A_349 = vector.shape_cast %parallel_loop3A_344 : vector<16xf32> to vector<1x16xf32>
      tpu.vector_store %arg12[%parallel_loop3A_345, %parallel_loop3A_346], %parallel_loop3A_349 {strides = array<i32>} : memref<50x128xf32, #tpu.memory_space<vmem>>, vector<1x16xf32>,
      %parallel_loop3A_350 = arith.index_cast %parallel_loop3A_301 : i32 to index
      %parallel_loop3A_351 = arith.constant 64 : index
      %parallel_loop3A_352 = tpu.vector_load %arg8[%parallel_loop3A_350, %parallel_loop3A_351] {strides = array<i32>} : memref<50x128xf32, #tpu.memory_space<vmem>>, vector<1x16xf32>,
      %parallel_loop3A_353 = vector.shape_cast %parallel_loop3A_352 : vector<1x16xf32> to vector<16xf32>
      %parallel_loop3A_354 = arith.constant 11.3137083 : f32
      %parallel_loop3A_355 = vector.broadcast %parallel_loop3A_354 : f32 to vector<16xf32>
      %parallel_loop3A_356 = arith.mulf %parallel_loop3A_353, %parallel_loop3A_355 : vector<16xf32>
      %parallel_loop3A_357 = arith.index_cast %parallel_loop3A_301 : i32 to index
      %parallel_loop3A_358 = arith.constant 64 : index
      %parallel_loop3A_359 = tpu.vector_load %arg12[%parallel_loop3A_357, %parallel_loop3A_358] {strides = array<i32>} : memref<50x128xf32, #tpu.memory_space<vmem>>, vector<1x16xf32>,
      %parallel_loop3A_360 = vector.shape_cast %parallel_loop3A_359 : vector<1x16xf32> to vector<16xf32>
      %parallel_loop3A_361 = vector.shape_cast %parallel_loop3A_356 : vector<16xf32> to vector<1x16xf32>
      tpu.vector_store %arg12[%parallel_loop3A_357, %parallel_loop3A_358], %parallel_loop3A_361 {strides = array<i32>} : memref<50x128xf32, #tpu.memory_space<vmem>>, vector<1x16xf32>,
      %parallel_loop3A_362 = arith.index_cast %parallel_loop3A_301 : i32 to index
      %parallel_loop3A_363 = arith.constant 80 : index
      %parallel_loop3A_364 = tpu.vector_load %arg8[%parallel_loop3A_362, %parallel_loop3A_363] {strides = array<i32>} : memref<50x128xf32, #tpu.memory_space<vmem>>, vector<1x16xf32>,
      %parallel_loop3A_365 = vector.shape_cast %parallel_loop3A_364 : vector<1x16xf32> to vector<16xf32>
      %parallel_loop3A_366 = arith.constant 11.3137083 : f32
      %parallel_loop3A_367 = vector.broadcast %parallel_loop3A_366 : f32 to vector<16xf32>
      %parallel_loop3A_368 = arith.mulf %parallel_loop3A_365, %parallel_loop3A_367 : vector<16xf32>
      %parallel_loop3A_369 = arith.index_cast %parallel_loop3A_301 : i32 to index
      %parallel_loop3A_370 = arith.constant 80 : index
      %parallel_loop3A_371 = tpu.vector_load %arg12[%parallel_loop3A_369, %parallel_loop3A_370] {strides = array<i32>} : memref<50x128xf32, #tpu.memory_space<vmem>>, vector<1x16xf32>,
      %parallel_loop3A_372 = vector.shape_cast %parallel_loop3A_371 : vector<1x16xf32> to vector<16xf32>
      %parallel_loop3A_373 = vector.shape_cast %parallel_loop3A_368 : vector<16xf32> to vector<1x16xf32>
      tpu.vector_store %arg12[%parallel_loop3A_369, %parallel_loop3A_370], %parallel_loop3A_373 {strides = array<i32>} : memref<50x128xf32, #tpu.memory_space<vmem>>, vector<1x16xf32>,
      %parallel_loop3A_374 = arith.index_cast %parallel_loop3A_301 : i32 to index
      %parallel_loop3A_375 = arith.constant 96 : index
      %parallel_loop3A_376 = tpu.vector_load %arg8[%parallel_loop3A_374, %parallel_loop3A_375] {strides = array<i32>} : memref<50x128xf32, #tpu.memory_space<vmem>>, vector<1x16xf32>,
      %parallel_loop3A_377 = vector.shape_cast %parallel_loop3A_376 : vector<1x16xf32> to vector<16xf32>
      %parallel_loop3A_378 = arith.constant 11.3137083 : f32
      %parallel_loop3A_379 = vector.broadcast %parallel_loop3A_378 : f32 to vector<16xf32>
      %parallel_loop3A_380 = arith.mulf %parallel_loop3A_377, %parallel_loop3A_379 : vector<16xf32>
      %parallel_loop3A_381 = arith.index_cast %parallel_loop3A_301 : i32 to index
      %parallel_loop3A_382 = arith.constant 96 : index
      %parallel_loop3A_383 = tpu.vector_load %arg12[%parallel_loop3A_381, %parallel_loop3A_382] {strides = array<i32>} : memref<50x128xf32, #tpu.memory_space<vmem>>, vector<1x16xf32>,
      %parallel_loop3A_384 = vector.shape_cast %parallel_loop3A_383 : vector<1x16xf32> to vector<16xf32>
      %parallel_loop3A_385 = vector.shape_cast %parallel_loop3A_380 : vector<16xf32> to vector<1x16xf32>
      tpu.vector_store %arg12[%parallel_loop3A_381, %parallel_loop3A_382], %parallel_loop3A_385 {strides = array<i32>} : memref<50x128xf32, #tpu.memory_space<vmem>>, vector<1x16xf32>,
      %parallel_loop3A_386 = arith.index_cast %parallel_loop3A_301 : i32 to index
      %parallel_loop3A_387 = arith.constant 112 : index
      %parallel_loop3A_388 = tpu.vector_load %arg8[%parallel_loop3A_386, %parallel_loop3A_387] {strides = array<i32>} : memref<50x128xf32, #tpu.memory_space<vmem>>, vector<1x16xf32>,
      %parallel_loop3A_389 = vector.shape_cast %parallel_loop3A_388 : vector<1x16xf32> to vector<16xf32>
      %parallel_loop3A_390 = arith.constant 11.3137083 : f32
      %parallel_loop3A_391 = vector.broadcast %parallel_loop3A_390 : f32 to vector<16xf32>
      %parallel_loop3A_392 = arith.mulf %parallel_loop3A_389, %parallel_loop3A_391 : vector<16xf32>
      %parallel_loop3A_393 = arith.index_cast %parallel_loop3A_301 : i32 to index
      %parallel_loop3A_394 = arith.constant 112 : index
      %parallel_loop3A_395 = tpu.vector_load %arg12[%parallel_loop3A_393, %parallel_loop3A_394] {strides = array<i32>} : memref<50x128xf32, #tpu.memory_space<vmem>>, vector<1x16xf32>,
      %parallel_loop3A_396 = vector.shape_cast %parallel_loop3A_395 : vector<1x16xf32> to vector<16xf32>
      %parallel_loop3A_397 = vector.shape_cast %parallel_loop3A_392 : vector<16xf32> to vector<1x16xf32>
      tpu.vector_store %arg12[%parallel_loop3A_393, %parallel_loop3A_394], %parallel_loop3A_397 {strides = array<i32>} : memref<50x128xf32, #tpu.memory_space<vmem>>, vector<1x16xf32>,
    } {sc.loop_unroll_factor = 4 : i64, sc.parallel_access}
    %add3A_221 = arith.constant 126 : i32
    %add3A_222 = arith.addi %mul3A_2, %add3A_221 : i32
    %dma_start3A_223 = arith.constant 0 : i32
    %dma_start3A_224 = arith.constant 0 : i32
    %dma_start3A_225 = tpu.memref_slice %arg4[%add3A_222, %dma_start3A_223, %dma_start3A_224] : memref<4096x50x128xf32, #tpu.memory_space<hbm>> -> memref<1x50x128xf32, #tpu.memory_space<hbm>>
    %dma_start3A_226 = tpu.memref_squeeze %dma_start3A_225 : memref<1x50x128xf32, #tpu.memory_space<hbm>> -> memref<50x128xf32, #tpu.memory_space<hbm>>
    %dma_start3A_227 = arith.constant 0 : i32
    %dma_start3A_228 = arith.constant 0 : i32
    %dma_start3A_229 = tpu.memref_slice %arg4[%add3A_222, %dma_start3A_227, %dma_start3A_228] : memref<4096x50x128xf32, #tpu.memory_space<hbm>> -> memref<1x50x128xf32, #tpu.memory_space<hbm>>
    %dma_start3A_230 = tpu.memref_squeeze %dma_start3A_229 : memref<1x50x128xf32, #tpu.memory_space<hbm>> -> memref<50x128xf32, #tpu.memory_space<hbm>>
    tpu.enqueue_dma source(%arg12 : memref<50x128xf32, #tpu.memory_space<vmem>>) target(%dma_start3A_230 : memref<50x128xf32, #tpu.memory_space<hbm>>) target_semaphore(%arg20 : memref<!tpu.dma_semaphore, #tpu.memory_space<semaphore_mem>>)
    %dma_wait3A_231 = arith.constant 127 : i32
    %dma_wait3A_232 = arith.constant 0 : i32
    %dma_wait3A_233 = tpu.memref_slice %arg5[%dma_wait3A_231, %dma_wait3A_232] : memref<128x50xi32, #tpu.memory_space<vmem>> -> memref<1x50xi32, #tpu.memory_space<vmem>>
    %dma_wait3A_234 = tpu.memref_squeeze %dma_wait3A_233 : memref<1x50xi32, #tpu.memory_space<vmem>> -> memref<50xi32, #tpu.memory_space<vmem>>
    %dma_wait3A_235 = arith.constant 0 : i32
    %dma_wait3A_236 = arith.constant 0 : i32
    %dma_wait3A_237 = tpu.memref_slice %arg3[%dma_wait3A_235, %dma_wait3A_236] : memref<100000x128xf32, #tpu.memory_space<hbm>> -> memref<100000x128xf32, #tpu.memory_space<hbm>>
    tpu.wait_indirect_dma semaphore(%arg17 : memref<!tpu.dma_semaphore, #tpu.memory_space<semaphore_mem>>) src(%dma_wait3A_237 : memref<100000x128xf32, #tpu.memory_space<hbm>>) dst(%arg9 : memref<50x128xf32, #tpu.memory_space<vmem>>)
    %add3A_238 = arith.constant 123 : i32
    %add3A_239 = arith.addi %mul3A_2, %add3A_238 : i32
    %dma_wait3A_240 = arith.constant 0 : i32
    %dma_wait3A_241 = arith.constant 0 : i32
    %dma_wait3A_242 = tpu.memref_slice %arg4[%add3A_239, %dma_wait3A_240, %dma_wait3A_241] : memref<4096x50x128xf32, #tpu.memory_space<hbm>> -> memref<1x50x128xf32, #tpu.memory_space<hbm>>
    %dma_wait3A_243 = tpu.memref_squeeze %dma_wait3A_242 : memref<1x50x128xf32, #tpu.memory_space<hbm>> -> memref<50x128xf32, #tpu.memory_space<hbm>>
    %dma_wait3A_244 = arith.constant 0 : i32
    %dma_wait3A_245 = arith.constant 0 : i32
    %dma_wait3A_246 = tpu.memref_slice %arg4[%add3A_239, %dma_wait3A_244, %dma_wait3A_245] : memref<4096x50x128xf32, #tpu.memory_space<hbm>> -> memref<1x50x128xf32, #tpu.memory_space<hbm>>
    %dma_wait3A_247 = tpu.memref_squeeze %dma_wait3A_246 : memref<1x50x128xf32, #tpu.memory_space<hbm>> -> memref<50x128xf32, #tpu.memory_space<hbm>>
    tpu.wait_dma2 semaphore(%arg21 : memref<!tpu.dma_semaphore, #tpu.memory_space<semaphore_mem>>) src(%arg13 : memref<50x128xf32, #tpu.memory_space<vmem>>) dst(%dma_wait3A_247 : memref<50x128xf32, #tpu.memory_space<hbm>>)
    %parallel_loop3A_248 = arith.constant 0 : i32
    %parallel_loop3A_249 = arith.constant 50 : i32
    %parallel_loop3A_250 = arith.constant 1 : i32
    scf.for %parallel_loop3A_301 = %parallel_loop3A_248 to %parallel_loop3A_249 step %parallel_loop3A_250  : i32 {
      %parallel_loop3A_302 = arith.index_cast %parallel_loop3A_301 : i32 to index
      %parallel_loop3A_303 = arith.constant 0 : index
      %parallel_loop3A_304 = tpu.vector_load %arg9[%parallel_loop3A_302, %parallel_loop3A_303] {strides = array<i32>} : memref<50x128xf32, #tpu.memory_space<vmem>>, vector<1x16xf32>,
      %parallel_loop3A_305 = vector.shape_cast %parallel_loop3A_304 : vector<1x16xf32> to vector<16xf32>
      %parallel_loop3A_306 = arith.constant 11.3137083 : f32
      %parallel_loop3A_307 = vector.broadcast %parallel_loop3A_306 : f32 to vector<16xf32>
      %parallel_loop3A_308 = arith.mulf %parallel_loop3A_305, %parallel_loop3A_307 : vector<16xf32>
      %parallel_loop3A_309 = arith.index_cast %parallel_loop3A_301 : i32 to index
      %parallel_loop3A_310 = arith.constant 0 : index
      %parallel_loop3A_311 = tpu.vector_load %arg13[%parallel_loop3A_309, %parallel_loop3A_310] {strides = array<i32>} : memref<50x128xf32, #tpu.memory_space<vmem>>, vector<1x16xf32>,
      %parallel_loop3A_312 = vector.shape_cast %parallel_loop3A_311 : vector<1x16xf32> to vector<16xf32>
      %parallel_loop3A_313 = vector.shape_cast %parallel_loop3A_308 : vector<16xf32> to vector<1x16xf32>
      tpu.vector_store %arg13[%parallel_loop3A_309, %parallel_loop3A_310], %parallel_loop3A_313 {strides = array<i32>} : memref<50x128xf32, #tpu.memory_space<vmem>>, vector<1x16xf32>,
      %parallel_loop3A_314 = arith.index_cast %parallel_loop3A_301 : i32 to index
      %parallel_loop3A_315 = arith.constant 16 : index
      %parallel_loop3A_316 = tpu.vector_load %arg9[%parallel_loop3A_314, %parallel_loop3A_315] {strides = array<i32>} : memref<50x128xf32, #tpu.memory_space<vmem>>, vector<1x16xf32>,
      %parallel_loop3A_317 = vector.shape_cast %parallel_loop3A_316 : vector<1x16xf32> to vector<16xf32>
      %parallel_loop3A_318 = arith.constant 11.3137083 : f32
      %parallel_loop3A_319 = vector.broadcast %parallel_loop3A_318 : f32 to vector<16xf32>
      %parallel_loop3A_320 = arith.mulf %parallel_loop3A_317, %parallel_loop3A_319 : vector<16xf32>
      %parallel_loop3A_321 = arith.index_cast %parallel_loop3A_301 : i32 to index
      %parallel_loop3A_322 = arith.constant 16 : index
      %parallel_loop3A_323 = tpu.vector_load %arg13[%parallel_loop3A_321, %parallel_loop3A_322] {strides = array<i32>} : memref<50x128xf32, #tpu.memory_space<vmem>>, vector<1x16xf32>,
      %parallel_loop3A_324 = vector.shape_cast %parallel_loop3A_323 : vector<1x16xf32> to vector<16xf32>
      %parallel_loop3A_325 = vector.shape_cast %parallel_loop3A_320 : vector<16xf32> to vector<1x16xf32>
      tpu.vector_store %arg13[%parallel_loop3A_321, %parallel_loop3A_322], %parallel_loop3A_325 {strides = array<i32>} : memref<50x128xf32, #tpu.memory_space<vmem>>, vector<1x16xf32>,
      %parallel_loop3A_326 = arith.index_cast %parallel_loop3A_301 : i32 to index
      %parallel_loop3A_327 = arith.constant 32 : index
      %parallel_loop3A_328 = tpu.vector_load %arg9[%parallel_loop3A_326, %parallel_loop3A_327] {strides = array<i32>} : memref<50x128xf32, #tpu.memory_space<vmem>>, vector<1x16xf32>,
      %parallel_loop3A_329 = vector.shape_cast %parallel_loop3A_328 : vector<1x16xf32> to vector<16xf32>
      %parallel_loop3A_330 = arith.constant 11.3137083 : f32
      %parallel_loop3A_331 = vector.broadcast %parallel_loop3A_330 : f32 to vector<16xf32>
      %parallel_loop3A_332 = arith.mulf %parallel_loop3A_329, %parallel_loop3A_331 : vector<16xf32>
      %parallel_loop3A_333 = arith.index_cast %parallel_loop3A_301 : i32 to index
      %parallel_loop3A_334 = arith.constant 32 : index
      %parallel_loop3A_335 = tpu.vector_load %arg13[%parallel_loop3A_333, %parallel_loop3A_334] {strides = array<i32>} : memref<50x128xf32, #tpu.memory_space<vmem>>, vector<1x16xf32>,
      %parallel_loop3A_336 = vector.shape_cast %parallel_loop3A_335 : vector<1x16xf32> to vector<16xf32>
      %parallel_loop3A_337 = vector.shape_cast %parallel_loop3A_332 : vector<16xf32> to vector<1x16xf32>
      tpu.vector_store %arg13[%parallel_loop3A_333, %parallel_loop3A_334], %parallel_loop3A_337 {strides = array<i32>} : memref<50x128xf32, #tpu.memory_space<vmem>>, vector<1x16xf32>,
      %parallel_loop3A_338 = arith.index_cast %parallel_loop3A_301 : i32 to index
      %parallel_loop3A_339 = arith.constant 48 : index
      %parallel_loop3A_340 = tpu.vector_load %arg9[%parallel_loop3A_338, %parallel_loop3A_339] {strides = array<i32>} : memref<50x128xf32, #tpu.memory_space<vmem>>, vector<1x16xf32>,
      %parallel_loop3A_341 = vector.shape_cast %parallel_loop3A_340 : vector<1x16xf32> to vector<16xf32>
      %parallel_loop3A_342 = arith.constant 11.3137083 : f32
      %parallel_loop3A_343 = vector.broadcast %parallel_loop3A_342 : f32 to vector<16xf32>
      %parallel_loop3A_344 = arith.mulf %parallel_loop3A_341, %parallel_loop3A_343 : vector<16xf32>
      %parallel_loop3A_345 = arith.index_cast %parallel_loop3A_301 : i32 to index
      %parallel_loop3A_346 = arith.constant 48 : index
      %parallel_loop3A_347 = tpu.vector_load %arg13[%parallel_loop3A_345, %parallel_loop3A_346] {strides = array<i32>} : memref<50x128xf32, #tpu.memory_space<vmem>>, vector<1x16xf32>,
      %parallel_loop3A_348 = vector.shape_cast %parallel_loop3A_347 : vector<1x16xf32> to vector<16xf32>
      %parallel_loop3A_349 = vector.shape_cast %parallel_loop3A_344 : vector<16xf32> to vector<1x16xf32>
      tpu.vector_store %arg13[%parallel_loop3A_345, %parallel_loop3A_346], %parallel_loop3A_349 {strides = array<i32>} : memref<50x128xf32, #tpu.memory_space<vmem>>, vector<1x16xf32>,
      %parallel_loop3A_350 = arith.index_cast %parallel_loop3A_301 : i32 to index
      %parallel_loop3A_351 = arith.constant 64 : index
      %parallel_loop3A_352 = tpu.vector_load %arg9[%parallel_loop3A_350, %parallel_loop3A_351] {strides = array<i32>} : memref<50x128xf32, #tpu.memory_space<vmem>>, vector<1x16xf32>,
      %parallel_loop3A_353 = vector.shape_cast %parallel_loop3A_352 : vector<1x16xf32> to vector<16xf32>
      %parallel_loop3A_354 = arith.constant 11.3137083 : f32
      %parallel_loop3A_355 = vector.broadcast %parallel_loop3A_354 : f32 to vector<16xf32>
      %parallel_loop3A_356 = arith.mulf %parallel_loop3A_353, %parallel_loop3A_355 : vector<16xf32>
      %parallel_loop3A_357 = arith.index_cast %parallel_loop3A_301 : i32 to index
      %parallel_loop3A_358 = arith.constant 64 : index
      %parallel_loop3A_359 = tpu.vector_load %arg13[%parallel_loop3A_357, %parallel_loop3A_358] {strides = array<i32>} : memref<50x128xf32, #tpu.memory_space<vmem>>, vector<1x16xf32>,
      %parallel_loop3A_360 = vector.shape_cast %parallel_loop3A_359 : vector<1x16xf32> to vector<16xf32>
      %parallel_loop3A_361 = vector.shape_cast %parallel_loop3A_356 : vector<16xf32> to vector<1x16xf32>
      tpu.vector_store %arg13[%parallel_loop3A_357, %parallel_loop3A_358], %parallel_loop3A_361 {strides = array<i32>} : memref<50x128xf32, #tpu.memory_space<vmem>>, vector<1x16xf32>,
      %parallel_loop3A_362 = arith.index_cast %parallel_loop3A_301 : i32 to index
      %parallel_loop3A_363 = arith.constant 80 : index
      %parallel_loop3A_364 = tpu.vector_load %arg9[%parallel_loop3A_362, %parallel_loop3A_363] {strides = array<i32>} : memref<50x128xf32, #tpu.memory_space<vmem>>, vector<1x16xf32>,
      %parallel_loop3A_365 = vector.shape_cast %parallel_loop3A_364 : vector<1x16xf32> to vector<16xf32>
      %parallel_loop3A_366 = arith.constant 11.3137083 : f32
      %parallel_loop3A_367 = vector.broadcast %parallel_loop3A_366 : f32 to vector<16xf32>
      %parallel_loop3A_368 = arith.mulf %parallel_loop3A_365, %parallel_loop3A_367 : vector<16xf32>
      %parallel_loop3A_369 = arith.index_cast %parallel_loop3A_301 : i32 to index
      %parallel_loop3A_370 = arith.constant 80 : index
      %parallel_loop3A_371 = tpu.vector_load %arg13[%parallel_loop3A_369, %parallel_loop3A_370] {strides = array<i32>} : memref<50x128xf32, #tpu.memory_space<vmem>>, vector<1x16xf32>,
      %parallel_loop3A_372 = vector.shape_cast %parallel_loop3A_371 : vector<1x16xf32> to vector<16xf32>
      %parallel_loop3A_373 = vector.shape_cast %parallel_loop3A_368 : vector<16xf32> to vector<1x16xf32>
      tpu.vector_store %arg13[%parallel_loop3A_369, %parallel_loop3A_370], %parallel_loop3A_373 {strides = array<i32>} : memref<50x128xf32, #tpu.memory_space<vmem>>, vector<1x16xf32>,
      %parallel_loop3A_374 = arith.index_cast %parallel_loop3A_301 : i32 to index
      %parallel_loop3A_375 = arith.constant 96 : index
      %parallel_loop3A_376 = tpu.vector_load %arg9[%parallel_loop3A_374, %parallel_loop3A_375] {strides = array<i32>} : memref<50x128xf32, #tpu.memory_space<vmem>>, vector<1x16xf32>,
      %parallel_loop3A_377 = vector.shape_cast %parallel_loop3A_376 : vector<1x16xf32> to vector<16xf32>
      %parallel_loop3A_378 = arith.constant 11.3137083 : f32
      %parallel_loop3A_379 = vector.broadcast %parallel_loop3A_378 : f32 to vector<16xf32>
      %parallel_loop3A_380 = arith.mulf %parallel_loop3A_377, %parallel_loop3A_379 : vector<16xf32>
      %parallel_loop3A_381 = arith.index_cast %parallel_loop3A_301 : i32 to index
      %parallel_loop3A_382 = arith.constant 96 : index
      %parallel_loop3A_383 = tpu.vector_load %arg13[%parallel_loop3A_381, %parallel_loop3A_382] {strides = array<i32>} : memref<50x128xf32, #tpu.memory_space<vmem>>, vector<1x16xf32>,
      %parallel_loop3A_384 = vector.shape_cast %parallel_loop3A_383 : vector<1x16xf32> to vector<16xf32>
      %parallel_loop3A_385 = vector.shape_cast %parallel_loop3A_380 : vector<16xf32> to vector<1x16xf32>
      tpu.vector_store %arg13[%parallel_loop3A_381, %parallel_loop3A_382], %parallel_loop3A_385 {strides = array<i32>} : memref<50x128xf32, #tpu.memory_space<vmem>>, vector<1x16xf32>,
      %parallel_loop3A_386 = arith.index_cast %parallel_loop3A_301 : i32 to index
      %parallel_loop3A_387 = arith.constant 112 : index
      %parallel_loop3A_388 = tpu.vector_load %arg9[%parallel_loop3A_386, %parallel_loop3A_387] {strides = array<i32>} : memref<50x128xf32, #tpu.memory_space<vmem>>, vector<1x16xf32>,
      %parallel_loop3A_389 = vector.shape_cast %parallel_loop3A_388 : vector<1x16xf32> to vector<16xf32>
      %parallel_loop3A_390 = arith.constant 11.3137083 : f32
      %parallel_loop3A_391 = vector.broadcast %parallel_loop3A_390 : f32 to vector<16xf32>
      %parallel_loop3A_392 = arith.mulf %parallel_loop3A_389, %parallel_loop3A_391 : vector<16xf32>
      %parallel_loop3A_393 = arith.index_cast %parallel_loop3A_301 : i32 to index
      %parallel_loop3A_394 = arith.constant 112 : index
      %parallel_loop3A_395 = tpu.vector_load %arg13[%parallel_loop3A_393, %parallel_loop3A_394] {strides = array<i32>} : memref<50x128xf32, #tpu.memory_space<vmem>>, vector<1x16xf32>,
      %parallel_loop3A_396 = vector.shape_cast %parallel_loop3A_395 : vector<1x16xf32> to vector<16xf32>
      %parallel_loop3A_397 = vector.shape_cast %parallel_loop3A_392 : vector<16xf32> to vector<1x16xf32>
      tpu.vector_store %arg13[%parallel_loop3A_393, %parallel_loop3A_394], %parallel_loop3A_397 {strides = array<i32>} : memref<50x128xf32, #tpu.memory_space<vmem>>, vector<1x16xf32>,
    } {sc.loop_unroll_factor = 4 : i64, sc.parallel_access}
    %add3A_251 = arith.constant 127 : i32
    %add3A_252 = arith.addi %mul3A_2, %add3A_251 : i32
    %dma_start3A_253 = arith.constant 0 : i32
    %dma_start3A_254 = arith.constant 0 : i32
    %dma_start3A_255 = tpu.memref_slice %arg4[%add3A_252, %dma_start3A_253, %dma_start3A_254] : memref<4096x50x128xf32, #tpu.memory_space<hbm>> -> memref<1x50x128xf32, #tpu.memory_space<hbm>>
    %dma_start3A_256 = tpu.memref_squeeze %dma_start3A_255 : memref<1x50x128xf32, #tpu.memory_space<hbm>> -> memref<50x128xf32, #tpu.memory_space<hbm>>
    %dma_start3A_257 = arith.constant 0 : i32
    %dma_start3A_258 = arith.constant 0 : i32
    %dma_start3A_259 = tpu.memref_slice %arg4[%add3A_252, %dma_start3A_257, %dma_start3A_258] : memref<4096x50x128xf32, #tpu.memory_space<hbm>> -> memref<1x50x128xf32, #tpu.memory_space<hbm>>
    %dma_start3A_260 = tpu.memref_squeeze %dma_start3A_259 : memref<1x50x128xf32, #tpu.memory_space<hbm>> -> memref<50x128xf32, #tpu.memory_space<hbm>>
    tpu.enqueue_dma source(%arg13 : memref<50x128xf32, #tpu.memory_space<vmem>>) target(%dma_start3A_260 : memref<50x128xf32, #tpu.memory_space<hbm>>) target_semaphore(%arg21 : memref<!tpu.dma_semaphore, #tpu.memory_space<semaphore_mem>>)
    %add3A_261 = arith.constant 124 : i32
    %add3A_262 = arith.addi %mul3A_2, %add3A_261 : i32
    %dma_wait3A_263 = arith.constant 0 : i32
    %dma_wait3A_264 = arith.constant 0 : i32
    %dma_wait3A_265 = tpu.memref_slice %arg4[%add3A_262, %dma_wait3A_263, %dma_wait3A_264] : memref<4096x50x128xf32, #tpu.memory_space<hbm>> -> memref<1x50x128xf32, #tpu.memory_space<hbm>>
    %dma_wait3A_266 = tpu.memref_squeeze %dma_wait3A_265 : memref<1x50x128xf32, #tpu.memory_space<hbm>> -> memref<50x128xf32, #tpu.memory_space<hbm>>
    %dma_wait3A_267 = arith.constant 0 : i32
    %dma_wait3A_268 = arith.constant 0 : i32
    %dma_wait3A_269 = tpu.memref_slice %arg4[%add3A_262, %dma_wait3A_267, %dma_wait3A_268] : memref<4096x50x128xf32, #tpu.memory_space<hbm>> -> memref<1x50x128xf32, #tpu.memory_space<hbm>>
    %dma_wait3A_270 = tpu.memref_squeeze %dma_wait3A_269 : memref<1x50x128xf32, #tpu.memory_space<hbm>> -> memref<50x128xf32, #tpu.memory_space<hbm>>
    tpu.wait_dma2 semaphore(%arg18 : memref<!tpu.dma_semaphore, #tpu.memory_space<semaphore_mem>>) src(%arg10 : memref<50x128xf32, #tpu.memory_space<vmem>>) dst(%dma_wait3A_270 : memref<50x128xf32, #tpu.memory_space<hbm>>)
    %add3A_271 = arith.constant 125 : i32
    %add3A_272 = arith.addi %mul3A_2, %add3A_271 : i32
    %dma_wait3A_273 = arith.constant 0 : i32
    %dma_wait3A_274 = arith.constant 0 : i32
    %dma_wait3A_275 = tpu.memref_slice %arg4[%add3A_272, %dma_wait3A_273, %dma_wait3A_274] : memref<4096x50x128xf32, #tpu.memory_space<hbm>> -> memref<1x50x128xf32, #tpu.memory_space<hbm>>
    %dma_wait3A_276 = tpu.memref_squeeze %dma_wait3A_275 : memref<1x50x128xf32, #tpu.memory_space<hbm>> -> memref<50x128xf32, #tpu.memory_space<hbm>>
    %dma_wait3A_277 = arith.constant 0 : i32
    %dma_wait3A_278 = arith.constant 0 : i32
    %dma_wait3A_279 = tpu.memref_slice %arg4[%add3A_272, %dma_wait3A_277, %dma_wait3A_278] : memref<4096x50x128xf32, #tpu.memory_space<hbm>> -> memref<1x50x128xf32, #tpu.memory_space<hbm>>
    %dma_wait3A_280 = tpu.memref_squeeze %dma_wait3A_279 : memref<1x50x128xf32, #tpu.memory_space<hbm>> -> memref<50x128xf32, #tpu.memory_space<hbm>>
    tpu.wait_dma2 semaphore(%arg19 : memref<!tpu.dma_semaphore, #tpu.memory_space<semaphore_mem>>) src(%arg11 : memref<50x128xf32, #tpu.memory_space<vmem>>) dst(%dma_wait3A_280 : memref<50x128xf32, #tpu.memory_space<hbm>>)
    %add3A_281 = arith.constant 126 : i32
    %add3A_282 = arith.addi %mul3A_2, %add3A_281 : i32
    %dma_wait3A_283 = arith.constant 0 : i32
    %dma_wait3A_284 = arith.constant 0 : i32
    %dma_wait3A_285 = tpu.memref_slice %arg4[%add3A_282, %dma_wait3A_283, %dma_wait3A_284] : memref<4096x50x128xf32, #tpu.memory_space<hbm>> -> memref<1x50x128xf32, #tpu.memory_space<hbm>>
    %dma_wait3A_286 = tpu.memref_squeeze %dma_wait3A_285 : memref<1x50x128xf32, #tpu.memory_space<hbm>> -> memref<50x128xf32, #tpu.memory_space<hbm>>
    %dma_wait3A_287 = arith.constant 0 : i32
    %dma_wait3A_288 = arith.constant 0 : i32
    %dma_wait3A_289 = tpu.memref_slice %arg4[%add3A_282, %dma_wait3A_287, %dma_wait3A_288] : memref<4096x50x128xf32, #tpu.memory_space<hbm>> -> memref<1x50x128xf32, #tpu.memory_space<hbm>>
    %dma_wait3A_290 = tpu.memref_squeeze %dma_wait3A_289 : memref<1x50x128xf32, #tpu.memory_space<hbm>> -> memref<50x128xf32, #tpu.memory_space<hbm>>
    tpu.wait_dma2 semaphore(%arg20 : memref<!tpu.dma_semaphore, #tpu.memory_space<semaphore_mem>>) src(%arg12 : memref<50x128xf32, #tpu.memory_space<vmem>>) dst(%dma_wait3A_290 : memref<50x128xf32, #tpu.memory_space<hbm>>)
    %add3A_291 = arith.constant 127 : i32
    %add3A_292 = arith.addi %mul3A_2, %add3A_291 : i32
    %dma_wait3A_293 = arith.constant 0 : i32
    %dma_wait3A_294 = arith.constant 0 : i32
    %dma_wait3A_295 = tpu.memref_slice %arg4[%add3A_292, %dma_wait3A_293, %dma_wait3A_294] : memref<4096x50x128xf32, #tpu.memory_space<hbm>> -> memref<1x50x128xf32, #tpu.memory_space<hbm>>
    %dma_wait3A_296 = tpu.memref_squeeze %dma_wait3A_295 : memref<1x50x128xf32, #tpu.memory_space<hbm>> -> memref<50x128xf32, #tpu.memory_space<hbm>>
    %dma_wait3A_297 = arith.constant 0 : i32
    %dma_wait3A_298 = arith.constant 0 : i32
    %dma_wait3A_299 = tpu.memref_slice %arg4[%add3A_292, %dma_wait3A_297, %dma_wait3A_298] : memref<4096x50x128xf32, #tpu.memory_space<hbm>> -> memref<1x50x128xf32, #tpu.memory_space<hbm>>
    %dma_wait3A_300 = tpu.memref_squeeze %dma_wait3A_299 : memref<1x50x128xf32, #tpu.memory_space<hbm>> -> memref<50x128xf32, #tpu.memory_space<hbm>>
    tpu.wait_dma2 semaphore(%arg21 : memref<!tpu.dma_semaphore, #tpu.memory_space<semaphore_mem>>) src(%arg13 : memref<50x128xf32, #tpu.memory_space<vmem>>) dst(%dma_wait3A_300 : memref<50x128xf32, #tpu.memory_space<hbm>>)
    return
  }
}

</mosaic_0001>

<sc_bundles>
// kernel: kernel.3.cloned.1.call-start
scs
__scs_entry_jumppad:
0x0: {  	(pc) =	sbr.rel $0x88, $3  }
0x1: {  	(tag) =	ssettag $0x0;
	lr =	simm.s32 $0x1  }
0x2: {  	[smem:$0x3F9F] =	sst lr;
	_ =	strace $0xD0000000  }
0x3: {  	_ = 	snop  }
0x4: {  	_ = 	snop  }
0x5: {  	_ = 	snop  }
0x6: {  	_ = 	snop  }
0x7: {  	_ = 	snop  }
__scs_overlays_trampoline_lowered:
0x8: {  	[smem:$0x3FAE] =	sst s0  }
0x9: {  	[smem:$0x3FAF] =	sst s1  }
0xa: {  	[smem:$0x3FB0] =	sst s2  }
0xb: {  	[smem:$0x3FB1] =	sst s3  }
0xc: {  	[smem:$0x3FB2] =	sst s4  }
0xd: {  	[smem:$0x3FB3] =	sst s5  }
0xe: {  	[smem:$0x3FB4] =	sst s6  }
0xf: {  	[smem:$0x3FB5] =	sst s7  }
0x10: {  	[smem:$0x3FB6] =	sst s8  }
0x11: {  	[smem:$0x3FB7] =	sst s9;
	s0 =	simm.s32 @!p0 $0x0  }
0x12: {  	s1 =	sld [smem:$0x3F9D];
	s0 =	simm.s32 @p0 $0x1  }
0x13: {  	[smem:$0x3FB8] =	sst s0;
	s0 =	simm.s32 @!p1 $0x0  }
0x14: {  	s2 =	sld [smem:$0x3F9C];
	s0 =	simm.s32 @p1 $0x1  }
0x15: {  	[smem:$0x3FB9] =	sst s0;
	s0 =	simm.s32 @!p2 $0x0  }
0x16: {  	s3 =	sld [smem:$0x3FDB];
	s0 =	simm.s32 @p2 $0x1  }
0x17: {  	s4 =	simm.s32 $0x1BF5;
	[smem:$0x3FBB] =	sst s0  }
0x18: {  	s0 =	sld [smem:$0x3F9E];
	_ =	swait.ge [sflag:s4], $0x0  }
0x19: {  	s7 =	sld [smem:$0x3F9F]  }
0x1a: {  	s8 =	sadd.s32 $0xFFFFE003, lr  }
0x1b: {  	s9 =	sadd.s32 $0xFFFFFEF7, lr;
	s5 =	simm.s32 $0xFFFFFFFF;
	p2 =	slt.u32 s8, $0xFFFFF086  }
0x1c: {  	p1 =	slt.u32 s9, $0xF7A;
	s5 =	simm.s32 @!p2 $0x0  }
0x1d: {  	s5 =	simm.s32 @p1 $0x1;
	p0 =	seq.s32 s7, s2  }
0x1e: {  	s7 =	smul.u32 @!p0 $0xF7A, s2;
	p2 =	seq.s32 @!p0 s5, $0x0  }
0x1f: {  	s9 =	smul.u32 $0xF7A, s1;
	s8 =	simm.s32 @!p0 $0x1BF5;
	p2 =	por !p2, p0  }
0x20: {  	[sflag:s8] =	ssyncset.s32 @!p0 $0xFFFFF086;
	s6 =	sadd.s32 @!p0 s3, s7;
	s7 =	simm.s32 @!p0 $0x108  }
0x21: {  	s3 =	sadd.s32 s3, s9;
	s6 =	sadd.s32 @!p0 $0x88, s6;
	s7 =	simm.s32 @p2 $0x1082  }
0x22: {  	[simem:s7], [sflag:s8] =	dma.local @!p0 [hbm:s6], $0xF7A  }
0x23: {  	s9 =	sor.u32 $0xD0000000, s2;
	s6 =	simm.s32 $0x108;
	_ =	swait.ge @!p0 [sflag:s8], $0x0  }
0x24: {  	s3 =	sadd.s32 $0x88, s3;
	s6 =	simm.s32 @!p1 $0x1082;
	[sflag:s4] =	ssyncset.s32 $0xFFFFF086  }
0x25: {  	[simem:s6], [sflag:s4] =	dma.local [hbm:s3], $0xF7A  }
0x26: {  	[smem:$0x3F9F] =	sst s1;
	(tag) =	ssettag s2;
	_ =	strace s9  }
0x27: {  	s1 =	sld [smem:$0x3FAF]  }
0x28: {  	s2 =	sld [smem:$0x3FB0]  }
0x29: {  	s4 =	sld [smem:$0x3FB2]  }
0x2a: {  	p0 =	seq.s32 s5, $0x0;
	s5 =	sld [smem:$0x3FB3]  }
0x2b: {  	s6 =	sld [smem:$0x3FB4]  }
0x2c: {  	s7 =	sld [smem:$0x3FB5]  }
0x2d: {  	s3 =	simm.s32 $0x108;
	s8 =	sld [smem:$0x3FB6]  }
0x2e: {  	s3 =	simm.s32 @!p0 $0x1082;
	s9 =	sld [smem:$0x3FB7]  }
0x2f: {  	lr =	sadd.s32 s0, s3;
	s0 =	sld [smem:$0x3FAE]  }
0x30: {  	s3 =	sld [smem:$0x3FB1]  }
0x31: {  	[smem:$0x3FBA] =	sst s10  }
0x32: {  	s10 =	sld [smem:$0x3FB8];
	_ =	sdelay $0x3  }
0x33: {  	p0 =	seq.s32 s10, $0x1;
	s10 =	sld [smem:$0x3FBA];
	_ =	sdelay $0x3  }
0x34: {  	[smem:$0x3FBA] =	sst s10  }
0x35: {  	s10 =	sld [smem:$0x3FB9];
	_ =	sdelay $0x3  }
0x36: {  	p1 =	seq.s32 s10, $0x1;
	s10 =	sld [smem:$0x3FBA];
	_ =	sdelay $0x3  }
0x37: {  	[smem:$0x3FBA] =	sst s10  }
0x38: {  	s10 =	sld [smem:$0x3FBB]  }
0x39: {  	_ = 	snop;
	(pc) =	sbr.ind lr, $3  }
0x3a: {  	_ = 	snop  }
0x3b: {  	_ = 	snop  }
0x3c: {  	p2 =	seq.s32 s10, $0x1;
	s10 =	sld [smem:$0x3FBA]  }
0x3d: {  	_ =	shalt  }
0x3e: {  	_ =	shalt  }
0x3f: {  	_ =	shalt  }
0x40: {  	_ =	shalt  }
0x41: {  	_ =	shalt  }
0x42: {  	_ =	shalt  }
0x43: {  	_ =	shalt  }
0x44: {  	_ =	shalt  }
0x45: {  	_ =	shalt  }
0x46: {  	_ =	shalt  }
0x47: {  	_ =	shalt  }
0x48: {  	_ =	shalt  }
0x49: {  	_ =	shalt  }
0x4a: {  	_ =	shalt  }
0x4b: {  	_ =	shalt  }
0x4c: {  	_ =	shalt  }
0x4d: {  	_ =	shalt  }
0x4e: {  	_ =	shalt  }
0x4f: {  	_ =	shalt  }
0x50: {  	_ =	shalt  }
0x51: {  	_ =	shalt  }
0x52: {  	_ =	shalt  }
0x53: {  	_ =	shalt  }
0x54: {  	_ =	shalt  }
0x55: {  	_ =	shalt  }
0x56: {  	_ =	shalt  }
0x57: {  	_ =	shalt  }
0x58: {  	_ =	shalt  }
0x59: {  	_ =	shalt  }
0x5a: {  	_ =	shalt  }
0x5b: {  	_ =	shalt  }
0x5c: {  	_ =	shalt  }
0x5d: {  	_ =	shalt  }
0x5e: {  	_ =	shalt  }
0x5f: {  	_ =	shalt  }
0x60: {  	_ =	shalt  }
0x61: {  	_ =	shalt  }
0x62: {  	_ =	shalt  }
0x63: {  	_ =	shalt  }
0x64: {  	_ =	shalt  }
0x65: {  	_ =	shalt  }
0x66: {  	_ =	shalt  }
0x67: {  	_ =	shalt  }
0x68: {  	_ =	shalt  }
0x69: {  	_ =	shalt  }
0x6a: {  	_ =	shalt  }
0x6b: {  	_ =	shalt  }
0x6c: {  	_ =	shalt  }
0x6d: {  	_ =	shalt  }
0x6e: {  	_ =	shalt  }
0x6f: {  	_ =	shalt  }
0x70: {  	_ =	shalt  }
0x71: {  	_ =	shalt  }
0x72: {  	_ =	shalt  }
0x73: {  	_ =	shalt  }
0x74: {  	_ =	shalt  }
0x75: {  	_ =	shalt  }
0x76: {  	_ =	shalt  }
0x77: {  	_ =	shalt  }
0x78: {  	_ =	shalt  }
0x79: {  	_ =	shalt  }
0x7a: {  	_ =	shalt  }
0x7b: {  	_ =	shalt  }
0x7c: {  	_ =	shalt  }
0x7d: {  	_ =	shalt  }
0x7e: {  	_ =	shalt  }
0x7f: {  	_ =	shalt  }
0x80: {  	_ =	shalt  }
0x81: {  	_ =	shalt  }
0x82: {  	_ =	shalt  }
0x83: {  	_ =	shalt  }
0x84: {  	_ =	shalt  }
0x85: {  	_ =	shalt  }
0x86: {  	_ =	shalt  }
0x87: {  	_ =	shalt  }
.Lfunc_end0:
.L_simem_size_0:
called_computation_lowered:
.L_overlay_start_0:
0x88: {  	s2 =	sld [smem:$0x3FD9]  }
0x89: {  	s3 =	sld [smem:$0x3FFE];
	_ =	sdelay $0x1  }
0x8a: {  	s1 =	srdreg.scid  }
0x8b: {  	s0 =	sand.u32 $0x1, s1  }
0x8c: {  	s17 =	sshll.u32 s0, $0xA;
	s2 =	sadd.s32 s3, s2  }
0x8d: {  	s2 =	sadd.s32 s2, s17  }
0x8e: {  	[smem:$0x3FC6] =	sst s2  }
0x8f: {  	_ = 	snop  }
0x90: {  	s2 =	sld [smem:$0x3FC8]  }
0x91: {  	s18 =	sld [smem:$0x3FD0];
	(tm) =	ssettm $0x1  }
0x92: {  	s4 =	sld [smem:$0x3FFB];
	_ =	sdelay $0x3  }
0x93: {  	_ =	strace s4  }
0x94: {  	s4 =	sld [smem:$0x3FFC];
	_ =	sdelay $0x3  }
0x95: {  	_ =	strace s4  }
0x96: {  	s4 =	sld [smem:$0x3FFD];
	_ =	sdelay $0x3  }
0x97: {  	_ =	strace s4  }
0x98: {  	_ =	strace $0x8FFFFFFF  }
0x99: {  	s19 =	sld [smem:$0x3FDB];
	_ =	sdelay $0x1  }
0x9a: {  	s5 =	simm.s32 $_scs_section_size  }
0x9b: {  	s6 =	simm.s32 $_size__tile_overlayer_lowered;
	s7 =	simm.s32 $_tile_overlayer_lowered  }
0x9c: {  	s22 =	simm.s32 $0x1BFF;
	s21 =	sshll.u32 s7, $0x1;
	s4 =	sadd.s32 s5, s19  }
0x9d: {  	s8 =	simm.s32 $0x0;
	s20 =	sshll.u32 s6, $0x1;
	s6 =	sadd.s32 s21, s4  }
0x9e: {  	[timem:s8], [sflag:s22] =	dma.local [hbm:s6], s20  }
0x9f: {  	_ =	swait.ge [sflag:s22], s20  }
0xa0: {  	s5 =	ssub.s32 $0x0, s20;
	[sflag:s22] =	ssyncset.done $0x0  }
0xa1: {  	[sflag:s22] =	ssyncadd.s32 s5;
	_ =	sdelay $0x1  }
0xa2: {  	s23 =	simm.s32 $0x1B8B  }
0xa3: {  	_ =	swait.ge [sflag:s23], $0x1  }
0xa4: {  	[sflag:s23] =	ssyncset.done $0x0  }
0xa5: {  	s25 =	simm.s32 $0x1B8E;
	s24 =	sld [smem:$0x3FFE];
	[sflag:s23] =	ssyncadd.s32 $0xFFFFFFFF  }
0xa6: {  	s26 =	simm.s32 $execute0_lowered;
	[smem:$0x3FD2] =	sst s25  }
0xa7: {  	s6 =	sshll.u32 s26, $0x1;
	_ =	strace $0x80000046;
	[dreg:$0x1] =	wrdreg $0xFFFFFFFF  }
0xa8: {  	s28 =	simm.s32 $_size_execute0_lowered;
	s4 =	sadd.s32 s4, s6;
	[dreg:$0x0] =	wrdreg $0x0  }
0xa9: {  	s6 =	sshll.u32 s28, $0x1;
	[dreg:$0x2] =	wrdreg s4  }
0xaa: {  	[dreg:$0x3] =	wrdreg s6  }
0xab: {  	[dreg:$0x4] =	wrdreg $0xC0  }
0xac: {  	_ =	task [dreg:s8], $0x5FFFF  }
0xad: {  	[dreg:$0x1] =	wrdreg $0xFFFFFFFF  }
0xae: {  	[dreg:$0x0] =	wrdreg $0x60  }
0xaf: {  	[dreg:$0x2] =	wrdreg s18  }
0xb0: {  	[dreg:$0x3] =	wrdreg s2  }
0xb1: {  	[dreg:$0x4] =	wrdreg s24  }
0xb2: {  	[dreg:$0x5] =	wrdreg $0x9  }
0xb3: {  	_ =	task.clear_ibuf [dreg:s8], $0x6FFFF;
	_ =	strace $0x90000046  }
0xb4: {  	s29 =	simm.s32 $0x9;
	_ =	strace $0x80000048  }
0xb5: {  	_ =	swait.ge [sflag:s29], $0x1  }
0xb6: {  	[sflag:s29] =	ssyncadd.s32 $0xFFFFFFFF  }
0xb7: {  	_ =	strace $0x90000048  }
0xb8: {  	_ =	sfence  }
0xb9: {  	s30 =	sld [smem:$0x0];
	_ =	sdelay $0x2  }
0xba: {  	s31 =	sshll.u32 s1, $0xD;
	s1 =	sshrl.u32 s1, $0x2  }
0xbb: {  	s3 =	sand.u32 $0x4000, s31;
	s1 =	sadd.s32 s1, s30  }
0xbc: {  	s0 =	sor.u32 s3, s0;
	s1 =	sshll.u32 s1, $0x11  }
0xbd: {  	s0 =	sor.u32 s1, s0  }
0xbe: {  	s0 =	sadd.s32 $0x8F2B, s0  }
0xbf: {  	[sflag:s0] =	ssyncadd.remote.s32 $0x1  }
0xc0: {  	_ =	sfence.sel $0xFFFF  }
0xc1: {  	[dreg:$0x0] =	wrdreg $0xFFFFFFFF;
	(pc) =	sbr.abs _section_cstart, $3  }
0xc2: {  	[dreg:$0x1] =	wrdreg $0xFFFFFFFF  }
0xc3: {  	_ =	task.clear_ibuf [dreg:s8], $0x2FFFF;
	_ =	strace $0x9FFFFFFF  }
0xc4: {  	(tm) =	ssettm $0x7FFFFFFF  }
0xc5: {  	_ =	shalt  }
tec
execute0_lowered:
.L_overlay_start_1:
0x0: {  	(tag) =	ssettag $0x1  }
0x1: {  	s0 =	rddreg [dreg:$0x0]  }
0x2: {  	s1 =	srdreg.scid;
	s2 =	rddreg [dreg:$0x1]  }
0x3: {  	s3 =	stileid.u32;
	s5 =	rddreg [dreg:$0x2]  }
0x4: {  	s29 =	simm.s32 $0x2;
	s30 =	simm.s32 $0xCC00;
	s1 =	sand.u32 $0x1, s1  }
0x5: {  	s31 =	simm.s32 $0x5;
	s3 =	sshll.u32 s3, $0x8;
	s4 =	sshll.u32 s1, $0x7  }
0x6: {  	s28 =	simm.s32 $0x7;
	s5 =	sadd.s32 $0x400, s5;
	s3 =	sor.u32 s4, s3  }
0x7: {  	s1 =	ssub.s32 $0x2, s1;
	s4 =	simm.s32 $0x0;
	s6 =	smul.u32 $0x380, s3  }
0x8: {  	s7 =	sshrl.u32 s1, $0x1;
	[smem:$0x7FF] =	sst s4;
	s8 =	smul.u32 $0x1C00, s3  }
0x9: {  	s1 =	ssub.s32 s1, s7;
	s17 =	sshll.u32 s3, $0x4;
	s7 =	simm.s32 $0x8  }
0xa: {  	_ =	strace $0x80000047;
	s0 =	sadd.s32 s0, s17;
	s26 =	smax.u32 s1, $0x1  }
0xb: {  	s17 =	simm.s32 $0x32;
	s1 =	simm.s32 $0x3;
	[dreg:$0x5] =	wrdreg s0  }
0xc: {  	s9 =	sadd.s32 s5, s6;
	s18 =	sshrl.u32 s8, $0x3;
	[dreg:$0xd] =	wrdreg s26  }
0xd: {  	s26 =	simm.s32 $0xB000;
	s19 =	sadd.s32 $0x380, s9;
	[dreg:$0x4] =	wrdreg s9  }
0xe: {  	s8 =	simm.s32 $0x0;
	s21 =	sadd.s32 $0x700, s9;
	[dreg:$0x6] =	wrdreg s19  }
0xf: {  	s20 =	sadd.s32 s5, s18;
	s22 =	sadd.s32 $0xA80, s9;
	[dreg:$0x7] =	wrdreg s21  }
0x10: {  	s18 =	simm.s32 $0x4000;
	[dreg:$0x8] =	wrdreg s22;
	s23 =	sadd.s32 $0x1B200, s20  }
0x11: {  	s24 =	sadd.s32 $0x1B580, s20;
	s25 =	sadd.s32 $0x1B900, s20;
	[dreg:$0x9] =	wrdreg s23  }
0x12: {  	s0 =	sadd.s32 $0x1BC80, s20;
	s20 =	simm.s32 $0x5C00;
	[dreg:$0xa] =	wrdreg s24  }
0x13: {  	s22 =	simm.s32 $0x7800;
	s21 =	simm.s32 $0x4;
	[dreg:$0xb] =	wrdreg s25  }
0x14: {  	s19 =	simm.s32 $0x6;
	[dreg:$0xc] =	wrdreg s0;
	s24 =	simm.s32 $0x9400  }
0x15: {  	s25 =	simm.s32 $0x1;
	s0 =	simm.s32 $0xE800;
	s23 =	simm.s32 $0x10400  }
.LBB2_1:
0x16: {  	s6 =	rddreg [dreg:$0x5];
	s12 =	simm.s32 $0x9  }
0x17: {  	[tilespmem:s4], [sflag:$0x9] =	stream.linear.gather [hbm4b:s6+s4], $0x4000, $0x38;
	[tilespmem:$0x12000] =	vst v63  }
0x18: {  	_ =	swait.ge [sflag:s12], $0x4000  }
0x19: {  	[sflag:s12] =	ssyncset.done $0x0  }
0x1a: {  	[sflag:s12] =	ssyncadd.s32 $0xFFFFC000  }
0x1b: {  	[tilespmem:s18], [sflag:$0x1] =	stream.indirect.gather [hbm4b:s2+s17], $0x80, s4, s17, $0xb8;
	[tilespmem:$0x12000] =	vst v63  }
0x1c: {  	s13 =	simm.s32 $0x80  }
0x1d: {  	[tilespmem:s20], [sflag:$0x2] =	stream.indirect.gather [hbm4b:s2+s17], $0x80, s13, s17, $0xb8;
	[tilespmem:$0x12000] =	vst v63  }
0x1e: {  	s14 =	simm.s32 $0x100  }
0x1f: {  	[tilespmem:s22], [sflag:$0x3] =	stream.indirect.gather [hbm4b:s2+s17], $0x80, s14, s17, $0xb8;
	[tilespmem:$0x12000] =	vst v63  }
0x20: {  	s15 =	simm.s32 $0x180  }
0x21: {  	[tilespmem:s24], [sflag:$0x4] =	stream.indirect.gather [hbm4b:s2+s17], $0x80, s15, s17, $0xb8;
	[tilespmem:$0x12000] =	vst v63  }
0x22: {  	_ =	swait.ge [sflag:s25], $0x1900  }
0x23: {  	[sflag:s25] =	ssyncset.done $0x0  }
0x24: {  	s16 =	simm.s32 $0x4100;
	[sflag:s25] =	ssyncadd.s32 $0xFFFFE700  }
0x25: {  	v0 =	vld [tilespmem:s16+$0x80];
	_ =	sdelay $0x3  }
0x26: {  	v1 =	vld [tilespmem:s16+$0xFFFFFF00]  }
0x27: {  	v2 =	vld [tilespmem:s16+$0xFFFFFF80];
	v0 =	vmul.f32 $1.131370830e+01, v0  }
0x28: {  	s9 =	simm.s32 $0xB100;
	v3 =	vld [tilespmem:s16+$0x0]  }
0x29: {  	[tilespmem:s9+$0x80] =	vst v0  }
0x2a: {  	v0 =	vld [tilespmem:s16+$0x90]  }
0x2b: {  	v1 =	vmul.f32 $1.131370830e+01, v1  }
0x2c: {  	v2 =	vmul.f32 $1.131370830e+01, v2  }
0x2d: {  	v3 =	vmul.f32 $1.131370830e+01, v3;
	[tilespmem:s9+$0xFFFFFF00] =	vst v1  }
0x2e: {  	[tilespmem:s9+$0xFFFFFF80] =	vst v2;
	v1 =	vld [tilespmem:s16+$0xFFFFFF10]  }
0x2f: {  	[tilespmem:s9+$0x0] =	vst v3;
	v2 =	vld [tilespmem:s16+$0xFFFFFF90];
	v0 =	vmul.f32 $1.131370830e+01, v0  }
0x30: {  	v3 =	vld [tilespmem:s16+$0x10]  }
0x31: {  	[tilespmem:s9+$0x90] =	vst v0  }
0x32: {  	v0 =	vld [tilespmem:s16+$0xA0]  }
0x33: {  	v1 =	vmul.f32 $1.131370830e+01, v1  }
0x34: {  	v2 =	vmul.f32 $1.131370830e+01, v2  }
0x35: {  	v3 =	vmul.f32 $1.131370830e+01, v3;
	[tilespmem:s9+$0xFFFFFF10] =	vst v1  }
0x36: {  	[tilespmem:s9+$0xFFFFFF90] =	vst v2;
	v1 =	vld [tilespmem:s16+$0xFFFFFF20]  }
0x37: {  	[tilespmem:s9+$0x10] =	vst v3;
	v2 =	vld [tilespmem:s16+$0xFFFFFFA0];
	v0 =	vmul.f32 $1.131370830e+01, v0  }
0x38: {  	v3 =	vld [tilespmem:s16+$0x20]  }
0x39: {  	[tilespmem:s9+$0xA0] =	vst v0  }
0x3a: {  	v0 =	vld [tilespmem:s16+$0xB0]  }
0x3b: {  	v1 =	vmul.f32 $1.131370830e+01, v1  }
0x3c: {  	v2 =	vmul.f32 $1.131370830e+01, v2  }
0x3d: {  	v3 =	vmul.f32 $1.131370830e+01, v3;
	[tilespmem:s9+$0xFFFFFF20] =	vst v1  }
0x3e: {  	[tilespmem:s9+$0xFFFFFFA0] =	vst v2;
	v1 =	vld [tilespmem:s16+$0xFFFFFF30]  }
0x3f: {  	[tilespmem:s9+$0x20] =	vst v3;
	v2 =	vld [tilespmem:s16+$0xFFFFFFB0];
	v0 =	vmul.f32 $1.131370830e+01, v0  }
0x40: {  	s10 =	simm.s32 $0x4300;
	v3 =	vld [tilespmem:s16+$0x30]  }
0x41: {  	[tilespmem:s9+$0xB0] =	vst v0;
	v0 =	vld [tilespmem:s10+$0x80]  }
0x42: {  	v4 =	vld [tilespmem:s16+$0xC0]  }
0x43: {  	v5 =	vld [tilespmem:s10+$0xFFFFFF80];
	v1 =	vmul.f32 $1.131370830e+01, v1  }
0x44: {  	v6 =	vld [tilespmem:s10+$0x0];
	v2 =	vmul.f32 $1.131370830e+01, v2  }
0x45: {  	v3 =	vmul.f32 $1.131370830e+01, v3;
	[tilespmem:s9+$0xFFFFFF30] =	vst v1;
	v1 =	vld [tilespmem:s10+$0xFFFFFF00]  }
0x46: {  	[tilespmem:s9+$0xFFFFFFB0] =	vst v2;
	v2 =	vld [tilespmem:s16+$0xFFFFFF40];
	v0 =	vmul.f32 $1.131370830e+01, v0  }
0x47: {  	s11 =	simm.s32 $0xB300;
	[tilespmem:s9+$0x30] =	vst v3;
	v3 =	vld [tilespmem:s16+$0xFFFFFFC0];
	v4 =	vmul.f32 $1.131370830e+01, v4  }
0x48: {  	v5 =	vmul.f32 $1.131370830e+01, v5;
	[tilespmem:s11+$0x80] =	vst v0;
	v0 =	vld [tilespmem:s16+$0x40]  }
0x49: {  	v6 =	vmul.f32 $1.131370830e+01, v6;
	v7 =	vld [tilespmem:s10+$0x90];
	[tilespmem:s9+$0xC0] =	vst v4  }
0x4a: {  	[tilespmem:s11+$0xFFFFFF80] =	vst v5;
	v1 =	vmul.f32 $1.131370830e+01, v1;
	v4 =	vld [tilespmem:s16+$0xD0]  }
0x4b: {  	[tilespmem:s11+$0x0] =	vst v6;
	v5 =	vld [tilespmem:s10+$0xFFFFFF90];
	v2 =	vmul.f32 $1.131370830e+01, v2  }
0x4c: {  	v3 =	vmul.f32 $1.131370830e+01, v3;
	[tilespmem:s11+$0xFFFFFF00] =	vst v1;
	v1 =	vld [tilespmem:s10+$0x10]  }
0x4d: {  	v6 =	vld [tilespmem:s10+$0xFFFFFF10];
	[tilespmem:s9+$0xFFFFFF40] =	vst v2;
	v0 =	vmul.f32 $1.131370830e+01, v0  }
0x4e: {  	[tilespmem:s9+$0xFFFFFFC0] =	vst v3;
	v2 =	vmul.f32 $1.131370830e+01, v7;
	v7 =	vld [tilespmem:s16+$0xFFFFFF50]  }
0x4f: {  	v3 =	vld [tilespmem:s16+$0xFFFFFFD0];
	[tilespmem:s9+$0x40] =	vst v0;
	v0 =	vmul.f32 $1.131370830e+01, v4  }
0x50: {  	v4 =	vmul.f32 $1.131370830e+01, v5;
	[tilespmem:s11+$0x90] =	vst v2;
	v2 =	vld [tilespmem:s16+$0x50]  }
0x51: {  	v1 =	vmul.f32 $1.131370830e+01, v1;
	v5 =	vld [tilespmem:s10+$0xA0];
	[tilespmem:s9+$0xD0] =	vst v0  }
0x52: {  	v0 =	vmul.f32 $1.131370830e+01, v6;
	[tilespmem:s11+$0xFFFFFF90] =	vst v4;
	v4 =	vld [tilespmem:s16+$0xE0]  }
0x53: {  	[tilespmem:s11+$0x10] =	vst v1;
	v6 =	vld [tilespmem:s10+$0xFFFFFFA0];
	v1 =	vmul.f32 $1.131370830e+01, v7  }
0x54: {  	v3 =	vmul.f32 $1.131370830e+01, v3;
	[tilespmem:s11+$0xFFFFFF10] =	vst v0;
	v0 =	vld [tilespmem:s10+$0x20]  }
0x55: {  	v7 =	vld [tilespmem:s10+$0xFFFFFF20];
	[tilespmem:s9+$0xFFFFFF50] =	vst v1;
	v1 =	vmul.f32 $1.131370830e+01, v2  }
0x56: {  	[tilespmem:s9+$0xFFFFFFD0] =	vst v3;
	v2 =	vmul.f32 $1.131370830e+01, v5;
	v5 =	vld [tilespmem:s16+$0xFFFFFF60]  }
0x57: {  	v3 =	vld [tilespmem:s16+$0xFFFFFFE0];
	[tilespmem:s9+$0x50] =	vst v1;
	v1 =	vmul.f32 $1.131370830e+01, v4  }
0x58: {  	v4 =	vmul.f32 $1.131370830e+01, v6;
	[tilespmem:s11+$0xA0] =	vst v2;
	v2 =	vld [tilespmem:s16+$0x60]  }
0x59: {  	v0 =	vmul.f32 $1.131370830e+01, v0;
	v6 =	vld [tilespmem:s10+$0xB0];
	[tilespmem:s9+$0xE0] =	vst v1  }
0x5a: {  	v1 =	vmul.f32 $1.131370830e+01, v7;
	[tilespmem:s11+$0xFFFFFFA0] =	vst v4;
	v7 =	vld [tilespmem:s16+$0xF0]  }
0x5b: {  	v8 =	vld [tilespmem:s10+$0xFFFFFFB0];
	[tilespmem:s11+$0x20] =	vst v0;
	v0 =	vmul.f32 $1.131370830e+01, v5  }
0x5c: {  	v3 =	vmul.f32 $1.131370830e+01, v3;
	[tilespmem:s11+$0xFFFFFF20] =	vst v1;
	v4 =	vld [tilespmem:s10+$0x30]  }
0x5d: {  	v5 =	vld [tilespmem:s10+$0xFFFFFF30];
	[tilespmem:s9+$0xFFFFFF60] =	vst v0;
	v2 =	vmul.f32 $1.131370830e+01, v2  }
0x5e: {  	[tilespmem:s9+$0xFFFFFFE0] =	vst v3;
	v9 =	vmul.f32 $1.131370830e+01, v6;
	v1 =	vld [tilespmem:s16+$0xFFFFFF70]  }
0x5f: {  	v0 =	vld [tilespmem:s16+$0xFFFFFFF0];
	[tilespmem:s9+$0x60] =	vst v2;
	v3 =	vmul.f32 $1.131370830e+01, v7  }
0x60: {  	s12 =	simm.s32 $0x4;
	s13 =	simm.s32 $0x4500;
	v6 =	vmul.f32 $1.131370830e+01, v8;
	[tilespmem:s11+$0xB0] =	vst v9;
	v2 =	vld [tilespmem:s16+$0x70]  }
.LBB2_2:
0x61: {  	v7 =	vld [tilespmem:s13+$0x80];
	v4 =	vmul.f32 $1.131370830e+01, v4;
	[tilespmem:s9+$0xF0] =	vst v3  }
0x62: {  	s12 =	sadd.s32 $0x4, s12;
	v3 =	vmul.f32 $1.131370830e+01, v5;
	[tilespmem:s11+$0xFFFFFFB0] =	vst v6;
	v5 =	vld [tilespmem:s10+$0xC0]  }
0x63: {  	p0 =	slt.u32 s12, $0x2C;
	v6 =	vld [tilespmem:s13+$0xFFFFFF80];
	[tilespmem:s11+$0x30] =	vst v4;
	v1 =	vmul.f32 $1.131370830e+01, v1  }
0x64: {  	v4 =	vld [tilespmem:s13+$0x0];
	[tilespmem:s11+$0xFFFFFF30] =	vst v3;
	v0 =	vmul.f32 $1.131370830e+01, v0  }
0x65: {  	v3 =	vld [tilespmem:s13+$0xFFFFFF00];
	[tilespmem:s9+$0xFFFFFF70] =	vst v1;
	v1 =	vmul.f32 $1.131370830e+01, v2  }
0x66: {  	v2 =	vmul.f32 $1.131370830e+01, v7;
	v7 =	vld [tilespmem:s10+$0xFFFFFF40];
	[tilespmem:s9+$0xFFFFFFF0] =	vst v0  }
0x67: {  	v0 =	vld [tilespmem:s10+$0xFFFFFFC0];
	v5 =	vmul.f32 $1.131370830e+01, v5;
	[tilespmem:s9+$0x70] =	vst v1;
	s9 =	smov.u32 s11;
	s11 =	sadd.s32 $0x200, s11  }
0x68: {  	v1 =	vmul.f32 $1.131370830e+01, v6;
	[tilespmem:s11+$0x80] =	vst v2;
	v2 =	vld [tilespmem:s10+$0x40]  }
0x69: {  	v4 =	vmul.f32 $1.131370830e+01, v4;
	v6 =	vld [tilespmem:s13+$0x90];
	[tilespmem:s9+$0xC0] =	vst v5  }
0x6a: {  	v3 =	vmul.f32 $1.131370830e+01, v3;
	[tilespmem:s11+$0xFFFFFF80] =	vst v1;
	v1 =	vld [tilespmem:s10+$0xD0]  }
0x6b: {  	v5 =	vld [tilespmem:s13+$0xFFFFFF90];
	[tilespmem:s11+$0x0] =	vst v4;
	v4 =	vmul.f32 $1.131370830e+01, v7  }
0x6c: {  	[tilespmem:s11+$0xFFFFFF00] =	vst v3;
	v3 =	vld [tilespmem:s13+$0x10];
	v0 =	vmul.f32 $1.131370830e+01, v0  }
0x6d: {  	v7 =	vld [tilespmem:s13+$0xFFFFFF10];
	[tilespmem:s9+$0xFFFFFF40] =	vst v4;
	v2 =	vmul.f32 $1.131370830e+01, v2  }
0x6e: {  	v4 =	vmul.f32 $1.131370830e+01, v6;
	v6 =	vld [tilespmem:s10+$0xFFFFFF50];
	[tilespmem:s9+$0xFFFFFFC0] =	vst v0  }
0x6f: {  	v0 =	vld [tilespmem:s10+$0xFFFFFFD0];
	[tilespmem:s9+$0x40] =	vst v2;
	v1 =	vmul.f32 $1.131370830e+01, v1  }
0x70: {  	v2 =	vmul.f32 $1.131370830e+01, v5;
	[tilespmem:s11+$0x90] =	vst v4;
	v4 =	vld [tilespmem:s10+$0x50]  }
0x71: {  	v3 =	vmul.f32 $1.131370830e+01, v3;
	v5 =	vld [tilespmem:s13+$0xA0];
	[tilespmem:s9+$0xD0] =	vst v1  }
0x72: {  	v1 =	vmul.f32 $1.131370830e+01, v7;
	[tilespmem:s11+$0xFFFFFF90] =	vst v2;
	v2 =	vld [tilespmem:s10+$0xE0]  }
0x73: {  	v7 =	vld [tilespmem:s13+$0xFFFFFFA0];
	[tilespmem:s11+$0x10] =	vst v3;
	v3 =	vmul.f32 $1.131370830e+01, v6  }
0x74: {  	[tilespmem:s11+$0xFFFFFF10] =	vst v1;
	v1 =	vld [tilespmem:s13+$0x20];
	v0 =	vmul.f32 $1.131370830e+01, v0  }
0x75: {  	v6 =	vld [tilespmem:s13+$0xFFFFFF20];
	[tilespmem:s9+$0xFFFFFF50] =	vst v3;
	v3 =	vmul.f32 $1.131370830e+01, v4  }
0x76: {  	v4 =	vmul.f32 $1.131370830e+01, v5;
	v5 =	vld [tilespmem:s10+$0xFFFFFF60];
	[tilespmem:s9+$0xFFFFFFD0] =	vst v0  }
0x77: {  	v0 =	vld [tilespmem:s10+$0xFFFFFFE0];
	[tilespmem:s9+$0x50] =	vst v3;
	v2 =	vmul.f32 $1.131370830e+01, v2  }
0x78: {  	v3 =	vmul.f32 $1.131370830e+01, v7;
	[tilespmem:s11+$0xA0] =	vst v4;
	v7 =	vld [tilespmem:s10+$0x60]  }
0x79: {  	v1 =	vmul.f32 $1.131370830e+01, v1;
	v8 =	vld [tilespmem:s13+$0xB0];
	[tilespmem:s9+$0xE0] =	vst v2  }
0x7a: {  	v2 =	vmul.f32 $1.131370830e+01, v6;
	[tilespmem:s11+$0xFFFFFFA0] =	vst v3;
	v3 =	vld [tilespmem:s10+$0xF0]  }
0x7b: {  	v6 =	vld [tilespmem:s13+$0xFFFFFFB0];
	[tilespmem:s11+$0x20] =	vst v1;
	v1 =	vmul.f32 $1.131370830e+01, v5  }
.Ltmp0:
0x7c: {  	[tilespmem:s11+$0xFFFFFF20] =	vst v2;
	v4 =	vld [tilespmem:s13+$0x30];
	v0 =	vmul.f32 $1.131370830e+01, v0;
	(pc) =	sbr.rel @p0 .LBB2_2-.Ltmp0, $4  }
0x7d: {  	v5 =	vld [tilespmem:s13+$0xFFFFFF30];
	[tilespmem:s9+$0xFFFFFF60] =	vst v1;
	v2 =	vmul.f32 $1.131370830e+01, v7  }
0x7e: {  	v7 =	vmul.f32 $1.131370830e+01, v8;
	v1 =	vld [tilespmem:s10+$0xFFFFFF70];
	[tilespmem:s9+$0xFFFFFFE0] =	vst v0  }
0x7f: {  	v0 =	vld [tilespmem:s10+$0xFFFFFFF0];
	[tilespmem:s9+$0x60] =	vst v2;
	v3 =	vmul.f32 $1.131370830e+01, v3  }
0x80: {  	v6 =	vmul.f32 $1.131370830e+01, v6;
	[tilespmem:s11+$0xB0] =	vst v7;
	v2 =	vld [tilespmem:s10+$0x70];
	s10 =	smov.u32 s13;
	s13 =	sadd.s32 $0x200, s13  }
0x81: {  	v4 =	vmul.f32 $1.131370830e+01, v4  }
0x82: {  	v7 =	vld [tilespmem:s10+$0xC0];
	v5 =	vmul.f32 $1.131370830e+01, v5;
	[tilespmem:s11+$0xFFFFFFB0] =	vst v6  }
0x83: {  	[tilespmem:s11+$0x30] =	vst v4;
	v51 =	vld [tilespmem:s10+$0xFFFFFFC0]  }
0x84: {  	[tilespmem:s11+$0xFFFFFF30] =	vst v5;
	v52 =	vld [tilespmem:s10+$0x40]  }
0x85: {  	v5 =	vld [tilespmem:s10+$0xFFFFFF40];
	_ =	sdelay $0x1  }
0x86: {  	v7 =	vmul.f32 $1.131370830e+01, v7  }
0x87: {  	v4 =	vmul.f32 $1.131370830e+01, v51  }
0x88: {  	[tilespmem:s11+$0xC0] =	vst v7;
	v53 =	vmul.f32 $1.131370830e+01, v52  }
0x89: {  	v7 =	vld [tilespmem:s10+$0xD0];
	v5 =	vmul.f32 $1.131370830e+01, v5;
	[tilespmem:s11+$0xFFFFFFC0] =	vst v4  }
0x8a: {  	v4 =	vld [tilespmem:s10+$0xFFFFFFD0];
	[tilespmem:s11+$0x40] =	vst v53  }
0x8b: {  	[tilespmem:s11+$0xFFFFFF40] =	vst v5;
	v5 =	vld [tilespmem:s10+$0x50]  }
0x8c: {  	v54 =	vld [tilespmem:s10+$0xFFFFFF50];
	_ =	sdelay $0x1  }
0x8d: {  	v7 =	vmul.f32 $1.131370830e+01, v7  }
0x8e: {  	v4 =	vmul.f32 $1.131370830e+01, v4  }
0x8f: {  	[tilespmem:s11+$0xD0] =	vst v7;
	v5 =	vmul.f32 $1.131370830e+01, v5  }
0x90: {  	v7 =	vld [tilespmem:s10+$0xE0];
	v6 =	vmul.f32 $1.131370830e+01, v54;
	[tilespmem:s11+$0xFFFFFFD0] =	vst v4  }
0x91: {  	v4 =	vld [tilespmem:s10+$0xFFFFFFE0];
	[tilespmem:s11+$0x50] =	vst v5  }
0x92: {  	[tilespmem:s11+$0xFFFFFF50] =	vst v6;
	v5 =	vld [tilespmem:s10+$0x60]  }
0x93: {  	v6 =	vld [tilespmem:s10+$0xFFFFFF60];
	_ =	sdelay $0x1  }
0x94: {  	v7 =	vmul.f32 $1.131370830e+01, v7  }
0x95: {  	v4 =	vmul.f32 $1.131370830e+01, v4  }
0x96: {  	[tilespmem:s11+$0xE0] =	vst v7;
	v5 =	vmul.f32 $1.131370830e+01, v5  }
0x97: {  	v55 =	vld [tilespmem:s10+$0xF0];
	v6 =	vmul.f32 $1.131370830e+01, v6;
	[tilespmem:s11+$0xFFFFFFE0] =	vst v4  }
0x98: {  	[tilespmem:s11+$0x60] =	vst v5;
	v57 =	vld [tilespmem:s10+$0xFFFFFFF0]  }
0x99: {  	v1 =	vmul.f32 $1.131370830e+01, v1;
	[tilespmem:s11+$0xFFFFFF60] =	vst v6;
	v58 =	vld [tilespmem:s10+$0x70]  }
0x9a: {  	[tilespmem:s9+$0xF0] =	vst v3;
	v0 =	vmul.f32 $1.131370830e+01, v0;
	v56 =	vld [tilespmem:s10+$0xFFFFFF70]  }
0x9b: {  	[tilespmem:s9+$0xFFFFFF70] =	vst v1;
	v59 =	vmul.f32 $1.131370830e+01, v2  }
0x9c: {  	[tilespmem:s9+$0xFFFFFFF0] =	vst v0;
	v60 =	vmul.f32 $1.131370830e+01, v55  }
0x9d: {  	[tilespmem:s9+$0x70] =	vst v59;
	v62 =	vmul.f32 $1.131370830e+01, v57  }
0x9e: {  	[tilespmem:s11+$0xF0] =	vst v60;
	v63 =	vmul.f32 $1.131370830e+01, v58  }
0x9f: {  	v61 =	vmul.f32 $1.131370830e+01, v56;
	[tilespmem:s11+$0xFFFFFFF0] =	vst v62  }
0xa0: {  	[tilespmem:s11+$0x70] =	vst v63  }
0xa1: {  	s6 =	simm.s32 $0x0;
	[tilespmem:s11+$0xFFFFFF70] =	vst v61  }
.LBB2_4:
0xa2: {  	s9 =	sshra.s32 s6, $0x2  }
0xa3: {  	v0 =	vld [tilespmem:s9+$0x5800]  }
0xa4: {  	v1 =	vld [tilespmem:s9+$0x5810]  }
0xa5: {  	v2 =	vld [tilespmem:s9+$0x5820]  }
0xa6: {  	v3 =	vld [tilespmem:s9+$0x5830]  }
0xa7: {  	v4 =	vld [tilespmem:s9+$0x5840]  }
0xa8: {  	v5 =	vld [tilespmem:s9+$0x5850];
	v0 =	vmul.f32 $1.131370830e+01, v0  }
0xa9: {  	v6 =	vld [tilespmem:s9+$0x5860];
	v1 =	vmul.f32 $1.131370830e+01, v1  }
0xaa: {  	v58 =	vld [tilespmem:s9+$0x5870];
	v57 =	vmul.f32 $1.131370830e+01, v2;
	[tilespmem:s9+$0xC800] =	vst v0  }
0xab: {  	v59 =	vmul.f32 $1.131370830e+01, v3;
	[tilespmem:s9+$0xC810] =	vst v1  }
0xac: {  	p0 =	sne.s32 s6, $0x200;
	v60 =	vmul.f32 $1.131370830e+01, v4;
	[tilespmem:s9+$0xC820] =	vst v57  }
.Ltmp1:
0xad: {  	v61 =	vmul.f32 $1.131370830e+01, v5;
	[tilespmem:s9+$0xC830] =	vst v59;
	(pc) =	sbr.rel @p0 .LBB2_4-.Ltmp1, $4  }
0xae: {  	v62 =	vmul.f32 $1.131370830e+01, v6;
	[tilespmem:s9+$0xC840] =	vst v60  }
0xaf: {  	v63 =	vmul.f32 $1.131370830e+01, v58;
	[tilespmem:s9+$0xC850] =	vst v61  }
0xb0: {  	[tilespmem:s9+$0xC860] =	vst v62  }
0xb1: {  	s6 =	sadd.s32 $0x200, s6;
	[tilespmem:s9+$0xC870] =	vst v63  }
0xb2: {  	s6 =	rddreg [dreg:$0x4]  }
0xb3: {  	[hbm4b:s6+s4] =	stream.linear.scatter [tilespmem:s26], [sflag:$0x5], $0x1900, $0x38;
	[tilespmem:$0x12000] =	vst v63  }
0xb4: {  	s15 =	simm.s32 $0x200  }
0xb5: {  	[tilespmem:s18], [sflag:$0x1] =	stream.indirect.gather [hbm4b:s2+s17], $0x80, s15, s17, $0xb8;
	[tilespmem:$0x12000] =	vst v63  }
0xb6: {  	_ =	swait.ge [sflag:s29], $0x1900  }
0xb7: {  	[sflag:s29] =	ssyncset.done $0x0  }
0xb8: {  	s16 =	simm.s32 $0x5D00;
	[sflag:s29] =	ssyncadd.s32 $0xFFFFE700  }
0xb9: {  	v0 =	vld [tilespmem:s16+$0x80];
	_ =	sdelay $0x3  }
0xba: {  	v1 =	vld [tilespmem:s16+$0xFFFFFF00]  }
0xbb: {  	v2 =	vld [tilespmem:s16+$0xFFFFFF80];
	v0 =	vmul.f32 $1.131370830e+01, v0  }
0xbc: {  	s9 =	simm.s32 $0xCD00;
	v3 =	vld [tilespmem:s16+$0x0]  }
0xbd: {  	[tilespmem:s9+$0x80] =	vst v0  }
0xbe: {  	v0 =	vld [tilespmem:s16+$0x90]  }
0xbf: {  	v1 =	vmul.f32 $1.131370830e+01, v1  }
0xc0: {  	v2 =	vmul.f32 $1.131370830e+01, v2  }
0xc1: {  	v3 =	vmul.f32 $1.131370830e+01, v3;
	[tilespmem:s9+$0xFFFFFF00] =	vst v1  }
0xc2: {  	[tilespmem:s9+$0xFFFFFF80] =	vst v2;
	v1 =	vld [tilespmem:s16+$0xFFFFFF10]  }
0xc3: {  	[tilespmem:s9+$0x0] =	vst v3;
	v2 =	vld [tilespmem:s16+$0xFFFFFF90];
	v0 =	vmul.f32 $1.131370830e+01, v0  }
0xc4: {  	v3 =	vld [tilespmem:s16+$0x10]  }
0xc5: {  	[tilespmem:s9+$0x90] =	vst v0  }
0xc6: {  	v0 =	vld [tilespmem:s16+$0xA0]  }
0xc7: {  	v1 =	vmul.f32 $1.131370830e+01, v1  }
0xc8: {  	v2 =	vmul.f32 $1.131370830e+01, v2  }
0xc9: {  	v3 =	vmul.f32 $1.131370830e+01, v3;
	[tilespmem:s9+$0xFFFFFF10] =	vst v1  }
0xca: {  	[tilespmem:s9+$0xFFFFFF90] =	vst v2;
	v1 =	vld [tilespmem:s16+$0xFFFFFF20]  }
0xcb: {  	[tilespmem:s9+$0x10] =	vst v3;
	v2 =	vld [tilespmem:s16+$0xFFFFFFA0];
	v0 =	vmul.f32 $1.131370830e+01, v0  }
0xcc: {  	v3 =	vld [tilespmem:s16+$0x20]  }
0xcd: {  	[tilespmem:s9+$0xA0] =	vst v0  }
0xce: {  	v0 =	vld [tilespmem:s16+$0xB0]  }
0xcf: {  	v1 =	vmul.f32 $1.131370830e+01, v1  }
0xd0: {  	v2 =	vmul.f32 $1.131370830e+01, v2  }
0xd1: {  	v3 =	vmul.f32 $1.131370830e+01, v3;
	[tilespmem:s9+$0xFFFFFF20] =	vst v1  }
0xd2: {  	[tilespmem:s9+$0xFFFFFFA0] =	vst v2;
	v1 =	vld [tilespmem:s16+$0xFFFFFF30]  }
0xd3: {  	[tilespmem:s9+$0x20] =	vst v3;
	v2 =	vld [tilespmem:s16+$0xFFFFFFB0];
	v0 =	vmul.f32 $1.131370830e+01, v0  }
0xd4: {  	s10 =	simm.s32 $0x5F00;
	v3 =	vld [tilespmem:s16+$0x30]  }
0xd5: {  	[tilespmem:s9+$0xB0] =	vst v0;
	v0 =	vld [tilespmem:s10+$0x80]  }
0xd6: {  	v4 =	vld [tilespmem:s16+$0xC0]  }
0xd7: {  	v5 =	vld [tilespmem:s10+$0xFFFFFF80];
	v1 =	vmul.f32 $1.131370830e+01, v1  }
0xd8: {  	v6 =	vld [tilespmem:s10+$0x0];
	v2 =	vmul.f32 $1.131370830e+01, v2  }
0xd9: {  	v3 =	vmul.f32 $1.131370830e+01, v3;
	[tilespmem:s9+$0xFFFFFF30] =	vst v1;
	v1 =	vld [tilespmem:s10+$0xFFFFFF00]  }
0xda: {  	[tilespmem:s9+$0xFFFFFFB0] =	vst v2;
	v2 =	vld [tilespmem:s16+$0xFFFFFF40];
	v0 =	vmul.f32 $1.131370830e+01, v0  }
0xdb: {  	s11 =	simm.s32 $0xCF00;
	[tilespmem:s9+$0x30] =	vst v3;
	v3 =	vld [tilespmem:s16+$0xFFFFFFC0];
	v4 =	vmul.f32 $1.131370830e+01, v4  }
0xdc: {  	v5 =	vmul.f32 $1.131370830e+01, v5;
	[tilespmem:s11+$0x80] =	vst v0;
	v0 =	vld [tilespmem:s16+$0x40]  }
0xdd: {  	v6 =	vmul.f32 $1.131370830e+01, v6;
	v7 =	vld [tilespmem:s10+$0x90];
	[tilespmem:s9+$0xC0] =	vst v4  }
0xde: {  	[tilespmem:s11+$0xFFFFFF80] =	vst v5;
	v1 =	vmul.f32 $1.131370830e+01, v1;
	v4 =	vld [tilespmem:s16+$0xD0]  }
0xdf: {  	[tilespmem:s11+$0x0] =	vst v6;
	v5 =	vld [tilespmem:s10+$0xFFFFFF90];
	v2 =	vmul.f32 $1.131370830e+01, v2  }
0xe0: {  	v3 =	vmul.f32 $1.131370830e+01, v3;
	[tilespmem:s11+$0xFFFFFF00] =	vst v1;
	v1 =	vld [tilespmem:s10+$0x10]  }
0xe1: {  	v6 =	vld [tilespmem:s10+$0xFFFFFF10];
	[tilespmem:s9+$0xFFFFFF40] =	vst v2;
	v0 =	vmul.f32 $1.131370830e+01, v0  }
0xe2: {  	[tilespmem:s9+$0xFFFFFFC0] =	vst v3;
	v2 =	vmul.f32 $1.131370830e+01, v7;
	v7 =	vld [tilespmem:s16+$0xFFFFFF50]  }
0xe3: {  	v3 =	vld [tilespmem:s16+$0xFFFFFFD0];
	[tilespmem:s9+$0x40] =	vst v0;
	v0 =	vmul.f32 $1.131370830e+01, v4  }
0xe4: {  	v4 =	vmul.f32 $1.131370830e+01, v5;
	[tilespmem:s11+$0x90] =	vst v2;
	v2 =	vld [tilespmem:s16+$0x50]  }
0xe5: {  	v1 =	vmul.f32 $1.131370830e+01, v1;
	v5 =	vld [tilespmem:s10+$0xA0];
	[tilespmem:s9+$0xD0] =	vst v0  }
0xe6: {  	v0 =	vmul.f32 $1.131370830e+01, v6;
	[tilespmem:s11+$0xFFFFFF90] =	vst v4;
	v4 =	vld [tilespmem:s16+$0xE0]  }
0xe7: {  	[tilespmem:s11+$0x10] =	vst v1;
	v6 =	vld [tilespmem:s10+$0xFFFFFFA0];
	v1 =	vmul.f32 $1.131370830e+01, v7  }
0xe8: {  	v3 =	vmul.f32 $1.131370830e+01, v3;
	[tilespmem:s11+$0xFFFFFF10] =	vst v0;
	v0 =	vld [tilespmem:s10+$0x20]  }
0xe9: {  	v7 =	vld [tilespmem:s10+$0xFFFFFF20];
	[tilespmem:s9+$0xFFFFFF50] =	vst v1;
	v1 =	vmul.f32 $1.131370830e+01, v2  }
0xea: {  	[tilespmem:s9+$0xFFFFFFD0] =	vst v3;
	v2 =	vmul.f32 $1.131370830e+01, v5;
	v5 =	vld [tilespmem:s16+$0xFFFFFF60]  }
0xeb: {  	v3 =	vld [tilespmem:s16+$0xFFFFFFE0];
	[tilespmem:s9+$0x50] =	vst v1;
	v1 =	vmul.f32 $1.131370830e+01, v4  }
0xec: {  	v4 =	vmul.f32 $1.131370830e+01, v6;
	[tilespmem:s11+$0xA0] =	vst v2;
	v2 =	vld [tilespmem:s16+$0x60]  }
0xed: {  	v0 =	vmul.f32 $1.131370830e+01, v0;
	v6 =	vld [tilespmem:s10+$0xB0];
	[tilespmem:s9+$0xE0] =	vst v1  }
0xee: {  	v1 =	vmul.f32 $1.131370830e+01, v7;
	[tilespmem:s11+$0xFFFFFFA0] =	vst v4;
	v7 =	vld [tilespmem:s16+$0xF0]  }
0xef: {  	v8 =	vld [tilespmem:s10+$0xFFFFFFB0];
	[tilespmem:s11+$0x20] =	vst v0;
	v0 =	vmul.f32 $1.131370830e+01, v5  }
0xf0: {  	v3 =	vmul.f32 $1.131370830e+01, v3;
	[tilespmem:s11+$0xFFFFFF20] =	vst v1;
	v4 =	vld [tilespmem:s10+$0x30]  }
0xf1: {  	v5 =	vld [tilespmem:s10+$0xFFFFFF30];
	[tilespmem:s9+$0xFFFFFF60] =	vst v0;
	v2 =	vmul.f32 $1.131370830e+01, v2  }
0xf2: {  	[tilespmem:s9+$0xFFFFFFE0] =	vst v3;
	v9 =	vmul.f32 $1.131370830e+01, v6;
	v1 =	vld [tilespmem:s16+$0xFFFFFF70]  }
0xf3: {  	v0 =	vld [tilespmem:s16+$0xFFFFFFF0];
	[tilespmem:s9+$0x60] =	vst v2;
	v3 =	vmul.f32 $1.131370830e+01, v7  }
0xf4: {  	s12 =	simm.s32 $0x4;
	s13 =	simm.s32 $0x6100;
	v6 =	vmul.f32 $1.131370830e+01, v8;
	[tilespmem:s11+$0xB0] =	vst v9;
	v2 =	vld [tilespmem:s16+$0x70]  }
.LBB2_6:
0xf5: {  	v7 =	vld [tilespmem:s13+$0x80];
	v4 =	vmul.f32 $1.131370830e+01, v4;
	[tilespmem:s9+$0xF0] =	vst v3  }
0xf6: {  	s12 =	sadd.s32 $0x4, s12;
	v3 =	vmul.f32 $1.131370830e+01, v5;
	[tilespmem:s11+$0xFFFFFFB0] =	vst v6;
	v5 =	vld [tilespmem:s10+$0xC0]  }
0xf7: {  	p0 =	slt.u32 s12, $0x2C;
	v6 =	vld [tilespmem:s13+$0xFFFFFF80];
	[tilespmem:s11+$0x30] =	vst v4;
	v1 =	vmul.f32 $1.131370830e+01, v1  }
0xf8: {  	v4 =	vld [tilespmem:s13+$0x0];
	[tilespmem:s11+$0xFFFFFF30] =	vst v3;
	v0 =	vmul.f32 $1.131370830e+01, v0  }
0xf9: {  	v3 =	vld [tilespmem:s13+$0xFFFFFF00];
	[tilespmem:s9+$0xFFFFFF70] =	vst v1;
	v1 =	vmul.f32 $1.131370830e+01, v2  }
0xfa: {  	v2 =	vmul.f32 $1.131370830e+01, v7;
	v7 =	vld [tilespmem:s10+$0xFFFFFF40];
	[tilespmem:s9+$0xFFFFFFF0] =	vst v0  }
0xfb: {  	v0 =	vld [tilespmem:s10+$0xFFFFFFC0];
	v5 =	vmul.f32 $1.131370830e+01, v5;
	[tilespmem:s9+$0x70] =	vst v1;
	s9 =	smov.u32 s11;
	s11 =	sadd.s32 $0x200, s11  }
0xfc: {  	v1 =	vmul.f32 $1.131370830e+01, v6;
	[tilespmem:s11+$0x80] =	vst v2;
	v2 =	vld [tilespmem:s10+$0x40]  }
0xfd: {  	v4 =	vmul.f32 $1.131370830e+01, v4;
	v6 =	vld [tilespmem:s13+$0x90];
	[tilespmem:s9+$0xC0] =	vst v5  }
0xfe: {  	v3 =	vmul.f32 $1.131370830e+01, v3;
	[tilespmem:s11+$0xFFFFFF80] =	vst v1;
	v1 =	vld [tilespmem:s10+$0xD0]  }
0xff: {  	v5 =	vld [tilespmem:s13+$0xFFFFFF90];
	[tilespmem:s11+$0x0] =	vst v4;
	v4 =	vmul.f32 $1.131370830e+01, v7  }
0x100: {  	[tilespmem:s11+$0xFFFFFF00] =	vst v3;
	v3 =	vld [tilespmem:s13+$0x10];
	v0 =	vmul.f32 $1.131370830e+01, v0  }
0x101: {  	v7 =	vld [tilespmem:s13+$0xFFFFFF10];
	[tilespmem:s9+$0xFFFFFF40] =	vst v4;
	v2 =	vmul.f32 $1.131370830e+01, v2  }
0x102: {  	v4 =	vmul.f32 $1.131370830e+01, v6;
	v6 =	vld [tilespmem:s10+$0xFFFFFF50];
	[tilespmem:s9+$0xFFFFFFC0] =	vst v0  }
0x103: {  	v0 =	vld [tilespmem:s10+$0xFFFFFFD0];
	[tilespmem:s9+$0x40] =	vst v2;
	v1 =	vmul.f32 $1.131370830e+01, v1  }
0x104: {  	v2 =	vmul.f32 $1.131370830e+01, v5;
	[tilespmem:s11+$0x90] =	vst v4;
	v4 =	vld [tilespmem:s10+$0x50]  }
0x105: {  	v3 =	vmul.f32 $1.131370830e+01, v3;
	v5 =	vld [tilespmem:s13+$0xA0];
	[tilespmem:s9+$0xD0] =	vst v1  }
0x106: {  	v1 =	vmul.f32 $1.131370830e+01, v7;
	[tilespmem:s11+$0xFFFFFF90] =	vst v2;
	v2 =	vld [tilespmem:s10+$0xE0]  }
0x107: {  	v7 =	vld [tilespmem:s13+$0xFFFFFFA0];
	[tilespmem:s11+$0x10] =	vst v3;
	v3 =	vmul.f32 $1.131370830e+01, v6  }
0x108: {  	[tilespmem:s11+$0xFFFFFF10] =	vst v1;
	v1 =	vld [tilespmem:s13+$0x20];
	v0 =	vmul.f32 $1.131370830e+01, v0  }
0x109: {  	v6 =	vld [tilespmem:s13+$0xFFFFFF20];
	[tilespmem:s9+$0xFFFFFF50] =	vst v3;
	v3 =	vmul.f32 $1.131370830e+01, v4  }
0x10a: {  	v4 =	vmul.f32 $1.131370830e+01, v5;
	v5 =	vld [tilespmem:s10+$0xFFFFFF60];
	[tilespmem:s9+$0xFFFFFFD0] =	vst v0  }
0x10b: {  	v0 =	vld [tilespmem:s10+$0xFFFFFFE0];
	[tilespmem:s9+$0x50] =	vst v3;
	v2 =	vmul.f32 $1.131370830e+01, v2  }
0x10c: {  	v3 =	vmul.f32 $1.131370830e+01, v7;
	[tilespmem:s11+$0xA0] =	vst v4;
	v7 =	vld [tilespmem:s10+$0x60]  }
0x10d: {  	v1 =	vmul.f32 $1.131370830e+01, v1;
	v8 =	vld [tilespmem:s13+$0xB0];
	[tilespmem:s9+$0xE0] =	vst v2  }
0x10e: {  	v2 =	vmul.f32 $1.131370830e+01, v6;
	[tilespmem:s11+$0xFFFFFFA0] =	vst v3;
	v3 =	vld [tilespmem:s10+$0xF0]  }
0x10f: {  	v6 =	vld [tilespmem:s13+$0xFFFFFFB0];
	[tilespmem:s11+$0x20] =	vst v1;
	v1 =	vmul.f32 $1.131370830e+01, v5  }
.Ltmp2:
0x110: {  	[tilespmem:s11+$0xFFFFFF20] =	vst v2;
	v4 =	vld [tilespmem:s13+$0x30];
	v0 =	vmul.f32 $1.131370830e+01, v0;
	(pc) =	sbr.rel @p0 .LBB2_6-.Ltmp2, $4  }
0x111: {  	v5 =	vld [tilespmem:s13+$0xFFFFFF30];
	[tilespmem:s9+$0xFFFFFF60] =	vst v1;
	v2 =	vmul.f32 $1.131370830e+01, v7  }
0x112: {  	v7 =	vmul.f32 $1.131370830e+01, v8;
	v1 =	vld [tilespmem:s10+$0xFFFFFF70];
	[tilespmem:s9+$0xFFFFFFE0] =	vst v0  }
0x113: {  	v0 =	vld [tilespmem:s10+$0xFFFFFFF0];
	[tilespmem:s9+$0x60] =	vst v2;
	v3 =	vmul.f32 $1.131370830e+01, v3  }
0x114: {  	v6 =	vmul.f32 $1.131370830e+01, v6;
	[tilespmem:s11+$0xB0] =	vst v7;
	v2 =	vld [tilespmem:s10+$0x70];
	s10 =	smov.u32 s13;
	s13 =	sadd.s32 $0x200, s13  }
0x115: {  	v4 =	vmul.f32 $1.131370830e+01, v4  }
0x116: {  	v7 =	vld [tilespmem:s10+$0xC0];
	v5 =	vmul.f32 $1.131370830e+01, v5;
	[tilespmem:s11+$0xFFFFFFB0] =	vst v6  }
0x117: {  	[tilespmem:s11+$0x30] =	vst v4;
	v51 =	vld [tilespmem:s10+$0xFFFFFFC0]  }
0x118: {  	[tilespmem:s11+$0xFFFFFF30] =	vst v5;
	v52 =	vld [tilespmem:s10+$0x40]  }
0x119: {  	v5 =	vld [tilespmem:s10+$0xFFFFFF40];
	_ =	sdelay $0x1  }
0x11a: {  	v7 =	vmul.f32 $1.131370830e+01, v7  }
0x11b: {  	v4 =	vmul.f32 $1.131370830e+01, v51  }
0x11c: {  	[tilespmem:s11+$0xC0] =	vst v7;
	v53 =	vmul.f32 $1.131370830e+01, v52  }
0x11d: {  	v7 =	vld [tilespmem:s10+$0xD0];
	v5 =	vmul.f32 $1.131370830e+01, v5;
	[tilespmem:s11+$0xFFFFFFC0] =	vst v4  }
0x11e: {  	v4 =	vld [tilespmem:s10+$0xFFFFFFD0];
	[tilespmem:s11+$0x40] =	vst v53  }
0x11f: {  	[tilespmem:s11+$0xFFFFFF40] =	vst v5;
	v5 =	vld [tilespmem:s10+$0x50]  }
0x120: {  	v54 =	vld [tilespmem:s10+$0xFFFFFF50];
	_ =	sdelay $0x1  }
0x121: {  	v7 =	vmul.f32 $1.131370830e+01, v7  }
0x122: {  	v4 =	vmul.f32 $1.131370830e+01, v4  }
0x123: {  	[tilespmem:s11+$0xD0] =	vst v7;
	v5 =	vmul.f32 $1.131370830e+01, v5  }
0x124: {  	v7 =	vld [tilespmem:s10+$0xE0];
	v6 =	vmul.f32 $1.131370830e+01, v54;
	[tilespmem:s11+$0xFFFFFFD0] =	vst v4  }
0x125: {  	v4 =	vld [tilespmem:s10+$0xFFFFFFE0];
	[tilespmem:s11+$0x50] =	vst v5  }
0x126: {  	[tilespmem:s11+$0xFFFFFF50] =	vst v6;
	v5 =	vld [tilespmem:s10+$0x60]  }
0x127: {  	v6 =	vld [tilespmem:s10+$0xFFFFFF60];
	_ =	sdelay $0x1  }
0x128: {  	v7 =	vmul.f32 $1.131370830e+01, v7  }
0x129: {  	v4 =	vmul.f32 $1.131370830e+01, v4  }
0x12a: {  	[tilespmem:s11+$0xE0] =	vst v7;
	v5 =	vmul.f32 $1.131370830e+01, v5  }
0x12b: {  	v55 =	vld [tilespmem:s10+$0xF0];
	v6 =	vmul.f32 $1.131370830e+01, v6;
	[tilespmem:s11+$0xFFFFFFE0] =	vst v4  }
0x12c: {  	[tilespmem:s11+$0x60] =	vst v5;
	v57 =	vld [tilespmem:s10+$0xFFFFFFF0]  }
0x12d: {  	v1 =	vmul.f32 $1.131370830e+01, v1;
	[tilespmem:s11+$0xFFFFFF60] =	vst v6;
	v58 =	vld [tilespmem:s10+$0x70]  }
0x12e: {  	[tilespmem:s9+$0xF0] =	vst v3;
	v0 =	vmul.f32 $1.131370830e+01, v0;
	v56 =	vld [tilespmem:s10+$0xFFFFFF70]  }
0x12f: {  	[tilespmem:s9+$0xFFFFFF70] =	vst v1;
	v59 =	vmul.f32 $1.131370830e+01, v2  }
0x130: {  	[tilespmem:s9+$0xFFFFFFF0] =	vst v0;
	v60 =	vmul.f32 $1.131370830e+01, v55  }
0x131: {  	[tilespmem:s9+$0x70] =	vst v59;
	v62 =	vmul.f32 $1.131370830e+01, v57  }
0x132: {  	[tilespmem:s11+$0xF0] =	vst v60;
	v63 =	vmul.f32 $1.131370830e+01, v58  }
0x133: {  	v61 =	vmul.f32 $1.131370830e+01, v56;
	[tilespmem:s11+$0xFFFFFFF0] =	vst v62  }
0x134: {  	[tilespmem:s11+$0x70] =	vst v63  }
0x135: {  	s6 =	simm.s32 $0x0;
	[tilespmem:s11+$0xFFFFFF70] =	vst v61  }
.LBB2_8:
0x136: {  	s9 =	sshra.s32 s6, $0x2  }
0x137: {  	v0 =	vld [tilespmem:s9+$0x7400]  }
0x138: {  	v1 =	vld [tilespmem:s9+$0x7410]  }
0x139: {  	v2 =	vld [tilespmem:s9+$0x7420]  }
0x13a: {  	v3 =	vld [tilespmem:s9+$0x7430]  }
0x13b: {  	v4 =	vld [tilespmem:s9+$0x7440]  }
0x13c: {  	v5 =	vld [tilespmem:s9+$0x7450];
	v0 =	vmul.f32 $1.131370830e+01, v0  }
0x13d: {  	v6 =	vld [tilespmem:s9+$0x7460];
	v1 =	vmul.f32 $1.131370830e+01, v1  }
0x13e: {  	v58 =	vld [tilespmem:s9+$0x7470];
	v57 =	vmul.f32 $1.131370830e+01, v2;
	[tilespmem:s9+$0xE400] =	vst v0  }
0x13f: {  	v59 =	vmul.f32 $1.131370830e+01, v3;
	[tilespmem:s9+$0xE410] =	vst v1  }
0x140: {  	p0 =	sne.s32 s6, $0x200;
	v60 =	vmul.f32 $1.131370830e+01, v4;
	[tilespmem:s9+$0xE420] =	vst v57  }
.Ltmp3:
0x141: {  	v61 =	vmul.f32 $1.131370830e+01, v5;
	[tilespmem:s9+$0xE430] =	vst v59;
	(pc) =	sbr.rel @p0 .LBB2_8-.Ltmp3, $4  }
0x142: {  	v62 =	vmul.f32 $1.131370830e+01, v6;
	[tilespmem:s9+$0xE440] =	vst v60  }
0x143: {  	v63 =	vmul.f32 $1.131370830e+01, v58;
	[tilespmem:s9+$0xE450] =	vst v61  }
0x144: {  	[tilespmem:s9+$0xE460] =	vst v62  }
0x145: {  	s6 =	sadd.s32 $0x200, s6;
	[tilespmem:s9+$0xE470] =	vst v63  }
0x146: {  	s6 =	rddreg [dreg:$0x6]  }
0x147: {  	[hbm4b:s6+s4] =	stream.linear.scatter [tilespmem:s30], [sflag:$0x6], $0x1900, $0x38;
	[tilespmem:$0x12000] =	vst v63  }
0x148: {  	s15 =	simm.s32 $0x280  }
0x149: {  	[tilespmem:s20], [sflag:$0x2] =	stream.indirect.gather [hbm4b:s2+s17], $0x80, s15, s17, $0xb8;
	[tilespmem:$0x12000] =	vst v63  }
0x14a: {  	_ =	swait.ge [sflag:s1], $0x1900  }
0x14b: {  	[sflag:s1] =	ssyncset.done $0x0  }
0x14c: {  	s16 =	simm.s32 $0x7900;
	[sflag:s1] =	ssyncadd.s32 $0xFFFFE700  }
0x14d: {  	v0 =	vld [tilespmem:s16+$0x80];
	_ =	sdelay $0x3  }
0x14e: {  	v1 =	vld [tilespmem:s16+$0xFFFFFF00]  }
0x14f: {  	v2 =	vld [tilespmem:s16+$0xFFFFFF80];
	v0 =	vmul.f32 $1.131370830e+01, v0  }
0x150: {  	s9 =	simm.s32 $0xE900;
	v3 =	vld [tilespmem:s16+$0x0]  }
0x151: {  	[tilespmem:s9+$0x80] =	vst v0  }
0x152: {  	v0 =	vld [tilespmem:s16+$0x90]  }
0x153: {  	v1 =	vmul.f32 $1.131370830e+01, v1  }
0x154: {  	v2 =	vmul.f32 $1.131370830e+01, v2  }
0x155: {  	v3 =	vmul.f32 $1.131370830e+01, v3;
	[tilespmem:s9+$0xFFFFFF00] =	vst v1  }
0x156: {  	[tilespmem:s9+$0xFFFFFF80] =	vst v2;
	v1 =	vld [tilespmem:s16+$0xFFFFFF10]  }
0x157: {  	[tilespmem:s9+$0x0] =	vst v3;
	v2 =	vld [tilespmem:s16+$0xFFFFFF90];
	v0 =	vmul.f32 $1.131370830e+01, v0  }
0x158: {  	v3 =	vld [tilespmem:s16+$0x10]  }
0x159: {  	[tilespmem:s9+$0x90] =	vst v0  }
0x15a: {  	v0 =	vld [tilespmem:s16+$0xA0]  }
0x15b: {  	v1 =	vmul.f32 $1.131370830e+01, v1  }
0x15c: {  	v2 =	vmul.f32 $1.131370830e+01, v2  }
0x15d: {  	v3 =	vmul.f32 $1.131370830e+01, v3;
	[tilespmem:s9+$0xFFFFFF10] =	vst v1  }
0x15e: {  	[tilespmem:s9+$0xFFFFFF90] =	vst v2;
	v1 =	vld [tilespmem:s16+$0xFFFFFF20]  }
0x15f: {  	[tilespmem:s9+$0x10] =	vst v3;
	v2 =	vld [tilespmem:s16+$0xFFFFFFA0];
	v0 =	vmul.f32 $1.131370830e+01, v0  }
0x160: {  	v3 =	vld [tilespmem:s16+$0x20]  }
0x161: {  	[tilespmem:s9+$0xA0] =	vst v0  }
0x162: {  	v0 =	vld [tilespmem:s16+$0xB0]  }
0x163: {  	v1 =	vmul.f32 $1.131370830e+01, v1  }
0x164: {  	v2 =	vmul.f32 $1.131370830e+01, v2  }
0x165: {  	v3 =	vmul.f32 $1.131370830e+01, v3;
	[tilespmem:s9+$0xFFFFFF20] =	vst v1  }
0x166: {  	[tilespmem:s9+$0xFFFFFFA0] =	vst v2;
	v1 =	vld [tilespmem:s16+$0xFFFFFF30]  }
0x167: {  	[tilespmem:s9+$0x20] =	vst v3;
	v2 =	vld [tilespmem:s16+$0xFFFFFFB0];
	v0 =	vmul.f32 $1.131370830e+01, v0  }
0x168: {  	s10 =	simm.s32 $0x7B00;
	v3 =	vld [tilespmem:s16+$0x30]  }
0x169: {  	[tilespmem:s9+$0xB0] =	vst v0;
	v0 =	vld [tilespmem:s10+$0x80]  }
0x16a: {  	v4 =	vld [tilespmem:s16+$0xC0]  }
0x16b: {  	v5 =	vld [tilespmem:s10+$0xFFFFFF80];
	v1 =	vmul.f32 $1.131370830e+01, v1  }
0x16c: {  	v6 =	vld [tilespmem:s10+$0x0];
	v2 =	vmul.f32 $1.131370830e+01, v2  }
0x16d: {  	v3 =	vmul.f32 $1.131370830e+01, v3;
	[tilespmem:s9+$0xFFFFFF30] =	vst v1;
	v1 =	vld [tilespmem:s10+$0xFFFFFF00]  }
0x16e: {  	[tilespmem:s9+$0xFFFFFFB0] =	vst v2;
	v2 =	vld [tilespmem:s16+$0xFFFFFF40];
	v0 =	vmul.f32 $1.131370830e+01, v0  }
0x16f: {  	s11 =	simm.s32 $0xEB00;
	[tilespmem:s9+$0x30] =	vst v3;
	v3 =	vld [tilespmem:s16+$0xFFFFFFC0];
	v4 =	vmul.f32 $1.131370830e+01, v4  }
0x170: {  	v5 =	vmul.f32 $1.131370830e+01, v5;
	[tilespmem:s11+$0x80] =	vst v0;
	v0 =	vld [tilespmem:s16+$0x40]  }
0x171: {  	v6 =	vmul.f32 $1.131370830e+01, v6;
	v7 =	vld [tilespmem:s10+$0x90];
	[tilespmem:s9+$0xC0] =	vst v4  }
0x172: {  	[tilespmem:s11+$0xFFFFFF80] =	vst v5;
	v1 =	vmul.f32 $1.131370830e+01, v1;
	v4 =	vld [tilespmem:s16+$0xD0]  }
0x173: {  	[tilespmem:s11+$0x0] =	vst v6;
	v5 =	vld [tilespmem:s10+$0xFFFFFF90];
	v2 =	vmul.f32 $1.131370830e+01, v2  }
0x174: {  	v3 =	vmul.f32 $1.131370830e+01, v3;
	[tilespmem:s11+$0xFFFFFF00] =	vst v1;
	v1 =	vld [tilespmem:s10+$0x10]  }
0x175: {  	v6 =	vld [tilespmem:s10+$0xFFFFFF10];
	[tilespmem:s9+$0xFFFFFF40] =	vst v2;
	v0 =	vmul.f32 $1.131370830e+01, v0  }
0x176: {  	[tilespmem:s9+$0xFFFFFFC0] =	vst v3;
	v2 =	vmul.f32 $1.131370830e+01, v7;
	v7 =	vld [tilespmem:s16+$0xFFFFFF50]  }
0x177: {  	v3 =	vld [tilespmem:s16+$0xFFFFFFD0];
	[tilespmem:s9+$0x40] =	vst v0;
	v0 =	vmul.f32 $1.131370830e+01, v4  }
0x178: {  	v4 =	vmul.f32 $1.131370830e+01, v5;
	[tilespmem:s11+$0x90] =	vst v2;
	v2 =	vld [tilespmem:s16+$0x50]  }
0x179: {  	v1 =	vmul.f32 $1.131370830e+01, v1;
	v5 =	vld [tilespmem:s10+$0xA0];
	[tilespmem:s9+$0xD0] =	vst v0  }
0x17a: {  	v0 =	vmul.f32 $1.131370830e+01, v6;
	[tilespmem:s11+$0xFFFFFF90] =	vst v4;
	v4 =	vld [tilespmem:s16+$0xE0]  }
0x17b: {  	[tilespmem:s11+$0x10] =	vst v1;
	v6 =	vld [tilespmem:s10+$0xFFFFFFA0];
	v1 =	vmul.f32 $1.131370830e+01, v7  }
0x17c: {  	v3 =	vmul.f32 $1.131370830e+01, v3;
	[tilespmem:s11+$0xFFFFFF10] =	vst v0;
	v0 =	vld [tilespmem:s10+$0x20]  }
0x17d: {  	v7 =	vld [tilespmem:s10+$0xFFFFFF20];
	[tilespmem:s9+$0xFFFFFF50] =	vst v1;
	v1 =	vmul.f32 $1.131370830e+01, v2  }
0x17e: {  	[tilespmem:s9+$0xFFFFFFD0] =	vst v3;
	v2 =	vmul.f32 $1.131370830e+01, v5;
	v5 =	vld [tilespmem:s16+$0xFFFFFF60]  }
0x17f: {  	v3 =	vld [tilespmem:s16+$0xFFFFFFE0];
	[tilespmem:s9+$0x50] =	vst v1;
	v1 =	vmul.f32 $1.131370830e+01, v4  }
0x180: {  	v4 =	vmul.f32 $1.131370830e+01, v6;
	[tilespmem:s11+$0xA0] =	vst v2;
	v2 =	vld [tilespmem:s16+$0x60]  }
0x181: {  	v0 =	vmul.f32 $1.131370830e+01, v0;
	v6 =	vld [tilespmem:s10+$0xB0];
	[tilespmem:s9+$0xE0] =	vst v1  }
0x182: {  	v1 =	vmul.f32 $1.131370830e+01, v7;
	[tilespmem:s11+$0xFFFFFFA0] =	vst v4;
	v7 =	vld [tilespmem:s16+$0xF0]  }
0x183: {  	v8 =	vld [tilespmem:s10+$0xFFFFFFB0];
	[tilespmem:s11+$0x20] =	vst v0;
	v0 =	vmul.f32 $1.131370830e+01, v5  }
0x184: {  	v3 =	vmul.f32 $1.131370830e+01, v3;
	[tilespmem:s11+$0xFFFFFF20] =	vst v1;
	v4 =	vld [tilespmem:s10+$0x30]  }
0x185: {  	v5 =	vld [tilespmem:s10+$0xFFFFFF30];
	[tilespmem:s9+$0xFFFFFF60] =	vst v0;
	v2 =	vmul.f32 $1.131370830e+01, v2  }
0x186: {  	[tilespmem:s9+$0xFFFFFFE0] =	vst v3;
	v9 =	vmul.f32 $1.131370830e+01, v6;
	v1 =	vld [tilespmem:s16+$0xFFFFFF70]  }
0x187: {  	v0 =	vld [tilespmem:s16+$0xFFFFFFF0];
	[tilespmem:s9+$0x60] =	vst v2;
	v3 =	vmul.f32 $1.131370830e+01, v7  }
0x188: {  	s12 =	simm.s32 $0x4;
	s13 =	simm.s32 $0x7D00;
	v6 =	vmul.f32 $1.131370830e+01, v8;
	[tilespmem:s11+$0xB0] =	vst v9;
	v2 =	vld [tilespmem:s16+$0x70]  }
.LBB2_10:
0x189: {  	v7 =	vld [tilespmem:s13+$0x80];
	v4 =	vmul.f32 $1.131370830e+01, v4;
	[tilespmem:s9+$0xF0] =	vst v3  }
0x18a: {  	s12 =	sadd.s32 $0x4, s12;
	v3 =	vmul.f32 $1.131370830e+01, v5;
	[tilespmem:s11+$0xFFFFFFB0] =	vst v6;
	v5 =	vld [tilespmem:s10+$0xC0]  }
0x18b: {  	p0 =	slt.u32 s12, $0x2C;
	v6 =	vld [tilespmem:s13+$0xFFFFFF80];
	[tilespmem:s11+$0x30] =	vst v4;
	v1 =	vmul.f32 $1.131370830e+01, v1  }
0x18c: {  	v4 =	vld [tilespmem:s13+$0x0];
	[tilespmem:s11+$0xFFFFFF30] =	vst v3;
	v0 =	vmul.f32 $1.131370830e+01, v0  }
0x18d: {  	v3 =	vld [tilespmem:s13+$0xFFFFFF00];
	[tilespmem:s9+$0xFFFFFF70] =	vst v1;
	v1 =	vmul.f32 $1.131370830e+01, v2  }
0x18e: {  	v2 =	vmul.f32 $1.131370830e+01, v7;
	v7 =	vld [tilespmem:s10+$0xFFFFFF40];
	[tilespmem:s9+$0xFFFFFFF0] =	vst v0  }
0x18f: {  	v0 =	vld [tilespmem:s10+$0xFFFFFFC0];
	v5 =	vmul.f32 $1.131370830e+01, v5;
	[tilespmem:s9+$0x70] =	vst v1;
	s9 =	smov.u32 s11;
	s11 =	sadd.s32 $0x200, s11  }
0x190: {  	v1 =	vmul.f32 $1.131370830e+01, v6;
	[tilespmem:s11+$0x80] =	vst v2;
	v2 =	vld [tilespmem:s10+$0x40]  }
0x191: {  	v4 =	vmul.f32 $1.131370830e+01, v4;
	v6 =	vld [tilespmem:s13+$0x90];
	[tilespmem:s9+$0xC0] =	vst v5  }
0x192: {  	v3 =	vmul.f32 $1.131370830e+01, v3;
	[tilespmem:s11+$0xFFFFFF80] =	vst v1;
	v1 =	vld [tilespmem:s10+$0xD0]  }
0x193: {  	v5 =	vld [tilespmem:s13+$0xFFFFFF90];
	[tilespmem:s11+$0x0] =	vst v4;
	v4 =	vmul.f32 $1.131370830e+01, v7  }
0x194: {  	[tilespmem:s11+$0xFFFFFF00] =	vst v3;
	v3 =	vld [tilespmem:s13+$0x10];
	v0 =	vmul.f32 $1.131370830e+01, v0  }
0x195: {  	v7 =	vld [tilespmem:s13+$0xFFFFFF10];
	[tilespmem:s9+$0xFFFFFF40] =	vst v4;
	v2 =	vmul.f32 $1.131370830e+01, v2  }
0x196: {  	v4 =	vmul.f32 $1.131370830e+01, v6;
	v6 =	vld [tilespmem:s10+$0xFFFFFF50];
	[tilespmem:s9+$0xFFFFFFC0] =	vst v0  }
0x197: {  	v0 =	vld [tilespmem:s10+$0xFFFFFFD0];
	[tilespmem:s9+$0x40] =	vst v2;
	v1 =	vmul.f32 $1.131370830e+01, v1  }
0x198: {  	v2 =	vmul.f32 $1.131370830e+01, v5;
	[tilespmem:s11+$0x90] =	vst v4;
	v4 =	vld [tilespmem:s10+$0x50]  }
0x199: {  	v3 =	vmul.f32 $1.131370830e+01, v3;
	v5 =	vld [tilespmem:s13+$0xA0];
	[tilespmem:s9+$0xD0] =	vst v1  }
0x19a: {  	v1 =	vmul.f32 $1.131370830e+01, v7;
	[tilespmem:s11+$0xFFFFFF90] =	vst v2;
	v2 =	vld [tilespmem:s10+$0xE0]  }
0x19b: {  	v7 =	vld [tilespmem:s13+$0xFFFFFFA0];
	[tilespmem:s11+$0x10] =	vst v3;
	v3 =	vmul.f32 $1.131370830e+01, v6  }
0x19c: {  	[tilespmem:s11+$0xFFFFFF10] =	vst v1;
	v1 =	vld [tilespmem:s13+$0x20];
	v0 =	vmul.f32 $1.131370830e+01, v0  }
0x19d: {  	v6 =	vld [tilespmem:s13+$0xFFFFFF20];
	[tilespmem:s9+$0xFFFFFF50] =	vst v3;
	v3 =	vmul.f32 $1.131370830e+01, v4  }
0x19e: {  	v4 =	vmul.f32 $1.131370830e+01, v5;
	v5 =	vld [tilespmem:s10+$0xFFFFFF60];
	[tilespmem:s9+$0xFFFFFFD0] =	vst v0  }
0x19f: {  	v0 =	vld [tilespmem:s10+$0xFFFFFFE0];
	[tilespmem:s9+$0x50] =	vst v3;
	v2 =	vmul.f32 $1.131370830e+01, v2  }
0x1a0: {  	v3 =	vmul.f32 $1.131370830e+01, v7;
	[tilespmem:s11+$0xA0] =	vst v4;
	v7 =	vld [tilespmem:s10+$0x60]  }
0x1a1: {  	v1 =	vmul.f32 $1.131370830e+01, v1;
	v8 =	vld [tilespmem:s13+$0xB0];
	[tilespmem:s9+$0xE0] =	vst v2  }
0x1a2: {  	v2 =	vmul.f32 $1.131370830e+01, v6;
	[tilespmem:s11+$0xFFFFFFA0] =	vst v3;
	v3 =	vld [tilespmem:s10+$0xF0]  }
0x1a3: {  	v6 =	vld [tilespmem:s13+$0xFFFFFFB0];
	[tilespmem:s11+$0x20] =	vst v1;
	v1 =	vmul.f32 $1.131370830e+01, v5  }
.Ltmp4:
0x1a4: {  	[tilespmem:s11+$0xFFFFFF20] =	vst v2;
	v4 =	vld [tilespmem:s13+$0x30];
	v0 =	vmul.f32 $1.131370830e+01, v0;
	(pc) =	sbr.rel @p0 .LBB2_10-.Ltmp4, $4  }
0x1a5: {  	v5 =	vld [tilespmem:s13+$0xFFFFFF30];
	[tilespmem:s9+$0xFFFFFF60] =	vst v1;
	v2 =	vmul.f32 $1.131370830e+01, v7  }
0x1a6: {  	v7 =	vmul.f32 $1.131370830e+01, v8;
	v1 =	vld [tilespmem:s10+$0xFFFFFF70];
	[tilespmem:s9+$0xFFFFFFE0] =	vst v0  }
0x1a7: {  	v0 =	vld [tilespmem:s10+$0xFFFFFFF0];
	[tilespmem:s9+$0x60] =	vst v2;
	v3 =	vmul.f32 $1.131370830e+01, v3  }
0x1a8: {  	v6 =	vmul.f32 $1.131370830e+01, v6;
	[tilespmem:s11+$0xB0] =	vst v7;
	v2 =	vld [tilespmem:s10+$0x70];
	s10 =	smov.u32 s13;
	s13 =	sadd.s32 $0x200, s13  }
0x1a9: {  	v4 =	vmul.f32 $1.131370830e+01, v4  }
0x1aa: {  	v7 =	vld [tilespmem:s10+$0xC0];
	v5 =	vmul.f32 $1.131370830e+01, v5;
	[tilespmem:s11+$0xFFFFFFB0] =	vst v6  }
0x1ab: {  	[tilespmem:s11+$0x30] =	vst v4;
	v51 =	vld [tilespmem:s10+$0xFFFFFFC0]  }
0x1ac: {  	[tilespmem:s11+$0xFFFFFF30] =	vst v5;
	v52 =	vld [tilespmem:s10+$0x40]  }
0x1ad: {  	v5 =	vld [tilespmem:s10+$0xFFFFFF40];
	_ =	sdelay $0x1  }
0x1ae: {  	v7 =	vmul.f32 $1.131370830e+01, v7  }
0x1af: {  	v4 =	vmul.f32 $1.131370830e+01, v51  }
0x1b0: {  	[tilespmem:s11+$0xC0] =	vst v7;
	v53 =	vmul.f32 $1.131370830e+01, v52  }
0x1b1: {  	v7 =	vld [tilespmem:s10+$0xD0];
	v5 =	vmul.f32 $1.131370830e+01, v5;
	[tilespmem:s11+$0xFFFFFFC0] =	vst v4  }
0x1b2: {  	v4 =	vld [tilespmem:s10+$0xFFFFFFD0];
	[tilespmem:s11+$0x40] =	vst v53  }
0x1b3: {  	[tilespmem:s11+$0xFFFFFF40] =	vst v5;
	v5 =	vld [tilespmem:s10+$0x50]  }
0x1b4: {  	v54 =	vld [tilespmem:s10+$0xFFFFFF50];
	_ =	sdelay $0x1  }
0x1b5: {  	v7 =	vmul.f32 $1.131370830e+01, v7  }
0x1b6: {  	v4 =	vmul.f32 $1.131370830e+01, v4  }
0x1b7: {  	[tilespmem:s11+$0xD0] =	vst v7;
	v5 =	vmul.f32 $1.131370830e+01, v5  }
0x1b8: {  	v7 =	vld [tilespmem:s10+$0xE0];
	v6 =	vmul.f32 $1.131370830e+01, v54;
	[tilespmem:s11+$0xFFFFFFD0] =	vst v4  }
0x1b9: {  	v4 =	vld [tilespmem:s10+$0xFFFFFFE0];
	[tilespmem:s11+$0x50] =	vst v5  }
0x1ba: {  	[tilespmem:s11+$0xFFFFFF50] =	vst v6;
	v5 =	vld [tilespmem:s10+$0x60]  }
0x1bb: {  	v6 =	vld [tilespmem:s10+$0xFFFFFF60];
	_ =	sdelay $0x1  }
0x1bc: {  	v7 =	vmul.f32 $1.131370830e+01, v7  }
0x1bd: {  	v4 =	vmul.f32 $1.131370830e+01, v4  }
0x1be: {  	[tilespmem:s11+$0xE0] =	vst v7;
	v5 =	vmul.f32 $1.131370830e+01, v5  }
0x1bf: {  	v55 =	vld [tilespmem:s10+$0xF0];
	v6 =	vmul.f32 $1.131370830e+01, v6;
	[tilespmem:s11+$0xFFFFFFE0] =	vst v4  }
0x1c0: {  	[tilespmem:s11+$0x60] =	vst v5;
	v57 =	vld [tilespmem:s10+$0xFFFFFFF0]  }
0x1c1: {  	v1 =	vmul.f32 $1.131370830e+01, v1;
	[tilespmem:s11+$0xFFFFFF60] =	vst v6;
	v58 =	vld [tilespmem:s10+$0x70]  }
0x1c2: {  	[tilespmem:s9+$0xF0] =	vst v3;
	v0 =	vmul.f32 $1.131370830e+01, v0;
	v56 =	vld [tilespmem:s10+$0xFFFFFF70]  }
0x1c3: {  	[tilespmem:s9+$0xFFFFFF70] =	vst v1;
	v59 =	vmul.f32 $1.131370830e+01, v2  }
0x1c4: {  	[tilespmem:s9+$0xFFFFFFF0] =	vst v0;
	v60 =	vmul.f32 $1.131370830e+01, v55  }
0x1c5: {  	[tilespmem:s9+$0x70] =	vst v59;
	v62 =	vmul.f32 $1.131370830e+01, v57  }
0x1c6: {  	[tilespmem:s11+$0xF0] =	vst v60;
	v63 =	vmul.f32 $1.131370830e+01, v58  }
0x1c7: {  	v61 =	vmul.f32 $1.131370830e+01, v56;
	[tilespmem:s11+$0xFFFFFFF0] =	vst v62  }
0x1c8: {  	[tilespmem:s11+$0x70] =	vst v63  }
0x1c9: {  	s6 =	simm.s32 $0x0;
	[tilespmem:s11+$0xFFFFFF70] =	vst v61  }
.LBB2_12:
0x1ca: {  	s9 =	sshra.s32 s6, $0x2  }
0x1cb: {  	v0 =	vld [tilespmem:s9+$0x9000]  }
0x1cc: {  	v1 =	vld [tilespmem:s9+$0x9010]  }
0x1cd: {  	v2 =	vld [tilespmem:s9+$0x9020]  }
0x1ce: {  	v3 =	vld [tilespmem:s9+$0x9030]  }
0x1cf: {  	v4 =	vld [tilespmem:s9+$0x9040]  }
0x1d0: {  	v5 =	vld [tilespmem:s9+$0x9050];
	v0 =	vmul.f32 $1.131370830e+01, v0  }
0x1d1: {  	v6 =	vld [tilespmem:s9+$0x9060];
	v1 =	vmul.f32 $1.131370830e+01, v1  }
0x1d2: {  	v58 =	vld [tilespmem:s9+$0x9070];
	v57 =	vmul.f32 $1.131370830e+01, v2;
	[tilespmem:s9+$0x10000] =	vst v0  }
0x1d3: {  	v59 =	vmul.f32 $1.131370830e+01, v3;
	[tilespmem:s9+$0x10010] =	vst v1  }
0x1d4: {  	p0 =	sne.s32 s6, $0x200;
	v60 =	vmul.f32 $1.131370830e+01, v4;
	[tilespmem:s9+$0x10020] =	vst v57  }
.Ltmp5:
0x1d5: {  	v61 =	vmul.f32 $1.131370830e+01, v5;
	[tilespmem:s9+$0x10030] =	vst v59;
	(pc) =	sbr.rel @p0 .LBB2_12-.Ltmp5, $4  }
0x1d6: {  	v62 =	vmul.f32 $1.131370830e+01, v6;
	[tilespmem:s9+$0x10040] =	vst v60  }
0x1d7: {  	v63 =	vmul.f32 $1.131370830e+01, v58;
	[tilespmem:s9+$0x10050] =	vst v61  }
0x1d8: {  	[tilespmem:s9+$0x10060] =	vst v62  }
0x1d9: {  	s6 =	sadd.s32 $0x200, s6;
	[tilespmem:s9+$0x10070] =	vst v63  }
0x1da: {  	s6 =	rddreg [dreg:$0x7]  }
0x1db: {  	[hbm4b:s6+s4] =	stream.linear.scatter [tilespmem:s0], [sflag:$0x7], $0x1900, $0x38;
	[tilespmem:$0x12000] =	vst v63  }
0x1dc: {  	s15 =	simm.s32 $0x300  }
0x1dd: {  	[tilespmem:s22], [sflag:$0x3] =	stream.indirect.gather [hbm4b:s2+s17], $0x80, s15, s17, $0xb8;
	[tilespmem:$0x12000] =	vst v63  }
0x1de: {  	_ =	swait.ge [sflag:s21], $0x1900  }
0x1df: {  	[sflag:s21] =	ssyncset.done $0x0  }
0x1e0: {  	s16 =	simm.s32 $0x9500;
	[sflag:s21] =	ssyncadd.s32 $0xFFFFE700  }
0x1e1: {  	v0 =	vld [tilespmem:s16+$0x80];
	_ =	sdelay $0x3  }
0x1e2: {  	v1 =	vld [tilespmem:s16+$0xFFFFFF00]  }
0x1e3: {  	v2 =	vld [tilespmem:s16+$0xFFFFFF80];
	v0 =	vmul.f32 $1.131370830e+01, v0  }
0x1e4: {  	s9 =	simm.s32 $0x10500;
	v3 =	vld [tilespmem:s16+$0x0]  }
0x1e5: {  	[tilespmem:s9+$0x80] =	vst v0  }
0x1e6: {  	v0 =	vld [tilespmem:s16+$0x90]  }
0x1e7: {  	v1 =	vmul.f32 $1.131370830e+01, v1  }
0x1e8: {  	v2 =	vmul.f32 $1.131370830e+01, v2  }
0x1e9: {  	v3 =	vmul.f32 $1.131370830e+01, v3;
	[tilespmem:s9+$0xFFFFFF00] =	vst v1  }
0x1ea: {  	[tilespmem:s9+$0xFFFFFF80] =	vst v2;
	v1 =	vld [tilespmem:s16+$0xFFFFFF10]  }
0x1eb: {  	[tilespmem:s9+$0x0] =	vst v3;
	v2 =	vld [tilespmem:s16+$0xFFFFFF90];
	v0 =	vmul.f32 $1.131370830e+01, v0  }
0x1ec: {  	v3 =	vld [tilespmem:s16+$0x10]  }
0x1ed: {  	[tilespmem:s9+$0x90] =	vst v0  }
0x1ee: {  	v0 =	vld [tilespmem:s16+$0xA0]  }
0x1ef: {  	v1 =	vmul.f32 $1.131370830e+01, v1  }
0x1f0: {  	v2 =	vmul.f32 $1.131370830e+01, v2  }
0x1f1: {  	v3 =	vmul.f32 $1.131370830e+01, v3;
	[tilespmem:s9+$0xFFFFFF10] =	vst v1  }
0x1f2: {  	[tilespmem:s9+$0xFFFFFF90] =	vst v2;
	v1 =	vld [tilespmem:s16+$0xFFFFFF20]  }
0x1f3: {  	[tilespmem:s9+$0x10] =	vst v3;
	v2 =	vld [tilespmem:s16+$0xFFFFFFA0];
	v0 =	vmul.f32 $1.131370830e+01, v0  }
0x1f4: {  	v3 =	vld [tilespmem:s16+$0x20]  }
0x1f5: {  	[tilespmem:s9+$0xA0] =	vst v0  }
0x1f6: {  	v0 =	vld [tilespmem:s16+$0xB0]  }
0x1f7: {  	v1 =	vmul.f32 $1.131370830e+01, v1  }
0x1f8: {  	v2 =	vmul.f32 $1.131370830e+01, v2  }
0x1f9: {  	v3 =	vmul.f32 $1.131370830e+01, v3;
	[tilespmem:s9+$0xFFFFFF20] =	vst v1  }
0x1fa: {  	[tilespmem:s9+$0xFFFFFFA0] =	vst v2;
	v1 =	vld [tilespmem:s16+$0xFFFFFF30]  }
0x1fb: {  	[tilespmem:s9+$0x20] =	vst v3;
	v2 =	vld [tilespmem:s16+$0xFFFFFFB0];
	v0 =	vmul.f32 $1.131370830e+01, v0  }
0x1fc: {  	s10 =	simm.s32 $0x9700;
	v3 =	vld [tilespmem:s16+$0x30]  }
0x1fd: {  	[tilespmem:s9+$0xB0] =	vst v0;
	v0 =	vld [tilespmem:s10+$0x80]  }
0x1fe: {  	v4 =	vld [tilespmem:s16+$0xC0]  }
0x1ff: {  	v5 =	vld [tilespmem:s10+$0xFFFFFF80];
	v1 =	vmul.f32 $1.131370830e+01, v1  }
0x200: {  	v6 =	vld [tilespmem:s10+$0x0];
	v2 =	vmul.f32 $1.131370830e+01, v2  }
0x201: {  	v3 =	vmul.f32 $1.131370830e+01, v3;
	[tilespmem:s9+$0xFFFFFF30] =	vst v1;
	v1 =	vld [tilespmem:s10+$0xFFFFFF00]  }
0x202: {  	[tilespmem:s9+$0xFFFFFFB0] =	vst v2;
	v2 =	vld [tilespmem:s16+$0xFFFFFF40];
	v0 =	vmul.f32 $1.131370830e+01, v0  }
0x203: {  	s11 =	simm.s32 $0x10700;
	[tilespmem:s9+$0x30] =	vst v3;
	v3 =	vld [tilespmem:s16+$0xFFFFFFC0];
	v4 =	vmul.f32 $1.131370830e+01, v4  }
0x204: {  	v5 =	vmul.f32 $1.131370830e+01, v5;
	[tilespmem:s11+$0x80] =	vst v0;
	v0 =	vld [tilespmem:s16+$0x40]  }
0x205: {  	v6 =	vmul.f32 $1.131370830e+01, v6;
	v7 =	vld [tilespmem:s10+$0x90];
	[tilespmem:s9+$0xC0] =	vst v4  }
0x206: {  	[tilespmem:s11+$0xFFFFFF80] =	vst v5;
	v1 =	vmul.f32 $1.131370830e+01, v1;
	v4 =	vld [tilespmem:s16+$0xD0]  }
0x207: {  	[tilespmem:s11+$0x0] =	vst v6;
	v5 =	vld [tilespmem:s10+$0xFFFFFF90];
	v2 =	vmul.f32 $1.131370830e+01, v2  }
0x208: {  	v3 =	vmul.f32 $1.131370830e+01, v3;
	[tilespmem:s11+$0xFFFFFF00] =	vst v1;
	v1 =	vld [tilespmem:s10+$0x10]  }
0x209: {  	v6 =	vld [tilespmem:s10+$0xFFFFFF10];
	[tilespmem:s9+$0xFFFFFF40] =	vst v2;
	v0 =	vmul.f32 $1.131370830e+01, v0  }
0x20a: {  	[tilespmem:s9+$0xFFFFFFC0] =	vst v3;
	v2 =	vmul.f32 $1.131370830e+01, v7;
	v7 =	vld [tilespmem:s16+$0xFFFFFF50]  }
0x20b: {  	v3 =	vld [tilespmem:s16+$0xFFFFFFD0];
	[tilespmem:s9+$0x40] =	vst v0;
	v0 =	vmul.f32 $1.131370830e+01, v4  }
0x20c: {  	v4 =	vmul.f32 $1.131370830e+01, v5;
	[tilespmem:s11+$0x90] =	vst v2;
	v2 =	vld [tilespmem:s16+$0x50]  }
0x20d: {  	v1 =	vmul.f32 $1.131370830e+01, v1;
	v5 =	vld [tilespmem:s10+$0xA0];
	[tilespmem:s9+$0xD0] =	vst v0  }
0x20e: {  	v0 =	vmul.f32 $1.131370830e+01, v6;
	[tilespmem:s11+$0xFFFFFF90] =	vst v4;
	v4 =	vld [tilespmem:s16+$0xE0]  }
0x20f: {  	[tilespmem:s11+$0x10] =	vst v1;
	v6 =	vld [tilespmem:s10+$0xFFFFFFA0];
	v1 =	vmul.f32 $1.131370830e+01, v7  }
0x210: {  	v3 =	vmul.f32 $1.131370830e+01, v3;
	[tilespmem:s11+$0xFFFFFF10] =	vst v0;
	v0 =	vld [tilespmem:s10+$0x20]  }
0x211: {  	v7 =	vld [tilespmem:s10+$0xFFFFFF20];
	[tilespmem:s9+$0xFFFFFF50] =	vst v1;
	v1 =	vmul.f32 $1.131370830e+01, v2  }
0x212: {  	[tilespmem:s9+$0xFFFFFFD0] =	vst v3;
	v2 =	vmul.f32 $1.131370830e+01, v5;
	v5 =	vld [tilespmem:s16+$0xFFFFFF60]  }
0x213: {  	v3 =	vld [tilespmem:s16+$0xFFFFFFE0];
	[tilespmem:s9+$0x50] =	vst v1;
	v1 =	vmul.f32 $1.131370830e+01, v4  }
0x214: {  	v4 =	vmul.f32 $1.131370830e+01, v6;
	[tilespmem:s11+$0xA0] =	vst v2;
	v2 =	vld [tilespmem:s16+$0x60]  }
0x215: {  	v0 =	vmul.f32 $1.131370830e+01, v0;
	v6 =	vld [tilespmem:s10+$0xB0];
	[tilespmem:s9+$0xE0] =	vst v1  }
0x216: {  	v1 =	vmul.f32 $1.131370830e+01, v7;
	[tilespmem:s11+$0xFFFFFFA0] =	vst v4;
	v7 =	vld [tilespmem:s16+$0xF0]  }
0x217: {  	v8 =	vld [tilespmem:s10+$0xFFFFFFB0];
	[tilespmem:s11+$0x20] =	vst v0;
	v0 =	vmul.f32 $1.131370830e+01, v5  }
0x218: {  	v3 =	vmul.f32 $1.131370830e+01, v3;
	[tilespmem:s11+$0xFFFFFF20] =	vst v1;
	v4 =	vld [tilespmem:s10+$0x30]  }
0x219: {  	v5 =	vld [tilespmem:s10+$0xFFFFFF30];
	[tilespmem:s9+$0xFFFFFF60] =	vst v0;
	v2 =	vmul.f32 $1.131370830e+01, v2  }
0x21a: {  	[tilespmem:s9+$0xFFFFFFE0] =	vst v3;
	v9 =	vmul.f32 $1.131370830e+01, v6;
	v1 =	vld [tilespmem:s16+$0xFFFFFF70]  }
0x21b: {  	v0 =	vld [tilespmem:s16+$0xFFFFFFF0];
	[tilespmem:s9+$0x60] =	vst v2;
	v3 =	vmul.f32 $1.131370830e+01, v7  }
0x21c: {  	s12 =	simm.s32 $0x4;
	s13 =	simm.s32 $0x9900;
	v6 =	vmul.f32 $1.131370830e+01, v8;
	[tilespmem:s11+$0xB0] =	vst v9;
	v2 =	vld [tilespmem:s16+$0x70]  }
.LBB2_14:
0x21d: {  	v7 =	vld [tilespmem:s13+$0x80];
	v4 =	vmul.f32 $1.131370830e+01, v4;
	[tilespmem:s9+$0xF0] =	vst v3  }
0x21e: {  	s12 =	sadd.s32 $0x4, s12;
	v3 =	vmul.f32 $1.131370830e+01, v5;
	[tilespmem:s11+$0xFFFFFFB0] =	vst v6;
	v5 =	vld [tilespmem:s10+$0xC0]  }
0x21f: {  	p0 =	slt.u32 s12, $0x2C;
	v6 =	vld [tilespmem:s13+$0xFFFFFF80];
	[tilespmem:s11+$0x30] =	vst v4;
	v1 =	vmul.f32 $1.131370830e+01, v1  }
0x220: {  	v4 =	vld [tilespmem:s13+$0x0];
	[tilespmem:s11+$0xFFFFFF30] =	vst v3;
	v0 =	vmul.f32 $1.131370830e+01, v0  }
0x221: {  	v3 =	vld [tilespmem:s13+$0xFFFFFF00];
	[tilespmem:s9+$0xFFFFFF70] =	vst v1;
	v1 =	vmul.f32 $1.131370830e+01, v2  }
0x222: {  	v2 =	vmul.f32 $1.131370830e+01, v7;
	v7 =	vld [tilespmem:s10+$0xFFFFFF40];
	[tilespmem:s9+$0xFFFFFFF0] =	vst v0  }
0x223: {  	v0 =	vld [tilespmem:s10+$0xFFFFFFC0];
	v5 =	vmul.f32 $1.131370830e+01, v5;
	[tilespmem:s9+$0x70] =	vst v1;
	s9 =	smov.u32 s11;
	s11 =	sadd.s32 $0x200, s11  }
0x224: {  	v1 =	vmul.f32 $1.131370830e+01, v6;
	[tilespmem:s11+$0x80] =	vst v2;
	v2 =	vld [tilespmem:s10+$0x40]  }
0x225: {  	v4 =	vmul.f32 $1.131370830e+01, v4;
	v6 =	vld [tilespmem:s13+$0x90];
	[tilespmem:s9+$0xC0] =	vst v5  }
0x226: {  	v3 =	vmul.f32 $1.131370830e+01, v3;
	[tilespmem:s11+$0xFFFFFF80] =	vst v1;
	v1 =	vld [tilespmem:s10+$0xD0]  }
0x227: {  	v5 =	vld [tilespmem:s13+$0xFFFFFF90];
	[tilespmem:s11+$0x0] =	vst v4;
	v4 =	vmul.f32 $1.131370830e+01, v7  }
0x228: {  	[tilespmem:s11+$0xFFFFFF00] =	vst v3;
	v3 =	vld [tilespmem:s13+$0x10];
	v0 =	vmul.f32 $1.131370830e+01, v0  }
0x229: {  	v7 =	vld [tilespmem:s13+$0xFFFFFF10];
	[tilespmem:s9+$0xFFFFFF40] =	vst v4;
	v2 =	vmul.f32 $1.131370830e+01, v2  }
0x22a: {  	v4 =	vmul.f32 $1.131370830e+01, v6;
	v6 =	vld [tilespmem:s10+$0xFFFFFF50];
	[tilespmem:s9+$0xFFFFFFC0] =	vst v0  }
0x22b: {  	v0 =	vld [tilespmem:s10+$0xFFFFFFD0];
	[tilespmem:s9+$0x40] =	vst v2;
	v1 =	vmul.f32 $1.131370830e+01, v1  }
0x22c: {  	v2 =	vmul.f32 $1.131370830e+01, v5;
	[tilespmem:s11+$0x90] =	vst v4;
	v4 =	vld [tilespmem:s10+$0x50]  }
0x22d: {  	v3 =	vmul.f32 $1.131370830e+01, v3;
	v5 =	vld [tilespmem:s13+$0xA0];
	[tilespmem:s9+$0xD0] =	vst v1  }
0x22e: {  	v1 =	vmul.f32 $1.131370830e+01, v7;
	[tilespmem:s11+$0xFFFFFF90] =	vst v2;
	v2 =	vld [tilespmem:s10+$0xE0]  }
0x22f: {  	v7 =	vld [tilespmem:s13+$0xFFFFFFA0];
	[tilespmem:s11+$0x10] =	vst v3;
	v3 =	vmul.f32 $1.131370830e+01, v6  }
0x230: {  	[tilespmem:s11+$0xFFFFFF10] =	vst v1;
	v1 =	vld [tilespmem:s13+$0x20];
	v0 =	vmul.f32 $1.131370830e+01, v0  }
0x231: {  	v6 =	vld [tilespmem:s13+$0xFFFFFF20];
	[tilespmem:s9+$0xFFFFFF50] =	vst v3;
	v3 =	vmul.f32 $1.131370830e+01, v4  }
0x232: {  	v4 =	vmul.f32 $1.131370830e+01, v5;
	v5 =	vld [tilespmem:s10+$0xFFFFFF60];
	[tilespmem:s9+$0xFFFFFFD0] =	vst v0  }
0x233: {  	v0 =	vld [tilespmem:s10+$0xFFFFFFE0];
	[tilespmem:s9+$0x50] =	vst v3;
	v2 =	vmul.f32 $1.131370830e+01, v2  }
0x234: {  	v3 =	vmul.f32 $1.131370830e+01, v7;
	[tilespmem:s11+$0xA0] =	vst v4;
	v7 =	vld [tilespmem:s10+$0x60]  }
0x235: {  	v1 =	vmul.f32 $1.131370830e+01, v1;
	v8 =	vld [tilespmem:s13+$0xB0];
	[tilespmem:s9+$0xE0] =	vst v2  }
0x236: {  	v2 =	vmul.f32 $1.131370830e+01, v6;
	[tilespmem:s11+$0xFFFFFFA0] =	vst v3;
	v3 =	vld [tilespmem:s10+$0xF0]  }
0x237: {  	v6 =	vld [tilespmem:s13+$0xFFFFFFB0];
	[tilespmem:s11+$0x20] =	vst v1;
	v1 =	vmul.f32 $1.131370830e+01, v5  }
.Ltmp6:
0x238: {  	[tilespmem:s11+$0xFFFFFF20] =	vst v2;
	v4 =	vld [tilespmem:s13+$0x30];
	v0 =	vmul.f32 $1.131370830e+01, v0;
	(pc) =	sbr.rel @p0 .LBB2_14-.Ltmp6, $4  }
0x239: {  	v5 =	vld [tilespmem:s13+$0xFFFFFF30];
	[tilespmem:s9+$0xFFFFFF60] =	vst v1;
	v2 =	vmul.f32 $1.131370830e+01, v7  }
0x23a: {  	v7 =	vmul.f32 $1.131370830e+01, v8;
	v1 =	vld [tilespmem:s10+$0xFFFFFF70];
	[tilespmem:s9+$0xFFFFFFE0] =	vst v0  }
0x23b: {  	v0 =	vld [tilespmem:s10+$0xFFFFFFF0];
	[tilespmem:s9+$0x60] =	vst v2;
	v3 =	vmul.f32 $1.131370830e+01, v3  }
0x23c: {  	v6 =	vmul.f32 $1.131370830e+01, v6;
	[tilespmem:s11+$0xB0] =	vst v7;
	v2 =	vld [tilespmem:s10+$0x70];
	s10 =	smov.u32 s13;
	s13 =	sadd.s32 $0x200, s13  }
0x23d: {  	v4 =	vmul.f32 $1.131370830e+01, v4  }
0x23e: {  	v7 =	vld [tilespmem:s10+$0xC0];
	v5 =	vmul.f32 $1.131370830e+01, v5;
	[tilespmem:s11+$0xFFFFFFB0] =	vst v6  }
0x23f: {  	[tilespmem:s11+$0x30] =	vst v4;
	v51 =	vld [tilespmem:s10+$0xFFFFFFC0]  }
0x240: {  	[tilespmem:s11+$0xFFFFFF30] =	vst v5;
	v52 =	vld [tilespmem:s10+$0x40]  }
0x241: {  	v5 =	vld [tilespmem:s10+$0xFFFFFF40];
	_ =	sdelay $0x1  }
0x242: {  	v7 =	vmul.f32 $1.131370830e+01, v7  }
0x243: {  	v4 =	vmul.f32 $1.131370830e+01, v51  }
0x244: {  	[tilespmem:s11+$0xC0] =	vst v7;
	v53 =	vmul.f32 $1.131370830e+01, v52  }
0x245: {  	v7 =	vld [tilespmem:s10+$0xD0];
	v5 =	vmul.f32 $1.131370830e+01, v5;
	[tilespmem:s11+$0xFFFFFFC0] =	vst v4  }
0x246: {  	v4 =	vld [tilespmem:s10+$0xFFFFFFD0];
	[tilespmem:s11+$0x40] =	vst v53  }
0x247: {  	[tilespmem:s11+$0xFFFFFF40] =	vst v5;
	v5 =	vld [tilespmem:s10+$0x50]  }
0x248: {  	v54 =	vld [tilespmem:s10+$0xFFFFFF50];
	_ =	sdelay $0x1  }
0x249: {  	v7 =	vmul.f32 $1.131370830e+01, v7  }
0x24a: {  	v4 =	vmul.f32 $1.131370830e+01, v4  }
0x24b: {  	[tilespmem:s11+$0xD0] =	vst v7;
	v5 =	vmul.f32 $1.131370830e+01, v5  }
0x24c: {  	v7 =	vld [tilespmem:s10+$0xE0];
	v6 =	vmul.f32 $1.131370830e+01, v54;
	[tilespmem:s11+$0xFFFFFFD0] =	vst v4  }
0x24d: {  	v4 =	vld [tilespmem:s10+$0xFFFFFFE0];
	[tilespmem:s11+$0x50] =	vst v5  }
0x24e: {  	[tilespmem:s11+$0xFFFFFF50] =	vst v6;
	v5 =	vld [tilespmem:s10+$0x60]  }
0x24f: {  	v6 =	vld [tilespmem:s10+$0xFFFFFF60];
	_ =	sdelay $0x1  }
0x250: {  	v7 =	vmul.f32 $1.131370830e+01, v7  }
0x251: {  	v4 =	vmul.f32 $1.131370830e+01, v4  }
0x252: {  	[tilespmem:s11+$0xE0] =	vst v7;
	v5 =	vmul.f32 $1.131370830e+01, v5  }
0x253: {  	v55 =	vld [tilespmem:s10+$0xF0];
	v6 =	vmul.f32 $1.131370830e+01, v6;
	[tilespmem:s11+$0xFFFFFFE0] =	vst v4  }
0x254: {  	[tilespmem:s11+$0x60] =	vst v5;
	v57 =	vld [tilespmem:s10+$0xFFFFFFF0]  }
0x255: {  	v1 =	vmul.f32 $1.131370830e+01, v1;
	[tilespmem:s11+$0xFFFFFF60] =	vst v6;
	v58 =	vld [tilespmem:s10+$0x70]  }
0x256: {  	[tilespmem:s9+$0xF0] =	vst v3;
	v0 =	vmul.f32 $1.131370830e+01, v0;
	v56 =	vld [tilespmem:s10+$0xFFFFFF70]  }
0x257: {  	[tilespmem:s9+$0xFFFFFF70] =	vst v1;
	v59 =	vmul.f32 $1.131370830e+01, v2  }
0x258: {  	[tilespmem:s9+$0xFFFFFFF0] =	vst v0;
	v60 =	vmul.f32 $1.131370830e+01, v55  }
0x259: {  	[tilespmem:s9+$0x70] =	vst v59;
	v62 =	vmul.f32 $1.131370830e+01, v57  }
0x25a: {  	[tilespmem:s11+$0xF0] =	vst v60;
	v63 =	vmul.f32 $1.131370830e+01, v58  }
0x25b: {  	v61 =	vmul.f32 $1.131370830e+01, v56;
	[tilespmem:s11+$0xFFFFFFF0] =	vst v62  }
0x25c: {  	[tilespmem:s11+$0x70] =	vst v63  }
0x25d: {  	s6 =	simm.s32 $0x0;
	[tilespmem:s11+$0xFFFFFF70] =	vst v61  }
.LBB2_16:
0x25e: {  	s9 =	sshra.s32 s6, $0x2  }
0x25f: {  	v0 =	vld [tilespmem:s9+$0xAC00]  }
0x260: {  	v1 =	vld [tilespmem:s9+$0xAC10]  }
0x261: {  	v2 =	vld [tilespmem:s9+$0xAC20]  }
0x262: {  	v3 =	vld [tilespmem:s9+$0xAC30]  }
0x263: {  	v4 =	vld [tilespmem:s9+$0xAC40]  }
0x264: {  	v5 =	vld [tilespmem:s9+$0xAC50];
	v0 =	vmul.f32 $1.131370830e+01, v0  }
0x265: {  	v6 =	vld [tilespmem:s9+$0xAC60];
	v1 =	vmul.f32 $1.131370830e+01, v1  }
0x266: {  	v58 =	vld [tilespmem:s9+$0xAC70];
	v57 =	vmul.f32 $1.131370830e+01, v2;
	[tilespmem:s9+$0x11C00] =	vst v0  }
0x267: {  	v59 =	vmul.f32 $1.131370830e+01, v3;
	[tilespmem:s9+$0x11C10] =	vst v1  }
0x268: {  	p0 =	sne.s32 s6, $0x200;
	v60 =	vmul.f32 $1.131370830e+01, v4;
	[tilespmem:s9+$0x11C20] =	vst v57  }
.Ltmp7:
0x269: {  	v61 =	vmul.f32 $1.131370830e+01, v5;
	[tilespmem:s9+$0x11C30] =	vst v59;
	(pc) =	sbr.rel @p0 .LBB2_16-.Ltmp7, $4  }
0x26a: {  	v62 =	vmul.f32 $1.131370830e+01, v6;
	[tilespmem:s9+$0x11C40] =	vst v60  }
0x26b: {  	v63 =	vmul.f32 $1.131370830e+01, v58;
	[tilespmem:s9+$0x11C50] =	vst v61  }
0x26c: {  	[tilespmem:s9+$0x11C60] =	vst v62  }
0x26d: {  	s6 =	sadd.s32 $0x200, s6;
	[tilespmem:s9+$0x11C70] =	vst v63  }
0x26e: {  	s6 =	rddreg [dreg:$0x8]  }
0x26f: {  	[hbm4b:s6+s4] =	stream.linear.scatter [tilespmem:s23], [sflag:$0x8], $0x1900, $0x38;
	[tilespmem:$0x12000] =	vst v63  }
0x270: {  	s16 =	simm.s32 $0x380;
	s9 =	simm.s32 $0x1  }
0x271: {  	[tilespmem:s24], [sflag:$0x4] =	stream.indirect.gather [hbm4b:s2+s17], $0x80, s16, s17, $0xb8;
	[tilespmem:$0x12000] =	vst v63  }
.LBB2_18:
0x272: {  	_ =	swait.ge [sflag:s25], $0x1900  }
0x273: {  	[sflag:s25] =	ssyncset.done $0x0  }
0x274: {  	[sflag:s25] =	ssyncadd.s32 $0xFFFFE700  }
0x275: {  	_ =	swait.ge [sflag:s31], $0x1900  }
0x276: {  	[sflag:s31] =	ssyncset.done $0x0  }
0x277: {  	s6 =	simm.s32 $0x4100;
	[sflag:s31] =	ssyncadd.s32 $0xFFFFE700  }
0x278: {  	v0 =	vld [tilespmem:s6+$0x80];
	_ =	sdelay $0x3  }
0x279: {  	v1 =	vld [tilespmem:s6+$0xFFFFFF00]  }
0x27a: {  	v2 =	vld [tilespmem:s6+$0xFFFFFF80];
	v0 =	vmul.f32 $1.131370830e+01, v0  }
0x27b: {  	s10 =	simm.s32 $0xB100;
	v3 =	vld [tilespmem:s6+$0x0]  }
0x27c: {  	[tilespmem:s10+$0x80] =	vst v0  }
0x27d: {  	v0 =	vld [tilespmem:s6+$0x90]  }
0x27e: {  	v1 =	vmul.f32 $1.131370830e+01, v1  }
0x27f: {  	v2 =	vmul.f32 $1.131370830e+01, v2  }
0x280: {  	v3 =	vmul.f32 $1.131370830e+01, v3;
	[tilespmem:s10+$0xFFFFFF00] =	vst v1  }
0x281: {  	[tilespmem:s10+$0xFFFFFF80] =	vst v2;
	v1 =	vld [tilespmem:s6+$0xFFFFFF10]  }
0x282: {  	[tilespmem:s10+$0x0] =	vst v3;
	v2 =	vld [tilespmem:s6+$0xFFFFFF90];
	v0 =	vmul.f32 $1.131370830e+01, v0  }
0x283: {  	v3 =	vld [tilespmem:s6+$0x10]  }
0x284: {  	[tilespmem:s10+$0x90] =	vst v0  }
0x285: {  	v0 =	vld [tilespmem:s6+$0xA0]  }
0x286: {  	v1 =	vmul.f32 $1.131370830e+01, v1  }
0x287: {  	v2 =	vmul.f32 $1.131370830e+01, v2  }
0x288: {  	v3 =	vmul.f32 $1.131370830e+01, v3;
	[tilespmem:s10+$0xFFFFFF10] =	vst v1  }
0x289: {  	[tilespmem:s10+$0xFFFFFF90] =	vst v2;
	v1 =	vld [tilespmem:s6+$0xFFFFFF20]  }
0x28a: {  	[tilespmem:s10+$0x10] =	vst v3;
	v2 =	vld [tilespmem:s6+$0xFFFFFFA0];
	v0 =	vmul.f32 $1.131370830e+01, v0  }
0x28b: {  	v3 =	vld [tilespmem:s6+$0x20]  }
0x28c: {  	[tilespmem:s10+$0xA0] =	vst v0  }
0x28d: {  	v0 =	vld [tilespmem:s6+$0xB0]  }
0x28e: {  	v1 =	vmul.f32 $1.131370830e+01, v1  }
0x28f: {  	v2 =	vmul.f32 $1.131370830e+01, v2  }
0x290: {  	v3 =	vmul.f32 $1.131370830e+01, v3;
	[tilespmem:s10+$0xFFFFFF20] =	vst v1  }
0x291: {  	[tilespmem:s10+$0xFFFFFFA0] =	vst v2;
	v1 =	vld [tilespmem:s6+$0xFFFFFF30]  }
0x292: {  	[tilespmem:s10+$0x20] =	vst v3;
	v2 =	vld [tilespmem:s6+$0xFFFFFFB0];
	v0 =	vmul.f32 $1.131370830e+01, v0  }
0x293: {  	s11 =	simm.s32 $0x4300;
	v3 =	vld [tilespmem:s6+$0x30]  }
0x294: {  	[tilespmem:s10+$0xB0] =	vst v0;
	v0 =	vld [tilespmem:s11+$0x80]  }
0x295: {  	v4 =	vld [tilespmem:s6+$0xC0]  }
0x296: {  	v5 =	vld [tilespmem:s11+$0xFFFFFF80];
	v1 =	vmul.f32 $1.131370830e+01, v1  }
0x297: {  	v6 =	vld [tilespmem:s11+$0x0];
	v2 =	vmul.f32 $1.131370830e+01, v2  }
0x298: {  	v3 =	vmul.f32 $1.131370830e+01, v3;
	[tilespmem:s10+$0xFFFFFF30] =	vst v1;
	v1 =	vld [tilespmem:s11+$0xFFFFFF00]  }
0x299: {  	[tilespmem:s10+$0xFFFFFFB0] =	vst v2;
	v2 =	vld [tilespmem:s6+$0xFFFFFF40];
	v0 =	vmul.f32 $1.131370830e+01, v0  }
0x29a: {  	s12 =	simm.s32 $0xB300;
	[tilespmem:s10+$0x30] =	vst v3;
	v3 =	vld [tilespmem:s6+$0xFFFFFFC0];
	v4 =	vmul.f32 $1.131370830e+01, v4  }
0x29b: {  	v5 =	vmul.f32 $1.131370830e+01, v5;
	[tilespmem:s12+$0x80] =	vst v0;
	v0 =	vld [tilespmem:s6+$0x40]  }
0x29c: {  	v6 =	vmul.f32 $1.131370830e+01, v6;
	v7 =	vld [tilespmem:s11+$0x90];
	[tilespmem:s10+$0xC0] =	vst v4  }
0x29d: {  	[tilespmem:s12+$0xFFFFFF80] =	vst v5;
	v1 =	vmul.f32 $1.131370830e+01, v1;
	v4 =	vld [tilespmem:s6+$0xD0]  }
0x29e: {  	[tilespmem:s12+$0x0] =	vst v6;
	v5 =	vld [tilespmem:s11+$0xFFFFFF90];
	v2 =	vmul.f32 $1.131370830e+01, v2  }
0x29f: {  	v3 =	vmul.f32 $1.131370830e+01, v3;
	[tilespmem:s12+$0xFFFFFF00] =	vst v1;
	v1 =	vld [tilespmem:s11+$0x10]  }
0x2a0: {  	v6 =	vld [tilespmem:s11+$0xFFFFFF10];
	[tilespmem:s10+$0xFFFFFF40] =	vst v2;
	v0 =	vmul.f32 $1.131370830e+01, v0  }
0x2a1: {  	[tilespmem:s10+$0xFFFFFFC0] =	vst v3;
	v2 =	vmul.f32 $1.131370830e+01, v7;
	v7 =	vld [tilespmem:s6+$0xFFFFFF50]  }
0x2a2: {  	v3 =	vld [tilespmem:s6+$0xFFFFFFD0];
	[tilespmem:s10+$0x40] =	vst v0;
	v0 =	vmul.f32 $1.131370830e+01, v4  }
0x2a3: {  	v4 =	vmul.f32 $1.131370830e+01, v5;
	[tilespmem:s12+$0x90] =	vst v2;
	v2 =	vld [tilespmem:s6+$0x50]  }
0x2a4: {  	v1 =	vmul.f32 $1.131370830e+01, v1;
	v5 =	vld [tilespmem:s11+$0xA0];
	[tilespmem:s10+$0xD0] =	vst v0  }
0x2a5: {  	v0 =	vmul.f32 $1.131370830e+01, v6;
	[tilespmem:s12+$0xFFFFFF90] =	vst v4;
	v4 =	vld [tilespmem:s6+$0xE0]  }
0x2a6: {  	[tilespmem:s12+$0x10] =	vst v1;
	v6 =	vld [tilespmem:s11+$0xFFFFFFA0];
	v1 =	vmul.f32 $1.131370830e+01, v7  }
0x2a7: {  	v3 =	vmul.f32 $1.131370830e+01, v3;
	[tilespmem:s12+$0xFFFFFF10] =	vst v0;
	v0 =	vld [tilespmem:s11+$0x20]  }
0x2a8: {  	v7 =	vld [tilespmem:s11+$0xFFFFFF20];
	[tilespmem:s10+$0xFFFFFF50] =	vst v1;
	v1 =	vmul.f32 $1.131370830e+01, v2  }
0x2a9: {  	[tilespmem:s10+$0xFFFFFFD0] =	vst v3;
	v2 =	vmul.f32 $1.131370830e+01, v5;
	v5 =	vld [tilespmem:s6+$0xFFFFFF60]  }
0x2aa: {  	v3 =	vld [tilespmem:s6+$0xFFFFFFE0];
	[tilespmem:s10+$0x50] =	vst v1;
	v1 =	vmul.f32 $1.131370830e+01, v4  }
0x2ab: {  	v4 =	vmul.f32 $1.131370830e+01, v6;
	[tilespmem:s12+$0xA0] =	vst v2;
	v2 =	vld [tilespmem:s6+$0x60]  }
0x2ac: {  	v0 =	vmul.f32 $1.131370830e+01, v0;
	v6 =	vld [tilespmem:s11+$0xB0];
	[tilespmem:s10+$0xE0] =	vst v1  }
0x2ad: {  	v1 =	vmul.f32 $1.131370830e+01, v7;
	[tilespmem:s12+$0xFFFFFFA0] =	vst v4;
	v7 =	vld [tilespmem:s6+$0xF0]  }
0x2ae: {  	v8 =	vld [tilespmem:s11+$0xFFFFFFB0];
	[tilespmem:s12+$0x20] =	vst v0;
	v0 =	vmul.f32 $1.131370830e+01, v5  }
0x2af: {  	v3 =	vmul.f32 $1.131370830e+01, v3;
	[tilespmem:s12+$0xFFFFFF20] =	vst v1;
	v4 =	vld [tilespmem:s11+$0x30]  }
0x2b0: {  	v5 =	vld [tilespmem:s11+$0xFFFFFF30];
	[tilespmem:s10+$0xFFFFFF60] =	vst v0;
	v2 =	vmul.f32 $1.131370830e+01, v2  }
0x2b1: {  	[tilespmem:s10+$0xFFFFFFE0] =	vst v3;
	v9 =	vmul.f32 $1.131370830e+01, v6;
	v1 =	vld [tilespmem:s6+$0xFFFFFF70]  }
0x2b2: {  	v0 =	vld [tilespmem:s6+$0xFFFFFFF0];
	[tilespmem:s10+$0x60] =	vst v2;
	v3 =	vmul.f32 $1.131370830e+01, v7  }
0x2b3: {  	s13 =	simm.s32 $0x4;
	s14 =	simm.s32 $0x4500;
	v6 =	vmul.f32 $1.131370830e+01, v8;
	[tilespmem:s12+$0xB0] =	vst v9;
	v2 =	vld [tilespmem:s6+$0x70]  }
.LBB2_19:
0x2b4: {  	v7 =	vld [tilespmem:s14+$0x80];
	v4 =	vmul.f32 $1.131370830e+01, v4;
	[tilespmem:s10+$0xF0] =	vst v3  }
0x2b5: {  	s13 =	sadd.s32 $0x4, s13;
	v3 =	vmul.f32 $1.131370830e+01, v5;
	[tilespmem:s12+$0xFFFFFFB0] =	vst v6;
	v5 =	vld [tilespmem:s11+$0xC0]  }
0x2b6: {  	p0 =	slt.u32 s13, $0x2C;
	v6 =	vld [tilespmem:s14+$0xFFFFFF80];
	[tilespmem:s12+$0x30] =	vst v4;
	v1 =	vmul.f32 $1.131370830e+01, v1  }
0x2b7: {  	v4 =	vld [tilespmem:s14+$0x0];
	[tilespmem:s12+$0xFFFFFF30] =	vst v3;
	v0 =	vmul.f32 $1.131370830e+01, v0  }
0x2b8: {  	v3 =	vld [tilespmem:s14+$0xFFFFFF00];
	[tilespmem:s10+$0xFFFFFF70] =	vst v1;
	v1 =	vmul.f32 $1.131370830e+01, v2  }
0x2b9: {  	v2 =	vmul.f32 $1.131370830e+01, v7;
	v7 =	vld [tilespmem:s11+$0xFFFFFF40];
	[tilespmem:s10+$0xFFFFFFF0] =	vst v0  }
0x2ba: {  	v0 =	vld [tilespmem:s11+$0xFFFFFFC0];
	v5 =	vmul.f32 $1.131370830e+01, v5;
	[tilespmem:s10+$0x70] =	vst v1;
	s10 =	smov.u32 s12;
	s12 =	sadd.s32 $0x200, s12  }
0x2bb: {  	v1 =	vmul.f32 $1.131370830e+01, v6;
	[tilespmem:s12+$0x80] =	vst v2;
	v2 =	vld [tilespmem:s11+$0x40]  }
0x2bc: {  	v4 =	vmul.f32 $1.131370830e+01, v4;
	v6 =	vld [tilespmem:s14+$0x90];
	[tilespmem:s10+$0xC0] =	vst v5  }
0x2bd: {  	v3 =	vmul.f32 $1.131370830e+01, v3;
	[tilespmem:s12+$0xFFFFFF80] =	vst v1;
	v1 =	vld [tilespmem:s11+$0xD0]  }
0x2be: {  	v5 =	vld [tilespmem:s14+$0xFFFFFF90];
	[tilespmem:s12+$0x0] =	vst v4;
	v4 =	vmul.f32 $1.131370830e+01, v7  }
0x2bf: {  	[tilespmem:s12+$0xFFFFFF00] =	vst v3;
	v3 =	vld [tilespmem:s14+$0x10];
	v0 =	vmul.f32 $1.131370830e+01, v0  }
0x2c0: {  	v7 =	vld [tilespmem:s14+$0xFFFFFF10];
	[tilespmem:s10+$0xFFFFFF40] =	vst v4;
	v2 =	vmul.f32 $1.131370830e+01, v2  }
0x2c1: {  	v4 =	vmul.f32 $1.131370830e+01, v6;
	v6 =	vld [tilespmem:s11+$0xFFFFFF50];
	[tilespmem:s10+$0xFFFFFFC0] =	vst v0  }
0x2c2: {  	v0 =	vld [tilespmem:s11+$0xFFFFFFD0];
	[tilespmem:s10+$0x40] =	vst v2;
	v1 =	vmul.f32 $1.131370830e+01, v1  }
0x2c3: {  	v2 =	vmul.f32 $1.131370830e+01, v5;
	[tilespmem:s12+$0x90] =	vst v4;
	v4 =	vld [tilespmem:s11+$0x50]  }
0x2c4: {  	v3 =	vmul.f32 $1.131370830e+01, v3;
	v5 =	vld [tilespmem:s14+$0xA0];
	[tilespmem:s10+$0xD0] =	vst v1  }
0x2c5: {  	v1 =	vmul.f32 $1.131370830e+01, v7;
	[tilespmem:s12+$0xFFFFFF90] =	vst v2;
	v2 =	vld [tilespmem:s11+$0xE0]  }
0x2c6: {  	v7 =	vld [tilespmem:s14+$0xFFFFFFA0];
	[tilespmem:s12+$0x10] =	vst v3;
	v3 =	vmul.f32 $1.131370830e+01, v6  }
0x2c7: {  	[tilespmem:s12+$0xFFFFFF10] =	vst v1;
	v1 =	vld [tilespmem:s14+$0x20];
	v0 =	vmul.f32 $1.131370830e+01, v0  }
0x2c8: {  	v6 =	vld [tilespmem:s14+$0xFFFFFF20];
	[tilespmem:s10+$0xFFFFFF50] =	vst v3;
	v3 =	vmul.f32 $1.131370830e+01, v4  }
0x2c9: {  	v4 =	vmul.f32 $1.131370830e+01, v5;
	v5 =	vld [tilespmem:s11+$0xFFFFFF60];
	[tilespmem:s10+$0xFFFFFFD0] =	vst v0  }
0x2ca: {  	v0 =	vld [tilespmem:s11+$0xFFFFFFE0];
	[tilespmem:s10+$0x50] =	vst v3;
	v2 =	vmul.f32 $1.131370830e+01, v2  }
0x2cb: {  	v3 =	vmul.f32 $1.131370830e+01, v7;
	[tilespmem:s12+$0xA0] =	vst v4;
	v7 =	vld [tilespmem:s11+$0x60]  }
0x2cc: {  	v1 =	vmul.f32 $1.131370830e+01, v1;
	v8 =	vld [tilespmem:s14+$0xB0];
	[tilespmem:s10+$0xE0] =	vst v2  }
0x2cd: {  	v2 =	vmul.f32 $1.131370830e+01, v6;
	[tilespmem:s12+$0xFFFFFFA0] =	vst v3;
	v3 =	vld [tilespmem:s11+$0xF0]  }
0x2ce: {  	v6 =	vld [tilespmem:s14+$0xFFFFFFB0];
	[tilespmem:s12+$0x20] =	vst v1;
	v1 =	vmul.f32 $1.131370830e+01, v5  }
.Ltmp8:
0x2cf: {  	[tilespmem:s12+$0xFFFFFF20] =	vst v2;
	v4 =	vld [tilespmem:s14+$0x30];
	v0 =	vmul.f32 $1.131370830e+01, v0;
	(pc) =	sbr.rel @p0 .LBB2_19-.Ltmp8, $4  }
0x2d0: {  	v5 =	vld [tilespmem:s14+$0xFFFFFF30];
	[tilespmem:s10+$0xFFFFFF60] =	vst v1;
	v2 =	vmul.f32 $1.131370830e+01, v7  }
0x2d1: {  	v7 =	vmul.f32 $1.131370830e+01, v8;
	v1 =	vld [tilespmem:s11+$0xFFFFFF70];
	[tilespmem:s10+$0xFFFFFFE0] =	vst v0  }
0x2d2: {  	v0 =	vld [tilespmem:s11+$0xFFFFFFF0];
	[tilespmem:s10+$0x60] =	vst v2;
	v3 =	vmul.f32 $1.131370830e+01, v3  }
0x2d3: {  	v6 =	vmul.f32 $1.131370830e+01, v6;
	[tilespmem:s12+$0xB0] =	vst v7;
	v2 =	vld [tilespmem:s11+$0x70];
	s11 =	smov.u32 s14;
	s14 =	sadd.s32 $0x200, s14  }
0x2d4: {  	v4 =	vmul.f32 $1.131370830e+01, v4  }
0x2d5: {  	v7 =	vld [tilespmem:s11+$0xC0];
	v5 =	vmul.f32 $1.131370830e+01, v5;
	[tilespmem:s12+$0xFFFFFFB0] =	vst v6  }
0x2d6: {  	[tilespmem:s12+$0x30] =	vst v4;
	v51 =	vld [tilespmem:s11+$0xFFFFFFC0]  }
0x2d7: {  	[tilespmem:s12+$0xFFFFFF30] =	vst v5;
	v52 =	vld [tilespmem:s11+$0x40]  }
0x2d8: {  	v5 =	vld [tilespmem:s11+$0xFFFFFF40];
	_ =	sdelay $0x1  }
0x2d9: {  	v7 =	vmul.f32 $1.131370830e+01, v7  }
0x2da: {  	v4 =	vmul.f32 $1.131370830e+01, v51  }
0x2db: {  	[tilespmem:s12+$0xC0] =	vst v7;
	v53 =	vmul.f32 $1.131370830e+01, v52  }
0x2dc: {  	v7 =	vld [tilespmem:s11+$0xD0];
	v5 =	vmul.f32 $1.131370830e+01, v5;
	[tilespmem:s12+$0xFFFFFFC0] =	vst v4  }
0x2dd: {  	v4 =	vld [tilespmem:s11+$0xFFFFFFD0];
	[tilespmem:s12+$0x40] =	vst v53  }
0x2de: {  	[tilespmem:s12+$0xFFFFFF40] =	vst v5;
	v5 =	vld [tilespmem:s11+$0x50]  }
0x2df: {  	v54 =	vld [tilespmem:s11+$0xFFFFFF50];
	_ =	sdelay $0x1  }
0x2e0: {  	v7 =	vmul.f32 $1.131370830e+01, v7  }
0x2e1: {  	v4 =	vmul.f32 $1.131370830e+01, v4  }
0x2e2: {  	[tilespmem:s12+$0xD0] =	vst v7;
	v5 =	vmul.f32 $1.131370830e+01, v5  }
0x2e3: {  	v7 =	vld [tilespmem:s11+$0xE0];
	v6 =	vmul.f32 $1.131370830e+01, v54;
	[tilespmem:s12+$0xFFFFFFD0] =	vst v4  }
0x2e4: {  	v4 =	vld [tilespmem:s11+$0xFFFFFFE0];
	[tilespmem:s12+$0x50] =	vst v5  }
0x2e5: {  	[tilespmem:s12+$0xFFFFFF50] =	vst v6;
	v5 =	vld [tilespmem:s11+$0x60]  }
0x2e6: {  	v6 =	vld [tilespmem:s11+$0xFFFFFF60];
	_ =	sdelay $0x1  }
0x2e7: {  	v7 =	vmul.f32 $1.131370830e+01, v7  }
0x2e8: {  	v4 =	vmul.f32 $1.131370830e+01, v4  }
0x2e9: {  	[tilespmem:s12+$0xE0] =	vst v7;
	v5 =	vmul.f32 $1.131370830e+01, v5  }
0x2ea: {  	v55 =	vld [tilespmem:s11+$0xF0];
	v6 =	vmul.f32 $1.131370830e+01, v6;
	[tilespmem:s12+$0xFFFFFFE0] =	vst v4  }
0x2eb: {  	[tilespmem:s12+$0x60] =	vst v5;
	v57 =	vld [tilespmem:s11+$0xFFFFFFF0]  }
0x2ec: {  	v1 =	vmul.f32 $1.131370830e+01, v1;
	[tilespmem:s12+$0xFFFFFF60] =	vst v6;
	v58 =	vld [tilespmem:s11+$0x70]  }
0x2ed: {  	[tilespmem:s10+$0xF0] =	vst v3;
	v0 =	vmul.f32 $1.131370830e+01, v0;
	v56 =	vld [tilespmem:s11+$0xFFFFFF70]  }
0x2ee: {  	[tilespmem:s10+$0xFFFFFF70] =	vst v1;
	v59 =	vmul.f32 $1.131370830e+01, v2  }
0x2ef: {  	[tilespmem:s10+$0xFFFFFFF0] =	vst v0;
	v60 =	vmul.f32 $1.131370830e+01, v55  }
0x2f0: {  	[tilespmem:s10+$0x70] =	vst v59;
	v62 =	vmul.f32 $1.131370830e+01, v57  }
0x2f1: {  	[tilespmem:s12+$0xF0] =	vst v60;
	v63 =	vmul.f32 $1.131370830e+01, v58  }
0x2f2: {  	v61 =	vmul.f32 $1.131370830e+01, v56;
	[tilespmem:s12+$0xFFFFFFF0] =	vst v62  }
0x2f3: {  	[tilespmem:s12+$0x70] =	vst v63  }
0x2f4: {  	s6 =	simm.s32 $0x0;
	[tilespmem:s12+$0xFFFFFF70] =	vst v61  }
.LBB2_21:
0x2f5: {  	s10 =	sshra.s32 s6, $0x2  }
0x2f6: {  	v0 =	vld [tilespmem:s10+$0x5800]  }
0x2f7: {  	v1 =	vld [tilespmem:s10+$0x5810]  }
0x2f8: {  	v2 =	vld [tilespmem:s10+$0x5820]  }
0x2f9: {  	v3 =	vld [tilespmem:s10+$0x5830]  }
0x2fa: {  	v4 =	vld [tilespmem:s10+$0x5840]  }
0x2fb: {  	v5 =	vld [tilespmem:s10+$0x5850];
	v0 =	vmul.f32 $1.131370830e+01, v0  }
0x2fc: {  	v6 =	vld [tilespmem:s10+$0x5860];
	v1 =	vmul.f32 $1.131370830e+01, v1  }
0x2fd: {  	v58 =	vld [tilespmem:s10+$0x5870];
	v57 =	vmul.f32 $1.131370830e+01, v2;
	[tilespmem:s10+$0xC800] =	vst v0  }
0x2fe: {  	v59 =	vmul.f32 $1.131370830e+01, v3;
	[tilespmem:s10+$0xC810] =	vst v1  }
0x2ff: {  	p0 =	sne.s32 s6, $0x200;
	v60 =	vmul.f32 $1.131370830e+01, v4;
	[tilespmem:s10+$0xC820] =	vst v57  }
.Ltmp9:
0x300: {  	v61 =	vmul.f32 $1.131370830e+01, v5;
	[tilespmem:s10+$0xC830] =	vst v59;
	(pc) =	sbr.rel @p0 .LBB2_21-.Ltmp9, $4  }
0x301: {  	v62 =	vmul.f32 $1.131370830e+01, v6;
	[tilespmem:s10+$0xC840] =	vst v60  }
0x302: {  	v63 =	vmul.f32 $1.131370830e+01, v58;
	[tilespmem:s10+$0xC850] =	vst v61  }
0x303: {  	[tilespmem:s10+$0xC860] =	vst v62  }
0x304: {  	s6 =	sadd.s32 $0x200, s6;
	[tilespmem:s10+$0xC870] =	vst v63  }
0x305: {  	s11 =	sshll.u32 s9, $0x2  }
0x306: {  	s6 =	sadd.s32 s3, s11  }
0x307: {  	s6 =	smul.u32 $0x380, s6  }
0x308: {  	s16 =	sshll.u32 s9, $0x9  }
0x309: {  	s10 =	sand.u32 $0x3FFFFE00, s16;
	s6 =	sadd.s32 s5, s6  }
0x30a: {  	[hbm4b:s6+s4] =	stream.linear.scatter [tilespmem:s26], [sflag:$0x5], $0x1900, $0x38;
	[tilespmem:$0x12000] =	vst v63  }
0x30b: {  	s6 =	sadd.s32 $0x200, s10  }
0x30c: {  	[tilespmem:s18], [sflag:$0x1] =	stream.indirect.gather [hbm4b:s2+s17], $0x80, s6, s17, $0xb8;
	[tilespmem:$0x12000] =	vst v63  }
0x30d: {  	_ =	swait.ge [sflag:s29], $0x1900  }
0x30e: {  	[sflag:s29] =	ssyncset.done $0x0  }
0x30f: {  	[sflag:s29] =	ssyncadd.s32 $0xFFFFE700  }
0x310: {  	_ =	swait.ge [sflag:s19], $0x1900  }
0x311: {  	[sflag:s19] =	ssyncset.done $0x0  }
0x312: {  	s16 =	simm.s32 $0x5D00;
	[sflag:s19] =	ssyncadd.s32 $0xFFFFE700  }
0x313: {  	v0 =	vld [tilespmem:s16+$0x80];
	_ =	sdelay $0x3  }
0x314: {  	v1 =	vld [tilespmem:s16+$0xFFFFFF00]  }
0x315: {  	v2 =	vld [tilespmem:s16+$0xFFFFFF80];
	v0 =	vmul.f32 $1.131370830e+01, v0  }
0x316: {  	s12 =	simm.s32 $0xCD00;
	v3 =	vld [tilespmem:s16+$0x0]  }
0x317: {  	[tilespmem:s12+$0x80] =	vst v0  }
0x318: {  	v0 =	vld [tilespmem:s16+$0x90]  }
0x319: {  	v1 =	vmul.f32 $1.131370830e+01, v1  }
0x31a: {  	v2 =	vmul.f32 $1.131370830e+01, v2  }
0x31b: {  	v3 =	vmul.f32 $1.131370830e+01, v3;
	[tilespmem:s12+$0xFFFFFF00] =	vst v1  }
0x31c: {  	[tilespmem:s12+$0xFFFFFF80] =	vst v2;
	v1 =	vld [tilespmem:s16+$0xFFFFFF10]  }
0x31d: {  	[tilespmem:s12+$0x0] =	vst v3;
	v2 =	vld [tilespmem:s16+$0xFFFFFF90];
	v0 =	vmul.f32 $1.131370830e+01, v0  }
0x31e: {  	v3 =	vld [tilespmem:s16+$0x10]  }
0x31f: {  	[tilespmem:s12+$0x90] =	vst v0  }
0x320: {  	v0 =	vld [tilespmem:s16+$0xA0]  }
0x321: {  	v1 =	vmul.f32 $1.131370830e+01, v1  }
0x322: {  	v2 =	vmul.f32 $1.131370830e+01, v2  }
0x323: {  	v3 =	vmul.f32 $1.131370830e+01, v3;
	[tilespmem:s12+$0xFFFFFF10] =	vst v1  }
0x324: {  	[tilespmem:s12+$0xFFFFFF90] =	vst v2;
	v1 =	vld [tilespmem:s16+$0xFFFFFF20]  }
0x325: {  	[tilespmem:s12+$0x10] =	vst v3;
	v2 =	vld [tilespmem:s16+$0xFFFFFFA0];
	v0 =	vmul.f32 $1.131370830e+01, v0  }
0x326: {  	v3 =	vld [tilespmem:s16+$0x20]  }
0x327: {  	[tilespmem:s12+$0xA0] =	vst v0  }
0x328: {  	v0 =	vld [tilespmem:s16+$0xB0]  }
0x329: {  	v1 =	vmul.f32 $1.131370830e+01, v1  }
0x32a: {  	v2 =	vmul.f32 $1.131370830e+01, v2  }
0x32b: {  	v3 =	vmul.f32 $1.131370830e+01, v3;
	[tilespmem:s12+$0xFFFFFF20] =	vst v1  }
0x32c: {  	[tilespmem:s12+$0xFFFFFFA0] =	vst v2;
	v1 =	vld [tilespmem:s16+$0xFFFFFF30]  }
0x32d: {  	[tilespmem:s12+$0x20] =	vst v3;
	v2 =	vld [tilespmem:s16+$0xFFFFFFB0];
	v0 =	vmul.f32 $1.131370830e+01, v0  }
0x32e: {  	s13 =	simm.s32 $0x5F00;
	v3 =	vld [tilespmem:s16+$0x30]  }
0x32f: {  	[tilespmem:s12+$0xB0] =	vst v0;
	v0 =	vld [tilespmem:s13+$0x80]  }
0x330: {  	v4 =	vld [tilespmem:s16+$0xC0]  }
0x331: {  	v5 =	vld [tilespmem:s13+$0xFFFFFF80];
	v1 =	vmul.f32 $1.131370830e+01, v1  }
0x332: {  	v6 =	vld [tilespmem:s13+$0x0];
	v2 =	vmul.f32 $1.131370830e+01, v2  }
0x333: {  	v3 =	vmul.f32 $1.131370830e+01, v3;
	[tilespmem:s12+$0xFFFFFF30] =	vst v1;
	v1 =	vld [tilespmem:s13+$0xFFFFFF00]  }
0x334: {  	[tilespmem:s12+$0xFFFFFFB0] =	vst v2;
	v2 =	vld [tilespmem:s16+$0xFFFFFF40];
	v0 =	vmul.f32 $1.131370830e+01, v0  }
0x335: {  	s14 =	simm.s32 $0xCF00;
	[tilespmem:s12+$0x30] =	vst v3;
	v3 =	vld [tilespmem:s16+$0xFFFFFFC0];
	v4 =	vmul.f32 $1.131370830e+01, v4  }
0x336: {  	v5 =	vmul.f32 $1.131370830e+01, v5;
	[tilespmem:s14+$0x80] =	vst v0;
	v0 =	vld [tilespmem:s16+$0x40]  }
0x337: {  	v6 =	vmul.f32 $1.131370830e+01, v6;
	v7 =	vld [tilespmem:s13+$0x90];
	[tilespmem:s12+$0xC0] =	vst v4  }
0x338: {  	[tilespmem:s14+$0xFFFFFF80] =	vst v5;
	v1 =	vmul.f32 $1.131370830e+01, v1;
	v4 =	vld [tilespmem:s16+$0xD0]  }
0x339: {  	[tilespmem:s14+$0x0] =	vst v6;
	v5 =	vld [tilespmem:s13+$0xFFFFFF90];
	v2 =	vmul.f32 $1.131370830e+01, v2  }
0x33a: {  	v3 =	vmul.f32 $1.131370830e+01, v3;
	[tilespmem:s14+$0xFFFFFF00] =	vst v1;
	v1 =	vld [tilespmem:s13+$0x10]  }
0x33b: {  	v6 =	vld [tilespmem:s13+$0xFFFFFF10];
	[tilespmem:s12+$0xFFFFFF40] =	vst v2;
	v0 =	vmul.f32 $1.131370830e+01, v0  }
0x33c: {  	[tilespmem:s12+$0xFFFFFFC0] =	vst v3;
	v2 =	vmul.f32 $1.131370830e+01, v7;
	v7 =	vld [tilespmem:s16+$0xFFFFFF50]  }
0x33d: {  	v3 =	vld [tilespmem:s16+$0xFFFFFFD0];
	[tilespmem:s12+$0x40] =	vst v0;
	v0 =	vmul.f32 $1.131370830e+01, v4  }
0x33e: {  	v4 =	vmul.f32 $1.131370830e+01, v5;
	[tilespmem:s14+$0x90] =	vst v2;
	v2 =	vld [tilespmem:s16+$0x50]  }
0x33f: {  	v1 =	vmul.f32 $1.131370830e+01, v1;
	v5 =	vld [tilespmem:s13+$0xA0];
	[tilespmem:s12+$0xD0] =	vst v0  }
0x340: {  	v0 =	vmul.f32 $1.131370830e+01, v6;
	[tilespmem:s14+$0xFFFFFF90] =	vst v4;
	v4 =	vld [tilespmem:s16+$0xE0]  }
0x341: {  	[tilespmem:s14+$0x10] =	vst v1;
	v6 =	vld [tilespmem:s13+$0xFFFFFFA0];
	v1 =	vmul.f32 $1.131370830e+01, v7  }
0x342: {  	v3 =	vmul.f32 $1.131370830e+01, v3;
	[tilespmem:s14+$0xFFFFFF10] =	vst v0;
	v0 =	vld [tilespmem:s13+$0x20]  }
0x343: {  	v7 =	vld [tilespmem:s13+$0xFFFFFF20];
	[tilespmem:s12+$0xFFFFFF50] =	vst v1;
	v1 =	vmul.f32 $1.131370830e+01, v2  }
0x344: {  	[tilespmem:s12+$0xFFFFFFD0] =	vst v3;
	v2 =	vmul.f32 $1.131370830e+01, v5;
	v5 =	vld [tilespmem:s16+$0xFFFFFF60]  }
0x345: {  	v3 =	vld [tilespmem:s16+$0xFFFFFFE0];
	[tilespmem:s12+$0x50] =	vst v1;
	v1 =	vmul.f32 $1.131370830e+01, v4  }
0x346: {  	v4 =	vmul.f32 $1.131370830e+01, v6;
	[tilespmem:s14+$0xA0] =	vst v2;
	v2 =	vld [tilespmem:s16+$0x60]  }
0x347: {  	v0 =	vmul.f32 $1.131370830e+01, v0;
	v6 =	vld [tilespmem:s13+$0xB0];
	[tilespmem:s12+$0xE0] =	vst v1  }
0x348: {  	v1 =	vmul.f32 $1.131370830e+01, v7;
	[tilespmem:s14+$0xFFFFFFA0] =	vst v4;
	v7 =	vld [tilespmem:s16+$0xF0]  }
0x349: {  	v8 =	vld [tilespmem:s13+$0xFFFFFFB0];
	[tilespmem:s14+$0x20] =	vst v0;
	v0 =	vmul.f32 $1.131370830e+01, v5  }
0x34a: {  	v3 =	vmul.f32 $1.131370830e+01, v3;
	[tilespmem:s14+$0xFFFFFF20] =	vst v1;
	v4 =	vld [tilespmem:s13+$0x30]  }
0x34b: {  	v5 =	vld [tilespmem:s13+$0xFFFFFF30];
	[tilespmem:s12+$0xFFFFFF60] =	vst v0;
	v2 =	vmul.f32 $1.131370830e+01, v2  }
0x34c: {  	[tilespmem:s12+$0xFFFFFFE0] =	vst v3;
	v9 =	vmul.f32 $1.131370830e+01, v6;
	v1 =	vld [tilespmem:s16+$0xFFFFFF70]  }
0x34d: {  	v0 =	vld [tilespmem:s16+$0xFFFFFFF0];
	[tilespmem:s12+$0x60] =	vst v2;
	v3 =	vmul.f32 $1.131370830e+01, v7  }
0x34e: {  	s15 =	simm.s32 $0x4;
	s6 =	simm.s32 $0x6100;
	v6 =	vmul.f32 $1.131370830e+01, v8;
	[tilespmem:s14+$0xB0] =	vst v9;
	v2 =	vld [tilespmem:s16+$0x70]  }
.LBB2_23:
0x34f: {  	v7 =	vld [tilespmem:s6+$0x80];
	v4 =	vmul.f32 $1.131370830e+01, v4;
	[tilespmem:s12+$0xF0] =	vst v3  }
0x350: {  	s15 =	sadd.s32 $0x4, s15;
	v3 =	vmul.f32 $1.131370830e+01, v5;
	[tilespmem:s14+$0xFFFFFFB0] =	vst v6;
	v5 =	vld [tilespmem:s13+$0xC0]  }
0x351: {  	p0 =	slt.u32 s15, $0x2C;
	v6 =	vld [tilespmem:s6+$0xFFFFFF80];
	[tilespmem:s14+$0x30] =	vst v4;
	v1 =	vmul.f32 $1.131370830e+01, v1  }
0x352: {  	v4 =	vld [tilespmem:s6+$0x0];
	[tilespmem:s14+$0xFFFFFF30] =	vst v3;
	v0 =	vmul.f32 $1.131370830e+01, v0  }
0x353: {  	v3 =	vld [tilespmem:s6+$0xFFFFFF00];
	[tilespmem:s12+$0xFFFFFF70] =	vst v1;
	v1 =	vmul.f32 $1.131370830e+01, v2  }
0x354: {  	v2 =	vmul.f32 $1.131370830e+01, v7;
	v7 =	vld [tilespmem:s13+$0xFFFFFF40];
	[tilespmem:s12+$0xFFFFFFF0] =	vst v0  }
0x355: {  	v0 =	vld [tilespmem:s13+$0xFFFFFFC0];
	v5 =	vmul.f32 $1.131370830e+01, v5;
	[tilespmem:s12+$0x70] =	vst v1;
	s12 =	smov.u32 s14;
	s14 =	sadd.s32 $0x200, s14  }
0x356: {  	v1 =	vmul.f32 $1.131370830e+01, v6;
	[tilespmem:s14+$0x80] =	vst v2;
	v2 =	vld [tilespmem:s13+$0x40]  }
0x357: {  	v4 =	vmul.f32 $1.131370830e+01, v4;
	v6 =	vld [tilespmem:s6+$0x90];
	[tilespmem:s12+$0xC0] =	vst v5  }
0x358: {  	v3 =	vmul.f32 $1.131370830e+01, v3;
	[tilespmem:s14+$0xFFFFFF80] =	vst v1;
	v1 =	vld [tilespmem:s13+$0xD0]  }
0x359: {  	v5 =	vld [tilespmem:s6+$0xFFFFFF90];
	[tilespmem:s14+$0x0] =	vst v4;
	v4 =	vmul.f32 $1.131370830e+01, v7  }
0x35a: {  	[tilespmem:s14+$0xFFFFFF00] =	vst v3;
	v3 =	vld [tilespmem:s6+$0x10];
	v0 =	vmul.f32 $1.131370830e+01, v0  }
0x35b: {  	v7 =	vld [tilespmem:s6+$0xFFFFFF10];
	[tilespmem:s12+$0xFFFFFF40] =	vst v4;
	v2 =	vmul.f32 $1.131370830e+01, v2  }
0x35c: {  	v4 =	vmul.f32 $1.131370830e+01, v6;
	v6 =	vld [tilespmem:s13+$0xFFFFFF50];
	[tilespmem:s12+$0xFFFFFFC0] =	vst v0  }
0x35d: {  	v0 =	vld [tilespmem:s13+$0xFFFFFFD0];
	[tilespmem:s12+$0x40] =	vst v2;
	v1 =	vmul.f32 $1.131370830e+01, v1  }
0x35e: {  	v2 =	vmul.f32 $1.131370830e+01, v5;
	[tilespmem:s14+$0x90] =	vst v4;
	v4 =	vld [tilespmem:s13+$0x50]  }
0x35f: {  	v3 =	vmul.f32 $1.131370830e+01, v3;
	v5 =	vld [tilespmem:s6+$0xA0];
	[tilespmem:s12+$0xD0] =	vst v1  }
0x360: {  	v1 =	vmul.f32 $1.131370830e+01, v7;
	[tilespmem:s14+$0xFFFFFF90] =	vst v2;
	v2 =	vld [tilespmem:s13+$0xE0]  }
0x361: {  	v7 =	vld [tilespmem:s6+$0xFFFFFFA0];
	[tilespmem:s14+$0x10] =	vst v3;
	v3 =	vmul.f32 $1.131370830e+01, v6  }
0x362: {  	[tilespmem:s14+$0xFFFFFF10] =	vst v1;
	v1 =	vld [tilespmem:s6+$0x20];
	v0 =	vmul.f32 $1.131370830e+01, v0  }
0x363: {  	v6 =	vld [tilespmem:s6+$0xFFFFFF20];
	[tilespmem:s12+$0xFFFFFF50] =	vst v3;
	v3 =	vmul.f32 $1.131370830e+01, v4  }
0x364: {  	v4 =	vmul.f32 $1.131370830e+01, v5;
	v5 =	vld [tilespmem:s13+$0xFFFFFF60];
	[tilespmem:s12+$0xFFFFFFD0] =	vst v0  }
0x365: {  	v0 =	vld [tilespmem:s13+$0xFFFFFFE0];
	[tilespmem:s12+$0x50] =	vst v3;
	v2 =	vmul.f32 $1.131370830e+01, v2  }
0x366: {  	v3 =	vmul.f32 $1.131370830e+01, v7;
	[tilespmem:s14+$0xA0] =	vst v4;
	v7 =	vld [tilespmem:s13+$0x60]  }
0x367: {  	v1 =	vmul.f32 $1.131370830e+01, v1;
	v8 =	vld [tilespmem:s6+$0xB0];
	[tilespmem:s12+$0xE0] =	vst v2  }
0x368: {  	v2 =	vmul.f32 $1.131370830e+01, v6;
	[tilespmem:s14+$0xFFFFFFA0] =	vst v3;
	v3 =	vld [tilespmem:s13+$0xF0]  }
0x369: {  	v6 =	vld [tilespmem:s6+$0xFFFFFFB0];
	[tilespmem:s14+$0x20] =	vst v1;
	v1 =	vmul.f32 $1.131370830e+01, v5  }
.Ltmp10:
0x36a: {  	[tilespmem:s14+$0xFFFFFF20] =	vst v2;
	v4 =	vld [tilespmem:s6+$0x30];
	v0 =	vmul.f32 $1.131370830e+01, v0;
	(pc) =	sbr.rel @p0 .LBB2_23-.Ltmp10, $4  }
0x36b: {  	v5 =	vld [tilespmem:s6+$0xFFFFFF30];
	[tilespmem:s12+$0xFFFFFF60] =	vst v1;
	v2 =	vmul.f32 $1.131370830e+01, v7  }
0x36c: {  	v7 =	vmul.f32 $1.131370830e+01, v8;
	v1 =	vld [tilespmem:s13+$0xFFFFFF70];
	[tilespmem:s12+$0xFFFFFFE0] =	vst v0  }
0x36d: {  	v0 =	vld [tilespmem:s13+$0xFFFFFFF0];
	[tilespmem:s12+$0x60] =	vst v2;
	v3 =	vmul.f32 $1.131370830e+01, v3  }
0x36e: {  	v6 =	vmul.f32 $1.131370830e+01, v6;
	[tilespmem:s14+$0xB0] =	vst v7;
	v2 =	vld [tilespmem:s13+$0x70];
	s13 =	smov.u32 s6;
	s6 =	sadd.s32 $0x200, s6  }
0x36f: {  	v4 =	vmul.f32 $1.131370830e+01, v4  }
0x370: {  	v7 =	vld [tilespmem:s13+$0xC0];
	v5 =	vmul.f32 $1.131370830e+01, v5;
	[tilespmem:s14+$0xFFFFFFB0] =	vst v6  }
0x371: {  	[tilespmem:s14+$0x30] =	vst v4;
	v51 =	vld [tilespmem:s13+$0xFFFFFFC0]  }
0x372: {  	[tilespmem:s14+$0xFFFFFF30] =	vst v5;
	v52 =	vld [tilespmem:s13+$0x40]  }
0x373: {  	v5 =	vld [tilespmem:s13+$0xFFFFFF40];
	_ =	sdelay $0x1  }
0x374: {  	v7 =	vmul.f32 $1.131370830e+01, v7  }
0x375: {  	v4 =	vmul.f32 $1.131370830e+01, v51  }
0x376: {  	[tilespmem:s14+$0xC0] =	vst v7;
	v53 =	vmul.f32 $1.131370830e+01, v52  }
0x377: {  	v7 =	vld [tilespmem:s13+$0xD0];
	v5 =	vmul.f32 $1.131370830e+01, v5;
	[tilespmem:s14+$0xFFFFFFC0] =	vst v4  }
0x378: {  	v4 =	vld [tilespmem:s13+$0xFFFFFFD0];
	[tilespmem:s14+$0x40] =	vst v53  }
0x379: {  	[tilespmem:s14+$0xFFFFFF40] =	vst v5;
	v5 =	vld [tilespmem:s13+$0x50]  }
0x37a: {  	v54 =	vld [tilespmem:s13+$0xFFFFFF50];
	_ =	sdelay $0x1  }
0x37b: {  	v7 =	vmul.f32 $1.131370830e+01, v7  }
0x37c: {  	v4 =	vmul.f32 $1.131370830e+01, v4  }
0x37d: {  	[tilespmem:s14+$0xD0] =	vst v7;
	v5 =	vmul.f32 $1.131370830e+01, v5  }
0x37e: {  	v7 =	vld [tilespmem:s13+$0xE0];
	v6 =	vmul.f32 $1.131370830e+01, v54;
	[tilespmem:s14+$0xFFFFFFD0] =	vst v4  }
0x37f: {  	v4 =	vld [tilespmem:s13+$0xFFFFFFE0];
	[tilespmem:s14+$0x50] =	vst v5  }
0x380: {  	[tilespmem:s14+$0xFFFFFF50] =	vst v6;
	v5 =	vld [tilespmem:s13+$0x60]  }
0x381: {  	v6 =	vld [tilespmem:s13+$0xFFFFFF60];
	_ =	sdelay $0x1  }
0x382: {  	v7 =	vmul.f32 $1.131370830e+01, v7  }
0x383: {  	v4 =	vmul.f32 $1.131370830e+01, v4  }
0x384: {  	[tilespmem:s14+$0xE0] =	vst v7;
	v5 =	vmul.f32 $1.131370830e+01, v5  }
0x385: {  	v55 =	vld [tilespmem:s13+$0xF0];
	v6 =	vmul.f32 $1.131370830e+01, v6;
	[tilespmem:s14+$0xFFFFFFE0] =	vst v4  }
0x386: {  	[tilespmem:s14+$0x60] =	vst v5;
	v57 =	vld [tilespmem:s13+$0xFFFFFFF0]  }
0x387: {  	v1 =	vmul.f32 $1.131370830e+01, v1;
	[tilespmem:s14+$0xFFFFFF60] =	vst v6;
	v58 =	vld [tilespmem:s13+$0x70]  }
0x388: {  	[tilespmem:s12+$0xF0] =	vst v3;
	v0 =	vmul.f32 $1.131370830e+01, v0;
	v56 =	vld [tilespmem:s13+$0xFFFFFF70]  }
0x389: {  	[tilespmem:s12+$0xFFFFFF70] =	vst v1;
	v59 =	vmul.f32 $1.131370830e+01, v2  }
0x38a: {  	[tilespmem:s12+$0xFFFFFFF0] =	vst v0;
	v60 =	vmul.f32 $1.131370830e+01, v55  }
0x38b: {  	[tilespmem:s12+$0x70] =	vst v59;
	v62 =	vmul.f32 $1.131370830e+01, v57  }
0x38c: {  	[tilespmem:s14+$0xF0] =	vst v60;
	v63 =	vmul.f32 $1.131370830e+01, v58  }
0x38d: {  	v61 =	vmul.f32 $1.131370830e+01, v56;
	[tilespmem:s14+$0xFFFFFFF0] =	vst v62  }
0x38e: {  	[tilespmem:s14+$0x70] =	vst v63  }
0x38f: {  	s6 =	simm.s32 $0x0;
	[tilespmem:s14+$0xFFFFFF70] =	vst v61  }
.LBB2_25:
0x390: {  	s12 =	sshra.s32 s6, $0x2  }
0x391: {  	v0 =	vld [tilespmem:s12+$0x7400]  }
0x392: {  	v1 =	vld [tilespmem:s12+$0x7410]  }
0x393: {  	v2 =	vld [tilespmem:s12+$0x7420]  }
0x394: {  	v3 =	vld [tilespmem:s12+$0x7430]  }
0x395: {  	v4 =	vld [tilespmem:s12+$0x7440]  }
0x396: {  	v5 =	vld [tilespmem:s12+$0x7450];
	v0 =	vmul.f32 $1.131370830e+01, v0  }
0x397: {  	v6 =	vld [tilespmem:s12+$0x7460];
	v1 =	vmul.f32 $1.131370830e+01, v1  }
0x398: {  	v58 =	vld [tilespmem:s12+$0x7470];
	v57 =	vmul.f32 $1.131370830e+01, v2;
	[tilespmem:s12+$0xE400] =	vst v0  }
0x399: {  	v59 =	vmul.f32 $1.131370830e+01, v3;
	[tilespmem:s12+$0xE410] =	vst v1  }
0x39a: {  	p0 =	sne.s32 s6, $0x200;
	v60 =	vmul.f32 $1.131370830e+01, v4;
	[tilespmem:s12+$0xE420] =	vst v57  }
.Ltmp11:
0x39b: {  	v61 =	vmul.f32 $1.131370830e+01, v5;
	[tilespmem:s12+$0xE430] =	vst v59;
	(pc) =	sbr.rel @p0 .LBB2_25-.Ltmp11, $4  }
0x39c: {  	v62 =	vmul.f32 $1.131370830e+01, v6;
	[tilespmem:s12+$0xE440] =	vst v60  }
0x39d: {  	v63 =	vmul.f32 $1.131370830e+01, v58;
	[tilespmem:s12+$0xE450] =	vst v61  }
0x39e: {  	[tilespmem:s12+$0xE460] =	vst v62  }
0x39f: {  	s6 =	sadd.s32 $0x200, s6;
	[tilespmem:s12+$0xE470] =	vst v63  }
0x3a0: {  	s6 =	sadd.s32 s11, s3  }
0x3a1: {  	s6 =	smul.u32 $0x380, s6;
	_ =	sdelay $0x1  }
0x3a2: {  	s11 =	sadd.s32 s5, s6  }
0x3a3: {  	s6 =	sadd.s32 $0x380, s11  }
0x3a4: {  	[hbm4b:s6+s4] =	stream.linear.scatter [tilespmem:s30], [sflag:$0x6], $0x1900, $0x38;
	[tilespmem:$0x12000] =	vst v63  }
0x3a5: {  	s16 =	sadd.s32 $0x280, s10  }
0x3a6: {  	[tilespmem:s20], [sflag:$0x2] =	stream.indirect.gather [hbm4b:s2+s17], $0x80, s16, s17, $0xb8;
	[tilespmem:$0x12000] =	vst v63  }
0x3a7: {  	_ =	swait.ge [sflag:s1], $0x1900  }
0x3a8: {  	[sflag:s1] =	ssyncset.done $0x0  }
0x3a9: {  	[sflag:s1] =	ssyncadd.s32 $0xFFFFE700  }
0x3aa: {  	_ =	swait.ge [sflag:s28], $0x1900  }
0x3ab: {  	[sflag:s28] =	ssyncset.done $0x0  }
0x3ac: {  	s16 =	simm.s32 $0x7900;
	[sflag:s28] =	ssyncadd.s32 $0xFFFFE700  }
0x3ad: {  	v0 =	vld [tilespmem:s16+$0x80];
	_ =	sdelay $0x3  }
0x3ae: {  	v1 =	vld [tilespmem:s16+$0xFFFFFF00]  }
0x3af: {  	v2 =	vld [tilespmem:s16+$0xFFFFFF80];
	v0 =	vmul.f32 $1.131370830e+01, v0  }
0x3b0: {  	s12 =	simm.s32 $0xE900;
	v3 =	vld [tilespmem:s16+$0x0]  }
0x3b1: {  	[tilespmem:s12+$0x80] =	vst v0  }
0x3b2: {  	v0 =	vld [tilespmem:s16+$0x90]  }
0x3b3: {  	v1 =	vmul.f32 $1.131370830e+01, v1  }
0x3b4: {  	v2 =	vmul.f32 $1.131370830e+01, v2  }
0x3b5: {  	v3 =	vmul.f32 $1.131370830e+01, v3;
	[tilespmem:s12+$0xFFFFFF00] =	vst v1  }
0x3b6: {  	[tilespmem:s12+$0xFFFFFF80] =	vst v2;
	v1 =	vld [tilespmem:s16+$0xFFFFFF10]  }
0x3b7: {  	[tilespmem:s12+$0x0] =	vst v3;
	v2 =	vld [tilespmem:s16+$0xFFFFFF90];
	v0 =	vmul.f32 $1.131370830e+01, v0  }
0x3b8: {  	v3 =	vld [tilespmem:s16+$0x10]  }
0x3b9: {  	[tilespmem:s12+$0x90] =	vst v0  }
0x3ba: {  	v0 =	vld [tilespmem:s16+$0xA0]  }
0x3bb: {  	v1 =	vmul.f32 $1.131370830e+01, v1  }
0x3bc: {  	v2 =	vmul.f32 $1.131370830e+01, v2  }
0x3bd: {  	v3 =	vmul.f32 $1.131370830e+01, v3;
	[tilespmem:s12+$0xFFFFFF10] =	vst v1  }
0x3be: {  	[tilespmem:s12+$0xFFFFFF90] =	vst v2;
	v1 =	vld [tilespmem:s16+$0xFFFFFF20]  }
0x3bf: {  	[tilespmem:s12+$0x10] =	vst v3;
	v2 =	vld [tilespmem:s16+$0xFFFFFFA0];
	v0 =	vmul.f32 $1.131370830e+01, v0  }
0x3c0: {  	v3 =	vld [tilespmem:s16+$0x20]  }
0x3c1: {  	[tilespmem:s12+$0xA0] =	vst v0  }
0x3c2: {  	v0 =	vld [tilespmem:s16+$0xB0]  }
0x3c3: {  	v1 =	vmul.f32 $1.131370830e+01, v1  }
0x3c4: {  	v2 =	vmul.f32 $1.131370830e+01, v2  }
0x3c5: {  	v3 =	vmul.f32 $1.131370830e+01, v3;
	[tilespmem:s12+$0xFFFFFF20] =	vst v1  }
0x3c6: {  	[tilespmem:s12+$0xFFFFFFA0] =	vst v2;
	v1 =	vld [tilespmem:s16+$0xFFFFFF30]  }
0x3c7: {  	[tilespmem:s12+$0x20] =	vst v3;
	v2 =	vld [tilespmem:s16+$0xFFFFFFB0];
	v0 =	vmul.f32 $1.131370830e+01, v0  }
0x3c8: {  	s13 =	simm.s32 $0x7B00;
	v3 =	vld [tilespmem:s16+$0x30]  }
0x3c9: {  	[tilespmem:s12+$0xB0] =	vst v0;
	v0 =	vld [tilespmem:s13+$0x80]  }
0x3ca: {  	v4 =	vld [tilespmem:s16+$0xC0]  }
0x3cb: {  	v5 =	vld [tilespmem:s13+$0xFFFFFF80];
	v1 =	vmul.f32 $1.131370830e+01, v1  }
0x3cc: {  	v6 =	vld [tilespmem:s13+$0x0];
	v2 =	vmul.f32 $1.131370830e+01, v2  }
0x3cd: {  	v3 =	vmul.f32 $1.131370830e+01, v3;
	[tilespmem:s12+$0xFFFFFF30] =	vst v1;
	v1 =	vld [tilespmem:s13+$0xFFFFFF00]  }
0x3ce: {  	[tilespmem:s12+$0xFFFFFFB0] =	vst v2;
	v2 =	vld [tilespmem:s16+$0xFFFFFF40];
	v0 =	vmul.f32 $1.131370830e+01, v0  }
0x3cf: {  	s14 =	simm.s32 $0xEB00;
	[tilespmem:s12+$0x30] =	vst v3;
	v3 =	vld [tilespmem:s16+$0xFFFFFFC0];
	v4 =	vmul.f32 $1.131370830e+01, v4  }
0x3d0: {  	v5 =	vmul.f32 $1.131370830e+01, v5;
	[tilespmem:s14+$0x80] =	vst v0;
	v0 =	vld [tilespmem:s16+$0x40]  }
0x3d1: {  	v6 =	vmul.f32 $1.131370830e+01, v6;
	v7 =	vld [tilespmem:s13+$0x90];
	[tilespmem:s12+$0xC0] =	vst v4  }
0x3d2: {  	[tilespmem:s14+$0xFFFFFF80] =	vst v5;
	v1 =	vmul.f32 $1.131370830e+01, v1;
	v4 =	vld [tilespmem:s16+$0xD0]  }
0x3d3: {  	[tilespmem:s14+$0x0] =	vst v6;
	v5 =	vld [tilespmem:s13+$0xFFFFFF90];
	v2 =	vmul.f32 $1.131370830e+01, v2  }
0x3d4: {  	v3 =	vmul.f32 $1.131370830e+01, v3;
	[tilespmem:s14+$0xFFFFFF00] =	vst v1;
	v1 =	vld [tilespmem:s13+$0x10]  }
0x3d5: {  	v6 =	vld [tilespmem:s13+$0xFFFFFF10];
	[tilespmem:s12+$0xFFFFFF40] =	vst v2;
	v0 =	vmul.f32 $1.131370830e+01, v0  }
0x3d6: {  	[tilespmem:s12+$0xFFFFFFC0] =	vst v3;
	v2 =	vmul.f32 $1.131370830e+01, v7;
	v7 =	vld [tilespmem:s16+$0xFFFFFF50]  }
0x3d7: {  	v3 =	vld [tilespmem:s16+$0xFFFFFFD0];
	[tilespmem:s12+$0x40] =	vst v0;
	v0 =	vmul.f32 $1.131370830e+01, v4  }
0x3d8: {  	v4 =	vmul.f32 $1.131370830e+01, v5;
	[tilespmem:s14+$0x90] =	vst v2;
	v2 =	vld [tilespmem:s16+$0x50]  }
0x3d9: {  	v1 =	vmul.f32 $1.131370830e+01, v1;
	v5 =	vld [tilespmem:s13+$0xA0];
	[tilespmem:s12+$0xD0] =	vst v0  }
0x3da: {  	v0 =	vmul.f32 $1.131370830e+01, v6;
	[tilespmem:s14+$0xFFFFFF90] =	vst v4;
	v4 =	vld [tilespmem:s16+$0xE0]  }
0x3db: {  	[tilespmem:s14+$0x10] =	vst v1;
	v6 =	vld [tilespmem:s13+$0xFFFFFFA0];
	v1 =	vmul.f32 $1.131370830e+01, v7  }
0x3dc: {  	v3 =	vmul.f32 $1.131370830e+01, v3;
	[tilespmem:s14+$0xFFFFFF10] =	vst v0;
	v0 =	vld [tilespmem:s13+$0x20]  }
0x3dd: {  	v7 =	vld [tilespmem:s13+$0xFFFFFF20];
	[tilespmem:s12+$0xFFFFFF50] =	vst v1;
	v1 =	vmul.f32 $1.131370830e+01, v2  }
0x3de: {  	[tilespmem:s12+$0xFFFFFFD0] =	vst v3;
	v2 =	vmul.f32 $1.131370830e+01, v5;
	v5 =	vld [tilespmem:s16+$0xFFFFFF60]  }
0x3df: {  	v3 =	vld [tilespmem:s16+$0xFFFFFFE0];
	[tilespmem:s12+$0x50] =	vst v1;
	v1 =	vmul.f32 $1.131370830e+01, v4  }
0x3e0: {  	v4 =	vmul.f32 $1.131370830e+01, v6;
	[tilespmem:s14+$0xA0] =	vst v2;
	v2 =	vld [tilespmem:s16+$0x60]  }
0x3e1: {  	v0 =	vmul.f32 $1.131370830e+01, v0;
	v6 =	vld [tilespmem:s13+$0xB0];
	[tilespmem:s12+$0xE0] =	vst v1  }
0x3e2: {  	v1 =	vmul.f32 $1.131370830e+01, v7;
	[tilespmem:s14+$0xFFFFFFA0] =	vst v4;
	v7 =	vld [tilespmem:s16+$0xF0]  }
0x3e3: {  	v8 =	vld [tilespmem:s13+$0xFFFFFFB0];
	[tilespmem:s14+$0x20] =	vst v0;
	v0 =	vmul.f32 $1.131370830e+01, v5  }
0x3e4: {  	v3 =	vmul.f32 $1.131370830e+01, v3;
	[tilespmem:s14+$0xFFFFFF20] =	vst v1;
	v4 =	vld [tilespmem:s13+$0x30]  }
0x3e5: {  	v5 =	vld [tilespmem:s13+$0xFFFFFF30];
	[tilespmem:s12+$0xFFFFFF60] =	vst v0;
	v2 =	vmul.f32 $1.131370830e+01, v2  }
0x3e6: {  	[tilespmem:s12+$0xFFFFFFE0] =	vst v3;
	v9 =	vmul.f32 $1.131370830e+01, v6;
	v1 =	vld [tilespmem:s16+$0xFFFFFF70]  }
0x3e7: {  	v0 =	vld [tilespmem:s16+$0xFFFFFFF0];
	[tilespmem:s12+$0x60] =	vst v2;
	v3 =	vmul.f32 $1.131370830e+01, v7  }
0x3e8: {  	s15 =	simm.s32 $0x4;
	s6 =	simm.s32 $0x7D00;
	v6 =	vmul.f32 $1.131370830e+01, v8;
	[tilespmem:s14+$0xB0] =	vst v9;
	v2 =	vld [tilespmem:s16+$0x70]  }
.LBB2_27:
0x3e9: {  	v7 =	vld [tilespmem:s6+$0x80];
	v4 =	vmul.f32 $1.131370830e+01, v4;
	[tilespmem:s12+$0xF0] =	vst v3  }
0x3ea: {  	s15 =	sadd.s32 $0x4, s15;
	v3 =	vmul.f32 $1.131370830e+01, v5;
	[tilespmem:s14+$0xFFFFFFB0] =	vst v6;
	v5 =	vld [tilespmem:s13+$0xC0]  }
0x3eb: {  	p0 =	slt.u32 s15, $0x2C;
	v6 =	vld [tilespmem:s6+$0xFFFFFF80];
	[tilespmem:s14+$0x30] =	vst v4;
	v1 =	vmul.f32 $1.131370830e+01, v1  }
0x3ec: {  	v4 =	vld [tilespmem:s6+$0x0];
	[tilespmem:s14+$0xFFFFFF30] =	vst v3;
	v0 =	vmul.f32 $1.131370830e+01, v0  }
0x3ed: {  	v3 =	vld [tilespmem:s6+$0xFFFFFF00];
	[tilespmem:s12+$0xFFFFFF70] =	vst v1;
	v1 =	vmul.f32 $1.131370830e+01, v2  }
0x3ee: {  	v2 =	vmul.f32 $1.131370830e+01, v7;
	v7 =	vld [tilespmem:s13+$0xFFFFFF40];
	[tilespmem:s12+$0xFFFFFFF0] =	vst v0  }
0x3ef: {  	v0 =	vld [tilespmem:s13+$0xFFFFFFC0];
	v5 =	vmul.f32 $1.131370830e+01, v5;
	[tilespmem:s12+$0x70] =	vst v1;
	s12 =	smov.u32 s14;
	s14 =	sadd.s32 $0x200, s14  }
0x3f0: {  	v1 =	vmul.f32 $1.131370830e+01, v6;
	[tilespmem:s14+$0x80] =	vst v2;
	v2 =	vld [tilespmem:s13+$0x40]  }
0x3f1: {  	v4 =	vmul.f32 $1.131370830e+01, v4;
	v6 =	vld [tilespmem:s6+$0x90];
	[tilespmem:s12+$0xC0] =	vst v5  }
0x3f2: {  	v3 =	vmul.f32 $1.131370830e+01, v3;
	[tilespmem:s14+$0xFFFFFF80] =	vst v1;
	v1 =	vld [tilespmem:s13+$0xD0]  }
0x3f3: {  	v5 =	vld [tilespmem:s6+$0xFFFFFF90];
	[tilespmem:s14+$0x0] =	vst v4;
	v4 =	vmul.f32 $1.131370830e+01, v7  }
0x3f4: {  	[tilespmem:s14+$0xFFFFFF00] =	vst v3;
	v3 =	vld [tilespmem:s6+$0x10];
	v0 =	vmul.f32 $1.131370830e+01, v0  }
0x3f5: {  	v7 =	vld [tilespmem:s6+$0xFFFFFF10];
	[tilespmem:s12+$0xFFFFFF40] =	vst v4;
	v2 =	vmul.f32 $1.131370830e+01, v2  }
0x3f6: {  	v4 =	vmul.f32 $1.131370830e+01, v6;
	v6 =	vld [tilespmem:s13+$0xFFFFFF50];
	[tilespmem:s12+$0xFFFFFFC0] =	vst v0  }
0x3f7: {  	v0 =	vld [tilespmem:s13+$0xFFFFFFD0];
	[tilespmem:s12+$0x40] =	vst v2;
	v1 =	vmul.f32 $1.131370830e+01, v1  }
0x3f8: {  	v2 =	vmul.f32 $1.131370830e+01, v5;
	[tilespmem:s14+$0x90] =	vst v4;
	v4 =	vld [tilespmem:s13+$0x50]  }
0x3f9: {  	v3 =	vmul.f32 $1.131370830e+01, v3;
	v5 =	vld [tilespmem:s6+$0xA0];
	[tilespmem:s12+$0xD0] =	vst v1  }
0x3fa: {  	v1 =	vmul.f32 $1.131370830e+01, v7;
	[tilespmem:s14+$0xFFFFFF90] =	vst v2;
	v2 =	vld [tilespmem:s13+$0xE0]  }
0x3fb: {  	v7 =	vld [tilespmem:s6+$0xFFFFFFA0];
	[tilespmem:s14+$0x10] =	vst v3;
	v3 =	vmul.f32 $1.131370830e+01, v6  }
0x3fc: {  	[tilespmem:s14+$0xFFFFFF10] =	vst v1;
	v1 =	vld [tilespmem:s6+$0x20];
	v0 =	vmul.f32 $1.131370830e+01, v0  }
0x3fd: {  	v6 =	vld [tilespmem:s6+$0xFFFFFF20];
	[tilespmem:s12+$0xFFFFFF50] =	vst v3;
	v3 =	vmul.f32 $1.131370830e+01, v4  }
0x3fe: {  	v4 =	vmul.f32 $1.131370830e+01, v5;
	v5 =	vld [tilespmem:s13+$0xFFFFFF60];
	[tilespmem:s12+$0xFFFFFFD0] =	vst v0  }
0x3ff: {  	v0 =	vld [tilespmem:s13+$0xFFFFFFE0];
	[tilespmem:s12+$0x50] =	vst v3;
	v2 =	vmul.f32 $1.131370830e+01, v2  }
0x400: {  	v3 =	vmul.f32 $1.131370830e+01, v7;
	[tilespmem:s14+$0xA0] =	vst v4;
	v7 =	vld [tilespmem:s13+$0x60]  }
0x401: {  	v1 =	vmul.f32 $1.131370830e+01, v1;
	v8 =	vld [tilespmem:s6+$0xB0];
	[tilespmem:s12+$0xE0] =	vst v2  }
0x402: {  	v2 =	vmul.f32 $1.131370830e+01, v6;
	[tilespmem:s14+$0xFFFFFFA0] =	vst v3;
	v3 =	vld [tilespmem:s13+$0xF0]  }
0x403: {  	v6 =	vld [tilespmem:s6+$0xFFFFFFB0];
	[tilespmem:s14+$0x20] =	vst v1;
	v1 =	vmul.f32 $1.131370830e+01, v5  }
.Ltmp12:
0x404: {  	[tilespmem:s14+$0xFFFFFF20] =	vst v2;
	v4 =	vld [tilespmem:s6+$0x30];
	v0 =	vmul.f32 $1.131370830e+01, v0;
	(pc) =	sbr.rel @p0 .LBB2_27-.Ltmp12, $4  }
0x405: {  	v5 =	vld [tilespmem:s6+$0xFFFFFF30];
	[tilespmem:s12+$0xFFFFFF60] =	vst v1;
	v2 =	vmul.f32 $1.131370830e+01, v7  }
0x406: {  	v7 =	vmul.f32 $1.131370830e+01, v8;
	v1 =	vld [tilespmem:s13+$0xFFFFFF70];
	[tilespmem:s12+$0xFFFFFFE0] =	vst v0  }
0x407: {  	v0 =	vld [tilespmem:s13+$0xFFFFFFF0];
	[tilespmem:s12+$0x60] =	vst v2;
	v3 =	vmul.f32 $1.131370830e+01, v3  }
0x408: {  	v6 =	vmul.f32 $1.131370830e+01, v6;
	[tilespmem:s14+$0xB0] =	vst v7;
	v2 =	vld [tilespmem:s13+$0x70];
	s13 =	smov.u32 s6;
	s6 =	sadd.s32 $0x200, s6  }
0x409: {  	v4 =	vmul.f32 $1.131370830e+01, v4  }
0x40a: {  	v7 =	vld [tilespmem:s13+$0xC0];
	v5 =	vmul.f32 $1.131370830e+01, v5;
	[tilespmem:s14+$0xFFFFFFB0] =	vst v6  }
0x40b: {  	[tilespmem:s14+$0x30] =	vst v4;
	v51 =	vld [tilespmem:s13+$0xFFFFFFC0]  }
0x40c: {  	[tilespmem:s14+$0xFFFFFF30] =	vst v5;
	v52 =	vld [tilespmem:s13+$0x40]  }
0x40d: {  	v5 =	vld [tilespmem:s13+$0xFFFFFF40];
	_ =	sdelay $0x1  }
0x40e: {  	v7 =	vmul.f32 $1.131370830e+01, v7  }
0x40f: {  	v4 =	vmul.f32 $1.131370830e+01, v51  }
0x410: {  	[tilespmem:s14+$0xC0] =	vst v7;
	v53 =	vmul.f32 $1.131370830e+01, v52  }
0x411: {  	v7 =	vld [tilespmem:s13+$0xD0];
	v5 =	vmul.f32 $1.131370830e+01, v5;
	[tilespmem:s14+$0xFFFFFFC0] =	vst v4  }
0x412: {  	v4 =	vld [tilespmem:s13+$0xFFFFFFD0];
	[tilespmem:s14+$0x40] =	vst v53  }
0x413: {  	[tilespmem:s14+$0xFFFFFF40] =	vst v5;
	v5 =	vld [tilespmem:s13+$0x50]  }
0x414: {  	v54 =	vld [tilespmem:s13+$0xFFFFFF50];
	_ =	sdelay $0x1  }
0x415: {  	v7 =	vmul.f32 $1.131370830e+01, v7  }
0x416: {  	v4 =	vmul.f32 $1.131370830e+01, v4  }
0x417: {  	[tilespmem:s14+$0xD0] =	vst v7;
	v5 =	vmul.f32 $1.131370830e+01, v5  }
0x418: {  	v7 =	vld [tilespmem:s13+$0xE0];
	v6 =	vmul.f32 $1.131370830e+01, v54;
	[tilespmem:s14+$0xFFFFFFD0] =	vst v4  }
0x419: {  	v4 =	vld [tilespmem:s13+$0xFFFFFFE0];
	[tilespmem:s14+$0x50] =	vst v5  }
0x41a: {  	[tilespmem:s14+$0xFFFFFF50] =	vst v6;
	v5 =	vld [tilespmem:s13+$0x60]  }
0x41b: {  	v6 =	vld [tilespmem:s13+$0xFFFFFF60];
	_ =	sdelay $0x1  }
0x41c: {  	v7 =	vmul.f32 $1.131370830e+01, v7  }
0x41d: {  	v4 =	vmul.f32 $1.131370830e+01, v4  }
0x41e: {  	[tilespmem:s14+$0xE0] =	vst v7;
	v5 =	vmul.f32 $1.131370830e+01, v5  }
0x41f: {  	v55 =	vld [tilespmem:s13+$0xF0];
	v6 =	vmul.f32 $1.131370830e+01, v6;
	[tilespmem:s14+$0xFFFFFFE0] =	vst v4  }
0x420: {  	[tilespmem:s14+$0x60] =	vst v5;
	v57 =	vld [tilespmem:s13+$0xFFFFFFF0]  }
0x421: {  	v1 =	vmul.f32 $1.131370830e+01, v1;
	[tilespmem:s14+$0xFFFFFF60] =	vst v6;
	v58 =	vld [tilespmem:s13+$0x70]  }
0x422: {  	[tilespmem:s12+$0xF0] =	vst v3;
	v0 =	vmul.f32 $1.131370830e+01, v0;
	v56 =	vld [tilespmem:s13+$0xFFFFFF70]  }
0x423: {  	[tilespmem:s12+$0xFFFFFF70] =	vst v1;
	v59 =	vmul.f32 $1.131370830e+01, v2  }
0x424: {  	[tilespmem:s12+$0xFFFFFFF0] =	vst v0;
	v60 =	vmul.f32 $1.131370830e+01, v55  }
0x425: {  	[tilespmem:s12+$0x70] =	vst v59;
	v62 =	vmul.f32 $1.131370830e+01, v57  }
0x426: {  	[tilespmem:s14+$0xF0] =	vst v60;
	v63 =	vmul.f32 $1.131370830e+01, v58  }
0x427: {  	v61 =	vmul.f32 $1.131370830e+01, v56;
	[tilespmem:s14+$0xFFFFFFF0] =	vst v62  }
0x428: {  	[tilespmem:s14+$0x70] =	vst v63  }
0x429: {  	s6 =	simm.s32 $0x0;
	[tilespmem:s14+$0xFFFFFF70] =	vst v61  }
.LBB2_29:
0x42a: {  	s12 =	sshra.s32 s6, $0x2  }
0x42b: {  	v0 =	vld [tilespmem:s12+$0x9000]  }
0x42c: {  	v1 =	vld [tilespmem:s12+$0x9010]  }
0x42d: {  	v2 =	vld [tilespmem:s12+$0x9020]  }
0x42e: {  	v3 =	vld [tilespmem:s12+$0x9030]  }
0x42f: {  	v4 =	vld [tilespmem:s12+$0x9040]  }
0x430: {  	v5 =	vld [tilespmem:s12+$0x9050];
	v0 =	vmul.f32 $1.131370830e+01, v0  }
0x431: {  	v6 =	vld [tilespmem:s12+$0x9060];
	v1 =	vmul.f32 $1.131370830e+01, v1  }
0x432: {  	v58 =	vld [tilespmem:s12+$0x9070];
	v57 =	vmul.f32 $1.131370830e+01, v2;
	[tilespmem:s12+$0x10000] =	vst v0  }
0x433: {  	v59 =	vmul.f32 $1.131370830e+01, v3;
	[tilespmem:s12+$0x10010] =	vst v1  }
0x434: {  	p0 =	sne.s32 s6, $0x200;
	v60 =	vmul.f32 $1.131370830e+01, v4;
	[tilespmem:s12+$0x10020] =	vst v57  }
.Ltmp13:
0x435: {  	v61 =	vmul.f32 $1.131370830e+01, v5;
	[tilespmem:s12+$0x10030] =	vst v59;
	(pc) =	sbr.rel @p0 .LBB2_29-.Ltmp13, $4  }
0x436: {  	v62 =	vmul.f32 $1.131370830e+01, v6;
	[tilespmem:s12+$0x10040] =	vst v60  }
0x437: {  	v63 =	vmul.f32 $1.131370830e+01, v58;
	[tilespmem:s12+$0x10050] =	vst v61  }
0x438: {  	[tilespmem:s12+$0x10060] =	vst v62  }
0x439: {  	s6 =	sadd.s32 $0x200, s6;
	[tilespmem:s12+$0x10070] =	vst v63  }
0x43a: {  	s6 =	sadd.s32 $0x700, s11  }
0x43b: {  	[hbm4b:s6+s4] =	stream.linear.scatter [tilespmem:s0], [sflag:$0x7], $0x1900, $0x38;
	[tilespmem:$0x12000] =	vst v63  }
0x43c: {  	s16 =	sadd.s32 $0x300, s10  }
0x43d: {  	[tilespmem:s22], [sflag:$0x3] =	stream.indirect.gather [hbm4b:s2+s17], $0x80, s16, s17, $0xb8;
	[tilespmem:$0x12000] =	vst v63  }
0x43e: {  	_ =	swait.ge [sflag:s21], $0x1900  }
0x43f: {  	[sflag:s21] =	ssyncset.done $0x0  }
0x440: {  	[sflag:s21] =	ssyncadd.s32 $0xFFFFE700  }
0x441: {  	_ =	swait.ge [sflag:s7], $0x1900  }
0x442: {  	[sflag:s7] =	ssyncset.done $0x0  }
0x443: {  	s16 =	simm.s32 $0x9500;
	[sflag:s7] =	ssyncadd.s32 $0xFFFFE700  }
0x444: {  	v0 =	vld [tilespmem:s16+$0x80];
	_ =	sdelay $0x3  }
0x445: {  	v1 =	vld [tilespmem:s16+$0xFFFFFF00]  }
0x446: {  	v2 =	vld [tilespmem:s16+$0xFFFFFF80];
	v0 =	vmul.f32 $1.131370830e+01, v0  }
0x447: {  	s12 =	simm.s32 $0x10500;
	v3 =	vld [tilespmem:s16+$0x0]  }
0x448: {  	[tilespmem:s12+$0x80] =	vst v0  }
0x449: {  	v0 =	vld [tilespmem:s16+$0x90]  }
0x44a: {  	v1 =	vmul.f32 $1.131370830e+01, v1  }
0x44b: {  	v2 =	vmul.f32 $1.131370830e+01, v2  }
0x44c: {  	v3 =	vmul.f32 $1.131370830e+01, v3;
	[tilespmem:s12+$0xFFFFFF00] =	vst v1  }
0x44d: {  	[tilespmem:s12+$0xFFFFFF80] =	vst v2;
	v1 =	vld [tilespmem:s16+$0xFFFFFF10]  }
0x44e: {  	[tilespmem:s12+$0x0] =	vst v3;
	v2 =	vld [tilespmem:s16+$0xFFFFFF90];
	v0 =	vmul.f32 $1.131370830e+01, v0  }
0x44f: {  	v3 =	vld [tilespmem:s16+$0x10]  }
0x450: {  	[tilespmem:s12+$0x90] =	vst v0  }
0x451: {  	v0 =	vld [tilespmem:s16+$0xA0]  }
0x452: {  	v1 =	vmul.f32 $1.131370830e+01, v1  }
0x453: {  	v2 =	vmul.f32 $1.131370830e+01, v2  }
0x454: {  	v3 =	vmul.f32 $1.131370830e+01, v3;
	[tilespmem:s12+$0xFFFFFF10] =	vst v1  }
0x455: {  	[tilespmem:s12+$0xFFFFFF90] =	vst v2;
	v1 =	vld [tilespmem:s16+$0xFFFFFF20]  }
0x456: {  	[tilespmem:s12+$0x10] =	vst v3;
	v2 =	vld [tilespmem:s16+$0xFFFFFFA0];
	v0 =	vmul.f32 $1.131370830e+01, v0  }
0x457: {  	v3 =	vld [tilespmem:s16+$0x20]  }
0x458: {  	[tilespmem:s12+$0xA0] =	vst v0  }
0x459: {  	v0 =	vld [tilespmem:s16+$0xB0]  }
0x45a: {  	v1 =	vmul.f32 $1.131370830e+01, v1  }
0x45b: {  	v2 =	vmul.f32 $1.131370830e+01, v2  }
0x45c: {  	v3 =	vmul.f32 $1.131370830e+01, v3;
	[tilespmem:s12+$0xFFFFFF20] =	vst v1  }
0x45d: {  	[tilespmem:s12+$0xFFFFFFA0] =	vst v2;
	v1 =	vld [tilespmem:s16+$0xFFFFFF30]  }
0x45e: {  	[tilespmem:s12+$0x20] =	vst v3;
	v2 =	vld [tilespmem:s16+$0xFFFFFFB0];
	v0 =	vmul.f32 $1.131370830e+01, v0  }
0x45f: {  	s13 =	simm.s32 $0x9700;
	v3 =	vld [tilespmem:s16+$0x30]  }
0x460: {  	[tilespmem:s12+$0xB0] =	vst v0;
	v0 =	vld [tilespmem:s13+$0x80]  }
0x461: {  	v4 =	vld [tilespmem:s16+$0xC0]  }
0x462: {  	v5 =	vld [tilespmem:s13+$0xFFFFFF80];
	v1 =	vmul.f32 $1.131370830e+01, v1  }
0x463: {  	v6 =	vld [tilespmem:s13+$0x0];
	v2 =	vmul.f32 $1.131370830e+01, v2  }
0x464: {  	v3 =	vmul.f32 $1.131370830e+01, v3;
	[tilespmem:s12+$0xFFFFFF30] =	vst v1;
	v1 =	vld [tilespmem:s13+$0xFFFFFF00]  }
0x465: {  	[tilespmem:s12+$0xFFFFFFB0] =	vst v2;
	v2 =	vld [tilespmem:s16+$0xFFFFFF40];
	v0 =	vmul.f32 $1.131370830e+01, v0  }
0x466: {  	s14 =	simm.s32 $0x10700;
	[tilespmem:s12+$0x30] =	vst v3;
	v3 =	vld [tilespmem:s16+$0xFFFFFFC0];
	v4 =	vmul.f32 $1.131370830e+01, v4  }
0x467: {  	v5 =	vmul.f32 $1.131370830e+01, v5;
	[tilespmem:s14+$0x80] =	vst v0;
	v0 =	vld [tilespmem:s16+$0x40]  }
0x468: {  	v6 =	vmul.f32 $1.131370830e+01, v6;
	v7 =	vld [tilespmem:s13+$0x90];
	[tilespmem:s12+$0xC0] =	vst v4  }
0x469: {  	[tilespmem:s14+$0xFFFFFF80] =	vst v5;
	v1 =	vmul.f32 $1.131370830e+01, v1;
	v4 =	vld [tilespmem:s16+$0xD0]  }
0x46a: {  	[tilespmem:s14+$0x0] =	vst v6;
	v5 =	vld [tilespmem:s13+$0xFFFFFF90];
	v2 =	vmul.f32 $1.131370830e+01, v2  }
0x46b: {  	v3 =	vmul.f32 $1.131370830e+01, v3;
	[tilespmem:s14+$0xFFFFFF00] =	vst v1;
	v1 =	vld [tilespmem:s13+$0x10]  }
0x46c: {  	v6 =	vld [tilespmem:s13+$0xFFFFFF10];
	[tilespmem:s12+$0xFFFFFF40] =	vst v2;
	v0 =	vmul.f32 $1.131370830e+01, v0  }
0x46d: {  	[tilespmem:s12+$0xFFFFFFC0] =	vst v3;
	v2 =	vmul.f32 $1.131370830e+01, v7;
	v7 =	vld [tilespmem:s16+$0xFFFFFF50]  }
0x46e: {  	v3 =	vld [tilespmem:s16+$0xFFFFFFD0];
	[tilespmem:s12+$0x40] =	vst v0;
	v0 =	vmul.f32 $1.131370830e+01, v4  }
0x46f: {  	v4 =	vmul.f32 $1.131370830e+01, v5;
	[tilespmem:s14+$0x90] =	vst v2;
	v2 =	vld [tilespmem:s16+$0x50]  }
0x470: {  	v1 =	vmul.f32 $1.131370830e+01, v1;
	v5 =	vld [tilespmem:s13+$0xA0];
	[tilespmem:s12+$0xD0] =	vst v0  }
0x471: {  	v0 =	vmul.f32 $1.131370830e+01, v6;
	[tilespmem:s14+$0xFFFFFF90] =	vst v4;
	v4 =	vld [tilespmem:s16+$0xE0]  }
0x472: {  	[tilespmem:s14+$0x10] =	vst v1;
	v6 =	vld [tilespmem:s13+$0xFFFFFFA0];
	v1 =	vmul.f32 $1.131370830e+01, v7  }
0x473: {  	v3 =	vmul.f32 $1.131370830e+01, v3;
	[tilespmem:s14+$0xFFFFFF10] =	vst v0;
	v0 =	vld [tilespmem:s13+$0x20]  }
0x474: {  	v7 =	vld [tilespmem:s13+$0xFFFFFF20];
	[tilespmem:s12+$0xFFFFFF50] =	vst v1;
	v1 =	vmul.f32 $1.131370830e+01, v2  }
0x475: {  	[tilespmem:s12+$0xFFFFFFD0] =	vst v3;
	v2 =	vmul.f32 $1.131370830e+01, v5;
	v5 =	vld [tilespmem:s16+$0xFFFFFF60]  }
0x476: {  	v3 =	vld [tilespmem:s16+$0xFFFFFFE0];
	[tilespmem:s12+$0x50] =	vst v1;
	v1 =	vmul.f32 $1.131370830e+01, v4  }
0x477: {  	v4 =	vmul.f32 $1.131370830e+01, v6;
	[tilespmem:s14+$0xA0] =	vst v2;
	v2 =	vld [tilespmem:s16+$0x60]  }
0x478: {  	v0 =	vmul.f32 $1.131370830e+01, v0;
	v6 =	vld [tilespmem:s13+$0xB0];
	[tilespmem:s12+$0xE0] =	vst v1  }
0x479: {  	v1 =	vmul.f32 $1.131370830e+01, v7;
	[tilespmem:s14+$0xFFFFFFA0] =	vst v4;
	v7 =	vld [tilespmem:s16+$0xF0]  }
0x47a: {  	v8 =	vld [tilespmem:s13+$0xFFFFFFB0];
	[tilespmem:s14+$0x20] =	vst v0;
	v0 =	vmul.f32 $1.131370830e+01, v5  }
0x47b: {  	v3 =	vmul.f32 $1.131370830e+01, v3;
	[tilespmem:s14+$0xFFFFFF20] =	vst v1;
	v4 =	vld [tilespmem:s13+$0x30]  }
0x47c: {  	v5 =	vld [tilespmem:s13+$0xFFFFFF30];
	[tilespmem:s12+$0xFFFFFF60] =	vst v0;
	v2 =	vmul.f32 $1.131370830e+01, v2  }
0x47d: {  	[tilespmem:s12+$0xFFFFFFE0] =	vst v3;
	v9 =	vmul.f32 $1.131370830e+01, v6;
	v1 =	vld [tilespmem:s16+$0xFFFFFF70]  }
0x47e: {  	v0 =	vld [tilespmem:s16+$0xFFFFFFF0];
	[tilespmem:s12+$0x60] =	vst v2;
	v3 =	vmul.f32 $1.131370830e+01, v7  }
0x47f: {  	s15 =	simm.s32 $0x4;
	s6 =	simm.s32 $0x9900;
	v6 =	vmul.f32 $1.131370830e+01, v8;
	[tilespmem:s14+$0xB0] =	vst v9;
	v2 =	vld [tilespmem:s16+$0x70]  }
.LBB2_31:
0x480: {  	v7 =	vld [tilespmem:s6+$0x80];
	v4 =	vmul.f32 $1.131370830e+01, v4;
	[tilespmem:s12+$0xF0] =	vst v3  }
0x481: {  	s15 =	sadd.s32 $0x4, s15;
	v3 =	vmul.f32 $1.131370830e+01, v5;
	[tilespmem:s14+$0xFFFFFFB0] =	vst v6;
	v5 =	vld [tilespmem:s13+$0xC0]  }
0x482: {  	p0 =	slt.u32 s15, $0x2C;
	v6 =	vld [tilespmem:s6+$0xFFFFFF80];
	[tilespmem:s14+$0x30] =	vst v4;
	v1 =	vmul.f32 $1.131370830e+01, v1  }
0x483: {  	v4 =	vld [tilespmem:s6+$0x0];
	[tilespmem:s14+$0xFFFFFF30] =	vst v3;
	v0 =	vmul.f32 $1.131370830e+01, v0  }
0x484: {  	v3 =	vld [tilespmem:s6+$0xFFFFFF00];
	[tilespmem:s12+$0xFFFFFF70] =	vst v1;
	v1 =	vmul.f32 $1.131370830e+01, v2  }
0x485: {  	v2 =	vmul.f32 $1.131370830e+01, v7;
	v7 =	vld [tilespmem:s13+$0xFFFFFF40];
	[tilespmem:s12+$0xFFFFFFF0] =	vst v0  }
0x486: {  	v0 =	vld [tilespmem:s13+$0xFFFFFFC0];
	v5 =	vmul.f32 $1.131370830e+01, v5;
	[tilespmem:s12+$0x70] =	vst v1;
	s12 =	smov.u32 s14;
	s14 =	sadd.s32 $0x200, s14  }
0x487: {  	v1 =	vmul.f32 $1.131370830e+01, v6;
	[tilespmem:s14+$0x80] =	vst v2;
	v2 =	vld [tilespmem:s13+$0x40]  }
0x488: {  	v4 =	vmul.f32 $1.131370830e+01, v4;
	v6 =	vld [tilespmem:s6+$0x90];
	[tilespmem:s12+$0xC0] =	vst v5  }
0x489: {  	v3 =	vmul.f32 $1.131370830e+01, v3;
	[tilespmem:s14+$0xFFFFFF80] =	vst v1;
	v1 =	vld [tilespmem:s13+$0xD0]  }
0x48a: {  	v5 =	vld [tilespmem:s6+$0xFFFFFF90];
	[tilespmem:s14+$0x0] =	vst v4;
	v4 =	vmul.f32 $1.131370830e+01, v7  }
0x48b: {  	[tilespmem:s14+$0xFFFFFF00] =	vst v3;
	v3 =	vld [tilespmem:s6+$0x10];
	v0 =	vmul.f32 $1.131370830e+01, v0  }
0x48c: {  	v7 =	vld [tilespmem:s6+$0xFFFFFF10];
	[tilespmem:s12+$0xFFFFFF40] =	vst v4;
	v2 =	vmul.f32 $1.131370830e+01, v2  }
0x48d: {  	v4 =	vmul.f32 $1.131370830e+01, v6;
	v6 =	vld [tilespmem:s13+$0xFFFFFF50];
	[tilespmem:s12+$0xFFFFFFC0] =	vst v0  }
0x48e: {  	v0 =	vld [tilespmem:s13+$0xFFFFFFD0];
	[tilespmem:s12+$0x40] =	vst v2;
	v1 =	vmul.f32 $1.131370830e+01, v1  }
0x48f: {  	v2 =	vmul.f32 $1.131370830e+01, v5;
	[tilespmem:s14+$0x90] =	vst v4;
	v4 =	vld [tilespmem:s13+$0x50]  }
0x490: {  	v3 =	vmul.f32 $1.131370830e+01, v3;
	v5 =	vld [tilespmem:s6+$0xA0];
	[tilespmem:s12+$0xD0] =	vst v1  }
0x491: {  	v1 =	vmul.f32 $1.131370830e+01, v7;
	[tilespmem:s14+$0xFFFFFF90] =	vst v2;
	v2 =	vld [tilespmem:s13+$0xE0]  }
0x492: {  	v7 =	vld [tilespmem:s6+$0xFFFFFFA0];
	[tilespmem:s14+$0x10] =	vst v3;
	v3 =	vmul.f32 $1.131370830e+01, v6  }
0x493: {  	[tilespmem:s14+$0xFFFFFF10] =	vst v1;
	v1 =	vld [tilespmem:s6+$0x20];
	v0 =	vmul.f32 $1.131370830e+01, v0  }
0x494: {  	v6 =	vld [tilespmem:s6+$0xFFFFFF20];
	[tilespmem:s12+$0xFFFFFF50] =	vst v3;
	v3 =	vmul.f32 $1.131370830e+01, v4  }
0x495: {  	v4 =	vmul.f32 $1.131370830e+01, v5;
	v5 =	vld [tilespmem:s13+$0xFFFFFF60];
	[tilespmem:s12+$0xFFFFFFD0] =	vst v0  }
0x496: {  	v0 =	vld [tilespmem:s13+$0xFFFFFFE0];
	[tilespmem:s12+$0x50] =	vst v3;
	v2 =	vmul.f32 $1.131370830e+01, v2  }
0x497: {  	v3 =	vmul.f32 $1.131370830e+01, v7;
	[tilespmem:s14+$0xA0] =	vst v4;
	v7 =	vld [tilespmem:s13+$0x60]  }
0x498: {  	v1 =	vmul.f32 $1.131370830e+01, v1;
	v8 =	vld [tilespmem:s6+$0xB0];
	[tilespmem:s12+$0xE0] =	vst v2  }
0x499: {  	v2 =	vmul.f32 $1.131370830e+01, v6;
	[tilespmem:s14+$0xFFFFFFA0] =	vst v3;
	v3 =	vld [tilespmem:s13+$0xF0]  }
0x49a: {  	v6 =	vld [tilespmem:s6+$0xFFFFFFB0];
	[tilespmem:s14+$0x20] =	vst v1;
	v1 =	vmul.f32 $1.131370830e+01, v5  }
.Ltmp14:
0x49b: {  	[tilespmem:s14+$0xFFFFFF20] =	vst v2;
	v4 =	vld [tilespmem:s6+$0x30];
	v0 =	vmul.f32 $1.131370830e+01, v0;
	(pc) =	sbr.rel @p0 .LBB2_31-.Ltmp14, $4  }
0x49c: {  	v5 =	vld [tilespmem:s6+$0xFFFFFF30];
	[tilespmem:s12+$0xFFFFFF60] =	vst v1;
	v2 =	vmul.f32 $1.131370830e+01, v7  }
0x49d: {  	v7 =	vmul.f32 $1.131370830e+01, v8;
	v1 =	vld [tilespmem:s13+$0xFFFFFF70];
	[tilespmem:s12+$0xFFFFFFE0] =	vst v0  }
0x49e: {  	v0 =	vld [tilespmem:s13+$0xFFFFFFF0];
	[tilespmem:s12+$0x60] =	vst v2;
	v3 =	vmul.f32 $1.131370830e+01, v3  }
0x49f: {  	v6 =	vmul.f32 $1.131370830e+01, v6;
	[tilespmem:s14+$0xB0] =	vst v7;
	v2 =	vld [tilespmem:s13+$0x70];
	s13 =	smov.u32 s6;
	s6 =	sadd.s32 $0x200, s6  }
0x4a0: {  	v4 =	vmul.f32 $1.131370830e+01, v4  }
0x4a1: {  	v7 =	vld [tilespmem:s13+$0xC0];
	v5 =	vmul.f32 $1.131370830e+01, v5;
	[tilespmem:s14+$0xFFFFFFB0] =	vst v6  }
0x4a2: {  	[tilespmem:s14+$0x30] =	vst v4;
	v51 =	vld [tilespmem:s13+$0xFFFFFFC0]  }
0x4a3: {  	[tilespmem:s14+$0xFFFFFF30] =	vst v5;
	v52 =	vld [tilespmem:s13+$0x40]  }
0x4a4: {  	v5 =	vld [tilespmem:s13+$0xFFFFFF40];
	_ =	sdelay $0x1  }
0x4a5: {  	v7 =	vmul.f32 $1.131370830e+01, v7  }
0x4a6: {  	v4 =	vmul.f32 $1.131370830e+01, v51  }
0x4a7: {  	[tilespmem:s14+$0xC0] =	vst v7;
	v53 =	vmul.f32 $1.131370830e+01, v52  }
0x4a8: {  	v7 =	vld [tilespmem:s13+$0xD0];
	v5 =	vmul.f32 $1.131370830e+01, v5;
	[tilespmem:s14+$0xFFFFFFC0] =	vst v4  }
0x4a9: {  	v4 =	vld [tilespmem:s13+$0xFFFFFFD0];
	[tilespmem:s14+$0x40] =	vst v53  }
0x4aa: {  	[tilespmem:s14+$0xFFFFFF40] =	vst v5;
	v5 =	vld [tilespmem:s13+$0x50]  }
0x4ab: {  	v54 =	vld [tilespmem:s13+$0xFFFFFF50];
	_ =	sdelay $0x1  }
0x4ac: {  	v7 =	vmul.f32 $1.131370830e+01, v7  }
0x4ad: {  	v4 =	vmul.f32 $1.131370830e+01, v4  }
0x4ae: {  	[tilespmem:s14+$0xD0] =	vst v7;
	v5 =	vmul.f32 $1.131370830e+01, v5  }
0x4af: {  	v7 =	vld [tilespmem:s13+$0xE0];
	v6 =	vmul.f32 $1.131370830e+01, v54;
	[tilespmem:s14+$0xFFFFFFD0] =	vst v4  }
0x4b0: {  	v4 =	vld [tilespmem:s13+$0xFFFFFFE0];
	[tilespmem:s14+$0x50] =	vst v5  }
0x4b1: {  	[tilespmem:s14+$0xFFFFFF50] =	vst v6;
	v5 =	vld [tilespmem:s13+$0x60]  }
0x4b2: {  	v6 =	vld [tilespmem:s13+$0xFFFFFF60];
	_ =	sdelay $0x1  }
0x4b3: {  	v7 =	vmul.f32 $1.131370830e+01, v7  }
0x4b4: {  	v4 =	vmul.f32 $1.131370830e+01, v4  }
0x4b5: {  	[tilespmem:s14+$0xE0] =	vst v7;
	v5 =	vmul.f32 $1.131370830e+01, v5  }
0x4b6: {  	v55 =	vld [tilespmem:s13+$0xF0];
	v6 =	vmul.f32 $1.131370830e+01, v6;
	[tilespmem:s14+$0xFFFFFFE0] =	vst v4  }
0x4b7: {  	[tilespmem:s14+$0x60] =	vst v5;
	v57 =	vld [tilespmem:s13+$0xFFFFFFF0]  }
0x4b8: {  	v1 =	vmul.f32 $1.131370830e+01, v1;
	[tilespmem:s14+$0xFFFFFF60] =	vst v6;
	v58 =	vld [tilespmem:s13+$0x70]  }
0x4b9: {  	[tilespmem:s12+$0xF0] =	vst v3;
	v0 =	vmul.f32 $1.131370830e+01, v0;
	v56 =	vld [tilespmem:s13+$0xFFFFFF70]  }
0x4ba: {  	[tilespmem:s12+$0xFFFFFF70] =	vst v1;
	v59 =	vmul.f32 $1.131370830e+01, v2  }
0x4bb: {  	[tilespmem:s12+$0xFFFFFFF0] =	vst v0;
	v60 =	vmul.f32 $1.131370830e+01, v55  }
0x4bc: {  	[tilespmem:s12+$0x70] =	vst v59;
	v62 =	vmul.f32 $1.131370830e+01, v57  }
0x4bd: {  	[tilespmem:s14+$0xF0] =	vst v60;
	v63 =	vmul.f32 $1.131370830e+01, v58  }
0x4be: {  	v61 =	vmul.f32 $1.131370830e+01, v56;
	[tilespmem:s14+$0xFFFFFFF0] =	vst v62  }
0x4bf: {  	[tilespmem:s14+$0x70] =	vst v63  }
0x4c0: {  	s6 =	simm.s32 $0x0;
	[tilespmem:s14+$0xFFFFFF70] =	vst v61  }
.LBB2_33:
0x4c1: {  	s12 =	sshra.s32 s6, $0x2  }
0x4c2: {  	v0 =	vld [tilespmem:s12+$0xAC00]  }
0x4c3: {  	v1 =	vld [tilespmem:s12+$0xAC10]  }
0x4c4: {  	v2 =	vld [tilespmem:s12+$0xAC20]  }
0x4c5: {  	v3 =	vld [tilespmem:s12+$0xAC30]  }
0x4c6: {  	v4 =	vld [tilespmem:s12+$0xAC40]  }
0x4c7: {  	v5 =	vld [tilespmem:s12+$0xAC50];
	v0 =	vmul.f32 $1.131370830e+01, v0  }
0x4c8: {  	v6 =	vld [tilespmem:s12+$0xAC60];
	v1 =	vmul.f32 $1.131370830e+01, v1  }
0x4c9: {  	v58 =	vld [tilespmem:s12+$0xAC70];
	v57 =	vmul.f32 $1.131370830e+01, v2;
	[tilespmem:s12+$0x11C00] =	vst v0  }
0x4ca: {  	v59 =	vmul.f32 $1.131370830e+01, v3;
	[tilespmem:s12+$0x11C10] =	vst v1  }
0x4cb: {  	p0 =	sne.s32 s6, $0x200;
	v60 =	vmul.f32 $1.131370830e+01, v4;
	[tilespmem:s12+$0x11C20] =	vst v57  }
.Ltmp15:
0x4cc: {  	v61 =	vmul.f32 $1.131370830e+01, v5;
	[tilespmem:s12+$0x11C30] =	vst v59;
	(pc) =	sbr.rel @p0 .LBB2_33-.Ltmp15, $4  }
0x4cd: {  	v62 =	vmul.f32 $1.131370830e+01, v6;
	[tilespmem:s12+$0x11C40] =	vst v60  }
0x4ce: {  	v63 =	vmul.f32 $1.131370830e+01, v58;
	[tilespmem:s12+$0x11C50] =	vst v61  }
0x4cf: {  	[tilespmem:s12+$0x11C60] =	vst v62  }
0x4d0: {  	s6 =	sadd.s32 $0x200, s6;
	[tilespmem:s12+$0x11C70] =	vst v63  }
0x4d1: {  	s9 =	sadd.s32 $0x1, s9  }
0x4d2: {  	p0 =	sne.s32 s9, $0x1F  }
.Ltmp16:
0x4d3: {  	_ = 	snop;
	(pc) =	sbr.rel @p0 .LBB2_18-.Ltmp16, $4  }
0x4d4: {  	s6 =	sadd.s32 $0xA80, s11  }
0x4d5: {  	[hbm4b:s6+s4] =	stream.linear.scatter [tilespmem:s23], [sflag:$0x8], $0x1900, $0x38;
	[tilespmem:$0x12000] =	vst v63  }
0x4d6: {  	s16 =	sadd.s32 $0x380, s10  }
0x4d7: {  	[tilespmem:s24], [sflag:$0x4] =	stream.indirect.gather [hbm4b:s2+s17], $0x80, s16, s17, $0xb8;
	[tilespmem:$0x12000] =	vst v63  }
0x4d8: {  	_ =	swait.ge [sflag:s25], $0x1900  }
0x4d9: {  	[sflag:s25] =	ssyncset.done $0x0  }
0x4da: {  	[sflag:s25] =	ssyncadd.s32 $0xFFFFE700  }
0x4db: {  	_ =	swait.ge [sflag:s31], $0x1900  }
0x4dc: {  	[sflag:s31] =	ssyncset.done $0x0  }
0x4dd: {  	s13 =	simm.s32 $0x4100;
	[sflag:s31] =	ssyncadd.s32 $0xFFFFE700  }
0x4de: {  	v0 =	vld [tilespmem:s13+$0x80];
	_ =	sdelay $0x3  }
0x4df: {  	v1 =	vld [tilespmem:s13+$0xFFFFFF00]  }
0x4e0: {  	v2 =	vld [tilespmem:s13+$0xFFFFFF80];
	v0 =	vmul.f32 $1.131370830e+01, v0  }
0x4e1: {  	s9 =	simm.s32 $0xB100;
	v3 =	vld [tilespmem:s13+$0x0]  }
0x4e2: {  	[tilespmem:s9+$0x80] =	vst v0  }
0x4e3: {  	v0 =	vld [tilespmem:s13+$0x90]  }
0x4e4: {  	v1 =	vmul.f32 $1.131370830e+01, v1  }
0x4e5: {  	v2 =	vmul.f32 $1.131370830e+01, v2  }
0x4e6: {  	v3 =	vmul.f32 $1.131370830e+01, v3;
	[tilespmem:s9+$0xFFFFFF00] =	vst v1  }
0x4e7: {  	[tilespmem:s9+$0xFFFFFF80] =	vst v2;
	v1 =	vld [tilespmem:s13+$0xFFFFFF10]  }
0x4e8: {  	[tilespmem:s9+$0x0] =	vst v3;
	v2 =	vld [tilespmem:s13+$0xFFFFFF90];
	v0 =	vmul.f32 $1.131370830e+01, v0  }
0x4e9: {  	v3 =	vld [tilespmem:s13+$0x10]  }
0x4ea: {  	[tilespmem:s9+$0x90] =	vst v0  }
0x4eb: {  	v0 =	vld [tilespmem:s13+$0xA0]  }
0x4ec: {  	v1 =	vmul.f32 $1.131370830e+01, v1  }
0x4ed: {  	v2 =	vmul.f32 $1.131370830e+01, v2  }
0x4ee: {  	v3 =	vmul.f32 $1.131370830e+01, v3;
	[tilespmem:s9+$0xFFFFFF10] =	vst v1  }
0x4ef: {  	[tilespmem:s9+$0xFFFFFF90] =	vst v2;
	v1 =	vld [tilespmem:s13+$0xFFFFFF20]  }
0x4f0: {  	[tilespmem:s9+$0x10] =	vst v3;
	v2 =	vld [tilespmem:s13+$0xFFFFFFA0];
	v0 =	vmul.f32 $1.131370830e+01, v0  }
0x4f1: {  	v3 =	vld [tilespmem:s13+$0x20]  }
0x4f2: {  	[tilespmem:s9+$0xA0] =	vst v0  }
0x4f3: {  	v0 =	vld [tilespmem:s13+$0xB0]  }
0x4f4: {  	v1 =	vmul.f32 $1.131370830e+01, v1  }
0x4f5: {  	v2 =	vmul.f32 $1.131370830e+01, v2  }
0x4f6: {  	v3 =	vmul.f32 $1.131370830e+01, v3;
	[tilespmem:s9+$0xFFFFFF20] =	vst v1  }
0x4f7: {  	[tilespmem:s9+$0xFFFFFFA0] =	vst v2;
	v1 =	vld [tilespmem:s13+$0xFFFFFF30]  }
0x4f8: {  	[tilespmem:s9+$0x20] =	vst v3;
	v2 =	vld [tilespmem:s13+$0xFFFFFFB0];
	v0 =	vmul.f32 $1.131370830e+01, v0  }
0x4f9: {  	s10 =	simm.s32 $0x4300;
	v3 =	vld [tilespmem:s13+$0x30]  }
0x4fa: {  	[tilespmem:s9+$0xB0] =	vst v0;
	v0 =	vld [tilespmem:s10+$0x80]  }
0x4fb: {  	v4 =	vld [tilespmem:s13+$0xC0]  }
0x4fc: {  	v5 =	vld [tilespmem:s10+$0xFFFFFF80];
	v1 =	vmul.f32 $1.131370830e+01, v1  }
0x4fd: {  	v6 =	vld [tilespmem:s10+$0x0];
	v2 =	vmul.f32 $1.131370830e+01, v2  }
0x4fe: {  	v3 =	vmul.f32 $1.131370830e+01, v3;
	[tilespmem:s9+$0xFFFFFF30] =	vst v1;
	v1 =	vld [tilespmem:s10+$0xFFFFFF00]  }
0x4ff: {  	[tilespmem:s9+$0xFFFFFFB0] =	vst v2;
	v2 =	vld [tilespmem:s13+$0xFFFFFF40];
	v0 =	vmul.f32 $1.131370830e+01, v0  }
0x500: {  	s11 =	simm.s32 $0xB300;
	[tilespmem:s9+$0x30] =	vst v3;
	v3 =	vld [tilespmem:s13+$0xFFFFFFC0];
	v4 =	vmul.f32 $1.131370830e+01, v4  }
0x501: {  	v5 =	vmul.f32 $1.131370830e+01, v5;
	[tilespmem:s11+$0x80] =	vst v0;
	v0 =	vld [tilespmem:s13+$0x40]  }
0x502: {  	v6 =	vmul.f32 $1.131370830e+01, v6;
	v7 =	vld [tilespmem:s10+$0x90];
	[tilespmem:s9+$0xC0] =	vst v4  }
0x503: {  	[tilespmem:s11+$0xFFFFFF80] =	vst v5;
	v1 =	vmul.f32 $1.131370830e+01, v1;
	v4 =	vld [tilespmem:s13+$0xD0]  }
0x504: {  	[tilespmem:s11+$0x0] =	vst v6;
	v5 =	vld [tilespmem:s10+$0xFFFFFF90];
	v2 =	vmul.f32 $1.131370830e+01, v2  }
0x505: {  	v3 =	vmul.f32 $1.131370830e+01, v3;
	[tilespmem:s11+$0xFFFFFF00] =	vst v1;
	v1 =	vld [tilespmem:s10+$0x10]  }
0x506: {  	v6 =	vld [tilespmem:s10+$0xFFFFFF10];
	[tilespmem:s9+$0xFFFFFF40] =	vst v2;
	v0 =	vmul.f32 $1.131370830e+01, v0  }
0x507: {  	[tilespmem:s9+$0xFFFFFFC0] =	vst v3;
	v2 =	vmul.f32 $1.131370830e+01, v7;
	v7 =	vld [tilespmem:s13+$0xFFFFFF50]  }
0x508: {  	v3 =	vld [tilespmem:s13+$0xFFFFFFD0];
	[tilespmem:s9+$0x40] =	vst v0;
	v0 =	vmul.f32 $1.131370830e+01, v4  }
0x509: {  	v4 =	vmul.f32 $1.131370830e+01, v5;
	[tilespmem:s11+$0x90] =	vst v2;
	v2 =	vld [tilespmem:s13+$0x50]  }
0x50a: {  	v1 =	vmul.f32 $1.131370830e+01, v1;
	v5 =	vld [tilespmem:s10+$0xA0];
	[tilespmem:s9+$0xD0] =	vst v0  }
0x50b: {  	v0 =	vmul.f32 $1.131370830e+01, v6;
	[tilespmem:s11+$0xFFFFFF90] =	vst v4;
	v4 =	vld [tilespmem:s13+$0xE0]  }
0x50c: {  	[tilespmem:s11+$0x10] =	vst v1;
	v6 =	vld [tilespmem:s10+$0xFFFFFFA0];
	v1 =	vmul.f32 $1.131370830e+01, v7  }
0x50d: {  	v3 =	vmul.f32 $1.131370830e+01, v3;
	[tilespmem:s11+$0xFFFFFF10] =	vst v0;
	v0 =	vld [tilespmem:s10+$0x20]  }
0x50e: {  	v7 =	vld [tilespmem:s10+$0xFFFFFF20];
	[tilespmem:s9+$0xFFFFFF50] =	vst v1;
	v1 =	vmul.f32 $1.131370830e+01, v2  }
0x50f: {  	[tilespmem:s9+$0xFFFFFFD0] =	vst v3;
	v2 =	vmul.f32 $1.131370830e+01, v5;
	v5 =	vld [tilespmem:s13+$0xFFFFFF60]  }
0x510: {  	v3 =	vld [tilespmem:s13+$0xFFFFFFE0];
	[tilespmem:s9+$0x50] =	vst v1;
	v1 =	vmul.f32 $1.131370830e+01, v4  }
0x511: {  	v4 =	vmul.f32 $1.131370830e+01, v6;
	[tilespmem:s11+$0xA0] =	vst v2;
	v2 =	vld [tilespmem:s13+$0x60]  }
0x512: {  	v0 =	vmul.f32 $1.131370830e+01, v0;
	v6 =	vld [tilespmem:s10+$0xB0];
	[tilespmem:s9+$0xE0] =	vst v1  }
0x513: {  	v1 =	vmul.f32 $1.131370830e+01, v7;
	[tilespmem:s11+$0xFFFFFFA0] =	vst v4;
	v7 =	vld [tilespmem:s13+$0xF0]  }
0x514: {  	v8 =	vld [tilespmem:s10+$0xFFFFFFB0];
	[tilespmem:s11+$0x20] =	vst v0;
	v0 =	vmul.f32 $1.131370830e+01, v5  }
0x515: {  	v3 =	vmul.f32 $1.131370830e+01, v3;
	[tilespmem:s11+$0xFFFFFF20] =	vst v1;
	v4 =	vld [tilespmem:s10+$0x30]  }
0x516: {  	v5 =	vld [tilespmem:s10+$0xFFFFFF30];
	[tilespmem:s9+$0xFFFFFF60] =	vst v0;
	v2 =	vmul.f32 $1.131370830e+01, v2  }
0x517: {  	[tilespmem:s9+$0xFFFFFFE0] =	vst v3;
	v9 =	vmul.f32 $1.131370830e+01, v6;
	v1 =	vld [tilespmem:s13+$0xFFFFFF70]  }
0x518: {  	v0 =	vld [tilespmem:s13+$0xFFFFFFF0];
	[tilespmem:s9+$0x60] =	vst v2;
	v3 =	vmul.f32 $1.131370830e+01, v7  }
0x519: {  	s12 =	simm.s32 $0x4;
	s6 =	simm.s32 $0x4500;
	v6 =	vmul.f32 $1.131370830e+01, v8;
	[tilespmem:s11+$0xB0] =	vst v9;
	v2 =	vld [tilespmem:s13+$0x70]  }
.LBB2_36:
0x51a: {  	v7 =	vld [tilespmem:s6+$0x80];
	v4 =	vmul.f32 $1.131370830e+01, v4;
	[tilespmem:s9+$0xF0] =	vst v3  }
0x51b: {  	s12 =	sadd.s32 $0x4, s12;
	v3 =	vmul.f32 $1.131370830e+01, v5;
	[tilespmem:s11+$0xFFFFFFB0] =	vst v6;
	v5 =	vld [tilespmem:s10+$0xC0]  }
0x51c: {  	p0 =	slt.u32 s12, $0x2C;
	v6 =	vld [tilespmem:s6+$0xFFFFFF80];
	[tilespmem:s11+$0x30] =	vst v4;
	v1 =	vmul.f32 $1.131370830e+01, v1  }
0x51d: {  	v4 =	vld [tilespmem:s6+$0x0];
	[tilespmem:s11+$0xFFFFFF30] =	vst v3;
	v0 =	vmul.f32 $1.131370830e+01, v0  }
0x51e: {  	v3 =	vld [tilespmem:s6+$0xFFFFFF00];
	[tilespmem:s9+$0xFFFFFF70] =	vst v1;
	v1 =	vmul.f32 $1.131370830e+01, v2  }
0x51f: {  	v2 =	vmul.f32 $1.131370830e+01, v7;
	v7 =	vld [tilespmem:s10+$0xFFFFFF40];
	[tilespmem:s9+$0xFFFFFFF0] =	vst v0  }
0x520: {  	v0 =	vld [tilespmem:s10+$0xFFFFFFC0];
	v5 =	vmul.f32 $1.131370830e+01, v5;
	[tilespmem:s9+$0x70] =	vst v1;
	s9 =	smov.u32 s11;
	s11 =	sadd.s32 $0x200, s11  }
0x521: {  	v1 =	vmul.f32 $1.131370830e+01, v6;
	[tilespmem:s11+$0x80] =	vst v2;
	v2 =	vld [tilespmem:s10+$0x40]  }
0x522: {  	v4 =	vmul.f32 $1.131370830e+01, v4;
	v6 =	vld [tilespmem:s6+$0x90];
	[tilespmem:s9+$0xC0] =	vst v5  }
0x523: {  	v3 =	vmul.f32 $1.131370830e+01, v3;
	[tilespmem:s11+$0xFFFFFF80] =	vst v1;
	v1 =	vld [tilespmem:s10+$0xD0]  }
0x524: {  	v5 =	vld [tilespmem:s6+$0xFFFFFF90];
	[tilespmem:s11+$0x0] =	vst v4;
	v4 =	vmul.f32 $1.131370830e+01, v7  }
0x525: {  	[tilespmem:s11+$0xFFFFFF00] =	vst v3;
	v3 =	vld [tilespmem:s6+$0x10];
	v0 =	vmul.f32 $1.131370830e+01, v0  }
0x526: {  	v7 =	vld [tilespmem:s6+$0xFFFFFF10];
	[tilespmem:s9+$0xFFFFFF40] =	vst v4;
	v2 =	vmul.f32 $1.131370830e+01, v2  }
0x527: {  	v4 =	vmul.f32 $1.131370830e+01, v6;
	v6 =	vld [tilespmem:s10+$0xFFFFFF50];
	[tilespmem:s9+$0xFFFFFFC0] =	vst v0  }
0x528: {  	v0 =	vld [tilespmem:s10+$0xFFFFFFD0];
	[tilespmem:s9+$0x40] =	vst v2;
	v1 =	vmul.f32 $1.131370830e+01, v1  }
0x529: {  	v2 =	vmul.f32 $1.131370830e+01, v5;
	[tilespmem:s11+$0x90] =	vst v4;
	v4 =	vld [tilespmem:s10+$0x50]  }
0x52a: {  	v3 =	vmul.f32 $1.131370830e+01, v3;
	v5 =	vld [tilespmem:s6+$0xA0];
	[tilespmem:s9+$0xD0] =	vst v1  }
0x52b: {  	v1 =	vmul.f32 $1.131370830e+01, v7;
	[tilespmem:s11+$0xFFFFFF90] =	vst v2;
	v2 =	vld [tilespmem:s10+$0xE0]  }
0x52c: {  	v7 =	vld [tilespmem:s6+$0xFFFFFFA0];
	[tilespmem:s11+$0x10] =	vst v3;
	v3 =	vmul.f32 $1.131370830e+01, v6  }
0x52d: {  	[tilespmem:s11+$0xFFFFFF10] =	vst v1;
	v1 =	vld [tilespmem:s6+$0x20];
	v0 =	vmul.f32 $1.131370830e+01, v0  }
0x52e: {  	v6 =	vld [tilespmem:s6+$0xFFFFFF20];
	[tilespmem:s9+$0xFFFFFF50] =	vst v3;
	v3 =	vmul.f32 $1.131370830e+01, v4  }
0x52f: {  	v4 =	vmul.f32 $1.131370830e+01, v5;
	v5 =	vld [tilespmem:s10+$0xFFFFFF60];
	[tilespmem:s9+$0xFFFFFFD0] =	vst v0  }
0x530: {  	v0 =	vld [tilespmem:s10+$0xFFFFFFE0];
	[tilespmem:s9+$0x50] =	vst v3;
	v2 =	vmul.f32 $1.131370830e+01, v2  }
0x531: {  	v3 =	vmul.f32 $1.131370830e+01, v7;
	[tilespmem:s11+$0xA0] =	vst v4;
	v7 =	vld [tilespmem:s10+$0x60]  }
0x532: {  	v1 =	vmul.f32 $1.131370830e+01, v1;
	v8 =	vld [tilespmem:s6+$0xB0];
	[tilespmem:s9+$0xE0] =	vst v2  }
0x533: {  	v2 =	vmul.f32 $1.131370830e+01, v6;
	[tilespmem:s11+$0xFFFFFFA0] =	vst v3;
	v3 =	vld [tilespmem:s10+$0xF0]  }
0x534: {  	v6 =	vld [tilespmem:s6+$0xFFFFFFB0];
	[tilespmem:s11+$0x20] =	vst v1;
	v1 =	vmul.f32 $1.131370830e+01, v5  }
.Ltmp17:
0x535: {  	[tilespmem:s11+$0xFFFFFF20] =	vst v2;
	v4 =	vld [tilespmem:s6+$0x30];
	v0 =	vmul.f32 $1.131370830e+01, v0;
	(pc) =	sbr.rel @p0 .LBB2_36-.Ltmp17, $4  }
0x536: {  	v5 =	vld [tilespmem:s6+$0xFFFFFF30];
	[tilespmem:s9+$0xFFFFFF60] =	vst v1;
	v2 =	vmul.f32 $1.131370830e+01, v7  }
0x537: {  	v7 =	vmul.f32 $1.131370830e+01, v8;
	v1 =	vld [tilespmem:s10+$0xFFFFFF70];
	[tilespmem:s9+$0xFFFFFFE0] =	vst v0  }
0x538: {  	v0 =	vld [tilespmem:s10+$0xFFFFFFF0];
	[tilespmem:s9+$0x60] =	vst v2;
	v3 =	vmul.f32 $1.131370830e+01, v3  }
0x539: {  	v6 =	vmul.f32 $1.131370830e+01, v6;
	[tilespmem:s11+$0xB0] =	vst v7;
	v2 =	vld [tilespmem:s10+$0x70];
	s10 =	smov.u32 s6;
	s6 =	sadd.s32 $0x200, s6  }
0x53a: {  	v4 =	vmul.f32 $1.131370830e+01, v4  }
0x53b: {  	v7 =	vld [tilespmem:s10+$0xC0];
	v5 =	vmul.f32 $1.131370830e+01, v5;
	[tilespmem:s11+$0xFFFFFFB0] =	vst v6  }
0x53c: {  	[tilespmem:s11+$0x30] =	vst v4;
	v51 =	vld [tilespmem:s10+$0xFFFFFFC0]  }
0x53d: {  	[tilespmem:s11+$0xFFFFFF30] =	vst v5;
	v52 =	vld [tilespmem:s10+$0x40]  }
0x53e: {  	v5 =	vld [tilespmem:s10+$0xFFFFFF40];
	_ =	sdelay $0x1  }
0x53f: {  	v7 =	vmul.f32 $1.131370830e+01, v7  }
0x540: {  	v4 =	vmul.f32 $1.131370830e+01, v51  }
0x541: {  	[tilespmem:s11+$0xC0] =	vst v7;
	v53 =	vmul.f32 $1.131370830e+01, v52  }
0x542: {  	v7 =	vld [tilespmem:s10+$0xD0];
	v5 =	vmul.f32 $1.131370830e+01, v5;
	[tilespmem:s11+$0xFFFFFFC0] =	vst v4  }
0x543: {  	v4 =	vld [tilespmem:s10+$0xFFFFFFD0];
	[tilespmem:s11+$0x40] =	vst v53  }
0x544: {  	[tilespmem:s11+$0xFFFFFF40] =	vst v5;
	v5 =	vld [tilespmem:s10+$0x50]  }
0x545: {  	v54 =	vld [tilespmem:s10+$0xFFFFFF50];
	_ =	sdelay $0x1  }
0x546: {  	v7 =	vmul.f32 $1.131370830e+01, v7  }
0x547: {  	v4 =	vmul.f32 $1.131370830e+01, v4  }
0x548: {  	[tilespmem:s11+$0xD0] =	vst v7;
	v5 =	vmul.f32 $1.131370830e+01, v5  }
0x549: {  	v7 =	vld [tilespmem:s10+$0xE0];
	v6 =	vmul.f32 $1.131370830e+01, v54;
	[tilespmem:s11+$0xFFFFFFD0] =	vst v4  }
0x54a: {  	v4 =	vld [tilespmem:s10+$0xFFFFFFE0];
	[tilespmem:s11+$0x50] =	vst v5  }
0x54b: {  	[tilespmem:s11+$0xFFFFFF50] =	vst v6;
	v5 =	vld [tilespmem:s10+$0x60]  }
0x54c: {  	v6 =	vld [tilespmem:s10+$0xFFFFFF60];
	_ =	sdelay $0x1  }
0x54d: {  	v7 =	vmul.f32 $1.131370830e+01, v7  }
0x54e: {  	v4 =	vmul.f32 $1.131370830e+01, v4  }
0x54f: {  	[tilespmem:s11+$0xE0] =	vst v7;
	v5 =	vmul.f32 $1.131370830e+01, v5  }
0x550: {  	v55 =	vld [tilespmem:s10+$0xF0];
	v6 =	vmul.f32 $1.131370830e+01, v6;
	[tilespmem:s11+$0xFFFFFFE0] =	vst v4  }
0x551: {  	[tilespmem:s11+$0x60] =	vst v5;
	v57 =	vld [tilespmem:s10+$0xFFFFFFF0]  }
0x552: {  	v1 =	vmul.f32 $1.131370830e+01, v1;
	[tilespmem:s11+$0xFFFFFF60] =	vst v6;
	v58 =	vld [tilespmem:s10+$0x70]  }
0x553: {  	[tilespmem:s9+$0xF0] =	vst v3;
	v0 =	vmul.f32 $1.131370830e+01, v0;
	v56 =	vld [tilespmem:s10+$0xFFFFFF70]  }
0x554: {  	[tilespmem:s9+$0xFFFFFF70] =	vst v1;
	v59 =	vmul.f32 $1.131370830e+01, v2  }
0x555: {  	[tilespmem:s9+$0xFFFFFFF0] =	vst v0;
	v60 =	vmul.f32 $1.131370830e+01, v55  }
0x556: {  	[tilespmem:s9+$0x70] =	vst v59;
	v62 =	vmul.f32 $1.131370830e+01, v57  }
0x557: {  	[tilespmem:s11+$0xF0] =	vst v60;
	v63 =	vmul.f32 $1.131370830e+01, v58  }
0x558: {  	v61 =	vmul.f32 $1.131370830e+01, v56;
	[tilespmem:s11+$0xFFFFFFF0] =	vst v62  }
0x559: {  	[tilespmem:s11+$0x70] =	vst v63  }
0x55a: {  	s6 =	simm.s32 $0x0;
	[tilespmem:s11+$0xFFFFFF70] =	vst v61  }
.LBB2_38:
0x55b: {  	s9 =	sshra.s32 s6, $0x2  }
0x55c: {  	v0 =	vld [tilespmem:s9+$0x5800]  }
0x55d: {  	v1 =	vld [tilespmem:s9+$0x5810]  }
0x55e: {  	v2 =	vld [tilespmem:s9+$0x5820]  }
0x55f: {  	v3 =	vld [tilespmem:s9+$0x5830]  }
0x560: {  	v4 =	vld [tilespmem:s9+$0x5840]  }
0x561: {  	v5 =	vld [tilespmem:s9+$0x5850];
	v0 =	vmul.f32 $1.131370830e+01, v0  }
0x562: {  	v6 =	vld [tilespmem:s9+$0x5860];
	v1 =	vmul.f32 $1.131370830e+01, v1  }
0x563: {  	v58 =	vld [tilespmem:s9+$0x5870];
	v57 =	vmul.f32 $1.131370830e+01, v2;
	[tilespmem:s9+$0xC800] =	vst v0  }
0x564: {  	v59 =	vmul.f32 $1.131370830e+01, v3;
	[tilespmem:s9+$0xC810] =	vst v1  }
0x565: {  	p0 =	sne.s32 s6, $0x200;
	v60 =	vmul.f32 $1.131370830e+01, v4;
	[tilespmem:s9+$0xC820] =	vst v57  }
.Ltmp18:
0x566: {  	v61 =	vmul.f32 $1.131370830e+01, v5;
	[tilespmem:s9+$0xC830] =	vst v59;
	(pc) =	sbr.rel @p0 .LBB2_38-.Ltmp18, $4  }
0x567: {  	v62 =	vmul.f32 $1.131370830e+01, v6;
	[tilespmem:s9+$0xC840] =	vst v60  }
0x568: {  	v63 =	vmul.f32 $1.131370830e+01, v58;
	[tilespmem:s9+$0xC850] =	vst v61  }
0x569: {  	[tilespmem:s9+$0xC860] =	vst v62  }
0x56a: {  	s6 =	sadd.s32 $0x200, s6;
	[tilespmem:s9+$0xC870] =	vst v63  }
0x56b: {  	s6 =	rddreg [dreg:$0x9]  }
0x56c: {  	[hbm4b:s6+s4] =	stream.linear.scatter [tilespmem:s26], [sflag:$0x5], $0x1900, $0x38;
	[tilespmem:$0x12000] =	vst v63  }
0x56d: {  	_ =	swait.ge [sflag:s29], $0x1900  }
0x56e: {  	[sflag:s29] =	ssyncset.done $0x0  }
0x56f: {  	[sflag:s29] =	ssyncadd.s32 $0xFFFFE700  }
0x570: {  	_ =	swait.ge [sflag:s19], $0x1900  }
0x571: {  	[sflag:s19] =	ssyncset.done $0x0  }
0x572: {  	s13 =	simm.s32 $0x5D00;
	[sflag:s19] =	ssyncadd.s32 $0xFFFFE700  }
0x573: {  	v0 =	vld [tilespmem:s13+$0x80];
	_ =	sdelay $0x3  }
0x574: {  	v1 =	vld [tilespmem:s13+$0xFFFFFF00]  }
0x575: {  	v2 =	vld [tilespmem:s13+$0xFFFFFF80];
	v0 =	vmul.f32 $1.131370830e+01, v0  }
0x576: {  	s9 =	simm.s32 $0xCD00;
	v3 =	vld [tilespmem:s13+$0x0]  }
0x577: {  	[tilespmem:s9+$0x80] =	vst v0  }
0x578: {  	v0 =	vld [tilespmem:s13+$0x90]  }
0x579: {  	v1 =	vmul.f32 $1.131370830e+01, v1  }
0x57a: {  	v2 =	vmul.f32 $1.131370830e+01, v2  }
0x57b: {  	v3 =	vmul.f32 $1.131370830e+01, v3;
	[tilespmem:s9+$0xFFFFFF00] =	vst v1  }
0x57c: {  	[tilespmem:s9+$0xFFFFFF80] =	vst v2;
	v1 =	vld [tilespmem:s13+$0xFFFFFF10]  }
0x57d: {  	[tilespmem:s9+$0x0] =	vst v3;
	v2 =	vld [tilespmem:s13+$0xFFFFFF90];
	v0 =	vmul.f32 $1.131370830e+01, v0  }
0x57e: {  	v3 =	vld [tilespmem:s13+$0x10]  }
0x57f: {  	[tilespmem:s9+$0x90] =	vst v0  }
0x580: {  	v0 =	vld [tilespmem:s13+$0xA0]  }
0x581: {  	v1 =	vmul.f32 $1.131370830e+01, v1  }
0x582: {  	v2 =	vmul.f32 $1.131370830e+01, v2  }
0x583: {  	v3 =	vmul.f32 $1.131370830e+01, v3;
	[tilespmem:s9+$0xFFFFFF10] =	vst v1  }
0x584: {  	[tilespmem:s9+$0xFFFFFF90] =	vst v2;
	v1 =	vld [tilespmem:s13+$0xFFFFFF20]  }
0x585: {  	[tilespmem:s9+$0x10] =	vst v3;
	v2 =	vld [tilespmem:s13+$0xFFFFFFA0];
	v0 =	vmul.f32 $1.131370830e+01, v0  }
0x586: {  	v3 =	vld [tilespmem:s13+$0x20]  }
0x587: {  	[tilespmem:s9+$0xA0] =	vst v0  }
0x588: {  	v0 =	vld [tilespmem:s13+$0xB0]  }
0x589: {  	v1 =	vmul.f32 $1.131370830e+01, v1  }
0x58a: {  	v2 =	vmul.f32 $1.131370830e+01, v2  }
0x58b: {  	v3 =	vmul.f32 $1.131370830e+01, v3;
	[tilespmem:s9+$0xFFFFFF20] =	vst v1  }
0x58c: {  	[tilespmem:s9+$0xFFFFFFA0] =	vst v2;
	v1 =	vld [tilespmem:s13+$0xFFFFFF30]  }
0x58d: {  	[tilespmem:s9+$0x20] =	vst v3;
	v2 =	vld [tilespmem:s13+$0xFFFFFFB0];
	v0 =	vmul.f32 $1.131370830e+01, v0  }
0x58e: {  	s10 =	simm.s32 $0x5F00;
	v3 =	vld [tilespmem:s13+$0x30]  }
0x58f: {  	[tilespmem:s9+$0xB0] =	vst v0;
	v0 =	vld [tilespmem:s10+$0x80]  }
0x590: {  	v4 =	vld [tilespmem:s13+$0xC0]  }
0x591: {  	v5 =	vld [tilespmem:s10+$0xFFFFFF80];
	v1 =	vmul.f32 $1.131370830e+01, v1  }
0x592: {  	v6 =	vld [tilespmem:s10+$0x0];
	v2 =	vmul.f32 $1.131370830e+01, v2  }
0x593: {  	v3 =	vmul.f32 $1.131370830e+01, v3;
	[tilespmem:s9+$0xFFFFFF30] =	vst v1;
	v1 =	vld [tilespmem:s10+$0xFFFFFF00]  }
0x594: {  	[tilespmem:s9+$0xFFFFFFB0] =	vst v2;
	v2 =	vld [tilespmem:s13+$0xFFFFFF40];
	v0 =	vmul.f32 $1.131370830e+01, v0  }
0x595: {  	s11 =	simm.s32 $0xCF00;
	[tilespmem:s9+$0x30] =	vst v3;
	v3 =	vld [tilespmem:s13+$0xFFFFFFC0];
	v4 =	vmul.f32 $1.131370830e+01, v4  }
0x596: {  	v5 =	vmul.f32 $1.131370830e+01, v5;
	[tilespmem:s11+$0x80] =	vst v0;
	v0 =	vld [tilespmem:s13+$0x40]  }
0x597: {  	v6 =	vmul.f32 $1.131370830e+01, v6;
	v7 =	vld [tilespmem:s10+$0x90];
	[tilespmem:s9+$0xC0] =	vst v4  }
0x598: {  	[tilespmem:s11+$0xFFFFFF80] =	vst v5;
	v1 =	vmul.f32 $1.131370830e+01, v1;
	v4 =	vld [tilespmem:s13+$0xD0]  }
0x599: {  	[tilespmem:s11+$0x0] =	vst v6;
	v5 =	vld [tilespmem:s10+$0xFFFFFF90];
	v2 =	vmul.f32 $1.131370830e+01, v2  }
0x59a: {  	v3 =	vmul.f32 $1.131370830e+01, v3;
	[tilespmem:s11+$0xFFFFFF00] =	vst v1;
	v1 =	vld [tilespmem:s10+$0x10]  }
0x59b: {  	v6 =	vld [tilespmem:s10+$0xFFFFFF10];
	[tilespmem:s9+$0xFFFFFF40] =	vst v2;
	v0 =	vmul.f32 $1.131370830e+01, v0  }
0x59c: {  	[tilespmem:s9+$0xFFFFFFC0] =	vst v3;
	v2 =	vmul.f32 $1.131370830e+01, v7;
	v7 =	vld [tilespmem:s13+$0xFFFFFF50]  }
0x59d: {  	v3 =	vld [tilespmem:s13+$0xFFFFFFD0];
	[tilespmem:s9+$0x40] =	vst v0;
	v0 =	vmul.f32 $1.131370830e+01, v4  }
0x59e: {  	v4 =	vmul.f32 $1.131370830e+01, v5;
	[tilespmem:s11+$0x90] =	vst v2;
	v2 =	vld [tilespmem:s13+$0x50]  }
0x59f: {  	v1 =	vmul.f32 $1.131370830e+01, v1;
	v5 =	vld [tilespmem:s10+$0xA0];
	[tilespmem:s9+$0xD0] =	vst v0  }
0x5a0: {  	v0 =	vmul.f32 $1.131370830e+01, v6;
	[tilespmem:s11+$0xFFFFFF90] =	vst v4;
	v4 =	vld [tilespmem:s13+$0xE0]  }
0x5a1: {  	[tilespmem:s11+$0x10] =	vst v1;
	v6 =	vld [tilespmem:s10+$0xFFFFFFA0];
	v1 =	vmul.f32 $1.131370830e+01, v7  }
0x5a2: {  	v3 =	vmul.f32 $1.131370830e+01, v3;
	[tilespmem:s11+$0xFFFFFF10] =	vst v0;
	v0 =	vld [tilespmem:s10+$0x20]  }
0x5a3: {  	v7 =	vld [tilespmem:s10+$0xFFFFFF20];
	[tilespmem:s9+$0xFFFFFF50] =	vst v1;
	v1 =	vmul.f32 $1.131370830e+01, v2  }
0x5a4: {  	[tilespmem:s9+$0xFFFFFFD0] =	vst v3;
	v2 =	vmul.f32 $1.131370830e+01, v5;
	v5 =	vld [tilespmem:s13+$0xFFFFFF60]  }
0x5a5: {  	v3 =	vld [tilespmem:s13+$0xFFFFFFE0];
	[tilespmem:s9+$0x50] =	vst v1;
	v1 =	vmul.f32 $1.131370830e+01, v4  }
0x5a6: {  	v4 =	vmul.f32 $1.131370830e+01, v6;
	[tilespmem:s11+$0xA0] =	vst v2;
	v2 =	vld [tilespmem:s13+$0x60]  }
0x5a7: {  	v0 =	vmul.f32 $1.131370830e+01, v0;
	v6 =	vld [tilespmem:s10+$0xB0];
	[tilespmem:s9+$0xE0] =	vst v1  }
0x5a8: {  	v1 =	vmul.f32 $1.131370830e+01, v7;
	[tilespmem:s11+$0xFFFFFFA0] =	vst v4;
	v7 =	vld [tilespmem:s13+$0xF0]  }
0x5a9: {  	v8 =	vld [tilespmem:s10+$0xFFFFFFB0];
	[tilespmem:s11+$0x20] =	vst v0;
	v0 =	vmul.f32 $1.131370830e+01, v5  }
0x5aa: {  	v3 =	vmul.f32 $1.131370830e+01, v3;
	[tilespmem:s11+$0xFFFFFF20] =	vst v1;
	v4 =	vld [tilespmem:s10+$0x30]  }
0x5ab: {  	v5 =	vld [tilespmem:s10+$0xFFFFFF30];
	[tilespmem:s9+$0xFFFFFF60] =	vst v0;
	v2 =	vmul.f32 $1.131370830e+01, v2  }
0x5ac: {  	[tilespmem:s9+$0xFFFFFFE0] =	vst v3;
	v9 =	vmul.f32 $1.131370830e+01, v6;
	v1 =	vld [tilespmem:s13+$0xFFFFFF70]  }
0x5ad: {  	v0 =	vld [tilespmem:s13+$0xFFFFFFF0];
	[tilespmem:s9+$0x60] =	vst v2;
	v3 =	vmul.f32 $1.131370830e+01, v7  }
0x5ae: {  	s12 =	simm.s32 $0x4;
	s6 =	simm.s32 $0x6100;
	v6 =	vmul.f32 $1.131370830e+01, v8;
	[tilespmem:s11+$0xB0] =	vst v9;
	v2 =	vld [tilespmem:s13+$0x70]  }
.LBB2_40:
0x5af: {  	v7 =	vld [tilespmem:s6+$0x80];
	v4 =	vmul.f32 $1.131370830e+01, v4;
	[tilespmem:s9+$0xF0] =	vst v3  }
0x5b0: {  	s12 =	sadd.s32 $0x4, s12;
	v3 =	vmul.f32 $1.131370830e+01, v5;
	[tilespmem:s11+$0xFFFFFFB0] =	vst v6;
	v5 =	vld [tilespmem:s10+$0xC0]  }
0x5b1: {  	p0 =	slt.u32 s12, $0x2C;
	v6 =	vld [tilespmem:s6+$0xFFFFFF80];
	[tilespmem:s11+$0x30] =	vst v4;
	v1 =	vmul.f32 $1.131370830e+01, v1  }
0x5b2: {  	v4 =	vld [tilespmem:s6+$0x0];
	[tilespmem:s11+$0xFFFFFF30] =	vst v3;
	v0 =	vmul.f32 $1.131370830e+01, v0  }
0x5b3: {  	v3 =	vld [tilespmem:s6+$0xFFFFFF00];
	[tilespmem:s9+$0xFFFFFF70] =	vst v1;
	v1 =	vmul.f32 $1.131370830e+01, v2  }
0x5b4: {  	v2 =	vmul.f32 $1.131370830e+01, v7;
	v7 =	vld [tilespmem:s10+$0xFFFFFF40];
	[tilespmem:s9+$0xFFFFFFF0] =	vst v0  }
0x5b5: {  	v0 =	vld [tilespmem:s10+$0xFFFFFFC0];
	v5 =	vmul.f32 $1.131370830e+01, v5;
	[tilespmem:s9+$0x70] =	vst v1;
	s9 =	smov.u32 s11;
	s11 =	sadd.s32 $0x200, s11  }
0x5b6: {  	v1 =	vmul.f32 $1.131370830e+01, v6;
	[tilespmem:s11+$0x80] =	vst v2;
	v2 =	vld [tilespmem:s10+$0x40]  }
0x5b7: {  	v4 =	vmul.f32 $1.131370830e+01, v4;
	v6 =	vld [tilespmem:s6+$0x90];
	[tilespmem:s9+$0xC0] =	vst v5  }
0x5b8: {  	v3 =	vmul.f32 $1.131370830e+01, v3;
	[tilespmem:s11+$0xFFFFFF80] =	vst v1;
	v1 =	vld [tilespmem:s10+$0xD0]  }
0x5b9: {  	v5 =	vld [tilespmem:s6+$0xFFFFFF90];
	[tilespmem:s11+$0x0] =	vst v4;
	v4 =	vmul.f32 $1.131370830e+01, v7  }
0x5ba: {  	[tilespmem:s11+$0xFFFFFF00] =	vst v3;
	v3 =	vld [tilespmem:s6+$0x10];
	v0 =	vmul.f32 $1.131370830e+01, v0  }
0x5bb: {  	v7 =	vld [tilespmem:s6+$0xFFFFFF10];
	[tilespmem:s9+$0xFFFFFF40] =	vst v4;
	v2 =	vmul.f32 $1.131370830e+01, v2  }
0x5bc: {  	v4 =	vmul.f32 $1.131370830e+01, v6;
	v6 =	vld [tilespmem:s10+$0xFFFFFF50];
	[tilespmem:s9+$0xFFFFFFC0] =	vst v0  }
0x5bd: {  	v0 =	vld [tilespmem:s10+$0xFFFFFFD0];
	[tilespmem:s9+$0x40] =	vst v2;
	v1 =	vmul.f32 $1.131370830e+01, v1  }
0x5be: {  	v2 =	vmul.f32 $1.131370830e+01, v5;
	[tilespmem:s11+$0x90] =	vst v4;
	v4 =	vld [tilespmem:s10+$0x50]  }
0x5bf: {  	v3 =	vmul.f32 $1.131370830e+01, v3;
	v5 =	vld [tilespmem:s6+$0xA0];
	[tilespmem:s9+$0xD0] =	vst v1  }
0x5c0: {  	v1 =	vmul.f32 $1.131370830e+01, v7;
	[tilespmem:s11+$0xFFFFFF90] =	vst v2;
	v2 =	vld [tilespmem:s10+$0xE0]  }
0x5c1: {  	v7 =	vld [tilespmem:s6+$0xFFFFFFA0];
	[tilespmem:s11+$0x10] =	vst v3;
	v3 =	vmul.f32 $1.131370830e+01, v6  }
0x5c2: {  	[tilespmem:s11+$0xFFFFFF10] =	vst v1;
	v1 =	vld [tilespmem:s6+$0x20];
	v0 =	vmul.f32 $1.131370830e+01, v0  }
0x5c3: {  	v6 =	vld [tilespmem:s6+$0xFFFFFF20];
	[tilespmem:s9+$0xFFFFFF50] =	vst v3;
	v3 =	vmul.f32 $1.131370830e+01, v4  }
0x5c4: {  	v4 =	vmul.f32 $1.131370830e+01, v5;
	v5 =	vld [tilespmem:s10+$0xFFFFFF60];
	[tilespmem:s9+$0xFFFFFFD0] =	vst v0  }
0x5c5: {  	v0 =	vld [tilespmem:s10+$0xFFFFFFE0];
	[tilespmem:s9+$0x50] =	vst v3;
	v2 =	vmul.f32 $1.131370830e+01, v2  }
0x5c6: {  	v3 =	vmul.f32 $1.131370830e+01, v7;
	[tilespmem:s11+$0xA0] =	vst v4;
	v7 =	vld [tilespmem:s10+$0x60]  }
0x5c7: {  	v1 =	vmul.f32 $1.131370830e+01, v1;
	v8 =	vld [tilespmem:s6+$0xB0];
	[tilespmem:s9+$0xE0] =	vst v2  }
0x5c8: {  	v2 =	vmul.f32 $1.131370830e+01, v6;
	[tilespmem:s11+$0xFFFFFFA0] =	vst v3;
	v3 =	vld [tilespmem:s10+$0xF0]  }
0x5c9: {  	v6 =	vld [tilespmem:s6+$0xFFFFFFB0];
	[tilespmem:s11+$0x20] =	vst v1;
	v1 =	vmul.f32 $1.131370830e+01, v5  }
.Ltmp19:
0x5ca: {  	[tilespmem:s11+$0xFFFFFF20] =	vst v2;
	v4 =	vld [tilespmem:s6+$0x30];
	v0 =	vmul.f32 $1.131370830e+01, v0;
	(pc) =	sbr.rel @p0 .LBB2_40-.Ltmp19, $4  }
0x5cb: {  	v5 =	vld [tilespmem:s6+$0xFFFFFF30];
	[tilespmem:s9+$0xFFFFFF60] =	vst v1;
	v2 =	vmul.f32 $1.131370830e+01, v7  }
0x5cc: {  	v7 =	vmul.f32 $1.131370830e+01, v8;
	v1 =	vld [tilespmem:s10+$0xFFFFFF70];
	[tilespmem:s9+$0xFFFFFFE0] =	vst v0  }
0x5cd: {  	v0 =	vld [tilespmem:s10+$0xFFFFFFF0];
	[tilespmem:s9+$0x60] =	vst v2;
	v3 =	vmul.f32 $1.131370830e+01, v3  }
0x5ce: {  	v6 =	vmul.f32 $1.131370830e+01, v6;
	[tilespmem:s11+$0xB0] =	vst v7;
	v2 =	vld [tilespmem:s10+$0x70];
	s10 =	smov.u32 s6;
	s6 =	sadd.s32 $0x200, s6  }
0x5cf: {  	v4 =	vmul.f32 $1.131370830e+01, v4  }
0x5d0: {  	v7 =	vld [tilespmem:s10+$0xC0];
	v5 =	vmul.f32 $1.131370830e+01, v5;
	[tilespmem:s11+$0xFFFFFFB0] =	vst v6  }
0x5d1: {  	[tilespmem:s11+$0x30] =	vst v4;
	v51 =	vld [tilespmem:s10+$0xFFFFFFC0]  }
0x5d2: {  	[tilespmem:s11+$0xFFFFFF30] =	vst v5;
	v52 =	vld [tilespmem:s10+$0x40]  }
0x5d3: {  	v5 =	vld [tilespmem:s10+$0xFFFFFF40];
	_ =	sdelay $0x1  }
0x5d4: {  	v7 =	vmul.f32 $1.131370830e+01, v7  }
0x5d5: {  	v4 =	vmul.f32 $1.131370830e+01, v51  }
0x5d6: {  	[tilespmem:s11+$0xC0] =	vst v7;
	v53 =	vmul.f32 $1.131370830e+01, v52  }
0x5d7: {  	v7 =	vld [tilespmem:s10+$0xD0];
	v5 =	vmul.f32 $1.131370830e+01, v5;
	[tilespmem:s11+$0xFFFFFFC0] =	vst v4  }
0x5d8: {  	v4 =	vld [tilespmem:s10+$0xFFFFFFD0];
	[tilespmem:s11+$0x40] =	vst v53  }
0x5d9: {  	[tilespmem:s11+$0xFFFFFF40] =	vst v5;
	v5 =	vld [tilespmem:s10+$0x50]  }
0x5da: {  	v54 =	vld [tilespmem:s10+$0xFFFFFF50];
	_ =	sdelay $0x1  }
0x5db: {  	v7 =	vmul.f32 $1.131370830e+01, v7  }
0x5dc: {  	v4 =	vmul.f32 $1.131370830e+01, v4  }
0x5dd: {  	[tilespmem:s11+$0xD0] =	vst v7;
	v5 =	vmul.f32 $1.131370830e+01, v5  }
0x5de: {  	v7 =	vld [tilespmem:s10+$0xE0];
	v6 =	vmul.f32 $1.131370830e+01, v54;
	[tilespmem:s11+$0xFFFFFFD0] =	vst v4  }
0x5df: {  	v4 =	vld [tilespmem:s10+$0xFFFFFFE0];
	[tilespmem:s11+$0x50] =	vst v5  }
0x5e0: {  	[tilespmem:s11+$0xFFFFFF50] =	vst v6;
	v5 =	vld [tilespmem:s10+$0x60]  }
0x5e1: {  	v6 =	vld [tilespmem:s10+$0xFFFFFF60];
	_ =	sdelay $0x1  }
0x5e2: {  	v7 =	vmul.f32 $1.131370830e+01, v7  }
0x5e3: {  	v4 =	vmul.f32 $1.131370830e+01, v4  }
0x5e4: {  	[tilespmem:s11+$0xE0] =	vst v7;
	v5 =	vmul.f32 $1.131370830e+01, v5  }
0x5e5: {  	v55 =	vld [tilespmem:s10+$0xF0];
	v6 =	vmul.f32 $1.131370830e+01, v6;
	[tilespmem:s11+$0xFFFFFFE0] =	vst v4  }
0x5e6: {  	[tilespmem:s11+$0x60] =	vst v5;
	v57 =	vld [tilespmem:s10+$0xFFFFFFF0]  }
0x5e7: {  	v1 =	vmul.f32 $1.131370830e+01, v1;
	[tilespmem:s11+$0xFFFFFF60] =	vst v6;
	v58 =	vld [tilespmem:s10+$0x70]  }
0x5e8: {  	[tilespmem:s9+$0xF0] =	vst v3;
	v0 =	vmul.f32 $1.131370830e+01, v0;
	v56 =	vld [tilespmem:s10+$0xFFFFFF70]  }
0x5e9: {  	[tilespmem:s9+$0xFFFFFF70] =	vst v1;
	v59 =	vmul.f32 $1.131370830e+01, v2  }
0x5ea: {  	[tilespmem:s9+$0xFFFFFFF0] =	vst v0;
	v60 =	vmul.f32 $1.131370830e+01, v55  }
0x5eb: {  	[tilespmem:s9+$0x70] =	vst v59;
	v62 =	vmul.f32 $1.131370830e+01, v57  }
0x5ec: {  	[tilespmem:s11+$0xF0] =	vst v60;
	v63 =	vmul.f32 $1.131370830e+01, v58  }
0x5ed: {  	v61 =	vmul.f32 $1.131370830e+01, v56;
	[tilespmem:s11+$0xFFFFFFF0] =	vst v62  }
0x5ee: {  	[tilespmem:s11+$0x70] =	vst v63  }
0x5ef: {  	s6 =	simm.s32 $0x0;
	[tilespmem:s11+$0xFFFFFF70] =	vst v61  }
.LBB2_42:
0x5f0: {  	s9 =	sshra.s32 s6, $0x2  }
0x5f1: {  	v0 =	vld [tilespmem:s9+$0x7400]  }
0x5f2: {  	v1 =	vld [tilespmem:s9+$0x7410]  }
0x5f3: {  	v2 =	vld [tilespmem:s9+$0x7420]  }
0x5f4: {  	v3 =	vld [tilespmem:s9+$0x7430]  }
0x5f5: {  	v4 =	vld [tilespmem:s9+$0x7440]  }
0x5f6: {  	v5 =	vld [tilespmem:s9+$0x7450];
	v0 =	vmul.f32 $1.131370830e+01, v0  }
0x5f7: {  	v6 =	vld [tilespmem:s9+$0x7460];
	v1 =	vmul.f32 $1.131370830e+01, v1  }
0x5f8: {  	v58 =	vld [tilespmem:s9+$0x7470];
	v57 =	vmul.f32 $1.131370830e+01, v2;
	[tilespmem:s9+$0xE400] =	vst v0  }
0x5f9: {  	v59 =	vmul.f32 $1.131370830e+01, v3;
	[tilespmem:s9+$0xE410] =	vst v1  }
0x5fa: {  	p0 =	sne.s32 s6, $0x200;
	v60 =	vmul.f32 $1.131370830e+01, v4;
	[tilespmem:s9+$0xE420] =	vst v57  }
.Ltmp20:
0x5fb: {  	v61 =	vmul.f32 $1.131370830e+01, v5;
	[tilespmem:s9+$0xE430] =	vst v59;
	(pc) =	sbr.rel @p0 .LBB2_42-.Ltmp20, $4  }
0x5fc: {  	v62 =	vmul.f32 $1.131370830e+01, v6;
	[tilespmem:s9+$0xE440] =	vst v60  }
0x5fd: {  	v63 =	vmul.f32 $1.131370830e+01, v58;
	[tilespmem:s9+$0xE450] =	vst v61  }
0x5fe: {  	[tilespmem:s9+$0xE460] =	vst v62  }
0x5ff: {  	s6 =	sadd.s32 $0x200, s6;
	[tilespmem:s9+$0xE470] =	vst v63  }
0x600: {  	s6 =	rddreg [dreg:$0xa]  }
0x601: {  	[hbm4b:s6+s4] =	stream.linear.scatter [tilespmem:s30], [sflag:$0x6], $0x1900, $0x38;
	[tilespmem:$0x12000] =	vst v63  }
0x602: {  	_ =	swait.ge [sflag:s1], $0x1900  }
0x603: {  	[sflag:s1] =	ssyncset.done $0x0  }
0x604: {  	[sflag:s1] =	ssyncadd.s32 $0xFFFFE700  }
0x605: {  	_ =	swait.ge [sflag:s28], $0x1900  }
0x606: {  	[sflag:s28] =	ssyncset.done $0x0  }
0x607: {  	s13 =	simm.s32 $0x7900;
	[sflag:s28] =	ssyncadd.s32 $0xFFFFE700  }
0x608: {  	v0 =	vld [tilespmem:s13+$0x80];
	_ =	sdelay $0x3  }
0x609: {  	v1 =	vld [tilespmem:s13+$0xFFFFFF00]  }
0x60a: {  	v2 =	vld [tilespmem:s13+$0xFFFFFF80];
	v0 =	vmul.f32 $1.131370830e+01, v0  }
0x60b: {  	s9 =	simm.s32 $0xE900;
	v3 =	vld [tilespmem:s13+$0x0]  }
0x60c: {  	[tilespmem:s9+$0x80] =	vst v0  }
0x60d: {  	v0 =	vld [tilespmem:s13+$0x90]  }
0x60e: {  	v1 =	vmul.f32 $1.131370830e+01, v1  }
0x60f: {  	v2 =	vmul.f32 $1.131370830e+01, v2  }
0x610: {  	v3 =	vmul.f32 $1.131370830e+01, v3;
	[tilespmem:s9+$0xFFFFFF00] =	vst v1  }
0x611: {  	[tilespmem:s9+$0xFFFFFF80] =	vst v2;
	v1 =	vld [tilespmem:s13+$0xFFFFFF10]  }
0x612: {  	[tilespmem:s9+$0x0] =	vst v3;
	v2 =	vld [tilespmem:s13+$0xFFFFFF90];
	v0 =	vmul.f32 $1.131370830e+01, v0  }
0x613: {  	v3 =	vld [tilespmem:s13+$0x10]  }
0x614: {  	[tilespmem:s9+$0x90] =	vst v0  }
0x615: {  	v0 =	vld [tilespmem:s13+$0xA0]  }
0x616: {  	v1 =	vmul.f32 $1.131370830e+01, v1  }
0x617: {  	v2 =	vmul.f32 $1.131370830e+01, v2  }
0x618: {  	v3 =	vmul.f32 $1.131370830e+01, v3;
	[tilespmem:s9+$0xFFFFFF10] =	vst v1  }
0x619: {  	[tilespmem:s9+$0xFFFFFF90] =	vst v2;
	v1 =	vld [tilespmem:s13+$0xFFFFFF20]  }
0x61a: {  	[tilespmem:s9+$0x10] =	vst v3;
	v2 =	vld [tilespmem:s13+$0xFFFFFFA0];
	v0 =	vmul.f32 $1.131370830e+01, v0  }
0x61b: {  	v3 =	vld [tilespmem:s13+$0x20]  }
0x61c: {  	[tilespmem:s9+$0xA0] =	vst v0  }
0x61d: {  	v0 =	vld [tilespmem:s13+$0xB0]  }
0x61e: {  	v1 =	vmul.f32 $1.131370830e+01, v1  }
0x61f: {  	v2 =	vmul.f32 $1.131370830e+01, v2  }
0x620: {  	v3 =	vmul.f32 $1.131370830e+01, v3;
	[tilespmem:s9+$0xFFFFFF20] =	vst v1  }
0x621: {  	[tilespmem:s9+$0xFFFFFFA0] =	vst v2;
	v1 =	vld [tilespmem:s13+$0xFFFFFF30]  }
0x622: {  	[tilespmem:s9+$0x20] =	vst v3;
	v2 =	vld [tilespmem:s13+$0xFFFFFFB0];
	v0 =	vmul.f32 $1.131370830e+01, v0  }
0x623: {  	s10 =	simm.s32 $0x7B00;
	v3 =	vld [tilespmem:s13+$0x30]  }
0x624: {  	[tilespmem:s9+$0xB0] =	vst v0;
	v0 =	vld [tilespmem:s10+$0x80]  }
0x625: {  	v4 =	vld [tilespmem:s13+$0xC0]  }
0x626: {  	v5 =	vld [tilespmem:s10+$0xFFFFFF80];
	v1 =	vmul.f32 $1.131370830e+01, v1  }
0x627: {  	v6 =	vld [tilespmem:s10+$0x0];
	v2 =	vmul.f32 $1.131370830e+01, v2  }
0x628: {  	v3 =	vmul.f32 $1.131370830e+01, v3;
	[tilespmem:s9+$0xFFFFFF30] =	vst v1;
	v1 =	vld [tilespmem:s10+$0xFFFFFF00]  }
0x629: {  	[tilespmem:s9+$0xFFFFFFB0] =	vst v2;
	v2 =	vld [tilespmem:s13+$0xFFFFFF40];
	v0 =	vmul.f32 $1.131370830e+01, v0  }
0x62a: {  	s11 =	simm.s32 $0xEB00;
	[tilespmem:s9+$0x30] =	vst v3;
	v3 =	vld [tilespmem:s13+$0xFFFFFFC0];
	v4 =	vmul.f32 $1.131370830e+01, v4  }
0x62b: {  	v5 =	vmul.f32 $1.131370830e+01, v5;
	[tilespmem:s11+$0x80] =	vst v0;
	v0 =	vld [tilespmem:s13+$0x40]  }
0x62c: {  	v6 =	vmul.f32 $1.131370830e+01, v6;
	v7 =	vld [tilespmem:s10+$0x90];
	[tilespmem:s9+$0xC0] =	vst v4  }
0x62d: {  	[tilespmem:s11+$0xFFFFFF80] =	vst v5;
	v1 =	vmul.f32 $1.131370830e+01, v1;
	v4 =	vld [tilespmem:s13+$0xD0]  }
0x62e: {  	[tilespmem:s11+$0x0] =	vst v6;
	v5 =	vld [tilespmem:s10+$0xFFFFFF90];
	v2 =	vmul.f32 $1.131370830e+01, v2  }
0x62f: {  	v3 =	vmul.f32 $1.131370830e+01, v3;
	[tilespmem:s11+$0xFFFFFF00] =	vst v1;
	v1 =	vld [tilespmem:s10+$0x10]  }
0x630: {  	v6 =	vld [tilespmem:s10+$0xFFFFFF10];
	[tilespmem:s9+$0xFFFFFF40] =	vst v2;
	v0 =	vmul.f32 $1.131370830e+01, v0  }
0x631: {  	[tilespmem:s9+$0xFFFFFFC0] =	vst v3;
	v2 =	vmul.f32 $1.131370830e+01, v7;
	v7 =	vld [tilespmem:s13+$0xFFFFFF50]  }
0x632: {  	v3 =	vld [tilespmem:s13+$0xFFFFFFD0];
	[tilespmem:s9+$0x40] =	vst v0;
	v0 =	vmul.f32 $1.131370830e+01, v4  }
0x633: {  	v4 =	vmul.f32 $1.131370830e+01, v5;
	[tilespmem:s11+$0x90] =	vst v2;
	v2 =	vld [tilespmem:s13+$0x50]  }
0x634: {  	v1 =	vmul.f32 $1.131370830e+01, v1;
	v5 =	vld [tilespmem:s10+$0xA0];
	[tilespmem:s9+$0xD0] =	vst v0  }
0x635: {  	v0 =	vmul.f32 $1.131370830e+01, v6;
	[tilespmem:s11+$0xFFFFFF90] =	vst v4;
	v4 =	vld [tilespmem:s13+$0xE0]  }
0x636: {  	[tilespmem:s11+$0x10] =	vst v1;
	v6 =	vld [tilespmem:s10+$0xFFFFFFA0];
	v1 =	vmul.f32 $1.131370830e+01, v7  }
0x637: {  	v3 =	vmul.f32 $1.131370830e+01, v3;
	[tilespmem:s11+$0xFFFFFF10] =	vst v0;
	v0 =	vld [tilespmem:s10+$0x20]  }
0x638: {  	v7 =	vld [tilespmem:s10+$0xFFFFFF20];
	[tilespmem:s9+$0xFFFFFF50] =	vst v1;
	v1 =	vmul.f32 $1.131370830e+01, v2  }
0x639: {  	[tilespmem:s9+$0xFFFFFFD0] =	vst v3;
	v2 =	vmul.f32 $1.131370830e+01, v5;
	v5 =	vld [tilespmem:s13+$0xFFFFFF60]  }
0x63a: {  	v3 =	vld [tilespmem:s13+$0xFFFFFFE0];
	[tilespmem:s9+$0x50] =	vst v1;
	v1 =	vmul.f32 $1.131370830e+01, v4  }
0x63b: {  	v4 =	vmul.f32 $1.131370830e+01, v6;
	[tilespmem:s11+$0xA0] =	vst v2;
	v2 =	vld [tilespmem:s13+$0x60]  }
0x63c: {  	v0 =	vmul.f32 $1.131370830e+01, v0;
	v6 =	vld [tilespmem:s10+$0xB0];
	[tilespmem:s9+$0xE0] =	vst v1  }
0x63d: {  	v1 =	vmul.f32 $1.131370830e+01, v7;
	[tilespmem:s11+$0xFFFFFFA0] =	vst v4;
	v7 =	vld [tilespmem:s13+$0xF0]  }
0x63e: {  	v8 =	vld [tilespmem:s10+$0xFFFFFFB0];
	[tilespmem:s11+$0x20] =	vst v0;
	v0 =	vmul.f32 $1.131370830e+01, v5  }
0x63f: {  	v3 =	vmul.f32 $1.131370830e+01, v3;
	[tilespmem:s11+$0xFFFFFF20] =	vst v1;
	v4 =	vld [tilespmem:s10+$0x30]  }
0x640: {  	v5 =	vld [tilespmem:s10+$0xFFFFFF30];
	[tilespmem:s9+$0xFFFFFF60] =	vst v0;
	v2 =	vmul.f32 $1.131370830e+01, v2  }
0x641: {  	[tilespmem:s9+$0xFFFFFFE0] =	vst v3;
	v9 =	vmul.f32 $1.131370830e+01, v6;
	v1 =	vld [tilespmem:s13+$0xFFFFFF70]  }
0x642: {  	v0 =	vld [tilespmem:s13+$0xFFFFFFF0];
	[tilespmem:s9+$0x60] =	vst v2;
	v3 =	vmul.f32 $1.131370830e+01, v7  }
0x643: {  	s12 =	simm.s32 $0x4;
	s6 =	simm.s32 $0x7D00;
	v6 =	vmul.f32 $1.131370830e+01, v8;
	[tilespmem:s11+$0xB0] =	vst v9;
	v2 =	vld [tilespmem:s13+$0x70]  }
.LBB2_44:
0x644: {  	v7 =	vld [tilespmem:s6+$0x80];
	v4 =	vmul.f32 $1.131370830e+01, v4;
	[tilespmem:s9+$0xF0] =	vst v3  }
0x645: {  	s12 =	sadd.s32 $0x4, s12;
	v3 =	vmul.f32 $1.131370830e+01, v5;
	[tilespmem:s11+$0xFFFFFFB0] =	vst v6;
	v5 =	vld [tilespmem:s10+$0xC0]  }
0x646: {  	p0 =	slt.u32 s12, $0x2C;
	v6 =	vld [tilespmem:s6+$0xFFFFFF80];
	[tilespmem:s11+$0x30] =	vst v4;
	v1 =	vmul.f32 $1.131370830e+01, v1  }
0x647: {  	v4 =	vld [tilespmem:s6+$0x0];
	[tilespmem:s11+$0xFFFFFF30] =	vst v3;
	v0 =	vmul.f32 $1.131370830e+01, v0  }
0x648: {  	v3 =	vld [tilespmem:s6+$0xFFFFFF00];
	[tilespmem:s9+$0xFFFFFF70] =	vst v1;
	v1 =	vmul.f32 $1.131370830e+01, v2  }
0x649: {  	v2 =	vmul.f32 $1.131370830e+01, v7;
	v7 =	vld [tilespmem:s10+$0xFFFFFF40];
	[tilespmem:s9+$0xFFFFFFF0] =	vst v0  }
0x64a: {  	v0 =	vld [tilespmem:s10+$0xFFFFFFC0];
	v5 =	vmul.f32 $1.131370830e+01, v5;
	[tilespmem:s9+$0x70] =	vst v1;
	s9 =	smov.u32 s11;
	s11 =	sadd.s32 $0x200, s11  }
0x64b: {  	v1 =	vmul.f32 $1.131370830e+01, v6;
	[tilespmem:s11+$0x80] =	vst v2;
	v2 =	vld [tilespmem:s10+$0x40]  }
0x64c: {  	v4 =	vmul.f32 $1.131370830e+01, v4;
	v6 =	vld [tilespmem:s6+$0x90];
	[tilespmem:s9+$0xC0] =	vst v5  }
0x64d: {  	v3 =	vmul.f32 $1.131370830e+01, v3;
	[tilespmem:s11+$0xFFFFFF80] =	vst v1;
	v1 =	vld [tilespmem:s10+$0xD0]  }
0x64e: {  	v5 =	vld [tilespmem:s6+$0xFFFFFF90];
	[tilespmem:s11+$0x0] =	vst v4;
	v4 =	vmul.f32 $1.131370830e+01, v7  }
0x64f: {  	[tilespmem:s11+$0xFFFFFF00] =	vst v3;
	v3 =	vld [tilespmem:s6+$0x10];
	v0 =	vmul.f32 $1.131370830e+01, v0  }
0x650: {  	v7 =	vld [tilespmem:s6+$0xFFFFFF10];
	[tilespmem:s9+$0xFFFFFF40] =	vst v4;
	v2 =	vmul.f32 $1.131370830e+01, v2  }
0x651: {  	v4 =	vmul.f32 $1.131370830e+01, v6;
	v6 =	vld [tilespmem:s10+$0xFFFFFF50];
	[tilespmem:s9+$0xFFFFFFC0] =	vst v0  }
0x652: {  	v0 =	vld [tilespmem:s10+$0xFFFFFFD0];
	[tilespmem:s9+$0x40] =	vst v2;
	v1 =	vmul.f32 $1.131370830e+01, v1  }
0x653: {  	v2 =	vmul.f32 $1.131370830e+01, v5;
	[tilespmem:s11+$0x90] =	vst v4;
	v4 =	vld [tilespmem:s10+$0x50]  }
0x654: {  	v3 =	vmul.f32 $1.131370830e+01, v3;
	v5 =	vld [tilespmem:s6+$0xA0];
	[tilespmem:s9+$0xD0] =	vst v1  }
0x655: {  	v1 =	vmul.f32 $1.131370830e+01, v7;
	[tilespmem:s11+$0xFFFFFF90] =	vst v2;
	v2 =	vld [tilespmem:s10+$0xE0]  }
0x656: {  	v7 =	vld [tilespmem:s6+$0xFFFFFFA0];
	[tilespmem:s11+$0x10] =	vst v3;
	v3 =	vmul.f32 $1.131370830e+01, v6  }
0x657: {  	[tilespmem:s11+$0xFFFFFF10] =	vst v1;
	v1 =	vld [tilespmem:s6+$0x20];
	v0 =	vmul.f32 $1.131370830e+01, v0  }
0x658: {  	v6 =	vld [tilespmem:s6+$0xFFFFFF20];
	[tilespmem:s9+$0xFFFFFF50] =	vst v3;
	v3 =	vmul.f32 $1.131370830e+01, v4  }
0x659: {  	v4 =	vmul.f32 $1.131370830e+01, v5;
	v5 =	vld [tilespmem:s10+$0xFFFFFF60];
	[tilespmem:s9+$0xFFFFFFD0] =	vst v0  }
0x65a: {  	v0 =	vld [tilespmem:s10+$0xFFFFFFE0];
	[tilespmem:s9+$0x50] =	vst v3;
	v2 =	vmul.f32 $1.131370830e+01, v2  }
0x65b: {  	v3 =	vmul.f32 $1.131370830e+01, v7;
	[tilespmem:s11+$0xA0] =	vst v4;
	v7 =	vld [tilespmem:s10+$0x60]  }
0x65c: {  	v1 =	vmul.f32 $1.131370830e+01, v1;
	v8 =	vld [tilespmem:s6+$0xB0];
	[tilespmem:s9+$0xE0] =	vst v2  }
0x65d: {  	v2 =	vmul.f32 $1.131370830e+01, v6;
	[tilespmem:s11+$0xFFFFFFA0] =	vst v3;
	v3 =	vld [tilespmem:s10+$0xF0]  }
0x65e: {  	v6 =	vld [tilespmem:s6+$0xFFFFFFB0];
	[tilespmem:s11+$0x20] =	vst v1;
	v1 =	vmul.f32 $1.131370830e+01, v5  }
.Ltmp21:
0x65f: {  	[tilespmem:s11+$0xFFFFFF20] =	vst v2;
	v4 =	vld [tilespmem:s6+$0x30];
	v0 =	vmul.f32 $1.131370830e+01, v0;
	(pc) =	sbr.rel @p0 .LBB2_44-.Ltmp21, $4  }
0x660: {  	v5 =	vld [tilespmem:s6+$0xFFFFFF30];
	[tilespmem:s9+$0xFFFFFF60] =	vst v1;
	v2 =	vmul.f32 $1.131370830e+01, v7  }
0x661: {  	v7 =	vmul.f32 $1.131370830e+01, v8;
	v1 =	vld [tilespmem:s10+$0xFFFFFF70];
	[tilespmem:s9+$0xFFFFFFE0] =	vst v0  }
0x662: {  	v0 =	vld [tilespmem:s10+$0xFFFFFFF0];
	[tilespmem:s9+$0x60] =	vst v2;
	v3 =	vmul.f32 $1.131370830e+01, v3  }
0x663: {  	v6 =	vmul.f32 $1.131370830e+01, v6;
	[tilespmem:s11+$0xB0] =	vst v7;
	v2 =	vld [tilespmem:s10+$0x70];
	s10 =	smov.u32 s6;
	s6 =	sadd.s32 $0x200, s6  }
0x664: {  	v4 =	vmul.f32 $1.131370830e+01, v4  }
0x665: {  	v7 =	vld [tilespmem:s10+$0xC0];
	v5 =	vmul.f32 $1.131370830e+01, v5;
	[tilespmem:s11+$0xFFFFFFB0] =	vst v6  }
0x666: {  	[tilespmem:s11+$0x30] =	vst v4;
	v51 =	vld [tilespmem:s10+$0xFFFFFFC0]  }
0x667: {  	[tilespmem:s11+$0xFFFFFF30] =	vst v5;
	v52 =	vld [tilespmem:s10+$0x40]  }
0x668: {  	v5 =	vld [tilespmem:s10+$0xFFFFFF40];
	_ =	sdelay $0x1  }
0x669: {  	v7 =	vmul.f32 $1.131370830e+01, v7  }
0x66a: {  	v4 =	vmul.f32 $1.131370830e+01, v51  }
0x66b: {  	[tilespmem:s11+$0xC0] =	vst v7;
	v53 =	vmul.f32 $1.131370830e+01, v52  }
0x66c: {  	v7 =	vld [tilespmem:s10+$0xD0];
	v5 =	vmul.f32 $1.131370830e+01, v5;
	[tilespmem:s11+$0xFFFFFFC0] =	vst v4  }
0x66d: {  	v4 =	vld [tilespmem:s10+$0xFFFFFFD0];
	[tilespmem:s11+$0x40] =	vst v53  }
0x66e: {  	[tilespmem:s11+$0xFFFFFF40] =	vst v5;
	v5 =	vld [tilespmem:s10+$0x50]  }
0x66f: {  	v54 =	vld [tilespmem:s10+$0xFFFFFF50];
	_ =	sdelay $0x1  }
0x670: {  	v7 =	vmul.f32 $1.131370830e+01, v7  }
0x671: {  	v4 =	vmul.f32 $1.131370830e+01, v4  }
0x672: {  	[tilespmem:s11+$0xD0] =	vst v7;
	v5 =	vmul.f32 $1.131370830e+01, v5  }
0x673: {  	v7 =	vld [tilespmem:s10+$0xE0];
	v6 =	vmul.f32 $1.131370830e+01, v54;
	[tilespmem:s11+$0xFFFFFFD0] =	vst v4  }
0x674: {  	v4 =	vld [tilespmem:s10+$0xFFFFFFE0];
	[tilespmem:s11+$0x50] =	vst v5  }
0x675: {  	[tilespmem:s11+$0xFFFFFF50] =	vst v6;
	v5 =	vld [tilespmem:s10+$0x60]  }
0x676: {  	v6 =	vld [tilespmem:s10+$0xFFFFFF60];
	_ =	sdelay $0x1  }
0x677: {  	v7 =	vmul.f32 $1.131370830e+01, v7  }
0x678: {  	v4 =	vmul.f32 $1.131370830e+01, v4  }
0x679: {  	[tilespmem:s11+$0xE0] =	vst v7;
	v5 =	vmul.f32 $1.131370830e+01, v5  }
0x67a: {  	v55 =	vld [tilespmem:s10+$0xF0];
	v6 =	vmul.f32 $1.131370830e+01, v6;
	[tilespmem:s11+$0xFFFFFFE0] =	vst v4  }
0x67b: {  	[tilespmem:s11+$0x60] =	vst v5;
	v57 =	vld [tilespmem:s10+$0xFFFFFFF0]  }
0x67c: {  	v1 =	vmul.f32 $1.131370830e+01, v1;
	[tilespmem:s11+$0xFFFFFF60] =	vst v6;
	v58 =	vld [tilespmem:s10+$0x70]  }
0x67d: {  	[tilespmem:s9+$0xF0] =	vst v3;
	v0 =	vmul.f32 $1.131370830e+01, v0;
	v56 =	vld [tilespmem:s10+$0xFFFFFF70]  }
0x67e: {  	[tilespmem:s9+$0xFFFFFF70] =	vst v1;
	v59 =	vmul.f32 $1.131370830e+01, v2  }
0x67f: {  	[tilespmem:s9+$0xFFFFFFF0] =	vst v0;
	v60 =	vmul.f32 $1.131370830e+01, v55  }
0x680: {  	[tilespmem:s9+$0x70] =	vst v59;
	v62 =	vmul.f32 $1.131370830e+01, v57  }
0x681: {  	[tilespmem:s11+$0xF0] =	vst v60;
	v63 =	vmul.f32 $1.131370830e+01, v58  }
0x682: {  	v61 =	vmul.f32 $1.131370830e+01, v56;
	[tilespmem:s11+$0xFFFFFFF0] =	vst v62  }
0x683: {  	[tilespmem:s11+$0x70] =	vst v63  }
0x684: {  	s6 =	simm.s32 $0x0;
	[tilespmem:s11+$0xFFFFFF70] =	vst v61  }
.LBB2_46:
0x685: {  	s9 =	sshra.s32 s6, $0x2  }
0x686: {  	v0 =	vld [tilespmem:s9+$0x9000]  }
0x687: {  	v1 =	vld [tilespmem:s9+$0x9010]  }
0x688: {  	v2 =	vld [tilespmem:s9+$0x9020]  }
0x689: {  	v3 =	vld [tilespmem:s9+$0x9030]  }
0x68a: {  	v4 =	vld [tilespmem:s9+$0x9040]  }
0x68b: {  	v5 =	vld [tilespmem:s9+$0x9050];
	v0 =	vmul.f32 $1.131370830e+01, v0  }
0x68c: {  	v6 =	vld [tilespmem:s9+$0x9060];
	v1 =	vmul.f32 $1.131370830e+01, v1  }
0x68d: {  	v58 =	vld [tilespmem:s9+$0x9070];
	v57 =	vmul.f32 $1.131370830e+01, v2;
	[tilespmem:s9+$0x10000] =	vst v0  }
0x68e: {  	v59 =	vmul.f32 $1.131370830e+01, v3;
	[tilespmem:s9+$0x10010] =	vst v1  }
0x68f: {  	p0 =	sne.s32 s6, $0x200;
	v60 =	vmul.f32 $1.131370830e+01, v4;
	[tilespmem:s9+$0x10020] =	vst v57  }
.Ltmp22:
0x690: {  	v61 =	vmul.f32 $1.131370830e+01, v5;
	[tilespmem:s9+$0x10030] =	vst v59;
	(pc) =	sbr.rel @p0 .LBB2_46-.Ltmp22, $4  }
0x691: {  	v62 =	vmul.f32 $1.131370830e+01, v6;
	[tilespmem:s9+$0x10040] =	vst v60  }
0x692: {  	v63 =	vmul.f32 $1.131370830e+01, v58;
	[tilespmem:s9+$0x10050] =	vst v61  }
0x693: {  	[tilespmem:s9+$0x10060] =	vst v62  }
0x694: {  	s6 =	sadd.s32 $0x200, s6;
	[tilespmem:s9+$0x10070] =	vst v63  }
0x695: {  	s6 =	rddreg [dreg:$0xb]  }
0x696: {  	[hbm4b:s6+s4] =	stream.linear.scatter [tilespmem:s0], [sflag:$0x7], $0x1900, $0x38;
	[tilespmem:$0x12000] =	vst v63  }
0x697: {  	_ =	swait.ge [sflag:s21], $0x1900  }
0x698: {  	[sflag:s21] =	ssyncset.done $0x0  }
0x699: {  	[sflag:s21] =	ssyncadd.s32 $0xFFFFE700  }
0x69a: {  	_ =	swait.ge [sflag:s7], $0x1900  }
0x69b: {  	[sflag:s7] =	ssyncset.done $0x0  }
0x69c: {  	s13 =	simm.s32 $0x9500;
	[sflag:s7] =	ssyncadd.s32 $0xFFFFE700  }
0x69d: {  	v0 =	vld [tilespmem:s13+$0x80];
	_ =	sdelay $0x3  }
0x69e: {  	v1 =	vld [tilespmem:s13+$0xFFFFFF00]  }
0x69f: {  	v2 =	vld [tilespmem:s13+$0xFFFFFF80];
	v0 =	vmul.f32 $1.131370830e+01, v0  }
0x6a0: {  	s9 =	simm.s32 $0x10500;
	v3 =	vld [tilespmem:s13+$0x0]  }
0x6a1: {  	[tilespmem:s9+$0x80] =	vst v0  }
0x6a2: {  	v0 =	vld [tilespmem:s13+$0x90]  }
0x6a3: {  	v1 =	vmul.f32 $1.131370830e+01, v1  }
0x6a4: {  	v2 =	vmul.f32 $1.131370830e+01, v2  }
0x6a5: {  	v3 =	vmul.f32 $1.131370830e+01, v3;
	[tilespmem:s9+$0xFFFFFF00] =	vst v1  }
0x6a6: {  	[tilespmem:s9+$0xFFFFFF80] =	vst v2;
	v1 =	vld [tilespmem:s13+$0xFFFFFF10]  }
0x6a7: {  	[tilespmem:s9+$0x0] =	vst v3;
	v2 =	vld [tilespmem:s13+$0xFFFFFF90];
	v0 =	vmul.f32 $1.131370830e+01, v0  }
0x6a8: {  	v3 =	vld [tilespmem:s13+$0x10]  }
0x6a9: {  	[tilespmem:s9+$0x90] =	vst v0  }
0x6aa: {  	v0 =	vld [tilespmem:s13+$0xA0]  }
0x6ab: {  	v1 =	vmul.f32 $1.131370830e+01, v1  }
0x6ac: {  	v2 =	vmul.f32 $1.131370830e+01, v2  }
0x6ad: {  	v3 =	vmul.f32 $1.131370830e+01, v3;
	[tilespmem:s9+$0xFFFFFF10] =	vst v1  }
0x6ae: {  	[tilespmem:s9+$0xFFFFFF90] =	vst v2;
	v1 =	vld [tilespmem:s13+$0xFFFFFF20]  }
0x6af: {  	[tilespmem:s9+$0x10] =	vst v3;
	v2 =	vld [tilespmem:s13+$0xFFFFFFA0];
	v0 =	vmul.f32 $1.131370830e+01, v0  }
0x6b0: {  	v3 =	vld [tilespmem:s13+$0x20]  }
0x6b1: {  	[tilespmem:s9+$0xA0] =	vst v0  }
0x6b2: {  	v0 =	vld [tilespmem:s13+$0xB0]  }
0x6b3: {  	v1 =	vmul.f32 $1.131370830e+01, v1  }
0x6b4: {  	v2 =	vmul.f32 $1.131370830e+01, v2  }
0x6b5: {  	v3 =	vmul.f32 $1.131370830e+01, v3;
	[tilespmem:s9+$0xFFFFFF20] =	vst v1  }
0x6b6: {  	[tilespmem:s9+$0xFFFFFFA0] =	vst v2;
	v1 =	vld [tilespmem:s13+$0xFFFFFF30]  }
0x6b7: {  	[tilespmem:s9+$0x20] =	vst v3;
	v2 =	vld [tilespmem:s13+$0xFFFFFFB0];
	v0 =	vmul.f32 $1.131370830e+01, v0  }
0x6b8: {  	s10 =	simm.s32 $0x9700;
	v3 =	vld [tilespmem:s13+$0x30]  }
0x6b9: {  	[tilespmem:s9+$0xB0] =	vst v0;
	v0 =	vld [tilespmem:s10+$0x80]  }
0x6ba: {  	v4 =	vld [tilespmem:s13+$0xC0]  }
0x6bb: {  	v5 =	vld [tilespmem:s10+$0xFFFFFF80];
	v1 =	vmul.f32 $1.131370830e+01, v1  }
0x6bc: {  	v6 =	vld [tilespmem:s10+$0x0];
	v2 =	vmul.f32 $1.131370830e+01, v2  }
0x6bd: {  	v3 =	vmul.f32 $1.131370830e+01, v3;
	[tilespmem:s9+$0xFFFFFF30] =	vst v1;
	v1 =	vld [tilespmem:s10+$0xFFFFFF00]  }
0x6be: {  	[tilespmem:s9+$0xFFFFFFB0] =	vst v2;
	v2 =	vld [tilespmem:s13+$0xFFFFFF40];
	v0 =	vmul.f32 $1.131370830e+01, v0  }
0x6bf: {  	s11 =	simm.s32 $0x10700;
	[tilespmem:s9+$0x30] =	vst v3;
	v3 =	vld [tilespmem:s13+$0xFFFFFFC0];
	v4 =	vmul.f32 $1.131370830e+01, v4  }
0x6c0: {  	v5 =	vmul.f32 $1.131370830e+01, v5;
	[tilespmem:s11+$0x80] =	vst v0;
	v0 =	vld [tilespmem:s13+$0x40]  }
0x6c1: {  	v6 =	vmul.f32 $1.131370830e+01, v6;
	v7 =	vld [tilespmem:s10+$0x90];
	[tilespmem:s9+$0xC0] =	vst v4  }
0x6c2: {  	[tilespmem:s11+$0xFFFFFF80] =	vst v5;
	v1 =	vmul.f32 $1.131370830e+01, v1;
	v4 =	vld [tilespmem:s13+$0xD0]  }
0x6c3: {  	[tilespmem:s11+$0x0] =	vst v6;
	v5 =	vld [tilespmem:s10+$0xFFFFFF90];
	v2 =	vmul.f32 $1.131370830e+01, v2  }
0x6c4: {  	v3 =	vmul.f32 $1.131370830e+01, v3;
	[tilespmem:s11+$0xFFFFFF00] =	vst v1;
	v1 =	vld [tilespmem:s10+$0x10]  }
0x6c5: {  	v6 =	vld [tilespmem:s10+$0xFFFFFF10];
	[tilespmem:s9+$0xFFFFFF40] =	vst v2;
	v0 =	vmul.f32 $1.131370830e+01, v0  }
0x6c6: {  	[tilespmem:s9+$0xFFFFFFC0] =	vst v3;
	v2 =	vmul.f32 $1.131370830e+01, v7;
	v7 =	vld [tilespmem:s13+$0xFFFFFF50]  }
0x6c7: {  	v3 =	vld [tilespmem:s13+$0xFFFFFFD0];
	[tilespmem:s9+$0x40] =	vst v0;
	v0 =	vmul.f32 $1.131370830e+01, v4  }
0x6c8: {  	v4 =	vmul.f32 $1.131370830e+01, v5;
	[tilespmem:s11+$0x90] =	vst v2;
	v2 =	vld [tilespmem:s13+$0x50]  }
0x6c9: {  	v1 =	vmul.f32 $1.131370830e+01, v1;
	v5 =	vld [tilespmem:s10+$0xA0];
	[tilespmem:s9+$0xD0] =	vst v0  }
0x6ca: {  	v0 =	vmul.f32 $1.131370830e+01, v6;
	[tilespmem:s11+$0xFFFFFF90] =	vst v4;
	v4 =	vld [tilespmem:s13+$0xE0]  }
0x6cb: {  	[tilespmem:s11+$0x10] =	vst v1;
	v6 =	vld [tilespmem:s10+$0xFFFFFFA0];
	v1 =	vmul.f32 $1.131370830e+01, v7  }
0x6cc: {  	v3 =	vmul.f32 $1.131370830e+01, v3;
	[tilespmem:s11+$0xFFFFFF10] =	vst v0;
	v0 =	vld [tilespmem:s10+$0x20]  }
0x6cd: {  	v7 =	vld [tilespmem:s10+$0xFFFFFF20];
	[tilespmem:s9+$0xFFFFFF50] =	vst v1;
	v1 =	vmul.f32 $1.131370830e+01, v2  }
0x6ce: {  	[tilespmem:s9+$0xFFFFFFD0] =	vst v3;
	v2 =	vmul.f32 $1.131370830e+01, v5;
	v5 =	vld [tilespmem:s13+$0xFFFFFF60]  }
0x6cf: {  	v3 =	vld [tilespmem:s13+$0xFFFFFFE0];
	[tilespmem:s9+$0x50] =	vst v1;
	v1 =	vmul.f32 $1.131370830e+01, v4  }
0x6d0: {  	v4 =	vmul.f32 $1.131370830e+01, v6;
	[tilespmem:s11+$0xA0] =	vst v2;
	v2 =	vld [tilespmem:s13+$0x60]  }
0x6d1: {  	v0 =	vmul.f32 $1.131370830e+01, v0;
	v6 =	vld [tilespmem:s10+$0xB0];
	[tilespmem:s9+$0xE0] =	vst v1  }
0x6d2: {  	v1 =	vmul.f32 $1.131370830e+01, v7;
	[tilespmem:s11+$0xFFFFFFA0] =	vst v4;
	v7 =	vld [tilespmem:s13+$0xF0]  }
0x6d3: {  	v8 =	vld [tilespmem:s10+$0xFFFFFFB0];
	[tilespmem:s11+$0x20] =	vst v0;
	v0 =	vmul.f32 $1.131370830e+01, v5  }
0x6d4: {  	v3 =	vmul.f32 $1.131370830e+01, v3;
	[tilespmem:s11+$0xFFFFFF20] =	vst v1;
	v4 =	vld [tilespmem:s10+$0x30]  }
0x6d5: {  	v5 =	vld [tilespmem:s10+$0xFFFFFF30];
	[tilespmem:s9+$0xFFFFFF60] =	vst v0;
	v2 =	vmul.f32 $1.131370830e+01, v2  }
0x6d6: {  	[tilespmem:s9+$0xFFFFFFE0] =	vst v3;
	v9 =	vmul.f32 $1.131370830e+01, v6;
	v1 =	vld [tilespmem:s13+$0xFFFFFF70]  }
0x6d7: {  	v0 =	vld [tilespmem:s13+$0xFFFFFFF0];
	[tilespmem:s9+$0x60] =	vst v2;
	v3 =	vmul.f32 $1.131370830e+01, v7  }
0x6d8: {  	s12 =	simm.s32 $0x4;
	s6 =	simm.s32 $0x9900;
	v6 =	vmul.f32 $1.131370830e+01, v8;
	[tilespmem:s11+$0xB0] =	vst v9;
	v2 =	vld [tilespmem:s13+$0x70]  }
.LBB2_48:
0x6d9: {  	v7 =	vld [tilespmem:s6+$0x80];
	v4 =	vmul.f32 $1.131370830e+01, v4;
	[tilespmem:s9+$0xF0] =	vst v3  }
0x6da: {  	s12 =	sadd.s32 $0x4, s12;
	v3 =	vmul.f32 $1.131370830e+01, v5;
	[tilespmem:s11+$0xFFFFFFB0] =	vst v6;
	v5 =	vld [tilespmem:s10+$0xC0]  }
0x6db: {  	p0 =	slt.u32 s12, $0x2C;
	v6 =	vld [tilespmem:s6+$0xFFFFFF80];
	[tilespmem:s11+$0x30] =	vst v4;
	v1 =	vmul.f32 $1.131370830e+01, v1  }
0x6dc: {  	v4 =	vld [tilespmem:s6+$0x0];
	[tilespmem:s11+$0xFFFFFF30] =	vst v3;
	v0 =	vmul.f32 $1.131370830e+01, v0  }
0x6dd: {  	v3 =	vld [tilespmem:s6+$0xFFFFFF00];
	[tilespmem:s9+$0xFFFFFF70] =	vst v1;
	v1 =	vmul.f32 $1.131370830e+01, v2  }
0x6de: {  	v2 =	vmul.f32 $1.131370830e+01, v7;
	v7 =	vld [tilespmem:s10+$0xFFFFFF40];
	[tilespmem:s9+$0xFFFFFFF0] =	vst v0  }
0x6df: {  	v0 =	vld [tilespmem:s10+$0xFFFFFFC0];
	v5 =	vmul.f32 $1.131370830e+01, v5;
	[tilespmem:s9+$0x70] =	vst v1;
	s9 =	smov.u32 s11;
	s11 =	sadd.s32 $0x200, s11  }
0x6e0: {  	v1 =	vmul.f32 $1.131370830e+01, v6;
	[tilespmem:s11+$0x80] =	vst v2;
	v2 =	vld [tilespmem:s10+$0x40]  }
0x6e1: {  	v4 =	vmul.f32 $1.131370830e+01, v4;
	v6 =	vld [tilespmem:s6+$0x90];
	[tilespmem:s9+$0xC0] =	vst v5  }
0x6e2: {  	v3 =	vmul.f32 $1.131370830e+01, v3;
	[tilespmem:s11+$0xFFFFFF80] =	vst v1;
	v1 =	vld [tilespmem:s10+$0xD0]  }
0x6e3: {  	v5 =	vld [tilespmem:s6+$0xFFFFFF90];
	[tilespmem:s11+$0x0] =	vst v4;
	v4 =	vmul.f32 $1.131370830e+01, v7  }
0x6e4: {  	[tilespmem:s11+$0xFFFFFF00] =	vst v3;
	v3 =	vld [tilespmem:s6+$0x10];
	v0 =	vmul.f32 $1.131370830e+01, v0  }
0x6e5: {  	v7 =	vld [tilespmem:s6+$0xFFFFFF10];
	[tilespmem:s9+$0xFFFFFF40] =	vst v4;
	v2 =	vmul.f32 $1.131370830e+01, v2  }
0x6e6: {  	v4 =	vmul.f32 $1.131370830e+01, v6;
	v6 =	vld [tilespmem:s10+$0xFFFFFF50];
	[tilespmem:s9+$0xFFFFFFC0] =	vst v0  }
0x6e7: {  	v0 =	vld [tilespmem:s10+$0xFFFFFFD0];
	[tilespmem:s9+$0x40] =	vst v2;
	v1 =	vmul.f32 $1.131370830e+01, v1  }
0x6e8: {  	v2 =	vmul.f32 $1.131370830e+01, v5;
	[tilespmem:s11+$0x90] =	vst v4;
	v4 =	vld [tilespmem:s10+$0x50]  }
0x6e9: {  	v3 =	vmul.f32 $1.131370830e+01, v3;
	v5 =	vld [tilespmem:s6+$0xA0];
	[tilespmem:s9+$0xD0] =	vst v1  }
0x6ea: {  	v1 =	vmul.f32 $1.131370830e+01, v7;
	[tilespmem:s11+$0xFFFFFF90] =	vst v2;
	v2 =	vld [tilespmem:s10+$0xE0]  }
0x6eb: {  	v7 =	vld [tilespmem:s6+$0xFFFFFFA0];
	[tilespmem:s11+$0x10] =	vst v3;
	v3 =	vmul.f32 $1.131370830e+01, v6  }
0x6ec: {  	[tilespmem:s11+$0xFFFFFF10] =	vst v1;
	v1 =	vld [tilespmem:s6+$0x20];
	v0 =	vmul.f32 $1.131370830e+01, v0  }
0x6ed: {  	v6 =	vld [tilespmem:s6+$0xFFFFFF20];
	[tilespmem:s9+$0xFFFFFF50] =	vst v3;
	v3 =	vmul.f32 $1.131370830e+01, v4  }
0x6ee: {  	v4 =	vmul.f32 $1.131370830e+01, v5;
	v5 =	vld [tilespmem:s10+$0xFFFFFF60];
	[tilespmem:s9+$0xFFFFFFD0] =	vst v0  }
0x6ef: {  	v0 =	vld [tilespmem:s10+$0xFFFFFFE0];
	[tilespmem:s9+$0x50] =	vst v3;
	v2 =	vmul.f32 $1.131370830e+01, v2  }
0x6f0: {  	v3 =	vmul.f32 $1.131370830e+01, v7;
	[tilespmem:s11+$0xA0] =	vst v4;
	v7 =	vld [tilespmem:s10+$0x60]  }
0x6f1: {  	v1 =	vmul.f32 $1.131370830e+01, v1;
	v8 =	vld [tilespmem:s6+$0xB0];
	[tilespmem:s9+$0xE0] =	vst v2  }
0x6f2: {  	v2 =	vmul.f32 $1.131370830e+01, v6;
	[tilespmem:s11+$0xFFFFFFA0] =	vst v3;
	v3 =	vld [tilespmem:s10+$0xF0]  }
0x6f3: {  	v6 =	vld [tilespmem:s6+$0xFFFFFFB0];
	[tilespmem:s11+$0x20] =	vst v1;
	v1 =	vmul.f32 $1.131370830e+01, v5  }
.Ltmp23:
0x6f4: {  	[tilespmem:s11+$0xFFFFFF20] =	vst v2;
	v4 =	vld [tilespmem:s6+$0x30];
	v0 =	vmul.f32 $1.131370830e+01, v0;
	(pc) =	sbr.rel @p0 .LBB2_48-.Ltmp23, $4  }
0x6f5: {  	v5 =	vld [tilespmem:s6+$0xFFFFFF30];
	[tilespmem:s9+$0xFFFFFF60] =	vst v1;
	v2 =	vmul.f32 $1.131370830e+01, v7  }
0x6f6: {  	v7 =	vmul.f32 $1.131370830e+01, v8;
	v1 =	vld [tilespmem:s10+$0xFFFFFF70];
	[tilespmem:s9+$0xFFFFFFE0] =	vst v0  }
0x6f7: {  	v0 =	vld [tilespmem:s10+$0xFFFFFFF0];
	[tilespmem:s9+$0x60] =	vst v2;
	v3 =	vmul.f32 $1.131370830e+01, v3  }
0x6f8: {  	v6 =	vmul.f32 $1.131370830e+01, v6;
	[tilespmem:s11+$0xB0] =	vst v7;
	v2 =	vld [tilespmem:s10+$0x70];
	s10 =	smov.u32 s6;
	s6 =	sadd.s32 $0x200, s6  }
0x6f9: {  	v4 =	vmul.f32 $1.131370830e+01, v4  }
0x6fa: {  	v7 =	vld [tilespmem:s10+$0xC0];
	v5 =	vmul.f32 $1.131370830e+01, v5;
	[tilespmem:s11+$0xFFFFFFB0] =	vst v6  }
0x6fb: {  	[tilespmem:s11+$0x30] =	vst v4;
	v51 =	vld [tilespmem:s10+$0xFFFFFFC0]  }
0x6fc: {  	[tilespmem:s11+$0xFFFFFF30] =	vst v5;
	v52 =	vld [tilespmem:s10+$0x40]  }
0x6fd: {  	v5 =	vld [tilespmem:s10+$0xFFFFFF40];
	_ =	sdelay $0x1  }
0x6fe: {  	v7 =	vmul.f32 $1.131370830e+01, v7  }
0x6ff: {  	v4 =	vmul.f32 $1.131370830e+01, v51  }
0x700: {  	[tilespmem:s11+$0xC0] =	vst v7;
	v53 =	vmul.f32 $1.131370830e+01, v52  }
0x701: {  	v7 =	vld [tilespmem:s10+$0xD0];
	v5 =	vmul.f32 $1.131370830e+01, v5;
	[tilespmem:s11+$0xFFFFFFC0] =	vst v4  }
0x702: {  	v4 =	vld [tilespmem:s10+$0xFFFFFFD0];
	[tilespmem:s11+$0x40] =	vst v53  }
0x703: {  	[tilespmem:s11+$0xFFFFFF40] =	vst v5;
	v5 =	vld [tilespmem:s10+$0x50]  }
0x704: {  	v54 =	vld [tilespmem:s10+$0xFFFFFF50];
	_ =	sdelay $0x1  }
0x705: {  	v7 =	vmul.f32 $1.131370830e+01, v7  }
0x706: {  	v4 =	vmul.f32 $1.131370830e+01, v4  }
0x707: {  	[tilespmem:s11+$0xD0] =	vst v7;
	v5 =	vmul.f32 $1.131370830e+01, v5  }
0x708: {  	v7 =	vld [tilespmem:s10+$0xE0];
	v6 =	vmul.f32 $1.131370830e+01, v54;
	[tilespmem:s11+$0xFFFFFFD0] =	vst v4  }
0x709: {  	v4 =	vld [tilespmem:s10+$0xFFFFFFE0];
	[tilespmem:s11+$0x50] =	vst v5  }
0x70a: {  	[tilespmem:s11+$0xFFFFFF50] =	vst v6;
	v5 =	vld [tilespmem:s10+$0x60]  }
0x70b: {  	v6 =	vld [tilespmem:s10+$0xFFFFFF60];
	_ =	sdelay $0x1  }
0x70c: {  	v7 =	vmul.f32 $1.131370830e+01, v7  }
0x70d: {  	v4 =	vmul.f32 $1.131370830e+01, v4  }
0x70e: {  	[tilespmem:s11+$0xE0] =	vst v7;
	v5 =	vmul.f32 $1.131370830e+01, v5  }
0x70f: {  	v55 =	vld [tilespmem:s10+$0xF0];
	v6 =	vmul.f32 $1.131370830e+01, v6;
	[tilespmem:s11+$0xFFFFFFE0] =	vst v4  }
0x710: {  	[tilespmem:s11+$0x60] =	vst v5;
	v57 =	vld [tilespmem:s10+$0xFFFFFFF0]  }
0x711: {  	v1 =	vmul.f32 $1.131370830e+01, v1;
	[tilespmem:s11+$0xFFFFFF60] =	vst v6;
	v58 =	vld [tilespmem:s10+$0x70]  }
0x712: {  	[tilespmem:s9+$0xF0] =	vst v3;
	v0 =	vmul.f32 $1.131370830e+01, v0;
	v56 =	vld [tilespmem:s10+$0xFFFFFF70]  }
0x713: {  	[tilespmem:s9+$0xFFFFFF70] =	vst v1;
	v59 =	vmul.f32 $1.131370830e+01, v2  }
0x714: {  	[tilespmem:s9+$0xFFFFFFF0] =	vst v0;
	v60 =	vmul.f32 $1.131370830e+01, v55  }
0x715: {  	[tilespmem:s9+$0x70] =	vst v59;
	v62 =	vmul.f32 $1.131370830e+01, v57  }
0x716: {  	[tilespmem:s11+$0xF0] =	vst v60;
	v63 =	vmul.f32 $1.131370830e+01, v58  }
0x717: {  	v61 =	vmul.f32 $1.131370830e+01, v56;
	[tilespmem:s11+$0xFFFFFFF0] =	vst v62  }
0x718: {  	[tilespmem:s11+$0x70] =	vst v63  }
0x719: {  	s6 =	simm.s32 $0x0;
	[tilespmem:s11+$0xFFFFFF70] =	vst v61  }
.LBB2_50:
0x71a: {  	s9 =	sshra.s32 s6, $0x2  }
0x71b: {  	v0 =	vld [tilespmem:s9+$0xAC00]  }
0x71c: {  	v1 =	vld [tilespmem:s9+$0xAC10]  }
0x71d: {  	v2 =	vld [tilespmem:s9+$0xAC20]  }
0x71e: {  	v3 =	vld [tilespmem:s9+$0xAC30]  }
0x71f: {  	v4 =	vld [tilespmem:s9+$0xAC40]  }
0x720: {  	v5 =	vld [tilespmem:s9+$0xAC50];
	v0 =	vmul.f32 $1.131370830e+01, v0  }
0x721: {  	v6 =	vld [tilespmem:s9+$0xAC60];
	v1 =	vmul.f32 $1.131370830e+01, v1  }
0x722: {  	v58 =	vld [tilespmem:s9+$0xAC70];
	v57 =	vmul.f32 $1.131370830e+01, v2;
	[tilespmem:s9+$0x11C00] =	vst v0  }
0x723: {  	v59 =	vmul.f32 $1.131370830e+01, v3;
	[tilespmem:s9+$0x11C10] =	vst v1  }
0x724: {  	p0 =	sne.s32 s6, $0x200;
	v60 =	vmul.f32 $1.131370830e+01, v4;
	[tilespmem:s9+$0x11C20] =	vst v57  }
.Ltmp24:
0x725: {  	v61 =	vmul.f32 $1.131370830e+01, v5;
	[tilespmem:s9+$0x11C30] =	vst v59;
	(pc) =	sbr.rel @p0 .LBB2_50-.Ltmp24, $4  }
0x726: {  	v62 =	vmul.f32 $1.131370830e+01, v6;
	[tilespmem:s9+$0x11C40] =	vst v60  }
0x727: {  	v63 =	vmul.f32 $1.131370830e+01, v58;
	[tilespmem:s9+$0x11C50] =	vst v61  }
0x728: {  	[tilespmem:s9+$0x11C60] =	vst v62  }
0x729: {  	s6 =	sadd.s32 $0x200, s6;
	[tilespmem:s9+$0x11C70] =	vst v63  }
0x72a: {  	s6 =	rddreg [dreg:$0xc]  }
0x72b: {  	[hbm4b:s6+s4] =	stream.linear.scatter [tilespmem:s23], [sflag:$0x8], $0x1900, $0x38;
	[tilespmem:$0x12000] =	vst v63  }
0x72c: {  	_ =	swait.ge [sflag:s31], $0x1900  }
0x72d: {  	[sflag:s31] =	ssyncset.done $0x0  }
0x72e: {  	[sflag:s31] =	ssyncadd.s32 $0xFFFFE700  }
0x72f: {  	_ =	swait.ge [sflag:s19], $0x1900  }
0x730: {  	[sflag:s19] =	ssyncset.done $0x0  }
0x731: {  	[sflag:s19] =	ssyncadd.s32 $0xFFFFE700  }
0x732: {  	_ =	swait.ge [sflag:s28], $0x1900  }
0x733: {  	[sflag:s28] =	ssyncset.done $0x0  }
0x734: {  	[sflag:s28] =	ssyncadd.s32 $0xFFFFE700  }
0x735: {  	_ =	swait.ge [sflag:s7], $0x1900  }
0x736: {  	s8 =	sadd.s32 $0x1, s8;
	s16 =	rddreg [dreg:$0xd]  }
0x737: {  	p0 =	sne.s32 s8, s16  }
.Ltmp25:
0x738: {  	_ = 	snop;
	(pc) =	sbr.rel @p0 .LBB2_1-.Ltmp25, $3  }
0x739: {  	_ =	sdelay $0x1  }
0x73a: {  	[sflag:s7] =	ssyncset.done $0x0  }
0x73b: {  	[sflag:s7] =	ssyncadd.s32 $0xFFFFE700  }
0x73c: {  	_ =	sfence.sel $0x180000  }
0x73d: {  	[bflag:$0x0] =	sbarrier.arrive $0xFFFF  }
0x73e: {  	_ =	strace $0x90000047  }
0x73f: {  	s0 =	stileid.u32;
	[bflag:$0x2] =	sbarrier.arrive $0xFFFF  }
0x740: {  	p0 =	sne.s32 s0, $0x0;
	s0 =	rddreg [dreg:$0x3]  }
0x741: {  	s0 =	sadd.s32 @!p0 $0x100000, s0  }
0x742: {  	[sflag:s0] =	ssyncadd.tile.s32 @!p0 $0x1;
	_ =	shalt  }
.Lfunc_end2:
_tile_overlayer_lowered:
.L_overlay_start_2:
0x743: {  	(tag) =	ssettag $0x2  }
0x744: {  	s0 =	rddreg [dreg:$0x0];
	s2 =	stileid.u32  }
0x745: {  	s1 =	rddreg [dreg:$0x1];
	p0 =	sne.s32 s2, $0x0  }
0x746: {  	s3 =	rddreg [dreg:$0x2];
	[bflag:$0x3] =	sbarrier.arrive $0xFFFF;
	s2 =	simm.s32 @!p0 $0x1C09  }
0x747: {  	[timem:s3], [sflag:s2] =	dma.local @!p0 [hbm:s0], s1  }
0x748: {  	s0 =	simm.s32 @!p0 $0x9  }
0x749: {  	_ =	swait.ge @!p0 [sflag:s0], s1  }
0x74a: {  	s1 =	ssub.s32 @!p0 $0x0, s1;
	[sflag:s0] =	ssyncset.done @!p0 $0x0  }
0x74b: {  	[sflag:s0] =	ssyncadd.s32 @!p0 s1  }
0x74c: {  	[bflag:$0x3] =	sbarrier.arrive $0xFFFF  }
0x74d: {  	_ =	shalt  }

</sc_bundles>
